<compile_context>
chip_gen: v7x
topology: tpu7x:2x2x1
jax: 0.10.2.dev20260603
libtpu: 0.0.44.dev20260713+nightly
codegen_flags: <defaults>
</compile_context>

<pallas_src>
import functools

import jax
import jax.numpy as jnp
from jax import lax
from jax.experimental import pallas as pl
from jax.experimental.pallas import tpu as pltpu
from jax.experimental.pallas import tpu_sc as plsc

N = 10000
E = 320000
D = 128
DE = 16

BLK = 1000
GRID = N // BLK

EPT = E // 16
CH = 124
NBUF = 3
NCHE = 162
NCHP = NCHE + NBUF
NPAD = N + 8
RPT = 624


def _relu(x):
    return jnp.maximum(x, 0.0)


def _dot(a, b):
    return jnp.dot(a, b, preferred_element_type=jnp.float32)



def _pre_body(x_a, x_b, ef_ab, ef_ba, Wp_a, bp_a, Wp_b, bp_b,
              We_ab, be_ab, We_ba, be_ba, Ws_a, Ws_b, Wab, Wba,
              zs_a, zs_b, m_ab, m_ba, ep_ab_o, ep_ba_o):
    ha = _dot(x_a[...], Wp_a[...]) + bp_a[...]
    hb = _dot(x_b[...], Wp_b[...]) + bp_b[...]
    epab = _dot(ef_ab[...], We_ab[...]) + be_ab[...]
    epba = _dot(ef_ba[...], We_ba[...]) + be_ba[...]
    zs_a[...] = _dot(ha, Ws_a[...])
    zs_b[...] = _dot(hb, Ws_b[...])
    m_ab[...] = _dot(ha, Wab[...]) * epab
    m_ba[...] = _dot(hb, Wba[...]) * epba
    ep_ab_o[...] = epab
    ep_ba_o[...] = epba


def _mid_body(zs_a, zn_a, zs_b, zn_b, ep_ab, ep_ba, Ws_a, Ws_b, Wab, Wba,
              zs_a_o, zs_b_o, m_ab_o, m_ba_o):
    ha = _relu(zs_a[...] + zn_a[...])
    hb = _relu(zs_b[...] + zn_b[...])
    zs_a_o[...] = _dot(ha, Ws_a[...])
    zs_b_o[...] = _dot(hb, Ws_b[...])
    m_ab_o[...] = _dot(ha, Wab[...]) * ep_ab[...]
    m_ba_o[...] = _dot(hb, Wba[...]) * ep_ba[...]


def _post_body(zs_a, zn_a, zs_b, zn_b, W_out, out_a, out_b):
    out_a[...] = _dot(_relu(zs_a[...] + zn_a[...]), W_out[...])
    out_b[...] = _dot(_relu(zs_b[...] + zn_b[...]), W_out[...])


_row = pl.BlockSpec((BLK, D), lambda i: (i, 0))
_rowe = pl.BlockSpec((BLK, DE), lambda i: (i, 0))
_w = pl.BlockSpec((D, D), lambda i: (0, 0))
_we = pl.BlockSpec((DE, D), lambda i: (0, 0))
_b1 = pl.BlockSpec((1, D), lambda i: (0, 0))
_nd = jax.ShapeDtypeStruct((N, D), jnp.float32)

_pre_call = pl.pallas_call(
    _pre_body,
    grid=(GRID,),
    in_specs=[_row, _row, _rowe, _rowe, _w, _b1, _w, _b1,
              _we, _b1, _we, _b1, _w, _w, _w, _w],
    out_specs=[_row] * 6,
    out_shape=[_nd] * 6,
)

_mid_call = pl.pallas_call(
    _mid_body,
    grid=(GRID,),
    in_specs=[_row] * 6 + [_w] * 4,
    out_specs=[_row] * 4,
    out_shape=[_nd] * 4,
)

_post_call = pl.pallas_call(
    _post_body,
    grid=(GRID,),
    in_specs=[_row] * 4 + [_w],
    out_specs=[_row] * 2,
    out_shape=[_nd] * 2,
)



_sc_mesh = plsc.VectorSubcoreMesh(core_axis_name="c", subcore_axis_name="s")


@functools.partial(
    pl.kernel,
    out_type=[jax.ShapeDtypeStruct((N, D), jnp.float32),
              jax.ShapeDtypeStruct((N, D), jnp.float32)],
    mesh=_sc_mesh,
    scratch_types=(
        [pltpu.VMEM((2, CH), jnp.int32) for _ in range(NBUF)]
        + [pltpu.VMEM((CH, D), jnp.float32) for _ in range(NBUF)]
        + [pltpu.VMEM_SHARED((N, D), jnp.float32)]
        + [pltpu.SemaphoreType.DMA] * (2 * NBUF)
    ),
)
def _sc_aggregate(m_ba, idx_ba, m_ab, idx_ab, zn_a, zn_b, *scr):
    aa = scr[:NBUF]
    bb = scr[NBUF:2 * NBUF]
    zn_sh = scr[2 * NBUF]
    semi = scr[2 * NBUF + 1:2 * NBUF + 1 + NBUF]
    semg = scr[2 * NBUF + 1 + NBUF:]
    b0 = bb[0]
    c = lax.axis_index("c")
    s = lax.axis_index("s")
    row0 = s * RPT

    def _zrow(r, carry):
        for k in range(D // 16):
            b0[r, pl.ds(k * 16, 16)] = jnp.zeros((16,), jnp.float32)
        return carry
    lax.fori_loop(0, CH, _zrow, 0)
    for k in range(RPT // 48):
        pltpu.sync_copy(b0.at[pl.ds(0, 48)],
                        zn_sh.at[pl.ds(row0 + k * 48, 48)])
    pl.when(s == 15)(lambda: pltpu.sync_copy(
        b0.at[pl.ds(0, N - 16 * RPT)], zn_sh.at[pl.ds(16 * RPT, N - 16 * RPT)]))
    plsc.subcore_barrier()

    def _process(m_hbm, idx_hbm):
        def _ifetch(j, p):
            pltpu.async_copy(idx_hbm.at[s, j], aa[p], semi[p])

        def _iwait(j, p):
            pltpu.make_async_copy(idx_hbm.at[s, j], aa[p], semi[p]).wait()

        def _gather(p):
            pltpu.async_copy(m_hbm.at[aa[p].at[0]], bb[p], semg[p])

        def _gwait(p):
            pltpu.make_async_copy(m_hbm.at[aa[p].at[0]], bb[p], semg[p]).wait()

        def _scat(p):
            pltpu.sync_copy(bb[p], zn_sh.at[aa[p].at[1]], add=True)

        for q in range(NBUF):
            _ifetch(q, q)
        for q in range(NBUF - 1):
            _iwait(q, q)
            _gather(q)

        def _phase(j, p):
            pq = (p - 1) % NBUF
            _iwait(j + NBUF - 1, pq)
            _gather(pq)
            _gwait(p)
            _scat(p)
            _ifetch(j + NBUF, p)

        def _body(i, carry):
            j = NBUF * i
            for p in range(NBUF):
                _phase(j + p, p)
            return carry
        lax.fori_loop(0, NCHE // NBUF, _body, 0)
        for q in range(NBUF - 1):
            _gwait(q)
        _iwait(NCHE + NBUF - 1, NBUF - 1)

    pl.when(c == 0)(lambda: _process(m_ba, idx_ba))
    pl.when(c == 1)(lambda: _process(m_ab, idx_ab))
    plsc.subcore_barrier()

    def _copy_out(out_hbm):
        pltpu.sync_copy(zn_sh.at[pl.ds(row0, RPT)],
                        out_hbm.at[pl.ds(row0, RPT)])
        pl.when(s == 15)(lambda: pltpu.sync_copy(
            zn_sh.at[pl.ds(16 * RPT, N - 16 * RPT)],
            out_hbm.at[pl.ds(16 * RPT, N - 16 * RPT)]))
    pl.when(c == 0)(lambda: _copy_out(zn_a))
    pl.when(c == 1)(lambda: _copy_out(zn_b))



def _combine_idx(src, dst):
    def p(idx, fill):
        idx = idx.reshape(16, EPT)
        pad = jnp.full((16, NCHP * CH - EPT), fill, jnp.int32)
        return jnp.concatenate([idx, pad], axis=1).reshape(16, NCHP, CH)
    return jnp.stack([p(src, N), p(dst, 0)], axis=2)


def _pad_m(m):
    return jnp.concatenate([m, jnp.zeros((NPAD - N, D), jnp.float32)], axis=0)


def kernel(x_a, x_b, ef_ab, ef_ba, Wp_a, bp_a, Wp_b, bp_b, We_ab, be_ab,
           We_ba, be_ba, Ws_a0, Ws_b0, Wab0, Wba0, Ws_a1, Ws_b1, Wab1, Wba1,
           W_out, src_ab, dst_ab, src_ba, dst_ba):
    bp_a2 = bp_a.reshape(1, D)
    bp_b2 = bp_b.reshape(1, D)
    be_ab2 = be_ab.reshape(1, D)
    be_ba2 = be_ba.reshape(1, D)
    idx_ab = _combine_idx(src_ab, dst_ab)
    idx_ba = _combine_idx(src_ba, dst_ba)

    zs_a, zs_b, m_ab, m_ba, ep_ab, ep_ba = _pre_call(
        x_a, x_b, ef_ab, ef_ba, Wp_a, bp_a2, Wp_b, bp_b2,
        We_ab, be_ab2, We_ba, be_ba2, Ws_a0, Ws_b0, Wab0, Wba0)

    zn_a, zn_b = _sc_aggregate(_pad_m(m_ba), idx_ba, _pad_m(m_ab), idx_ab)

    zs_a, zs_b, m_ab, m_ba = _mid_call(
        zs_a, zn_a, zs_b, zn_b, ep_ab, ep_ba, Ws_a1, Ws_b1, Wab1, Wba1)

    zn_a, zn_b = _sc_aggregate(_pad_m(m_ba), idx_ba, _pad_m(m_ab), idx_ab)

    return _post_call(zs_a, zn_a, zs_b, zn_b, W_out)

# --- scband reference (transcript-rebuilt; emitter-appended) ---
"""Pipeline reference for scband-hgcn-11158325035511 (READ-ONLY COPY).

The authoritative reference and input builder live on the scoring server;
editing this copy changes nothing except your own understanding.
"""

import jax, jax.numpy as jnp
import numpy as np

N = 10000
E = 320000
D = 128
DE = 16

def setup_inputs(seed: int = 0):
    key = jax.random.key(seed)
    ks = jax.random.split(key, 24)
    def g(i, shape):
        return jax.random.normal(ks[i], shape, dtype=jnp.float32) * 0.05
    z = lambda: jnp.zeros((D,), jnp.float32)
    inp = {}
    inp['x_a'] = g(0, (N, D)); inp['x_b'] = g(1, (N, D))
    inp['ef_ab'] = g(2, (N, DE)); inp['ef_ba'] = g(3, (N, DE))
    inp['Wp_a'] = g(4, (D, D)); inp['bp_a'] = z()
    inp['Wp_b'] = g(5, (D, D)); inp['bp_b'] = z()
    inp['We_ab'] = g(6, (DE, D)); inp['be_ab'] = z()
    inp['We_ba'] = g(7, (DE, D)); inp['be_ba'] = z()
    inp['Ws_a0'] = g(8, (D, D)); inp['Ws_b0'] = g(9, (D, D))
    inp['Wab0'] = g(10, (D, D)); inp['Wba0'] = g(11, (D, D))
    inp['Ws_a1'] = g(12, (D, D)); inp['Ws_b1'] = g(13, (D, D))
    inp['Wab1'] = g(14, (D, D)); inp['Wba1'] = g(15, (D, D))
    inp['W_out'] = g(16, (D, D))
    inp['src_ab'] = jax.random.randint(ks[17], (E,), 0, N, dtype=jnp.int32)
    inp['dst_ab'] = jax.random.randint(ks[18], (E,), 0, N, dtype=jnp.int32)
    inp['src_ba'] = jax.random.randint(ks[19], (E,), 0, N, dtype=jnp.int32)
    inp['dst_ba'] = jax.random.randint(ks[20], (E,), 0, N, dtype=jnp.int32)
    return inp

def reference(x_a, x_b, ef_ab, ef_ba, Wp_a, bp_a, Wp_b, bp_b, We_ab, be_ab, We_ba, be_ba, Ws_a0, Ws_b0, Wab0, Wba0, Ws_a1, Ws_b1, Wab1, Wba1, W_out, src_ab, dst_ab, src_ba, dst_ba):
    # node feature projections (Dense layers)
    H_a = x_a @ Wp_a + bp_a
    H_b = x_b @ Wp_b + bp_b
    # edge feature projections (Dense layers), per-neighbor-node like the original
    ep_ab = ef_ab @ We_ab + be_ab
    ep_ba = ef_ba @ We_ba + be_ba
    for (Ws_a, Ws_b, Wab, Wba) in ((Ws_a0, Ws_b0, Wab0, Wba0), (Ws_a1, Ws_b1, Wab1, Wba1)):
        Zs_a = H_a @ Ws_a
        Zs_b = H_b @ Ws_b
        # neighbors of type b -> nodes of type a: adjacency (b,a) as sparse matmul == gather + scatter-add
        M_ba = (H_b @ Wba) * ep_ba
        Zn_a = jnp.zeros_like(Zs_a).at[dst_ba].add(M_ba[src_ba])
        # neighbors of type a -> nodes of type b
        M_ab = (H_a @ Wab) * ep_ab
        Zn_b = jnp.zeros_like(Zs_b).at[dst_ab].add(M_ab[src_ab])
        H_a = jax.nn.relu(Zs_a + Zn_a)
        H_b = jax.nn.relu(Zs_b + Zn_b)
    return (H_a @ W_out, H_b @ W_out)

if __name__ == "__main__":
    import jax
    _d = setup_inputs()
    print(jax.jit(kernel)(*tuple(_d.values())))

</pallas_src>

<mosaic_0001>
#map = affine_map<(d0, d1) -> (0, 0)>
#map1 = affine_map<(d0, d1) -> (0, 0, 0, 0)>
module attributes {stable_mosaic.version = 14 : i64} {
  func.func @_sc_aggregate(%arg0: i32, %arg1: i32, %arg2: memref<10008x128xf32, #tpu.memory_space<hbm>>, %arg3: memref<16x165x2x124xi32, #tpu.memory_space<hbm>>, %arg4: memref<10008x128xf32, #tpu.memory_space<hbm>>, %arg5: memref<16x165x2x124xi32, #tpu.memory_space<hbm>>, %arg6: memref<10000x128xf32, #tpu.memory_space<hbm>>, %arg7: memref<10000x128xf32, #tpu.memory_space<hbm>>, %arg8: memref<2x124xi32, #tpu.memory_space<vmem>>, %arg9: memref<2x124xi32, #tpu.memory_space<vmem>>, %arg10: memref<2x124xi32, #tpu.memory_space<vmem>>, %arg11: memref<124x128xf32, #tpu.memory_space<vmem>>, %arg12: memref<124x128xf32, #tpu.memory_space<vmem>>, %arg13: memref<124x128xf32, #tpu.memory_space<vmem>>, %arg14: memref<10000x128xf32, #tpu.memory_space<vmem_shared>>, %arg15: memref<!tpu.dma_semaphore, #tpu.memory_space<semaphore_mem>>, %arg16: memref<!tpu.dma_semaphore, #tpu.memory_space<semaphore_mem>>, %arg17: memref<!tpu.dma_semaphore, #tpu.memory_space<semaphore_mem>>, %arg18: memref<!tpu.dma_semaphore, #tpu.memory_space<semaphore_mem>>, %arg19: memref<!tpu.dma_semaphore, #tpu.memory_space<semaphore_mem>>, %arg20: memref<!tpu.dma_semaphore, #tpu.memory_space<semaphore_mem>>) attributes {dimension_semantics = [#tpu.dimension_semantics<core_parallel>, #tpu.dimension_semantics<subcore_parallel>], iteration_bounds = array<i64: 2, 16>, scalar_prefetch = 0 : i64, scratch_operands = 13 : i64, tpu.core_type = #tpu.core_type<sc_vector_subcore>, window_params = [{transform_indices = #map}, {transform_indices = #map1}, {transform_indices = #map}, {transform_indices = #map1}, {transform_indices = #map}, {transform_indices = #map}]} {
    %mul3A = arith.constant 624 : i32
    %mul3A_0 = arith.muli %arg1, %mul3A : i32
    %scan3A = arith.constant 0 : i32
    %scan3A_1 = arith.constant 0 : i32
    %scan3A_2 = arith.constant 124 : i32
    %scan3A_3 = arith.addi %scan3A_1, %scan3A_2 : i32
    %scan3A_4 = arith.constant 1 : i32
    scf.for %scan3A_54 = %scan3A_1 to %scan3A_3 step %scan3A_4  : i32 {
      %broadcast_in_dim3A = arith.constant 0.000000e+00 : f32
      %broadcast_in_dim3A_55 = vector.broadcast %broadcast_in_dim3A : f32 to vector<16xf32>
      %swap3A = arith.index_cast %scan3A_54 : i32 to index
      %swap3A_56 = arith.constant 0 : index
      %swap3A_57 = tpu.vector_load %arg11[%swap3A, %swap3A_56] {strides = array<i32>} : memref<124x128xf32, #tpu.memory_space<vmem>>, vector<1x16xf32>,
      %swap3A_58 = vector.shape_cast %swap3A_57 : vector<1x16xf32> to vector<16xf32>
      %swap3A_59 = vector.shape_cast %broadcast_in_dim3A_55 : vector<16xf32> to vector<1x16xf32>
      tpu.vector_store %arg11[%swap3A, %swap3A_56], %swap3A_59 {strides = array<i32>} : memref<124x128xf32, #tpu.memory_space<vmem>>, vector<1x16xf32>,
      %broadcast_in_dim3A_60 = arith.constant 0.000000e+00 : f32
      %broadcast_in_dim3A_61 = vector.broadcast %broadcast_in_dim3A_60 : f32 to vector<16xf32>
      %swap3A_62 = arith.index_cast %scan3A_54 : i32 to index
      %swap3A_63 = arith.constant 16 : index
      %swap3A_64 = tpu.vector_load %arg11[%swap3A_62, %swap3A_63] {strides = array<i32>} : memref<124x128xf32, #tpu.memory_space<vmem>>, vector<1x16xf32>,
      %swap3A_65 = vector.shape_cast %swap3A_64 : vector<1x16xf32> to vector<16xf32>
      %swap3A_66 = vector.shape_cast %broadcast_in_dim3A_61 : vector<16xf32> to vector<1x16xf32>
      tpu.vector_store %arg11[%swap3A_62, %swap3A_63], %swap3A_66 {strides = array<i32>} : memref<124x128xf32, #tpu.memory_space<vmem>>, vector<1x16xf32>,
      %broadcast_in_dim3A_67 = arith.constant 0.000000e+00 : f32
      %broadcast_in_dim3A_68 = vector.broadcast %broadcast_in_dim3A_67 : f32 to vector<16xf32>
      %swap3A_69 = arith.index_cast %scan3A_54 : i32 to index
      %swap3A_70 = arith.constant 32 : index
      %swap3A_71 = tpu.vector_load %arg11[%swap3A_69, %swap3A_70] {strides = array<i32>} : memref<124x128xf32, #tpu.memory_space<vmem>>, vector<1x16xf32>,
      %swap3A_72 = vector.shape_cast %swap3A_71 : vector<1x16xf32> to vector<16xf32>
      %swap3A_73 = vector.shape_cast %broadcast_in_dim3A_68 : vector<16xf32> to vector<1x16xf32>
      tpu.vector_store %arg11[%swap3A_69, %swap3A_70], %swap3A_73 {strides = array<i32>} : memref<124x128xf32, #tpu.memory_space<vmem>>, vector<1x16xf32>,
      %broadcast_in_dim3A_74 = arith.constant 0.000000e+00 : f32
      %broadcast_in_dim3A_75 = vector.broadcast %broadcast_in_dim3A_74 : f32 to vector<16xf32>
      %swap3A_76 = arith.index_cast %scan3A_54 : i32 to index
      %swap3A_77 = arith.constant 48 : index
      %swap3A_78 = tpu.vector_load %arg11[%swap3A_76, %swap3A_77] {strides = array<i32>} : memref<124x128xf32, #tpu.memory_space<vmem>>, vector<1x16xf32>,
      %swap3A_79 = vector.shape_cast %swap3A_78 : vector<1x16xf32> to vector<16xf32>
      %swap3A_80 = vector.shape_cast %broadcast_in_dim3A_75 : vector<16xf32> to vector<1x16xf32>
      tpu.vector_store %arg11[%swap3A_76, %swap3A_77], %swap3A_80 {strides = array<i32>} : memref<124x128xf32, #tpu.memory_space<vmem>>, vector<1x16xf32>,
      %broadcast_in_dim3A_81 = arith.constant 0.000000e+00 : f32
      %broadcast_in_dim3A_82 = vector.broadcast %broadcast_in_dim3A_81 : f32 to vector<16xf32>
      %swap3A_83 = arith.index_cast %scan3A_54 : i32 to index
      %swap3A_84 = arith.constant 64 : index
      %swap3A_85 = tpu.vector_load %arg11[%swap3A_83, %swap3A_84] {strides = array<i32>} : memref<124x128xf32, #tpu.memory_space<vmem>>, vector<1x16xf32>,
      %swap3A_86 = vector.shape_cast %swap3A_85 : vector<1x16xf32> to vector<16xf32>
      %swap3A_87 = vector.shape_cast %broadcast_in_dim3A_82 : vector<16xf32> to vector<1x16xf32>
      tpu.vector_store %arg11[%swap3A_83, %swap3A_84], %swap3A_87 {strides = array<i32>} : memref<124x128xf32, #tpu.memory_space<vmem>>, vector<1x16xf32>,
      %broadcast_in_dim3A_88 = arith.constant 0.000000e+00 : f32
      %broadcast_in_dim3A_89 = vector.broadcast %broadcast_in_dim3A_88 : f32 to vector<16xf32>
      %swap3A_90 = arith.index_cast %scan3A_54 : i32 to index
      %swap3A_91 = arith.constant 80 : index
      %swap3A_92 = tpu.vector_load %arg11[%swap3A_90, %swap3A_91] {strides = array<i32>} : memref<124x128xf32, #tpu.memory_space<vmem>>, vector<1x16xf32>,
      %swap3A_93 = vector.shape_cast %swap3A_92 : vector<1x16xf32> to vector<16xf32>
      %swap3A_94 = vector.shape_cast %broadcast_in_dim3A_89 : vector<16xf32> to vector<1x16xf32>
      tpu.vector_store %arg11[%swap3A_90, %swap3A_91], %swap3A_94 {strides = array<i32>} : memref<124x128xf32, #tpu.memory_space<vmem>>, vector<1x16xf32>,
      %broadcast_in_dim3A_95 = arith.constant 0.000000e+00 : f32
      %broadcast_in_dim3A_96 = vector.broadcast %broadcast_in_dim3A_95 : f32 to vector<16xf32>
      %swap3A_97 = arith.index_cast %scan3A_54 : i32 to index
      %swap3A_98 = arith.constant 96 : index
      %swap3A_99 = tpu.vector_load %arg11[%swap3A_97, %swap3A_98] {strides = array<i32>} : memref<124x128xf32, #tpu.memory_space<vmem>>, vector<1x16xf32>,
      %swap3A_100 = vector.shape_cast %swap3A_99 : vector<1x16xf32> to vector<16xf32>
      %swap3A_101 = vector.shape_cast %broadcast_in_dim3A_96 : vector<16xf32> to vector<1x16xf32>
      tpu.vector_store %arg11[%swap3A_97, %swap3A_98], %swap3A_101 {strides = array<i32>} : memref<124x128xf32, #tpu.memory_space<vmem>>, vector<1x16xf32>,
      %broadcast_in_dim3A_102 = arith.constant 0.000000e+00 : f32
      %broadcast_in_dim3A_103 = vector.broadcast %broadcast_in_dim3A_102 : f32 to vector<16xf32>
      %swap3A_104 = arith.index_cast %scan3A_54 : i32 to index
      %swap3A_105 = arith.constant 112 : index
      %swap3A_106 = tpu.vector_load %arg11[%swap3A_104, %swap3A_105] {strides = array<i32>} : memref<124x128xf32, #tpu.memory_space<vmem>>, vector<1x16xf32>,
      %swap3A_107 = vector.shape_cast %swap3A_106 : vector<1x16xf32> to vector<16xf32>
      %swap3A_108 = vector.shape_cast %broadcast_in_dim3A_103 : vector<16xf32> to vector<1x16xf32>
      tpu.vector_store %arg11[%swap3A_104, %swap3A_105], %swap3A_108 {strides = array<i32>} : memref<124x128xf32, #tpu.memory_space<vmem>>, vector<1x16xf32>,
    }
    %scan3A_5 = arith.constant 124 : i32
    %add3A = arith.constant 0 : i32
    %add3A_6 = arith.addi %mul3A_0, %add3A : i32
    "tpu.region"() ({
      %run_scoped3A = tpu.sem_alloc : memref<!tpu.dma_semaphore, #tpu.memory_space<semaphore_mem>>
      %dma_start3A = arith.constant 0 : i32
      %dma_start3A_54 = arith.constant 0 : i32
      %dma_start3A_55 = tpu.memref_slice %arg11[%dma_start3A, %dma_start3A_54] : memref<124x128xf32, #tpu.memory_space<vmem>> -> memref<48x128xf32, #tpu.memory_space<vmem>>
      %dma_start3A_56 = arith.constant 0 : i32
      %dma_start3A_57 = tpu.memref_slice %arg14[%add3A_6, %dma_start3A_56] : memref<10000x128xf32, #tpu.memory_space<vmem_shared>> -> memref<48x128xf32, #tpu.memory_space<vmem_shared>>
      %dma_start3A_58 = arith.constant 0 : i32
      %dma_start3A_59 = tpu.memref_slice %arg14[%add3A_6, %dma_start3A_58] : memref<10000x128xf32, #tpu.memory_space<vmem_shared>> -> memref<48x128xf32, #tpu.memory_space<vmem_shared>>
      %dma_start3A_60 = arith.constant 0 : i32
      %dma_start3A_61 = arith.constant 0 : i32
      %dma_start3A_62 = tpu.memref_slice %arg11[%dma_start3A_60, %dma_start3A_61] : memref<124x128xf32, #tpu.memory_space<vmem>> -> memref<48x128xf32, #tpu.memory_space<vmem>>
      tpu.enqueue_dma source(%dma_start3A_62 : memref<48x128xf32, #tpu.memory_space<vmem>>) target(%dma_start3A_59 : memref<48x128xf32, #tpu.memory_space<vmem_shared>>) target_semaphore(%run_scoped3A : memref<!tpu.dma_semaphore, #tpu.memory_space<semaphore_mem>>)
      %dma_wait3A = arith.constant 0 : i32
      %dma_wait3A_63 = arith.constant 0 : i32
      %dma_wait3A_64 = tpu.memref_slice %arg11[%dma_wait3A, %dma_wait3A_63] : memref<124x128xf32, #tpu.memory_space<vmem>> -> memref<48x128xf32, #tpu.memory_space<vmem>>
      %dma_wait3A_65 = arith.constant 0 : i32
      %dma_wait3A_66 = tpu.memref_slice %arg14[%add3A_6, %dma_wait3A_65] : memref<10000x128xf32, #tpu.memory_space<vmem_shared>> -> memref<48x128xf32, #tpu.memory_space<vmem_shared>>
      %dma_wait3A_67 = arith.constant 0 : i32
      %dma_wait3A_68 = tpu.memref_slice %arg14[%add3A_6, %dma_wait3A_67] : memref<10000x128xf32, #tpu.memory_space<vmem_shared>> -> memref<48x128xf32, #tpu.memory_space<vmem_shared>>
      %dma_wait3A_69 = arith.constant 0 : i32
      %dma_wait3A_70 = arith.constant 0 : i32
      %dma_wait3A_71 = tpu.memref_slice %arg11[%dma_wait3A_69, %dma_wait3A_70] : memref<124x128xf32, #tpu.memory_space<vmem>> -> memref<48x128xf32, #tpu.memory_space<vmem>>
      tpu.wait_dma2 semaphore(%run_scoped3A : memref<!tpu.dma_semaphore, #tpu.memory_space<semaphore_mem>>) src(%dma_wait3A_71 : memref<48x128xf32, #tpu.memory_space<vmem>>) dst(%dma_wait3A_68 : memref<48x128xf32, #tpu.memory_space<vmem_shared>>)
      tpu.yield
    }) : () -> ()
    %add3A_7 = arith.constant 48 : i32
    %add3A_8 = arith.addi %mul3A_0, %add3A_7 : i32
    "tpu.region"() ({
      %run_scoped3A = tpu.sem_alloc : memref<!tpu.dma_semaphore, #tpu.memory_space<semaphore_mem>>
      %dma_start3A = arith.constant 0 : i32
      %dma_start3A_54 = arith.constant 0 : i32
      %dma_start3A_55 = tpu.memref_slice %arg11[%dma_start3A, %dma_start3A_54] : memref<124x128xf32, #tpu.memory_space<vmem>> -> memref<48x128xf32, #tpu.memory_space<vmem>>
      %dma_start3A_56 = arith.constant 0 : i32
      %dma_start3A_57 = tpu.memref_slice %arg14[%add3A_8, %dma_start3A_56] : memref<10000x128xf32, #tpu.memory_space<vmem_shared>> -> memref<48x128xf32, #tpu.memory_space<vmem_shared>>
      %dma_start3A_58 = arith.constant 0 : i32
      %dma_start3A_59 = tpu.memref_slice %arg14[%add3A_8, %dma_start3A_58] : memref<10000x128xf32, #tpu.memory_space<vmem_shared>> -> memref<48x128xf32, #tpu.memory_space<vmem_shared>>
      %dma_start3A_60 = arith.constant 0 : i32
      %dma_start3A_61 = arith.constant 0 : i32
      %dma_start3A_62 = tpu.memref_slice %arg11[%dma_start3A_60, %dma_start3A_61] : memref<124x128xf32, #tpu.memory_space<vmem>> -> memref<48x128xf32, #tpu.memory_space<vmem>>
      tpu.enqueue_dma source(%dma_start3A_62 : memref<48x128xf32, #tpu.memory_space<vmem>>) target(%dma_start3A_59 : memref<48x128xf32, #tpu.memory_space<vmem_shared>>) target_semaphore(%run_scoped3A : memref<!tpu.dma_semaphore, #tpu.memory_space<semaphore_mem>>)
      %dma_wait3A = arith.constant 0 : i32
      %dma_wait3A_63 = arith.constant 0 : i32
      %dma_wait3A_64 = tpu.memref_slice %arg11[%dma_wait3A, %dma_wait3A_63] : memref<124x128xf32, #tpu.memory_space<vmem>> -> memref<48x128xf32, #tpu.memory_space<vmem>>
      %dma_wait3A_65 = arith.constant 0 : i32
      %dma_wait3A_66 = tpu.memref_slice %arg14[%add3A_8, %dma_wait3A_65] : memref<10000x128xf32, #tpu.memory_space<vmem_shared>> -> memref<48x128xf32, #tpu.memory_space<vmem_shared>>
      %dma_wait3A_67 = arith.constant 0 : i32
      %dma_wait3A_68 = tpu.memref_slice %arg14[%add3A_8, %dma_wait3A_67] : memref<10000x128xf32, #tpu.memory_space<vmem_shared>> -> memref<48x128xf32, #tpu.memory_space<vmem_shared>>
      %dma_wait3A_69 = arith.constant 0 : i32
      %dma_wait3A_70 = arith.constant 0 : i32
      %dma_wait3A_71 = tpu.memref_slice %arg11[%dma_wait3A_69, %dma_wait3A_70] : memref<124x128xf32, #tpu.memory_space<vmem>> -> memref<48x128xf32, #tpu.memory_space<vmem>>
      tpu.wait_dma2 semaphore(%run_scoped3A : memref<!tpu.dma_semaphore, #tpu.memory_space<semaphore_mem>>) src(%dma_wait3A_71 : memref<48x128xf32, #tpu.memory_space<vmem>>) dst(%dma_wait3A_68 : memref<48x128xf32, #tpu.memory_space<vmem_shared>>)
      tpu.yield
    }) : () -> ()
    %add3A_9 = arith.constant 96 : i32
    %add3A_10 = arith.addi %mul3A_0, %add3A_9 : i32
    "tpu.region"() ({
      %run_scoped3A = tpu.sem_alloc : memref<!tpu.dma_semaphore, #tpu.memory_space<semaphore_mem>>
      %dma_start3A = arith.constant 0 : i32
      %dma_start3A_54 = arith.constant 0 : i32
      %dma_start3A_55 = tpu.memref_slice %arg11[%dma_start3A, %dma_start3A_54] : memref<124x128xf32, #tpu.memory_space<vmem>> -> memref<48x128xf32, #tpu.memory_space<vmem>>
      %dma_start3A_56 = arith.constant 0 : i32
      %dma_start3A_57 = tpu.memref_slice %arg14[%add3A_10, %dma_start3A_56] : memref<10000x128xf32, #tpu.memory_space<vmem_shared>> -> memref<48x128xf32, #tpu.memory_space<vmem_shared>>
      %dma_start3A_58 = arith.constant 0 : i32
      %dma_start3A_59 = tpu.memref_slice %arg14[%add3A_10, %dma_start3A_58] : memref<10000x128xf32, #tpu.memory_space<vmem_shared>> -> memref<48x128xf32, #tpu.memory_space<vmem_shared>>
      %dma_start3A_60 = arith.constant 0 : i32
      %dma_start3A_61 = arith.constant 0 : i32
      %dma_start3A_62 = tpu.memref_slice %arg11[%dma_start3A_60, %dma_start3A_61] : memref<124x128xf32, #tpu.memory_space<vmem>> -> memref<48x128xf32, #tpu.memory_space<vmem>>
      tpu.enqueue_dma source(%dma_start3A_62 : memref<48x128xf32, #tpu.memory_space<vmem>>) target(%dma_start3A_59 : memref<48x128xf32, #tpu.memory_space<vmem_shared>>) target_semaphore(%run_scoped3A : memref<!tpu.dma_semaphore, #tpu.memory_space<semaphore_mem>>)
      %dma_wait3A = arith.constant 0 : i32
      %dma_wait3A_63 = arith.constant 0 : i32
      %dma_wait3A_64 = tpu.memref_slice %arg11[%dma_wait3A, %dma_wait3A_63] : memref<124x128xf32, #tpu.memory_space<vmem>> -> memref<48x128xf32, #tpu.memory_space<vmem>>
      %dma_wait3A_65 = arith.constant 0 : i32
      %dma_wait3A_66 = tpu.memref_slice %arg14[%add3A_10, %dma_wait3A_65] : memref<10000x128xf32, #tpu.memory_space<vmem_shared>> -> memref<48x128xf32, #tpu.memory_space<vmem_shared>>
      %dma_wait3A_67 = arith.constant 0 : i32
      %dma_wait3A_68 = tpu.memref_slice %arg14[%add3A_10, %dma_wait3A_67] : memref<10000x128xf32, #tpu.memory_space<vmem_shared>> -> memref<48x128xf32, #tpu.memory_space<vmem_shared>>
      %dma_wait3A_69 = arith.constant 0 : i32
      %dma_wait3A_70 = arith.constant 0 : i32
      %dma_wait3A_71 = tpu.memref_slice %arg11[%dma_wait3A_69, %dma_wait3A_70] : memref<124x128xf32, #tpu.memory_space<vmem>> -> memref<48x128xf32, #tpu.memory_space<vmem>>
      tpu.wait_dma2 semaphore(%run_scoped3A : memref<!tpu.dma_semaphore, #tpu.memory_space<semaphore_mem>>) src(%dma_wait3A_71 : memref<48x128xf32, #tpu.memory_space<vmem>>) dst(%dma_wait3A_68 : memref<48x128xf32, #tpu.memory_space<vmem_shared>>)
      tpu.yield
    }) : () -> ()
    %add3A_11 = arith.constant 144 : i32
    %add3A_12 = arith.addi %mul3A_0, %add3A_11 : i32
    "tpu.region"() ({
      %run_scoped3A = tpu.sem_alloc : memref<!tpu.dma_semaphore, #tpu.memory_space<semaphore_mem>>
      %dma_start3A = arith.constant 0 : i32
      %dma_start3A_54 = arith.constant 0 : i32
      %dma_start3A_55 = tpu.memref_slice %arg11[%dma_start3A, %dma_start3A_54] : memref<124x128xf32, #tpu.memory_space<vmem>> -> memref<48x128xf32, #tpu.memory_space<vmem>>
      %dma_start3A_56 = arith.constant 0 : i32
      %dma_start3A_57 = tpu.memref_slice %arg14[%add3A_12, %dma_start3A_56] : memref<10000x128xf32, #tpu.memory_space<vmem_shared>> -> memref<48x128xf32, #tpu.memory_space<vmem_shared>>
      %dma_start3A_58 = arith.constant 0 : i32
      %dma_start3A_59 = tpu.memref_slice %arg14[%add3A_12, %dma_start3A_58] : memref<10000x128xf32, #tpu.memory_space<vmem_shared>> -> memref<48x128xf32, #tpu.memory_space<vmem_shared>>
      %dma_start3A_60 = arith.constant 0 : i32
      %dma_start3A_61 = arith.constant 0 : i32
      %dma_start3A_62 = tpu.memref_slice %arg11[%dma_start3A_60, %dma_start3A_61] : memref<124x128xf32, #tpu.memory_space<vmem>> -> memref<48x128xf32, #tpu.memory_space<vmem>>
      tpu.enqueue_dma source(%dma_start3A_62 : memref<48x128xf32, #tpu.memory_space<vmem>>) target(%dma_start3A_59 : memref<48x128xf32, #tpu.memory_space<vmem_shared>>) target_semaphore(%run_scoped3A : memref<!tpu.dma_semaphore, #tpu.memory_space<semaphore_mem>>)
      %dma_wait3A = arith.constant 0 : i32
      %dma_wait3A_63 = arith.constant 0 : i32
      %dma_wait3A_64 = tpu.memref_slice %arg11[%dma_wait3A, %dma_wait3A_63] : memref<124x128xf32, #tpu.memory_space<vmem>> -> memref<48x128xf32, #tpu.memory_space<vmem>>
      %dma_wait3A_65 = arith.constant 0 : i32
      %dma_wait3A_66 = tpu.memref_slice %arg14[%add3A_12, %dma_wait3A_65] : memref<10000x128xf32, #tpu.memory_space<vmem_shared>> -> memref<48x128xf32, #tpu.memory_space<vmem_shared>>
      %dma_wait3A_67 = arith.constant 0 : i32
      %dma_wait3A_68 = tpu.memref_slice %arg14[%add3A_12, %dma_wait3A_67] : memref<10000x128xf32, #tpu.memory_space<vmem_shared>> -> memref<48x128xf32, #tpu.memory_space<vmem_shared>>
      %dma_wait3A_69 = arith.constant 0 : i32
      %dma_wait3A_70 = arith.constant 0 : i32
      %dma_wait3A_71 = tpu.memref_slice %arg11[%dma_wait3A_69, %dma_wait3A_70] : memref<124x128xf32, #tpu.memory_space<vmem>> -> memref<48x128xf32, #tpu.memory_space<vmem>>
      tpu.wait_dma2 semaphore(%run_scoped3A : memref<!tpu.dma_semaphore, #tpu.memory_space<semaphore_mem>>) src(%dma_wait3A_71 : memref<48x128xf32, #tpu.memory_space<vmem>>) dst(%dma_wait3A_68 : memref<48x128xf32, #tpu.memory_space<vmem_shared>>)
      tpu.yield
    }) : () -> ()
    %add3A_13 = arith.constant 192 : i32
    %add3A_14 = arith.addi %mul3A_0, %add3A_13 : i32
    "tpu.region"() ({
      %run_scoped3A = tpu.sem_alloc : memref<!tpu.dma_semaphore, #tpu.memory_space<semaphore_mem>>
      %dma_start3A = arith.constant 0 : i32
      %dma_start3A_54 = arith.constant 0 : i32
      %dma_start3A_55 = tpu.memref_slice %arg11[%dma_start3A, %dma_start3A_54] : memref<124x128xf32, #tpu.memory_space<vmem>> -> memref<48x128xf32, #tpu.memory_space<vmem>>
      %dma_start3A_56 = arith.constant 0 : i32
      %dma_start3A_57 = tpu.memref_slice %arg14[%add3A_14, %dma_start3A_56] : memref<10000x128xf32, #tpu.memory_space<vmem_shared>> -> memref<48x128xf32, #tpu.memory_space<vmem_shared>>
      %dma_start3A_58 = arith.constant 0 : i32
      %dma_start3A_59 = tpu.memref_slice %arg14[%add3A_14, %dma_start3A_58] : memref<10000x128xf32, #tpu.memory_space<vmem_shared>> -> memref<48x128xf32, #tpu.memory_space<vmem_shared>>
      %dma_start3A_60 = arith.constant 0 : i32
      %dma_start3A_61 = arith.constant 0 : i32
      %dma_start3A_62 = tpu.memref_slice %arg11[%dma_start3A_60, %dma_start3A_61] : memref<124x128xf32, #tpu.memory_space<vmem>> -> memref<48x128xf32, #tpu.memory_space<vmem>>
      tpu.enqueue_dma source(%dma_start3A_62 : memref<48x128xf32, #tpu.memory_space<vmem>>) target(%dma_start3A_59 : memref<48x128xf32, #tpu.memory_space<vmem_shared>>) target_semaphore(%run_scoped3A : memref<!tpu.dma_semaphore, #tpu.memory_space<semaphore_mem>>)
      %dma_wait3A = arith.constant 0 : i32
      %dma_wait3A_63 = arith.constant 0 : i32
      %dma_wait3A_64 = tpu.memref_slice %arg11[%dma_wait3A, %dma_wait3A_63] : memref<124x128xf32, #tpu.memory_space<vmem>> -> memref<48x128xf32, #tpu.memory_space<vmem>>
      %dma_wait3A_65 = arith.constant 0 : i32
      %dma_wait3A_66 = tpu.memref_slice %arg14[%add3A_14, %dma_wait3A_65] : memref<10000x128xf32, #tpu.memory_space<vmem_shared>> -> memref<48x128xf32, #tpu.memory_space<vmem_shared>>
      %dma_wait3A_67 = arith.constant 0 : i32
      %dma_wait3A_68 = tpu.memref_slice %arg14[%add3A_14, %dma_wait3A_67] : memref<10000x128xf32, #tpu.memory_space<vmem_shared>> -> memref<48x128xf32, #tpu.memory_space<vmem_shared>>
      %dma_wait3A_69 = arith.constant 0 : i32
      %dma_wait3A_70 = arith.constant 0 : i32
      %dma_wait3A_71 = tpu.memref_slice %arg11[%dma_wait3A_69, %dma_wait3A_70] : memref<124x128xf32, #tpu.memory_space<vmem>> -> memref<48x128xf32, #tpu.memory_space<vmem>>
      tpu.wait_dma2 semaphore(%run_scoped3A : memref<!tpu.dma_semaphore, #tpu.memory_space<semaphore_mem>>) src(%dma_wait3A_71 : memref<48x128xf32, #tpu.memory_space<vmem>>) dst(%dma_wait3A_68 : memref<48x128xf32, #tpu.memory_space<vmem_shared>>)
      tpu.yield
    }) : () -> ()
    %add3A_15 = arith.constant 240 : i32
    %add3A_16 = arith.addi %mul3A_0, %add3A_15 : i32
    "tpu.region"() ({
      %run_scoped3A = tpu.sem_alloc : memref<!tpu.dma_semaphore, #tpu.memory_space<semaphore_mem>>
      %dma_start3A = arith.constant 0 : i32
      %dma_start3A_54 = arith.constant 0 : i32
      %dma_start3A_55 = tpu.memref_slice %arg11[%dma_start3A, %dma_start3A_54] : memref<124x128xf32, #tpu.memory_space<vmem>> -> memref<48x128xf32, #tpu.memory_space<vmem>>
      %dma_start3A_56 = arith.constant 0 : i32
      %dma_start3A_57 = tpu.memref_slice %arg14[%add3A_16, %dma_start3A_56] : memref<10000x128xf32, #tpu.memory_space<vmem_shared>> -> memref<48x128xf32, #tpu.memory_space<vmem_shared>>
      %dma_start3A_58 = arith.constant 0 : i32
      %dma_start3A_59 = tpu.memref_slice %arg14[%add3A_16, %dma_start3A_58] : memref<10000x128xf32, #tpu.memory_space<vmem_shared>> -> memref<48x128xf32, #tpu.memory_space<vmem_shared>>
      %dma_start3A_60 = arith.constant 0 : i32
      %dma_start3A_61 = arith.constant 0 : i32
      %dma_start3A_62 = tpu.memref_slice %arg11[%dma_start3A_60, %dma_start3A_61] : memref<124x128xf32, #tpu.memory_space<vmem>> -> memref<48x128xf32, #tpu.memory_space<vmem>>
      tpu.enqueue_dma source(%dma_start3A_62 : memref<48x128xf32, #tpu.memory_space<vmem>>) target(%dma_start3A_59 : memref<48x128xf32, #tpu.memory_space<vmem_shared>>) target_semaphore(%run_scoped3A : memref<!tpu.dma_semaphore, #tpu.memory_space<semaphore_mem>>)
      %dma_wait3A = arith.constant 0 : i32
      %dma_wait3A_63 = arith.constant 0 : i32
      %dma_wait3A_64 = tpu.memref_slice %arg11[%dma_wait3A, %dma_wait3A_63] : memref<124x128xf32, #tpu.memory_space<vmem>> -> memref<48x128xf32, #tpu.memory_space<vmem>>
      %dma_wait3A_65 = arith.constant 0 : i32
      %dma_wait3A_66 = tpu.memref_slice %arg14[%add3A_16, %dma_wait3A_65] : memref<10000x128xf32, #tpu.memory_space<vmem_shared>> -> memref<48x128xf32, #tpu.memory_space<vmem_shared>>
      %dma_wait3A_67 = arith.constant 0 : i32
      %dma_wait3A_68 = tpu.memref_slice %arg14[%add3A_16, %dma_wait3A_67] : memref<10000x128xf32, #tpu.memory_space<vmem_shared>> -> memref<48x128xf32, #tpu.memory_space<vmem_shared>>
      %dma_wait3A_69 = arith.constant 0 : i32
      %dma_wait3A_70 = arith.constant 0 : i32
      %dma_wait3A_71 = tpu.memref_slice %arg11[%dma_wait3A_69, %dma_wait3A_70] : memref<124x128xf32, #tpu.memory_space<vmem>> -> memref<48x128xf32, #tpu.memory_space<vmem>>
      tpu.wait_dma2 semaphore(%run_scoped3A : memref<!tpu.dma_semaphore, #tpu.memory_space<semaphore_mem>>) src(%dma_wait3A_71 : memref<48x128xf32, #tpu.memory_space<vmem>>) dst(%dma_wait3A_68 : memref<48x128xf32, #tpu.memory_space<vmem_shared>>)
      tpu.yield
    }) : () -> ()
    %add3A_17 = arith.constant 288 : i32
    %add3A_18 = arith.addi %mul3A_0, %add3A_17 : i32
    "tpu.region"() ({
      %run_scoped3A = tpu.sem_alloc : memref<!tpu.dma_semaphore, #tpu.memory_space<semaphore_mem>>
      %dma_start3A = arith.constant 0 : i32
      %dma_start3A_54 = arith.constant 0 : i32
      %dma_start3A_55 = tpu.memref_slice %arg11[%dma_start3A, %dma_start3A_54] : memref<124x128xf32, #tpu.memory_space<vmem>> -> memref<48x128xf32, #tpu.memory_space<vmem>>
      %dma_start3A_56 = arith.constant 0 : i32
      %dma_start3A_57 = tpu.memref_slice %arg14[%add3A_18, %dma_start3A_56] : memref<10000x128xf32, #tpu.memory_space<vmem_shared>> -> memref<48x128xf32, #tpu.memory_space<vmem_shared>>
      %dma_start3A_58 = arith.constant 0 : i32
      %dma_start3A_59 = tpu.memref_slice %arg14[%add3A_18, %dma_start3A_58] : memref<10000x128xf32, #tpu.memory_space<vmem_shared>> -> memref<48x128xf32, #tpu.memory_space<vmem_shared>>
      %dma_start3A_60 = arith.constant 0 : i32
      %dma_start3A_61 = arith.constant 0 : i32
      %dma_start3A_62 = tpu.memref_slice %arg11[%dma_start3A_60, %dma_start3A_61] : memref<124x128xf32, #tpu.memory_space<vmem>> -> memref<48x128xf32, #tpu.memory_space<vmem>>
      tpu.enqueue_dma source(%dma_start3A_62 : memref<48x128xf32, #tpu.memory_space<vmem>>) target(%dma_start3A_59 : memref<48x128xf32, #tpu.memory_space<vmem_shared>>) target_semaphore(%run_scoped3A : memref<!tpu.dma_semaphore, #tpu.memory_space<semaphore_mem>>)
      %dma_wait3A = arith.constant 0 : i32
      %dma_wait3A_63 = arith.constant 0 : i32
      %dma_wait3A_64 = tpu.memref_slice %arg11[%dma_wait3A, %dma_wait3A_63] : memref<124x128xf32, #tpu.memory_space<vmem>> -> memref<48x128xf32, #tpu.memory_space<vmem>>
      %dma_wait3A_65 = arith.constant 0 : i32
      %dma_wait3A_66 = tpu.memref_slice %arg14[%add3A_18, %dma_wait3A_65] : memref<10000x128xf32, #tpu.memory_space<vmem_shared>> -> memref<48x128xf32, #tpu.memory_space<vmem_shared>>
      %dma_wait3A_67 = arith.constant 0 : i32
      %dma_wait3A_68 = tpu.memref_slice %arg14[%add3A_18, %dma_wait3A_67] : memref<10000x128xf32, #tpu.memory_space<vmem_shared>> -> memref<48x128xf32, #tpu.memory_space<vmem_shared>>
      %dma_wait3A_69 = arith.constant 0 : i32
      %dma_wait3A_70 = arith.constant 0 : i32
      %dma_wait3A_71 = tpu.memref_slice %arg11[%dma_wait3A_69, %dma_wait3A_70] : memref<124x128xf32, #tpu.memory_space<vmem>> -> memref<48x128xf32, #tpu.memory_space<vmem>>
      tpu.wait_dma2 semaphore(%run_scoped3A : memref<!tpu.dma_semaphore, #tpu.memory_space<semaphore_mem>>) src(%dma_wait3A_71 : memref<48x128xf32, #tpu.memory_space<vmem>>) dst(%dma_wait3A_68 : memref<48x128xf32, #tpu.memory_space<vmem_shared>>)
      tpu.yield
    }) : () -> ()
    %add3A_19 = arith.constant 336 : i32
    %add3A_20 = arith.addi %mul3A_0, %add3A_19 : i32
    "tpu.region"() ({
      %run_scoped3A = tpu.sem_alloc : memref<!tpu.dma_semaphore, #tpu.memory_space<semaphore_mem>>
      %dma_start3A = arith.constant 0 : i32
      %dma_start3A_54 = arith.constant 0 : i32
      %dma_start3A_55 = tpu.memref_slice %arg11[%dma_start3A, %dma_start3A_54] : memref<124x128xf32, #tpu.memory_space<vmem>> -> memref<48x128xf32, #tpu.memory_space<vmem>>
      %dma_start3A_56 = arith.constant 0 : i32
      %dma_start3A_57 = tpu.memref_slice %arg14[%add3A_20, %dma_start3A_56] : memref<10000x128xf32, #tpu.memory_space<vmem_shared>> -> memref<48x128xf32, #tpu.memory_space<vmem_shared>>
      %dma_start3A_58 = arith.constant 0 : i32
      %dma_start3A_59 = tpu.memref_slice %arg14[%add3A_20, %dma_start3A_58] : memref<10000x128xf32, #tpu.memory_space<vmem_shared>> -> memref<48x128xf32, #tpu.memory_space<vmem_shared>>
      %dma_start3A_60 = arith.constant 0 : i32
      %dma_start3A_61 = arith.constant 0 : i32
      %dma_start3A_62 = tpu.memref_slice %arg11[%dma_start3A_60, %dma_start3A_61] : memref<124x128xf32, #tpu.memory_space<vmem>> -> memref<48x128xf32, #tpu.memory_space<vmem>>
      tpu.enqueue_dma source(%dma_start3A_62 : memref<48x128xf32, #tpu.memory_space<vmem>>) target(%dma_start3A_59 : memref<48x128xf32, #tpu.memory_space<vmem_shared>>) target_semaphore(%run_scoped3A : memref<!tpu.dma_semaphore, #tpu.memory_space<semaphore_mem>>)
      %dma_wait3A = arith.constant 0 : i32
      %dma_wait3A_63 = arith.constant 0 : i32
      %dma_wait3A_64 = tpu.memref_slice %arg11[%dma_wait3A, %dma_wait3A_63] : memref<124x128xf32, #tpu.memory_space<vmem>> -> memref<48x128xf32, #tpu.memory_space<vmem>>
      %dma_wait3A_65 = arith.constant 0 : i32
      %dma_wait3A_66 = tpu.memref_slice %arg14[%add3A_20, %dma_wait3A_65] : memref<10000x128xf32, #tpu.memory_space<vmem_shared>> -> memref<48x128xf32, #tpu.memory_space<vmem_shared>>
      %dma_wait3A_67 = arith.constant 0 : i32
      %dma_wait3A_68 = tpu.memref_slice %arg14[%add3A_20, %dma_wait3A_67] : memref<10000x128xf32, #tpu.memory_space<vmem_shared>> -> memref<48x128xf32, #tpu.memory_space<vmem_shared>>
      %dma_wait3A_69 = arith.constant 0 : i32
      %dma_wait3A_70 = arith.constant 0 : i32
      %dma_wait3A_71 = tpu.memref_slice %arg11[%dma_wait3A_69, %dma_wait3A_70] : memref<124x128xf32, #tpu.memory_space<vmem>> -> memref<48x128xf32, #tpu.memory_space<vmem>>
      tpu.wait_dma2 semaphore(%run_scoped3A : memref<!tpu.dma_semaphore, #tpu.memory_space<semaphore_mem>>) src(%dma_wait3A_71 : memref<48x128xf32, #tpu.memory_space<vmem>>) dst(%dma_wait3A_68 : memref<48x128xf32, #tpu.memory_space<vmem_shared>>)
      tpu.yield
    }) : () -> ()
    %add3A_21 = arith.constant 384 : i32
    %add3A_22 = arith.addi %mul3A_0, %add3A_21 : i32
    "tpu.region"() ({
      %run_scoped3A = tpu.sem_alloc : memref<!tpu.dma_semaphore, #tpu.memory_space<semaphore_mem>>
      %dma_start3A = arith.constant 0 : i32
      %dma_start3A_54 = arith.constant 0 : i32
      %dma_start3A_55 = tpu.memref_slice %arg11[%dma_start3A, %dma_start3A_54] : memref<124x128xf32, #tpu.memory_space<vmem>> -> memref<48x128xf32, #tpu.memory_space<vmem>>
      %dma_start3A_56 = arith.constant 0 : i32
      %dma_start3A_57 = tpu.memref_slice %arg14[%add3A_22, %dma_start3A_56] : memref<10000x128xf32, #tpu.memory_space<vmem_shared>> -> memref<48x128xf32, #tpu.memory_space<vmem_shared>>
      %dma_start3A_58 = arith.constant 0 : i32
      %dma_start3A_59 = tpu.memref_slice %arg14[%add3A_22, %dma_start3A_58] : memref<10000x128xf32, #tpu.memory_space<vmem_shared>> -> memref<48x128xf32, #tpu.memory_space<vmem_shared>>
      %dma_start3A_60 = arith.constant 0 : i32
      %dma_start3A_61 = arith.constant 0 : i32
      %dma_start3A_62 = tpu.memref_slice %arg11[%dma_start3A_60, %dma_start3A_61] : memref<124x128xf32, #tpu.memory_space<vmem>> -> memref<48x128xf32, #tpu.memory_space<vmem>>
      tpu.enqueue_dma source(%dma_start3A_62 : memref<48x128xf32, #tpu.memory_space<vmem>>) target(%dma_start3A_59 : memref<48x128xf32, #tpu.memory_space<vmem_shared>>) target_semaphore(%run_scoped3A : memref<!tpu.dma_semaphore, #tpu.memory_space<semaphore_mem>>)
      %dma_wait3A = arith.constant 0 : i32
      %dma_wait3A_63 = arith.constant 0 : i32
      %dma_wait3A_64 = tpu.memref_slice %arg11[%dma_wait3A, %dma_wait3A_63] : memref<124x128xf32, #tpu.memory_space<vmem>> -> memref<48x128xf32, #tpu.memory_space<vmem>>
      %dma_wait3A_65 = arith.constant 0 : i32
      %dma_wait3A_66 = tpu.memref_slice %arg14[%add3A_22, %dma_wait3A_65] : memref<10000x128xf32, #tpu.memory_space<vmem_shared>> -> memref<48x128xf32, #tpu.memory_space<vmem_shared>>
      %dma_wait3A_67 = arith.constant 0 : i32
      %dma_wait3A_68 = tpu.memref_slice %arg14[%add3A_22, %dma_wait3A_67] : memref<10000x128xf32, #tpu.memory_space<vmem_shared>> -> memref<48x128xf32, #tpu.memory_space<vmem_shared>>
      %dma_wait3A_69 = arith.constant 0 : i32
      %dma_wait3A_70 = arith.constant 0 : i32
      %dma_wait3A_71 = tpu.memref_slice %arg11[%dma_wait3A_69, %dma_wait3A_70] : memref<124x128xf32, #tpu.memory_space<vmem>> -> memref<48x128xf32, #tpu.memory_space<vmem>>
      tpu.wait_dma2 semaphore(%run_scoped3A : memref<!tpu.dma_semaphore, #tpu.memory_space<semaphore_mem>>) src(%dma_wait3A_71 : memref<48x128xf32, #tpu.memory_space<vmem>>) dst(%dma_wait3A_68 : memref<48x128xf32, #tpu.memory_space<vmem_shared>>)
      tpu.yield
    }) : () -> ()
    %add3A_23 = arith.constant 432 : i32
    %add3A_24 = arith.addi %mul3A_0, %add3A_23 : i32
    "tpu.region"() ({
      %run_scoped3A = tpu.sem_alloc : memref<!tpu.dma_semaphore, #tpu.memory_space<semaphore_mem>>
      %dma_start3A = arith.constant 0 : i32
      %dma_start3A_54 = arith.constant 0 : i32
      %dma_start3A_55 = tpu.memref_slice %arg11[%dma_start3A, %dma_start3A_54] : memref<124x128xf32, #tpu.memory_space<vmem>> -> memref<48x128xf32, #tpu.memory_space<vmem>>
      %dma_start3A_56 = arith.constant 0 : i32
      %dma_start3A_57 = tpu.memref_slice %arg14[%add3A_24, %dma_start3A_56] : memref<10000x128xf32, #tpu.memory_space<vmem_shared>> -> memref<48x128xf32, #tpu.memory_space<vmem_shared>>
      %dma_start3A_58 = arith.constant 0 : i32
      %dma_start3A_59 = tpu.memref_slice %arg14[%add3A_24, %dma_start3A_58] : memref<10000x128xf32, #tpu.memory_space<vmem_shared>> -> memref<48x128xf32, #tpu.memory_space<vmem_shared>>
      %dma_start3A_60 = arith.constant 0 : i32
      %dma_start3A_61 = arith.constant 0 : i32
      %dma_start3A_62 = tpu.memref_slice %arg11[%dma_start3A_60, %dma_start3A_61] : memref<124x128xf32, #tpu.memory_space<vmem>> -> memref<48x128xf32, #tpu.memory_space<vmem>>
      tpu.enqueue_dma source(%dma_start3A_62 : memref<48x128xf32, #tpu.memory_space<vmem>>) target(%dma_start3A_59 : memref<48x128xf32, #tpu.memory_space<vmem_shared>>) target_semaphore(%run_scoped3A : memref<!tpu.dma_semaphore, #tpu.memory_space<semaphore_mem>>)
      %dma_wait3A = arith.constant 0 : i32
      %dma_wait3A_63 = arith.constant 0 : i32
      %dma_wait3A_64 = tpu.memref_slice %arg11[%dma_wait3A, %dma_wait3A_63] : memref<124x128xf32, #tpu.memory_space<vmem>> -> memref<48x128xf32, #tpu.memory_space<vmem>>
      %dma_wait3A_65 = arith.constant 0 : i32
      %dma_wait3A_66 = tpu.memref_slice %arg14[%add3A_24, %dma_wait3A_65] : memref<10000x128xf32, #tpu.memory_space<vmem_shared>> -> memref<48x128xf32, #tpu.memory_space<vmem_shared>>
      %dma_wait3A_67 = arith.constant 0 : i32
      %dma_wait3A_68 = tpu.memref_slice %arg14[%add3A_24, %dma_wait3A_67] : memref<10000x128xf32, #tpu.memory_space<vmem_shared>> -> memref<48x128xf32, #tpu.memory_space<vmem_shared>>
      %dma_wait3A_69 = arith.constant 0 : i32
      %dma_wait3A_70 = arith.constant 0 : i32
      %dma_wait3A_71 = tpu.memref_slice %arg11[%dma_wait3A_69, %dma_wait3A_70] : memref<124x128xf32, #tpu.memory_space<vmem>> -> memref<48x128xf32, #tpu.memory_space<vmem>>
      tpu.wait_dma2 semaphore(%run_scoped3A : memref<!tpu.dma_semaphore, #tpu.memory_space<semaphore_mem>>) src(%dma_wait3A_71 : memref<48x128xf32, #tpu.memory_space<vmem>>) dst(%dma_wait3A_68 : memref<48x128xf32, #tpu.memory_space<vmem_shared>>)
      tpu.yield
    }) : () -> ()
    %add3A_25 = arith.constant 480 : i32
    %add3A_26 = arith.addi %mul3A_0, %add3A_25 : i32
    "tpu.region"() ({
      %run_scoped3A = tpu.sem_alloc : memref<!tpu.dma_semaphore, #tpu.memory_space<semaphore_mem>>
      %dma_start3A = arith.constant 0 : i32
      %dma_start3A_54 = arith.constant 0 : i32
      %dma_start3A_55 = tpu.memref_slice %arg11[%dma_start3A, %dma_start3A_54] : memref<124x128xf32, #tpu.memory_space<vmem>> -> memref<48x128xf32, #tpu.memory_space<vmem>>
      %dma_start3A_56 = arith.constant 0 : i32
      %dma_start3A_57 = tpu.memref_slice %arg14[%add3A_26, %dma_start3A_56] : memref<10000x128xf32, #tpu.memory_space<vmem_shared>> -> memref<48x128xf32, #tpu.memory_space<vmem_shared>>
      %dma_start3A_58 = arith.constant 0 : i32
      %dma_start3A_59 = tpu.memref_slice %arg14[%add3A_26, %dma_start3A_58] : memref<10000x128xf32, #tpu.memory_space<vmem_shared>> -> memref<48x128xf32, #tpu.memory_space<vmem_shared>>
      %dma_start3A_60 = arith.constant 0 : i32
      %dma_start3A_61 = arith.constant 0 : i32
      %dma_start3A_62 = tpu.memref_slice %arg11[%dma_start3A_60, %dma_start3A_61] : memref<124x128xf32, #tpu.memory_space<vmem>> -> memref<48x128xf32, #tpu.memory_space<vmem>>
      tpu.enqueue_dma source(%dma_start3A_62 : memref<48x128xf32, #tpu.memory_space<vmem>>) target(%dma_start3A_59 : memref<48x128xf32, #tpu.memory_space<vmem_shared>>) target_semaphore(%run_scoped3A : memref<!tpu.dma_semaphore, #tpu.memory_space<semaphore_mem>>)
      %dma_wait3A = arith.constant 0 : i32
      %dma_wait3A_63 = arith.constant 0 : i32
      %dma_wait3A_64 = tpu.memref_slice %arg11[%dma_wait3A, %dma_wait3A_63] : memref<124x128xf32, #tpu.memory_space<vmem>> -> memref<48x128xf32, #tpu.memory_space<vmem>>
      %dma_wait3A_65 = arith.constant 0 : i32
      %dma_wait3A_66 = tpu.memref_slice %arg14[%add3A_26, %dma_wait3A_65] : memref<10000x128xf32, #tpu.memory_space<vmem_shared>> -> memref<48x128xf32, #tpu.memory_space<vmem_shared>>
      %dma_wait3A_67 = arith.constant 0 : i32
      %dma_wait3A_68 = tpu.memref_slice %arg14[%add3A_26, %dma_wait3A_67] : memref<10000x128xf32, #tpu.memory_space<vmem_shared>> -> memref<48x128xf32, #tpu.memory_space<vmem_shared>>
      %dma_wait3A_69 = arith.constant 0 : i32
      %dma_wait3A_70 = arith.constant 0 : i32
      %dma_wait3A_71 = tpu.memref_slice %arg11[%dma_wait3A_69, %dma_wait3A_70] : memref<124x128xf32, #tpu.memory_space<vmem>> -> memref<48x128xf32, #tpu.memory_space<vmem>>
      tpu.wait_dma2 semaphore(%run_scoped3A : memref<!tpu.dma_semaphore, #tpu.memory_space<semaphore_mem>>) src(%dma_wait3A_71 : memref<48x128xf32, #tpu.memory_space<vmem>>) dst(%dma_wait3A_68 : memref<48x128xf32, #tpu.memory_space<vmem_shared>>)
      tpu.yield
    }) : () -> ()
    %add3A_27 = arith.constant 528 : i32
    %add3A_28 = arith.addi %mul3A_0, %add3A_27 : i32
    "tpu.region"() ({
      %run_scoped3A = tpu.sem_alloc : memref<!tpu.dma_semaphore, #tpu.memory_space<semaphore_mem>>
      %dma_start3A = arith.constant 0 : i32
      %dma_start3A_54 = arith.constant 0 : i32
      %dma_start3A_55 = tpu.memref_slice %arg11[%dma_start3A, %dma_start3A_54] : memref<124x128xf32, #tpu.memory_space<vmem>> -> memref<48x128xf32, #tpu.memory_space<vmem>>
      %dma_start3A_56 = arith.constant 0 : i32
      %dma_start3A_57 = tpu.memref_slice %arg14[%add3A_28, %dma_start3A_56] : memref<10000x128xf32, #tpu.memory_space<vmem_shared>> -> memref<48x128xf32, #tpu.memory_space<vmem_shared>>
      %dma_start3A_58 = arith.constant 0 : i32
      %dma_start3A_59 = tpu.memref_slice %arg14[%add3A_28, %dma_start3A_58] : memref<10000x128xf32, #tpu.memory_space<vmem_shared>> -> memref<48x128xf32, #tpu.memory_space<vmem_shared>>
      %dma_start3A_60 = arith.constant 0 : i32
      %dma_start3A_61 = arith.constant 0 : i32
      %dma_start3A_62 = tpu.memref_slice %arg11[%dma_start3A_60, %dma_start3A_61] : memref<124x128xf32, #tpu.memory_space<vmem>> -> memref<48x128xf32, #tpu.memory_space<vmem>>
      tpu.enqueue_dma source(%dma_start3A_62 : memref<48x128xf32, #tpu.memory_space<vmem>>) target(%dma_start3A_59 : memref<48x128xf32, #tpu.memory_space<vmem_shared>>) target_semaphore(%run_scoped3A : memref<!tpu.dma_semaphore, #tpu.memory_space<semaphore_mem>>)
      %dma_wait3A = arith.constant 0 : i32
      %dma_wait3A_63 = arith.constant 0 : i32
      %dma_wait3A_64 = tpu.memref_slice %arg11[%dma_wait3A, %dma_wait3A_63] : memref<124x128xf32, #tpu.memory_space<vmem>> -> memref<48x128xf32, #tpu.memory_space<vmem>>
      %dma_wait3A_65 = arith.constant 0 : i32
      %dma_wait3A_66 = tpu.memref_slice %arg14[%add3A_28, %dma_wait3A_65] : memref<10000x128xf32, #tpu.memory_space<vmem_shared>> -> memref<48x128xf32, #tpu.memory_space<vmem_shared>>
      %dma_wait3A_67 = arith.constant 0 : i32
      %dma_wait3A_68 = tpu.memref_slice %arg14[%add3A_28, %dma_wait3A_67] : memref<10000x128xf32, #tpu.memory_space<vmem_shared>> -> memref<48x128xf32, #tpu.memory_space<vmem_shared>>
      %dma_wait3A_69 = arith.constant 0 : i32
      %dma_wait3A_70 = arith.constant 0 : i32
      %dma_wait3A_71 = tpu.memref_slice %arg11[%dma_wait3A_69, %dma_wait3A_70] : memref<124x128xf32, #tpu.memory_space<vmem>> -> memref<48x128xf32, #tpu.memory_space<vmem>>
      tpu.wait_dma2 semaphore(%run_scoped3A : memref<!tpu.dma_semaphore, #tpu.memory_space<semaphore_mem>>) src(%dma_wait3A_71 : memref<48x128xf32, #tpu.memory_space<vmem>>) dst(%dma_wait3A_68 : memref<48x128xf32, #tpu.memory_space<vmem_shared>>)
      tpu.yield
    }) : () -> ()
    %add3A_29 = arith.constant 576 : i32
    %add3A_30 = arith.addi %mul3A_0, %add3A_29 : i32
    "tpu.region"() ({
      %run_scoped3A = tpu.sem_alloc : memref<!tpu.dma_semaphore, #tpu.memory_space<semaphore_mem>>
      %dma_start3A = arith.constant 0 : i32
      %dma_start3A_54 = arith.constant 0 : i32
      %dma_start3A_55 = tpu.memref_slice %arg11[%dma_start3A, %dma_start3A_54] : memref<124x128xf32, #tpu.memory_space<vmem>> -> memref<48x128xf32, #tpu.memory_space<vmem>>
      %dma_start3A_56 = arith.constant 0 : i32
      %dma_start3A_57 = tpu.memref_slice %arg14[%add3A_30, %dma_start3A_56] : memref<10000x128xf32, #tpu.memory_space<vmem_shared>> -> memref<48x128xf32, #tpu.memory_space<vmem_shared>>
      %dma_start3A_58 = arith.constant 0 : i32
      %dma_start3A_59 = tpu.memref_slice %arg14[%add3A_30, %dma_start3A_58] : memref<10000x128xf32, #tpu.memory_space<vmem_shared>> -> memref<48x128xf32, #tpu.memory_space<vmem_shared>>
      %dma_start3A_60 = arith.constant 0 : i32
      %dma_start3A_61 = arith.constant 0 : i32
      %dma_start3A_62 = tpu.memref_slice %arg11[%dma_start3A_60, %dma_start3A_61] : memref<124x128xf32, #tpu.memory_space<vmem>> -> memref<48x128xf32, #tpu.memory_space<vmem>>
      tpu.enqueue_dma source(%dma_start3A_62 : memref<48x128xf32, #tpu.memory_space<vmem>>) target(%dma_start3A_59 : memref<48x128xf32, #tpu.memory_space<vmem_shared>>) target_semaphore(%run_scoped3A : memref<!tpu.dma_semaphore, #tpu.memory_space<semaphore_mem>>)
      %dma_wait3A = arith.constant 0 : i32
      %dma_wait3A_63 = arith.constant 0 : i32
      %dma_wait3A_64 = tpu.memref_slice %arg11[%dma_wait3A, %dma_wait3A_63] : memref<124x128xf32, #tpu.memory_space<vmem>> -> memref<48x128xf32, #tpu.memory_space<vmem>>
      %dma_wait3A_65 = arith.constant 0 : i32
      %dma_wait3A_66 = tpu.memref_slice %arg14[%add3A_30, %dma_wait3A_65] : memref<10000x128xf32, #tpu.memory_space<vmem_shared>> -> memref<48x128xf32, #tpu.memory_space<vmem_shared>>
      %dma_wait3A_67 = arith.constant 0 : i32
      %dma_wait3A_68 = tpu.memref_slice %arg14[%add3A_30, %dma_wait3A_67] : memref<10000x128xf32, #tpu.memory_space<vmem_shared>> -> memref<48x128xf32, #tpu.memory_space<vmem_shared>>
      %dma_wait3A_69 = arith.constant 0 : i32
      %dma_wait3A_70 = arith.constant 0 : i32
      %dma_wait3A_71 = tpu.memref_slice %arg11[%dma_wait3A_69, %dma_wait3A_70] : memref<124x128xf32, #tpu.memory_space<vmem>> -> memref<48x128xf32, #tpu.memory_space<vmem>>
      tpu.wait_dma2 semaphore(%run_scoped3A : memref<!tpu.dma_semaphore, #tpu.memory_space<semaphore_mem>>) src(%dma_wait3A_71 : memref<48x128xf32, #tpu.memory_space<vmem>>) dst(%dma_wait3A_68 : memref<48x128xf32, #tpu.memory_space<vmem_shared>>)
      tpu.yield
    }) : () -> ()
    %eq3A = arith.constant 15 : i32
    %eq3A_31 = arith.cmpi eq, %arg1, %eq3A : i32
    %convert_element_type3A = arith.extui %eq3A_31 : i1 to i32
    %cond3A = arith.constant 0 : i32
    %cond3A_32 = arith.cmpi ne, %convert_element_type3A, %cond3A : i32
    scf.if %cond3A_32 {
      "tpu.region"() ({
        %run_scoped3A = tpu.sem_alloc : memref<!tpu.dma_semaphore, #tpu.memory_space<semaphore_mem>>
        %dma_start3A = arith.constant 0 : i32
        %dma_start3A_54 = arith.constant 0 : i32
        %dma_start3A_55 = tpu.memref_slice %arg11[%dma_start3A, %dma_start3A_54] : memref<124x128xf32, #tpu.memory_space<vmem>> -> memref<16x128xf32, #tpu.memory_space<vmem>>
        %dma_start3A_56 = arith.constant 9984 : i32
        %dma_start3A_57 = arith.constant 0 : i32
        %dma_start3A_58 = tpu.memref_slice %arg14[%dma_start3A_56, %dma_start3A_57] : memref<10000x128xf32, #tpu.memory_space<vmem_shared>> -> memref<16x128xf32, #tpu.memory_space<vmem_shared>>
        %dma_start3A_59 = arith.constant 9984 : i32
        %dma_start3A_60 = arith.constant 0 : i32
        %dma_start3A_61 = tpu.memref_slice %arg14[%dma_start3A_59, %dma_start3A_60] : memref<10000x128xf32, #tpu.memory_space<vmem_shared>> -> memref<16x128xf32, #tpu.memory_space<vmem_shared>>
        %dma_start3A_62 = arith.constant 0 : i32
        %dma_start3A_63 = arith.constant 0 : i32
        %dma_start3A_64 = tpu.memref_slice %arg11[%dma_start3A_62, %dma_start3A_63] : memref<124x128xf32, #tpu.memory_space<vmem>> -> memref<16x128xf32, #tpu.memory_space<vmem>>
        tpu.enqueue_dma source(%dma_start3A_64 : memref<16x128xf32, #tpu.memory_space<vmem>>) target(%dma_start3A_61 : memref<16x128xf32, #tpu.memory_space<vmem_shared>>) target_semaphore(%run_scoped3A : memref<!tpu.dma_semaphore, #tpu.memory_space<semaphore_mem>>)
        %dma_wait3A = arith.constant 0 : i32
        %dma_wait3A_65 = arith.constant 0 : i32
        %dma_wait3A_66 = tpu.memref_slice %arg11[%dma_wait3A, %dma_wait3A_65] : memref<124x128xf32, #tpu.memory_space<vmem>> -> memref<16x128xf32, #tpu.memory_space<vmem>>
        %dma_wait3A_67 = arith.constant 9984 : i32
        %dma_wait3A_68 = arith.constant 0 : i32
        %dma_wait3A_69 = tpu.memref_slice %arg14[%dma_wait3A_67, %dma_wait3A_68] : memref<10000x128xf32, #tpu.memory_space<vmem_shared>> -> memref<16x128xf32, #tpu.memory_space<vmem_shared>>
        %dma_wait3A_70 = arith.constant 9984 : i32
        %dma_wait3A_71 = arith.constant 0 : i32
        %dma_wait3A_72 = tpu.memref_slice %arg14[%dma_wait3A_70, %dma_wait3A_71] : memref<10000x128xf32, #tpu.memory_space<vmem_shared>> -> memref<16x128xf32, #tpu.memory_space<vmem_shared>>
        %dma_wait3A_73 = arith.constant 0 : i32
        %dma_wait3A_74 = arith.constant 0 : i32
        %dma_wait3A_75 = tpu.memref_slice %arg11[%dma_wait3A_73, %dma_wait3A_74] : memref<124x128xf32, #tpu.memory_space<vmem>> -> memref<16x128xf32, #tpu.memory_space<vmem>>
        tpu.wait_dma2 semaphore(%run_scoped3A : memref<!tpu.dma_semaphore, #tpu.memory_space<semaphore_mem>>) src(%dma_wait3A_75 : memref<16x128xf32, #tpu.memory_space<vmem>>) dst(%dma_wait3A_72 : memref<16x128xf32, #tpu.memory_space<vmem_shared>>)
        tpu.yield
      }) : () -> ()
    } else {
    }
    %barrier3A = arith.constant 0 : index
    tpu.barrier barrier_id(%barrier3A)
    %eq3A_33 = arith.constant 0 : i32
    %eq3A_34 = arith.cmpi eq, %arg0, %eq3A_33 : i32
    %convert_element_type3A_35 = arith.extui %eq3A_34 : i1 to i32
    %cond3A_36 = arith.constant 0 : i32
    %cond3A_37 = arith.cmpi ne, %convert_element_type3A_35, %cond3A_36 : i32
    scf.if %cond3A_37 {
      %dma_start3A = arith.constant 0 : i32
      %dma_start3A_54 = arith.constant 0 : i32
      %dma_start3A_55 = arith.constant 0 : i32
      %dma_start3A_56 = tpu.memref_slice %arg3[%arg1, %dma_start3A, %dma_start3A_54, %dma_start3A_55] : memref<16x165x2x124xi32, #tpu.memory_space<hbm>> -> memref<1x1x2x124xi32, #tpu.memory_space<hbm>>
      %dma_start3A_57 = tpu.memref_squeeze %dma_start3A_56 : memref<1x1x2x124xi32, #tpu.memory_space<hbm>> -> memref<2x124xi32, #tpu.memory_space<hbm>>
      %dma_start3A_58 = arith.constant 0 : i32
      %dma_start3A_59 = arith.constant 0 : i32
      %dma_start3A_60 = tpu.memref_slice %arg3[%arg1, %dma_start3A, %dma_start3A_58, %dma_start3A_59] : memref<16x165x2x124xi32, #tpu.memory_space<hbm>> -> memref<1x1x2x124xi32, #tpu.memory_space<hbm>>
      %dma_start3A_61 = tpu.memref_squeeze %dma_start3A_60 : memref<1x1x2x124xi32, #tpu.memory_space<hbm>> -> memref<2x124xi32, #tpu.memory_space<hbm>>
      tpu.enqueue_dma source(%dma_start3A_61 : memref<2x124xi32, #tpu.memory_space<hbm>>) target(%arg8 : memref<2x124xi32, #tpu.memory_space<vmem>>) target_semaphore(%arg15 : memref<!tpu.dma_semaphore, #tpu.memory_space<semaphore_mem>>)
      %dma_start3A_62 = arith.constant 1 : i32
      %dma_start3A_63 = arith.constant 0 : i32
      %dma_start3A_64 = arith.constant 0 : i32
      %dma_start3A_65 = tpu.memref_slice %arg3[%arg1, %dma_start3A_62, %dma_start3A_63, %dma_start3A_64] : memref<16x165x2x124xi32, #tpu.memory_space<hbm>> -> memref<1x1x2x124xi32, #tpu.memory_space<hbm>>
      %dma_start3A_66 = tpu.memref_squeeze %dma_start3A_65 : memref<1x1x2x124xi32, #tpu.memory_space<hbm>> -> memref<2x124xi32, #tpu.memory_space<hbm>>
      %dma_start3A_67 = arith.constant 0 : i32
      %dma_start3A_68 = arith.constant 0 : i32
      %dma_start3A_69 = tpu.memref_slice %arg3[%arg1, %dma_start3A_62, %dma_start3A_67, %dma_start3A_68] : memref<16x165x2x124xi32, #tpu.memory_space<hbm>> -> memref<1x1x2x124xi32, #tpu.memory_space<hbm>>
      %dma_start3A_70 = tpu.memref_squeeze %dma_start3A_69 : memref<1x1x2x124xi32, #tpu.memory_space<hbm>> -> memref<2x124xi32, #tpu.memory_space<hbm>>
      tpu.enqueue_dma source(%dma_start3A_70 : memref<2x124xi32, #tpu.memory_space<hbm>>) target(%arg9 : memref<2x124xi32, #tpu.memory_space<vmem>>) target_semaphore(%arg16 : memref<!tpu.dma_semaphore, #tpu.memory_space<semaphore_mem>>)
      %dma_start3A_71 = arith.constant 2 : i32
      %dma_start3A_72 = arith.constant 0 : i32
      %dma_start3A_73 = arith.constant 0 : i32
      %dma_start3A_74 = tpu.memref_slice %arg3[%arg1, %dma_start3A_71, %dma_start3A_72, %dma_start3A_73] : memref<16x165x2x124xi32, #tpu.memory_space<hbm>> -> memref<1x1x2x124xi32, #tpu.memory_space<hbm>>
      %dma_start3A_75 = tpu.memref_squeeze %dma_start3A_74 : memref<1x1x2x124xi32, #tpu.memory_space<hbm>> -> memref<2x124xi32, #tpu.memory_space<hbm>>
      %dma_start3A_76 = arith.constant 0 : i32
      %dma_start3A_77 = arith.constant 0 : i32
      %dma_start3A_78 = tpu.memref_slice %arg3[%arg1, %dma_start3A_71, %dma_start3A_76, %dma_start3A_77] : memref<16x165x2x124xi32, #tpu.memory_space<hbm>> -> memref<1x1x2x124xi32, #tpu.memory_space<hbm>>
      %dma_start3A_79 = tpu.memref_squeeze %dma_start3A_78 : memref<1x1x2x124xi32, #tpu.memory_space<hbm>> -> memref<2x124xi32, #tpu.memory_space<hbm>>
      tpu.enqueue_dma source(%dma_start3A_79 : memref<2x124xi32, #tpu.memory_space<hbm>>) target(%arg10 : memref<2x124xi32, #tpu.memory_space<vmem>>) target_semaphore(%arg17 : memref<!tpu.dma_semaphore, #tpu.memory_space<semaphore_mem>>)
      %dma_wait3A = arith.constant 0 : i32
      %dma_wait3A_80 = arith.constant 0 : i32
      %dma_wait3A_81 = arith.constant 0 : i32
      %dma_wait3A_82 = tpu.memref_slice %arg3[%arg1, %dma_wait3A, %dma_wait3A_80, %dma_wait3A_81] : memref<16x165x2x124xi32, #tpu.memory_space<hbm>> -> memref<1x1x2x124xi32, #tpu.memory_space<hbm>>
      %dma_wait3A_83 = tpu.memref_squeeze %dma_wait3A_82 : memref<1x1x2x124xi32, #tpu.memory_space<hbm>> -> memref<2x124xi32, #tpu.memory_space<hbm>>
      %dma_wait3A_84 = arith.constant 0 : i32
      %dma_wait3A_85 = arith.constant 0 : i32
      %dma_wait3A_86 = tpu.memref_slice %arg3[%arg1, %dma_wait3A, %dma_wait3A_84, %dma_wait3A_85] : memref<16x165x2x124xi32, #tpu.memory_space<hbm>> -> memref<1x1x2x124xi32, #tpu.memory_space<hbm>>
      %dma_wait3A_87 = tpu.memref_squeeze %dma_wait3A_86 : memref<1x1x2x124xi32, #tpu.memory_space<hbm>> -> memref<2x124xi32, #tpu.memory_space<hbm>>
      tpu.wait_dma2 semaphore(%arg15 : memref<!tpu.dma_semaphore, #tpu.memory_space<semaphore_mem>>) src(%dma_wait3A_87 : memref<2x124xi32, #tpu.memory_space<hbm>>) dst(%arg8 : memref<2x124xi32, #tpu.memory_space<vmem>>)
      %dma_start3A_88 = arith.constant 0 : i32
      %dma_start3A_89 = arith.constant 0 : i32
      %dma_start3A_90 = tpu.memref_slice %arg8[%dma_start3A_88, %dma_start3A_89] : memref<2x124xi32, #tpu.memory_space<vmem>> -> memref<1x124xi32, #tpu.memory_space<vmem>>
      %dma_start3A_91 = tpu.memref_squeeze %dma_start3A_90 : memref<1x124xi32, #tpu.memory_space<vmem>> -> memref<124xi32, #tpu.memory_space<vmem>>
      %dma_start3A_92 = arith.constant 0 : i32
      %dma_start3A_93 = arith.constant 0 : i32
      %dma_start3A_94 = tpu.memref_slice %arg2[%dma_start3A_92, %dma_start3A_93] : memref<10008x128xf32, #tpu.memory_space<hbm>> -> memref<10008x128xf32, #tpu.memory_space<hbm>>
      tpu.enqueue_indirect_dma source(%dma_start3A_94 : memref<10008x128xf32, #tpu.memory_space<hbm>>) target(%arg11 : memref<124x128xf32, #tpu.memory_space<vmem>>) offsets(%dma_start3A_91 : memref<124xi32, #tpu.memory_space<vmem>>) semaphore(%arg18 : memref<!tpu.dma_semaphore, #tpu.memory_space<semaphore_mem>>)
      %dma_wait3A_95 = arith.constant 1 : i32
      %dma_wait3A_96 = arith.constant 0 : i32
      %dma_wait3A_97 = arith.constant 0 : i32
      %dma_wait3A_98 = tpu.memref_slice %arg3[%arg1, %dma_wait3A_95, %dma_wait3A_96, %dma_wait3A_97] : memref<16x165x2x124xi32, #tpu.memory_space<hbm>> -> memref<1x1x2x124xi32, #tpu.memory_space<hbm>>
      %dma_wait3A_99 = tpu.memref_squeeze %dma_wait3A_98 : memref<1x1x2x124xi32, #tpu.memory_space<hbm>> -> memref<2x124xi32, #tpu.memory_space<hbm>>
      %dma_wait3A_100 = arith.constant 0 : i32
      %dma_wait3A_101 = arith.constant 0 : i32
      %dma_wait3A_102 = tpu.memref_slice %arg3[%arg1, %dma_wait3A_95, %dma_wait3A_100, %dma_wait3A_101] : memref<16x165x2x124xi32, #tpu.memory_space<hbm>> -> memref<1x1x2x124xi32, #tpu.memory_space<hbm>>
      %dma_wait3A_103 = tpu.memref_squeeze %dma_wait3A_102 : memref<1x1x2x124xi32, #tpu.memory_space<hbm>> -> memref<2x124xi32, #tpu.memory_space<hbm>>
      tpu.wait_dma2 semaphore(%arg16 : memref<!tpu.dma_semaphore, #tpu.memory_space<semaphore_mem>>) src(%dma_wait3A_103 : memref<2x124xi32, #tpu.memory_space<hbm>>) dst(%arg9 : memref<2x124xi32, #tpu.memory_space<vmem>>)
      %dma_start3A_104 = arith.constant 0 : i32
      %dma_start3A_105 = arith.constant 0 : i32
      %dma_start3A_106 = tpu.memref_slice %arg9[%dma_start3A_104, %dma_start3A_105] : memref<2x124xi32, #tpu.memory_space<vmem>> -> memref<1x124xi32, #tpu.memory_space<vmem>>
      %dma_start3A_107 = tpu.memref_squeeze %dma_start3A_106 : memref<1x124xi32, #tpu.memory_space<vmem>> -> memref<124xi32, #tpu.memory_space<vmem>>
      %dma_start3A_108 = arith.constant 0 : i32
      %dma_start3A_109 = arith.constant 0 : i32
      %dma_start3A_110 = tpu.memref_slice %arg2[%dma_start3A_108, %dma_start3A_109] : memref<10008x128xf32, #tpu.memory_space<hbm>> -> memref<10008x128xf32, #tpu.memory_space<hbm>>
      tpu.enqueue_indirect_dma source(%dma_start3A_110 : memref<10008x128xf32, #tpu.memory_space<hbm>>) target(%arg12 : memref<124x128xf32, #tpu.memory_space<vmem>>) offsets(%dma_start3A_107 : memref<124xi32, #tpu.memory_space<vmem>>) semaphore(%arg19 : memref<!tpu.dma_semaphore, #tpu.memory_space<semaphore_mem>>)
      %scan3A_111 = arith.constant 0 : i32
      %scan3A_112 = arith.constant 0 : i32
      %scan3A_113 = arith.constant 54 : i32
      %scan3A_114 = arith.addi %scan3A_112, %scan3A_113 : i32
      %scan3A_115 = arith.constant 1 : i32
      scf.for %scan3A_140 = %scan3A_112 to %scan3A_114 step %scan3A_115  : i32 {
        %mul3A_141 = arith.constant 3 : i32
        %mul3A_142 = arith.muli %mul3A_141, %scan3A_140 : i32
        %add3A_143 = arith.constant 0 : i32
        %add3A_144 = arith.addi %mul3A_142, %add3A_143 : i32
        %add3A_145 = arith.constant 3 : i32
        %add3A_146 = arith.addi %add3A_144, %add3A_145 : i32
        %sub3A = arith.constant 1 : i32
        %sub3A_147 = arith.subi %add3A_146, %sub3A : i32
        %dma_wait3A_148 = arith.constant 0 : i32
        %dma_wait3A_149 = arith.constant 0 : i32
        %dma_wait3A_150 = tpu.memref_slice %arg3[%arg1, %sub3A_147, %dma_wait3A_148, %dma_wait3A_149] : memref<16x165x2x124xi32, #tpu.memory_space<hbm>> -> memref<1x1x2x124xi32, #tpu.memory_space<hbm>>
        %dma_wait3A_151 = tpu.memref_squeeze %dma_wait3A_150 : memref<1x1x2x124xi32, #tpu.memory_space<hbm>> -> memref<2x124xi32, #tpu.memory_space<hbm>>
        %dma_wait3A_152 = arith.constant 0 : i32
        %dma_wait3A_153 = arith.constant 0 : i32
        %dma_wait3A_154 = tpu.memref_slice %arg3[%arg1, %sub3A_147, %dma_wait3A_152, %dma_wait3A_153] : memref<16x165x2x124xi32, #tpu.memory_space<hbm>> -> memref<1x1x2x124xi32, #tpu.memory_space<hbm>>
        %dma_wait3A_155 = tpu.memref_squeeze %dma_wait3A_154 : memref<1x1x2x124xi32, #tpu.memory_space<hbm>> -> memref<2x124xi32, #tpu.memory_space<hbm>>
        tpu.wait_dma2 semaphore(%arg17 : memref<!tpu.dma_semaphore, #tpu.memory_space<semaphore_mem>>) src(%dma_wait3A_155 : memref<2x124xi32, #tpu.memory_space<hbm>>) dst(%arg10 : memref<2x124xi32, #tpu.memory_space<vmem>>)
        %dma_start3A_156 = arith.constant 0 : i32
        %dma_start3A_157 = arith.constant 0 : i32
        %dma_start3A_158 = tpu.memref_slice %arg10[%dma_start3A_156, %dma_start3A_157] : memref<2x124xi32, #tpu.memory_space<vmem>> -> memref<1x124xi32, #tpu.memory_space<vmem>>
        %dma_start3A_159 = tpu.memref_squeeze %dma_start3A_158 : memref<1x124xi32, #tpu.memory_space<vmem>> -> memref<124xi32, #tpu.memory_space<vmem>>
        %dma_start3A_160 = arith.constant 0 : i32
        %dma_start3A_161 = arith.constant 0 : i32
        %dma_start3A_162 = tpu.memref_slice %arg2[%dma_start3A_160, %dma_start3A_161] : memref<10008x128xf32, #tpu.memory_space<hbm>> -> memref<10008x128xf32, #tpu.memory_space<hbm>>
        tpu.enqueue_indirect_dma source(%dma_start3A_162 : memref<10008x128xf32, #tpu.memory_space<hbm>>) target(%arg13 : memref<124x128xf32, #tpu.memory_space<vmem>>) offsets(%dma_start3A_159 : memref<124xi32, #tpu.memory_space<vmem>>) semaphore(%arg20 : memref<!tpu.dma_semaphore, #tpu.memory_space<semaphore_mem>>)
        %dma_wait3A_163 = arith.constant 0 : i32
        %dma_wait3A_164 = arith.constant 0 : i32
        %dma_wait3A_165 = tpu.memref_slice %arg8[%dma_wait3A_163, %dma_wait3A_164] : memref<2x124xi32, #tpu.memory_space<vmem>> -> memref<1x124xi32, #tpu.memory_space<vmem>>
        %dma_wait3A_166 = tpu.memref_squeeze %dma_wait3A_165 : memref<1x124xi32, #tpu.memory_space<vmem>> -> memref<124xi32, #tpu.memory_space<vmem>>
        %dma_wait3A_167 = arith.constant 0 : i32
        %dma_wait3A_168 = arith.constant 0 : i32
        %dma_wait3A_169 = tpu.memref_slice %arg2[%dma_wait3A_167, %dma_wait3A_168] : memref<10008x128xf32, #tpu.memory_space<hbm>> -> memref<10008x128xf32, #tpu.memory_space<hbm>>
        tpu.wait_indirect_dma semaphore(%arg18 : memref<!tpu.dma_semaphore, #tpu.memory_space<semaphore_mem>>) src(%dma_wait3A_169 : memref<10008x128xf32, #tpu.memory_space<hbm>>) dst(%arg11 : memref<124x128xf32, #tpu.memory_space<vmem>>)
        %run_scoped3A = arith.constant 1 : i32
        "tpu.region"() ({
          %run_scoped3A_258 = tpu.sem_alloc : memref<!tpu.dma_semaphore, #tpu.memory_space<semaphore_mem>>
          %dma_start3A_259 = arith.constant 0 : i32
          %dma_start3A_260 = tpu.memref_slice %arg8[%run_scoped3A, %dma_start3A_259] : memref<2x124xi32, #tpu.memory_space<vmem>> -> memref<1x124xi32, #tpu.memory_space<vmem>>
          %dma_start3A_261 = tpu.memref_squeeze %dma_start3A_260 : memref<1x124xi32, #tpu.memory_space<vmem>> -> memref<124xi32, #tpu.memory_space<vmem>>
          %dma_start3A_262 = arith.constant 0 : i32
          %dma_start3A_263 = arith.constant 0 : i32
          %dma_start3A_264 = tpu.memref_slice %arg14[%dma_start3A_262, %dma_start3A_263] : memref<10000x128xf32, #tpu.memory_space<vmem_shared>> -> memref<10000x128xf32, #tpu.memory_space<vmem_shared>>
          tpu.enqueue_indirect_dma source(%arg11 : memref<124x128xf32, #tpu.memory_space<vmem>>) target(%dma_start3A_264 : memref<10000x128xf32, #tpu.memory_space<vmem_shared>>) offsets(%dma_start3A_261 : memref<124xi32, #tpu.memory_space<vmem>>) semaphore(%run_scoped3A_258 : memref<!tpu.dma_semaphore, #tpu.memory_space<semaphore_mem>>) {add = true}
          %dma_wait3A_265 = arith.constant 0 : i32
          %dma_wait3A_266 = tpu.memref_slice %arg8[%run_scoped3A, %dma_wait3A_265] : memref<2x124xi32, #tpu.memory_space<vmem>> -> memref<1x124xi32, #tpu.memory_space<vmem>>
          %dma_wait3A_267 = tpu.memref_squeeze %dma_wait3A_266 : memref<1x124xi32, #tpu.memory_space<vmem>> -> memref<124xi32, #tpu.memory_space<vmem>>
          %dma_wait3A_268 = arith.constant 0 : i32
          %dma_wait3A_269 = arith.constant 0 : i32
          %dma_wait3A_270 = tpu.memref_slice %arg14[%dma_wait3A_268, %dma_wait3A_269] : memref<10000x128xf32, #tpu.memory_space<vmem_shared>> -> memref<10000x128xf32, #tpu.memory_space<vmem_shared>>
          tpu.wait_indirect_dma semaphore(%run_scoped3A_258 : memref<!tpu.dma_semaphore, #tpu.memory_space<semaphore_mem>>) src(%arg11 : memref<124x128xf32, #tpu.memory_space<vmem>>) dst(%dma_wait3A_270 : memref<10000x128xf32, #tpu.memory_space<vmem_shared>>)
          tpu.yield
        }) : () -> ()
        %add3A_170 = arith.constant 3 : i32
        %add3A_171 = arith.addi %add3A_144, %add3A_170 : i32
        %dma_start3A_172 = arith.constant 0 : i32
        %dma_start3A_173 = arith.constant 0 : i32
        %dma_start3A_174 = tpu.memref_slice %arg3[%arg1, %add3A_171, %dma_start3A_172, %dma_start3A_173] : memref<16x165x2x124xi32, #tpu.memory_space<hbm>> -> memref<1x1x2x124xi32, #tpu.memory_space<hbm>>
        %dma_start3A_175 = tpu.memref_squeeze %dma_start3A_174 : memref<1x1x2x124xi32, #tpu.memory_space<hbm>> -> memref<2x124xi32, #tpu.memory_space<hbm>>
        %dma_start3A_176 = arith.constant 0 : i32
        %dma_start3A_177 = arith.constant 0 : i32
        %dma_start3A_178 = tpu.memref_slice %arg3[%arg1, %add3A_171, %dma_start3A_176, %dma_start3A_177] : memref<16x165x2x124xi32, #tpu.memory_space<hbm>> -> memref<1x1x2x124xi32, #tpu.memory_space<hbm>>
        %dma_start3A_179 = tpu.memref_squeeze %dma_start3A_178 : memref<1x1x2x124xi32, #tpu.memory_space<hbm>> -> memref<2x124xi32, #tpu.memory_space<hbm>>
        tpu.enqueue_dma source(%dma_start3A_179 : memref<2x124xi32, #tpu.memory_space<hbm>>) target(%arg8 : memref<2x124xi32, #tpu.memory_space<vmem>>) target_semaphore(%arg15 : memref<!tpu.dma_semaphore, #tpu.memory_space<semaphore_mem>>)
        %add3A_180 = arith.constant 1 : i32
        %add3A_181 = arith.addi %mul3A_142, %add3A_180 : i32
        %add3A_182 = arith.constant 3 : i32
        %add3A_183 = arith.addi %add3A_181, %add3A_182 : i32
        %sub3A_184 = arith.constant 1 : i32
        %sub3A_185 = arith.subi %add3A_183, %sub3A_184 : i32
        %dma_wait3A_186 = arith.constant 0 : i32
        %dma_wait3A_187 = arith.constant 0 : i32
        %dma_wait3A_188 = tpu.memref_slice %arg3[%arg1, %sub3A_185, %dma_wait3A_186, %dma_wait3A_187] : memref<16x165x2x124xi32, #tpu.memory_space<hbm>> -> memref<1x1x2x124xi32, #tpu.memory_space<hbm>>
        %dma_wait3A_189 = tpu.memref_squeeze %dma_wait3A_188 : memref<1x1x2x124xi32, #tpu.memory_space<hbm>> -> memref<2x124xi32, #tpu.memory_space<hbm>>
        %dma_wait3A_190 = arith.constant 0 : i32
        %dma_wait3A_191 = arith.constant 0 : i32
        %dma_wait3A_192 = tpu.memref_slice %arg3[%arg1, %sub3A_185, %dma_wait3A_190, %dma_wait3A_191] : memref<16x165x2x124xi32, #tpu.memory_space<hbm>> -> memref<1x1x2x124xi32, #tpu.memory_space<hbm>>
        %dma_wait3A_193 = tpu.memref_squeeze %dma_wait3A_192 : memref<1x1x2x124xi32, #tpu.memory_space<hbm>> -> memref<2x124xi32, #tpu.memory_space<hbm>>
        tpu.wait_dma2 semaphore(%arg15 : memref<!tpu.dma_semaphore, #tpu.memory_space<semaphore_mem>>) src(%dma_wait3A_193 : memref<2x124xi32, #tpu.memory_space<hbm>>) dst(%arg8 : memref<2x124xi32, #tpu.memory_space<vmem>>)
        %dma_start3A_194 = arith.constant 0 : i32
        %dma_start3A_195 = arith.constant 0 : i32
        %dma_start3A_196 = tpu.memref_slice %arg8[%dma_start3A_194, %dma_start3A_195] : memref<2x124xi32, #tpu.memory_space<vmem>> -> memref<1x124xi32, #tpu.memory_space<vmem>>
        %dma_start3A_197 = tpu.memref_squeeze %dma_start3A_196 : memref<1x124xi32, #tpu.memory_space<vmem>> -> memref<124xi32, #tpu.memory_space<vmem>>
        %dma_start3A_198 = arith.constant 0 : i32
        %dma_start3A_199 = arith.constant 0 : i32
        %dma_start3A_200 = tpu.memref_slice %arg2[%dma_start3A_198, %dma_start3A_199] : memref<10008x128xf32, #tpu.memory_space<hbm>> -> memref<10008x128xf32, #tpu.memory_space<hbm>>
        tpu.enqueue_indirect_dma source(%dma_start3A_200 : memref<10008x128xf32, #tpu.memory_space<hbm>>) target(%arg11 : memref<124x128xf32, #tpu.memory_space<vmem>>) offsets(%dma_start3A_197 : memref<124xi32, #tpu.memory_space<vmem>>) semaphore(%arg18 : memref<!tpu.dma_semaphore, #tpu.memory_space<semaphore_mem>>)
        %dma_wait3A_201 = arith.constant 0 : i32
        %dma_wait3A_202 = arith.constant 0 : i32
        %dma_wait3A_203 = tpu.memref_slice %arg9[%dma_wait3A_201, %dma_wait3A_202] : memref<2x124xi32, #tpu.memory_space<vmem>> -> memref<1x124xi32, #tpu.memory_space<vmem>>
        %dma_wait3A_204 = tpu.memref_squeeze %dma_wait3A_203 : memref<1x124xi32, #tpu.memory_space<vmem>> -> memref<124xi32, #tpu.memory_space<vmem>>
        %dma_wait3A_205 = arith.constant 0 : i32
        %dma_wait3A_206 = arith.constant 0 : i32
        %dma_wait3A_207 = tpu.memref_slice %arg2[%dma_wait3A_205, %dma_wait3A_206] : memref<10008x128xf32, #tpu.memory_space<hbm>> -> memref<10008x128xf32, #tpu.memory_space<hbm>>
        tpu.wait_indirect_dma semaphore(%arg19 : memref<!tpu.dma_semaphore, #tpu.memory_space<semaphore_mem>>) src(%dma_wait3A_207 : memref<10008x128xf32, #tpu.memory_space<hbm>>) dst(%arg12 : memref<124x128xf32, #tpu.memory_space<vmem>>)
        %run_scoped3A_208 = arith.constant 1 : i32
        "tpu.region"() ({
          %run_scoped3A_258 = tpu.sem_alloc : memref<!tpu.dma_semaphore, #tpu.memory_space<semaphore_mem>>
          %dma_start3A_259 = arith.constant 0 : i32
          %dma_start3A_260 = tpu.memref_slice %arg9[%run_scoped3A_208, %dma_start3A_259] : memref<2x124xi32, #tpu.memory_space<vmem>> -> memref<1x124xi32, #tpu.memory_space<vmem>>
          %dma_start3A_261 = tpu.memref_squeeze %dma_start3A_260 : memref<1x124xi32, #tpu.memory_space<vmem>> -> memref<124xi32, #tpu.memory_space<vmem>>
          %dma_start3A_262 = arith.constant 0 : i32
          %dma_start3A_263 = arith.constant 0 : i32
          %dma_start3A_264 = tpu.memref_slice %arg14[%dma_start3A_262, %dma_start3A_263] : memref<10000x128xf32, #tpu.memory_space<vmem_shared>> -> memref<10000x128xf32, #tpu.memory_space<vmem_shared>>
          tpu.enqueue_indirect_dma source(%arg12 : memref<124x128xf32, #tpu.memory_space<vmem>>) target(%dma_start3A_264 : memref<10000x128xf32, #tpu.memory_space<vmem_shared>>) offsets(%dma_start3A_261 : memref<124xi32, #tpu.memory_space<vmem>>) semaphore(%run_scoped3A_258 : memref<!tpu.dma_semaphore, #tpu.memory_space<semaphore_mem>>) {add = true}
          %dma_wait3A_265 = arith.constant 0 : i32
          %dma_wait3A_266 = tpu.memref_slice %arg9[%run_scoped3A_208, %dma_wait3A_265] : memref<2x124xi32, #tpu.memory_space<vmem>> -> memref<1x124xi32, #tpu.memory_space<vmem>>
          %dma_wait3A_267 = tpu.memref_squeeze %dma_wait3A_266 : memref<1x124xi32, #tpu.memory_space<vmem>> -> memref<124xi32, #tpu.memory_space<vmem>>
          %dma_wait3A_268 = arith.constant 0 : i32
          %dma_wait3A_269 = arith.constant 0 : i32
          %dma_wait3A_270 = tpu.memref_slice %arg14[%dma_wait3A_268, %dma_wait3A_269] : memref<10000x128xf32, #tpu.memory_space<vmem_shared>> -> memref<10000x128xf32, #tpu.memory_space<vmem_shared>>
          tpu.wait_indirect_dma semaphore(%run_scoped3A_258 : memref<!tpu.dma_semaphore, #tpu.memory_space<semaphore_mem>>) src(%arg12 : memref<124x128xf32, #tpu.memory_space<vmem>>) dst(%dma_wait3A_270 : memref<10000x128xf32, #tpu.memory_space<vmem_shared>>)
          tpu.yield
        }) : () -> ()
        %add3A_209 = arith.constant 3 : i32
        %add3A_210 = arith.addi %add3A_181, %add3A_209 : i32
        %dma_start3A_211 = arith.constant 0 : i32
        %dma_start3A_212 = arith.constant 0 : i32
        %dma_start3A_213 = tpu.memref_slice %arg3[%arg1, %add3A_210, %dma_start3A_211, %dma_start3A_212] : memref<16x165x2x124xi32, #tpu.memory_space<hbm>> -> memref<1x1x2x124xi32, #tpu.memory_space<hbm>>
        %dma_start3A_214 = tpu.memref_squeeze %dma_start3A_213 : memref<1x1x2x124xi32, #tpu.memory_space<hbm>> -> memref<2x124xi32, #tpu.memory_space<hbm>>
        %dma_start3A_215 = arith.constant 0 : i32
        %dma_start3A_216 = arith.constant 0 : i32
        %dma_start3A_217 = tpu.memref_slice %arg3[%arg1, %add3A_210, %dma_start3A_215, %dma_start3A_216] : memref<16x165x2x124xi32, #tpu.memory_space<hbm>> -> memref<1x1x2x124xi32, #tpu.memory_space<hbm>>
        %dma_start3A_218 = tpu.memref_squeeze %dma_start3A_217 : memref<1x1x2x124xi32, #tpu.memory_space<hbm>> -> memref<2x124xi32, #tpu.memory_space<hbm>>
        tpu.enqueue_dma source(%dma_start3A_218 : memref<2x124xi32, #tpu.memory_space<hbm>>) target(%arg9 : memref<2x124xi32, #tpu.memory_space<vmem>>) target_semaphore(%arg16 : memref<!tpu.dma_semaphore, #tpu.memory_space<semaphore_mem>>)
        %add3A_219 = arith.constant 2 : i32
        %add3A_220 = arith.addi %mul3A_142, %add3A_219 : i32
        %add3A_221 = arith.constant 3 : i32
        %add3A_222 = arith.addi %add3A_220, %add3A_221 : i32
        %sub3A_223 = arith.constant 1 : i32
        %sub3A_224 = arith.subi %add3A_222, %sub3A_223 : i32
        %dma_wait3A_225 = arith.constant 0 : i32
        %dma_wait3A_226 = arith.constant 0 : i32
        %dma_wait3A_227 = tpu.memref_slice %arg3[%arg1, %sub3A_224, %dma_wait3A_225, %dma_wait3A_226] : memref<16x165x2x124xi32, #tpu.memory_space<hbm>> -> memref<1x1x2x124xi32, #tpu.memory_space<hbm>>
        %dma_wait3A_228 = tpu.memref_squeeze %dma_wait3A_227 : memref<1x1x2x124xi32, #tpu.memory_space<hbm>> -> memref<2x124xi32, #tpu.memory_space<hbm>>
        %dma_wait3A_229 = arith.constant 0 : i32
        %dma_wait3A_230 = arith.constant 0 : i32
        %dma_wait3A_231 = tpu.memref_slice %arg3[%arg1, %sub3A_224, %dma_wait3A_229, %dma_wait3A_230] : memref<16x165x2x124xi32, #tpu.memory_space<hbm>> -> memref<1x1x2x124xi32, #tpu.memory_space<hbm>>
        %dma_wait3A_232 = tpu.memref_squeeze %dma_wait3A_231 : memref<1x1x2x124xi32, #tpu.memory_space<hbm>> -> memref<2x124xi32, #tpu.memory_space<hbm>>
        tpu.wait_dma2 semaphore(%arg16 : memref<!tpu.dma_semaphore, #tpu.memory_space<semaphore_mem>>) src(%dma_wait3A_232 : memref<2x124xi32, #tpu.memory_space<hbm>>) dst(%arg9 : memref<2x124xi32, #tpu.memory_space<vmem>>)
        %dma_start3A_233 = arith.constant 0 : i32
        %dma_start3A_234 = arith.constant 0 : i32
        %dma_start3A_235 = tpu.memref_slice %arg9[%dma_start3A_233, %dma_start3A_234] : memref<2x124xi32, #tpu.memory_space<vmem>> -> memref<1x124xi32, #tpu.memory_space<vmem>>
        %dma_start3A_236 = tpu.memref_squeeze %dma_start3A_235 : memref<1x124xi32, #tpu.memory_space<vmem>> -> memref<124xi32, #tpu.memory_space<vmem>>
        %dma_start3A_237 = arith.constant 0 : i32
        %dma_start3A_238 = arith.constant 0 : i32
        %dma_start3A_239 = tpu.memref_slice %arg2[%dma_start3A_237, %dma_start3A_238] : memref<10008x128xf32, #tpu.memory_space<hbm>> -> memref<10008x128xf32, #tpu.memory_space<hbm>>
        tpu.enqueue_indirect_dma source(%dma_start3A_239 : memref<10008x128xf32, #tpu.memory_space<hbm>>) target(%arg12 : memref<124x128xf32, #tpu.memory_space<vmem>>) offsets(%dma_start3A_236 : memref<124xi32, #tpu.memory_space<vmem>>) semaphore(%arg19 : memref<!tpu.dma_semaphore, #tpu.memory_space<semaphore_mem>>)
        %dma_wait3A_240 = arith.constant 0 : i32
        %dma_wait3A_241 = arith.constant 0 : i32
        %dma_wait3A_242 = tpu.memref_slice %arg10[%dma_wait3A_240, %dma_wait3A_241] : memref<2x124xi32, #tpu.memory_space<vmem>> -> memref<1x124xi32, #tpu.memory_space<vmem>>
        %dma_wait3A_243 = tpu.memref_squeeze %dma_wait3A_242 : memref<1x124xi32, #tpu.memory_space<vmem>> -> memref<124xi32, #tpu.memory_space<vmem>>
        %dma_wait3A_244 = arith.constant 0 : i32
        %dma_wait3A_245 = arith.constant 0 : i32
        %dma_wait3A_246 = tpu.memref_slice %arg2[%dma_wait3A_244, %dma_wait3A_245] : memref<10008x128xf32, #tpu.memory_space<hbm>> -> memref<10008x128xf32, #tpu.memory_space<hbm>>
        tpu.wait_indirect_dma semaphore(%arg20 : memref<!tpu.dma_semaphore, #tpu.memory_space<semaphore_mem>>) src(%dma_wait3A_246 : memref<10008x128xf32, #tpu.memory_space<hbm>>) dst(%arg13 : memref<124x128xf32, #tpu.memory_space<vmem>>)
        %run_scoped3A_247 = arith.constant 1 : i32
        "tpu.region"() ({
          %run_scoped3A_258 = tpu.sem_alloc : memref<!tpu.dma_semaphore, #tpu.memory_space<semaphore_mem>>
          %dma_start3A_259 = arith.constant 0 : i32
          %dma_start3A_260 = tpu.memref_slice %arg10[%run_scoped3A_247, %dma_start3A_259] : memref<2x124xi32, #tpu.memory_space<vmem>> -> memref<1x124xi32, #tpu.memory_space<vmem>>
          %dma_start3A_261 = tpu.memref_squeeze %dma_start3A_260 : memref<1x124xi32, #tpu.memory_space<vmem>> -> memref<124xi32, #tpu.memory_space<vmem>>
          %dma_start3A_262 = arith.constant 0 : i32
          %dma_start3A_263 = arith.constant 0 : i32
          %dma_start3A_264 = tpu.memref_slice %arg14[%dma_start3A_262, %dma_start3A_263] : memref<10000x128xf32, #tpu.memory_space<vmem_shared>> -> memref<10000x128xf32, #tpu.memory_space<vmem_shared>>
          tpu.enqueue_indirect_dma source(%arg13 : memref<124x128xf32, #tpu.memory_space<vmem>>) target(%dma_start3A_264 : memref<10000x128xf32, #tpu.memory_space<vmem_shared>>) offsets(%dma_start3A_261 : memref<124xi32, #tpu.memory_space<vmem>>) semaphore(%run_scoped3A_258 : memref<!tpu.dma_semaphore, #tpu.memory_space<semaphore_mem>>) {add = true}
          %dma_wait3A_265 = arith.constant 0 : i32
          %dma_wait3A_266 = tpu.memref_slice %arg10[%run_scoped3A_247, %dma_wait3A_265] : memref<2x124xi32, #tpu.memory_space<vmem>> -> memref<1x124xi32, #tpu.memory_space<vmem>>
          %dma_wait3A_267 = tpu.memref_squeeze %dma_wait3A_266 : memref<1x124xi32, #tpu.memory_space<vmem>> -> memref<124xi32, #tpu.memory_space<vmem>>
          %dma_wait3A_268 = arith.constant 0 : i32
          %dma_wait3A_269 = arith.constant 0 : i32
          %dma_wait3A_270 = tpu.memref_slice %arg14[%dma_wait3A_268, %dma_wait3A_269] : memref<10000x128xf32, #tpu.memory_space<vmem_shared>> -> memref<10000x128xf32, #tpu.memory_space<vmem_shared>>
          tpu.wait_indirect_dma semaphore(%run_scoped3A_258 : memref<!tpu.dma_semaphore, #tpu.memory_space<semaphore_mem>>) src(%arg13 : memref<124x128xf32, #tpu.memory_space<vmem>>) dst(%dma_wait3A_270 : memref<10000x128xf32, #tpu.memory_space<vmem_shared>>)
          tpu.yield
        }) : () -> ()
        %add3A_248 = arith.constant 3 : i32
        %add3A_249 = arith.addi %add3A_220, %add3A_248 : i32
        %dma_start3A_250 = arith.constant 0 : i32
        %dma_start3A_251 = arith.constant 0 : i32
        %dma_start3A_252 = tpu.memref_slice %arg3[%arg1, %add3A_249, %dma_start3A_250, %dma_start3A_251] : memref<16x165x2x124xi32, #tpu.memory_space<hbm>> -> memref<1x1x2x124xi32, #tpu.memory_space<hbm>>
        %dma_start3A_253 = tpu.memref_squeeze %dma_start3A_252 : memref<1x1x2x124xi32, #tpu.memory_space<hbm>> -> memref<2x124xi32, #tpu.memory_space<hbm>>
        %dma_start3A_254 = arith.constant 0 : i32
        %dma_start3A_255 = arith.constant 0 : i32
        %dma_start3A_256 = tpu.memref_slice %arg3[%arg1, %add3A_249, %dma_start3A_254, %dma_start3A_255] : memref<16x165x2x124xi32, #tpu.memory_space<hbm>> -> memref<1x1x2x124xi32, #tpu.memory_space<hbm>>
        %dma_start3A_257 = tpu.memref_squeeze %dma_start3A_256 : memref<1x1x2x124xi32, #tpu.memory_space<hbm>> -> memref<2x124xi32, #tpu.memory_space<hbm>>
        tpu.enqueue_dma source(%dma_start3A_257 : memref<2x124xi32, #tpu.memory_space<hbm>>) target(%arg10 : memref<2x124xi32, #tpu.memory_space<vmem>>) target_semaphore(%arg17 : memref<!tpu.dma_semaphore, #tpu.memory_space<semaphore_mem>>)
      }
      %scan3A_116 = arith.constant 54 : i32
      %dma_wait3A_117 = arith.constant 0 : i32
      %dma_wait3A_118 = arith.constant 0 : i32
      %dma_wait3A_119 = tpu.memref_slice %arg8[%dma_wait3A_117, %dma_wait3A_118] : memref<2x124xi32, #tpu.memory_space<vmem>> -> memref<1x124xi32, #tpu.memory_space<vmem>>
      %dma_wait3A_120 = tpu.memref_squeeze %dma_wait3A_119 : memref<1x124xi32, #tpu.memory_space<vmem>> -> memref<124xi32, #tpu.memory_space<vmem>>
      %dma_wait3A_121 = arith.constant 0 : i32
      %dma_wait3A_122 = arith.constant 0 : i32
      %dma_wait3A_123 = tpu.memref_slice %arg2[%dma_wait3A_121, %dma_wait3A_122] : memref<10008x128xf32, #tpu.memory_space<hbm>> -> memref<10008x128xf32, #tpu.memory_space<hbm>>
      tpu.wait_indirect_dma semaphore(%arg18 : memref<!tpu.dma_semaphore, #tpu.memory_space<semaphore_mem>>) src(%dma_wait3A_123 : memref<10008x128xf32, #tpu.memory_space<hbm>>) dst(%arg11 : memref<124x128xf32, #tpu.memory_space<vmem>>)
      %dma_wait3A_124 = arith.constant 0 : i32
      %dma_wait3A_125 = arith.constant 0 : i32
      %dma_wait3A_126 = tpu.memref_slice %arg9[%dma_wait3A_124, %dma_wait3A_125] : memref<2x124xi32, #tpu.memory_space<vmem>> -> memref<1x124xi32, #tpu.memory_space<vmem>>
      %dma_wait3A_127 = tpu.memref_squeeze %dma_wait3A_126 : memref<1x124xi32, #tpu.memory_space<vmem>> -> memref<124xi32, #tpu.memory_space<vmem>>
      %dma_wait3A_128 = arith.constant 0 : i32
      %dma_wait3A_129 = arith.constant 0 : i32
      %dma_wait3A_130 = tpu.memref_slice %arg2[%dma_wait3A_128, %dma_wait3A_129] : memref<10008x128xf32, #tpu.memory_space<hbm>> -> memref<10008x128xf32, #tpu.memory_space<hbm>>
      tpu.wait_indirect_dma semaphore(%arg19 : memref<!tpu.dma_semaphore, #tpu.memory_space<semaphore_mem>>) src(%dma_wait3A_130 : memref<10008x128xf32, #tpu.memory_space<hbm>>) dst(%arg12 : memref<124x128xf32, #tpu.memory_space<vmem>>)
      %dma_wait3A_131 = arith.constant 164 : i32
      %dma_wait3A_132 = arith.constant 0 : i32
      %dma_wait3A_133 = arith.constant 0 : i32
      %dma_wait3A_134 = tpu.memref_slice %arg3[%arg1, %dma_wait3A_131, %dma_wait3A_132, %dma_wait3A_133] : memref<16x165x2x124xi32, #tpu.memory_space<hbm>> -> memref<1x1x2x124xi32, #tpu.memory_space<hbm>>
      %dma_wait3A_135 = tpu.memref_squeeze %dma_wait3A_134 : memref<1x1x2x124xi32, #tpu.memory_space<hbm>> -> memref<2x124xi32, #tpu.memory_space<hbm>>
      %dma_wait3A_136 = arith.constant 0 : i32
      %dma_wait3A_137 = arith.constant 0 : i32
      %dma_wait3A_138 = tpu.memref_slice %arg3[%arg1, %dma_wait3A_131, %dma_wait3A_136, %dma_wait3A_137] : memref<16x165x2x124xi32, #tpu.memory_space<hbm>> -> memref<1x1x2x124xi32, #tpu.memory_space<hbm>>
      %dma_wait3A_139 = tpu.memref_squeeze %dma_wait3A_138 : memref<1x1x2x124xi32, #tpu.memory_space<hbm>> -> memref<2x124xi32, #tpu.memory_space<hbm>>
      tpu.wait_dma2 semaphore(%arg17 : memref<!tpu.dma_semaphore, #tpu.memory_space<semaphore_mem>>) src(%dma_wait3A_139 : memref<2x124xi32, #tpu.memory_space<hbm>>) dst(%arg10 : memref<2x124xi32, #tpu.memory_space<vmem>>)
    } else {
    }
    %eq3A_38 = arith.constant 1 : i32
    %eq3A_39 = arith.cmpi eq, %arg0, %eq3A_38 : i32
    %convert_element_type3A_40 = arith.extui %eq3A_39 : i1 to i32
    %cond3A_41 = arith.constant 0 : i32
    %cond3A_42 = arith.cmpi ne, %convert_element_type3A_40, %cond3A_41 : i32
    scf.if %cond3A_42 {
      %dma_start3A = arith.constant 0 : i32
      %dma_start3A_54 = arith.constant 0 : i32
      %dma_start3A_55 = arith.constant 0 : i32
      %dma_start3A_56 = tpu.memref_slice %arg5[%arg1, %dma_start3A, %dma_start3A_54, %dma_start3A_55] : memref<16x165x2x124xi32, #tpu.memory_space<hbm>> -> memref<1x1x2x124xi32, #tpu.memory_space<hbm>>
      %dma_start3A_57 = tpu.memref_squeeze %dma_start3A_56 : memref<1x1x2x124xi32, #tpu.memory_space<hbm>> -> memref<2x124xi32, #tpu.memory_space<hbm>>
      %dma_start3A_58 = arith.constant 0 : i32
      %dma_start3A_59 = arith.constant 0 : i32
      %dma_start3A_60 = tpu.memref_slice %arg5[%arg1, %dma_start3A, %dma_start3A_58, %dma_start3A_59] : memref<16x165x2x124xi32, #tpu.memory_space<hbm>> -> memref<1x1x2x124xi32, #tpu.memory_space<hbm>>
      %dma_start3A_61 = tpu.memref_squeeze %dma_start3A_60 : memref<1x1x2x124xi32, #tpu.memory_space<hbm>> -> memref<2x124xi32, #tpu.memory_space<hbm>>
      tpu.enqueue_dma source(%dma_start3A_61 : memref<2x124xi32, #tpu.memory_space<hbm>>) target(%arg8 : memref<2x124xi32, #tpu.memory_space<vmem>>) target_semaphore(%arg15 : memref<!tpu.dma_semaphore, #tpu.memory_space<semaphore_mem>>)
      %dma_start3A_62 = arith.constant 1 : i32
      %dma_start3A_63 = arith.constant 0 : i32
      %dma_start3A_64 = arith.constant 0 : i32
      %dma_start3A_65 = tpu.memref_slice %arg5[%arg1, %dma_start3A_62, %dma_start3A_63, %dma_start3A_64] : memref<16x165x2x124xi32, #tpu.memory_space<hbm>> -> memref<1x1x2x124xi32, #tpu.memory_space<hbm>>
      %dma_start3A_66 = tpu.memref_squeeze %dma_start3A_65 : memref<1x1x2x124xi32, #tpu.memory_space<hbm>> -> memref<2x124xi32, #tpu.memory_space<hbm>>
      %dma_start3A_67 = arith.constant 0 : i32
      %dma_start3A_68 = arith.constant 0 : i32
      %dma_start3A_69 = tpu.memref_slice %arg5[%arg1, %dma_start3A_62, %dma_start3A_67, %dma_start3A_68] : memref<16x165x2x124xi32, #tpu.memory_space<hbm>> -> memref<1x1x2x124xi32, #tpu.memory_space<hbm>>
      %dma_start3A_70 = tpu.memref_squeeze %dma_start3A_69 : memref<1x1x2x124xi32, #tpu.memory_space<hbm>> -> memref<2x124xi32, #tpu.memory_space<hbm>>
      tpu.enqueue_dma source(%dma_start3A_70 : memref<2x124xi32, #tpu.memory_space<hbm>>) target(%arg9 : memref<2x124xi32, #tpu.memory_space<vmem>>) target_semaphore(%arg16 : memref<!tpu.dma_semaphore, #tpu.memory_space<semaphore_mem>>)
      %dma_start3A_71 = arith.constant 2 : i32
      %dma_start3A_72 = arith.constant 0 : i32
      %dma_start3A_73 = arith.constant 0 : i32
      %dma_start3A_74 = tpu.memref_slice %arg5[%arg1, %dma_start3A_71, %dma_start3A_72, %dma_start3A_73] : memref<16x165x2x124xi32, #tpu.memory_space<hbm>> -> memref<1x1x2x124xi32, #tpu.memory_space<hbm>>
      %dma_start3A_75 = tpu.memref_squeeze %dma_start3A_74 : memref<1x1x2x124xi32, #tpu.memory_space<hbm>> -> memref<2x124xi32, #tpu.memory_space<hbm>>
      %dma_start3A_76 = arith.constant 0 : i32
      %dma_start3A_77 = arith.constant 0 : i32
      %dma_start3A_78 = tpu.memref_slice %arg5[%arg1, %dma_start3A_71, %dma_start3A_76, %dma_start3A_77] : memref<16x165x2x124xi32, #tpu.memory_space<hbm>> -> memref<1x1x2x124xi32, #tpu.memory_space<hbm>>
      %dma_start3A_79 = tpu.memref_squeeze %dma_start3A_78 : memref<1x1x2x124xi32, #tpu.memory_space<hbm>> -> memref<2x124xi32, #tpu.memory_space<hbm>>
      tpu.enqueue_dma source(%dma_start3A_79 : memref<2x124xi32, #tpu.memory_space<hbm>>) target(%arg10 : memref<2x124xi32, #tpu.memory_space<vmem>>) target_semaphore(%arg17 : memref<!tpu.dma_semaphore, #tpu.memory_space<semaphore_mem>>)
      %dma_wait3A = arith.constant 0 : i32
      %dma_wait3A_80 = arith.constant 0 : i32
      %dma_wait3A_81 = arith.constant 0 : i32
      %dma_wait3A_82 = tpu.memref_slice %arg5[%arg1, %dma_wait3A, %dma_wait3A_80, %dma_wait3A_81] : memref<16x165x2x124xi32, #tpu.memory_space<hbm>> -> memref<1x1x2x124xi32, #tpu.memory_space<hbm>>
      %dma_wait3A_83 = tpu.memref_squeeze %dma_wait3A_82 : memref<1x1x2x124xi32, #tpu.memory_space<hbm>> -> memref<2x124xi32, #tpu.memory_space<hbm>>
      %dma_wait3A_84 = arith.constant 0 : i32
      %dma_wait3A_85 = arith.constant 0 : i32
      %dma_wait3A_86 = tpu.memref_slice %arg5[%arg1, %dma_wait3A, %dma_wait3A_84, %dma_wait3A_85] : memref<16x165x2x124xi32, #tpu.memory_space<hbm>> -> memref<1x1x2x124xi32, #tpu.memory_space<hbm>>
      %dma_wait3A_87 = tpu.memref_squeeze %dma_wait3A_86 : memref<1x1x2x124xi32, #tpu.memory_space<hbm>> -> memref<2x124xi32, #tpu.memory_space<hbm>>
      tpu.wait_dma2 semaphore(%arg15 : memref<!tpu.dma_semaphore, #tpu.memory_space<semaphore_mem>>) src(%dma_wait3A_87 : memref<2x124xi32, #tpu.memory_space<hbm>>) dst(%arg8 : memref<2x124xi32, #tpu.memory_space<vmem>>)
      %dma_start3A_88 = arith.constant 0 : i32
      %dma_start3A_89 = arith.constant 0 : i32
      %dma_start3A_90 = tpu.memref_slice %arg8[%dma_start3A_88, %dma_start3A_89] : memref<2x124xi32, #tpu.memory_space<vmem>> -> memref<1x124xi32, #tpu.memory_space<vmem>>
      %dma_start3A_91 = tpu.memref_squeeze %dma_start3A_90 : memref<1x124xi32, #tpu.memory_space<vmem>> -> memref<124xi32, #tpu.memory_space<vmem>>
      %dma_start3A_92 = arith.constant 0 : i32
      %dma_start3A_93 = arith.constant 0 : i32
      %dma_start3A_94 = tpu.memref_slice %arg4[%dma_start3A_92, %dma_start3A_93] : memref<10008x128xf32, #tpu.memory_space<hbm>> -> memref<10008x128xf32, #tpu.memory_space<hbm>>
      tpu.enqueue_indirect_dma source(%dma_start3A_94 : memref<10008x128xf32, #tpu.memory_space<hbm>>) target(%arg11 : memref<124x128xf32, #tpu.memory_space<vmem>>) offsets(%dma_start3A_91 : memref<124xi32, #tpu.memory_space<vmem>>) semaphore(%arg18 : memref<!tpu.dma_semaphore, #tpu.memory_space<semaphore_mem>>)
      %dma_wait3A_95 = arith.constant 1 : i32
      %dma_wait3A_96 = arith.constant 0 : i32
      %dma_wait3A_97 = arith.constant 0 : i32
      %dma_wait3A_98 = tpu.memref_slice %arg5[%arg1, %dma_wait3A_95, %dma_wait3A_96, %dma_wait3A_97] : memref<16x165x2x124xi32, #tpu.memory_space<hbm>> -> memref<1x1x2x124xi32, #tpu.memory_space<hbm>>
      %dma_wait3A_99 = tpu.memref_squeeze %dma_wait3A_98 : memref<1x1x2x124xi32, #tpu.memory_space<hbm>> -> memref<2x124xi32, #tpu.memory_space<hbm>>
      %dma_wait3A_100 = arith.constant 0 : i32
      %dma_wait3A_101 = arith.constant 0 : i32
      %dma_wait3A_102 = tpu.memref_slice %arg5[%arg1, %dma_wait3A_95, %dma_wait3A_100, %dma_wait3A_101] : memref<16x165x2x124xi32, #tpu.memory_space<hbm>> -> memref<1x1x2x124xi32, #tpu.memory_space<hbm>>
      %dma_wait3A_103 = tpu.memref_squeeze %dma_wait3A_102 : memref<1x1x2x124xi32, #tpu.memory_space<hbm>> -> memref<2x124xi32, #tpu.memory_space<hbm>>
      tpu.wait_dma2 semaphore(%arg16 : memref<!tpu.dma_semaphore, #tpu.memory_space<semaphore_mem>>) src(%dma_wait3A_103 : memref<2x124xi32, #tpu.memory_space<hbm>>) dst(%arg9 : memref<2x124xi32, #tpu.memory_space<vmem>>)
      %dma_start3A_104 = arith.constant 0 : i32
      %dma_start3A_105 = arith.constant 0 : i32
      %dma_start3A_106 = tpu.memref_slice %arg9[%dma_start3A_104, %dma_start3A_105] : memref<2x124xi32, #tpu.memory_space<vmem>> -> memref<1x124xi32, #tpu.memory_space<vmem>>
      %dma_start3A_107 = tpu.memref_squeeze %dma_start3A_106 : memref<1x124xi32, #tpu.memory_space<vmem>> -> memref<124xi32, #tpu.memory_space<vmem>>
      %dma_start3A_108 = arith.constant 0 : i32
      %dma_start3A_109 = arith.constant 0 : i32
      %dma_start3A_110 = tpu.memref_slice %arg4[%dma_start3A_108, %dma_start3A_109] : memref<10008x128xf32, #tpu.memory_space<hbm>> -> memref<10008x128xf32, #tpu.memory_space<hbm>>
      tpu.enqueue_indirect_dma source(%dma_start3A_110 : memref<10008x128xf32, #tpu.memory_space<hbm>>) target(%arg12 : memref<124x128xf32, #tpu.memory_space<vmem>>) offsets(%dma_start3A_107 : memref<124xi32, #tpu.memory_space<vmem>>) semaphore(%arg19 : memref<!tpu.dma_semaphore, #tpu.memory_space<semaphore_mem>>)
      %scan3A_111 = arith.constant 0 : i32
      %scan3A_112 = arith.constant 0 : i32
      %scan3A_113 = arith.constant 54 : i32
      %scan3A_114 = arith.addi %scan3A_112, %scan3A_113 : i32
      %scan3A_115 = arith.constant 1 : i32
      scf.for %scan3A_140 = %scan3A_112 to %scan3A_114 step %scan3A_115  : i32 {
        %mul3A_141 = arith.constant 3 : i32
        %mul3A_142 = arith.muli %mul3A_141, %scan3A_140 : i32
        %add3A_143 = arith.constant 0 : i32
        %add3A_144 = arith.addi %mul3A_142, %add3A_143 : i32
        %add3A_145 = arith.constant 3 : i32
        %add3A_146 = arith.addi %add3A_144, %add3A_145 : i32
        %sub3A = arith.constant 1 : i32
        %sub3A_147 = arith.subi %add3A_146, %sub3A : i32
        %dma_wait3A_148 = arith.constant 0 : i32
        %dma_wait3A_149 = arith.constant 0 : i32
        %dma_wait3A_150 = tpu.memref_slice %arg5[%arg1, %sub3A_147, %dma_wait3A_148, %dma_wait3A_149] : memref<16x165x2x124xi32, #tpu.memory_space<hbm>> -> memref<1x1x2x124xi32, #tpu.memory_space<hbm>>
        %dma_wait3A_151 = tpu.memref_squeeze %dma_wait3A_150 : memref<1x1x2x124xi32, #tpu.memory_space<hbm>> -> memref<2x124xi32, #tpu.memory_space<hbm>>
        %dma_wait3A_152 = arith.constant 0 : i32
        %dma_wait3A_153 = arith.constant 0 : i32
        %dma_wait3A_154 = tpu.memref_slice %arg5[%arg1, %sub3A_147, %dma_wait3A_152, %dma_wait3A_153] : memref<16x165x2x124xi32, #tpu.memory_space<hbm>> -> memref<1x1x2x124xi32, #tpu.memory_space<hbm>>
        %dma_wait3A_155 = tpu.memref_squeeze %dma_wait3A_154 : memref<1x1x2x124xi32, #tpu.memory_space<hbm>> -> memref<2x124xi32, #tpu.memory_space<hbm>>
        tpu.wait_dma2 semaphore(%arg17 : memref<!tpu.dma_semaphore, #tpu.memory_space<semaphore_mem>>) src(%dma_wait3A_155 : memref<2x124xi32, #tpu.memory_space<hbm>>) dst(%arg10 : memref<2x124xi32, #tpu.memory_space<vmem>>)
        %dma_start3A_156 = arith.constant 0 : i32
        %dma_start3A_157 = arith.constant 0 : i32
        %dma_start3A_158 = tpu.memref_slice %arg10[%dma_start3A_156, %dma_start3A_157] : memref<2x124xi32, #tpu.memory_space<vmem>> -> memref<1x124xi32, #tpu.memory_space<vmem>>
        %dma_start3A_159 = tpu.memref_squeeze %dma_start3A_158 : memref<1x124xi32, #tpu.memory_space<vmem>> -> memref<124xi32, #tpu.memory_space<vmem>>
        %dma_start3A_160 = arith.constant 0 : i32
        %dma_start3A_161 = arith.constant 0 : i32
        %dma_start3A_162 = tpu.memref_slice %arg4[%dma_start3A_160, %dma_start3A_161] : memref<10008x128xf32, #tpu.memory_space<hbm>> -> memref<10008x128xf32, #tpu.memory_space<hbm>>
        tpu.enqueue_indirect_dma source(%dma_start3A_162 : memref<10008x128xf32, #tpu.memory_space<hbm>>) target(%arg13 : memref<124x128xf32, #tpu.memory_space<vmem>>) offsets(%dma_start3A_159 : memref<124xi32, #tpu.memory_space<vmem>>) semaphore(%arg20 : memref<!tpu.dma_semaphore, #tpu.memory_space<semaphore_mem>>)
        %dma_wait3A_163 = arith.constant 0 : i32
        %dma_wait3A_164 = arith.constant 0 : i32
        %dma_wait3A_165 = tpu.memref_slice %arg8[%dma_wait3A_163, %dma_wait3A_164] : memref<2x124xi32, #tpu.memory_space<vmem>> -> memref<1x124xi32, #tpu.memory_space<vmem>>
        %dma_wait3A_166 = tpu.memref_squeeze %dma_wait3A_165 : memref<1x124xi32, #tpu.memory_space<vmem>> -> memref<124xi32, #tpu.memory_space<vmem>>
        %dma_wait3A_167 = arith.constant 0 : i32
        %dma_wait3A_168 = arith.constant 0 : i32
        %dma_wait3A_169 = tpu.memref_slice %arg4[%dma_wait3A_167, %dma_wait3A_168] : memref<10008x128xf32, #tpu.memory_space<hbm>> -> memref<10008x128xf32, #tpu.memory_space<hbm>>
        tpu.wait_indirect_dma semaphore(%arg18 : memref<!tpu.dma_semaphore, #tpu.memory_space<semaphore_mem>>) src(%dma_wait3A_169 : memref<10008x128xf32, #tpu.memory_space<hbm>>) dst(%arg11 : memref<124x128xf32, #tpu.memory_space<vmem>>)
        %run_scoped3A = arith.constant 1 : i32
        "tpu.region"() ({
          %run_scoped3A_258 = tpu.sem_alloc : memref<!tpu.dma_semaphore, #tpu.memory_space<semaphore_mem>>
          %dma_start3A_259 = arith.constant 0 : i32
          %dma_start3A_260 = tpu.memref_slice %arg8[%run_scoped3A, %dma_start3A_259] : memref<2x124xi32, #tpu.memory_space<vmem>> -> memref<1x124xi32, #tpu.memory_space<vmem>>
          %dma_start3A_261 = tpu.memref_squeeze %dma_start3A_260 : memref<1x124xi32, #tpu.memory_space<vmem>> -> memref<124xi32, #tpu.memory_space<vmem>>
          %dma_start3A_262 = arith.constant 0 : i32
          %dma_start3A_263 = arith.constant 0 : i32
          %dma_start3A_264 = tpu.memref_slice %arg14[%dma_start3A_262, %dma_start3A_263] : memref<10000x128xf32, #tpu.memory_space<vmem_shared>> -> memref<10000x128xf32, #tpu.memory_space<vmem_shared>>
          tpu.enqueue_indirect_dma source(%arg11 : memref<124x128xf32, #tpu.memory_space<vmem>>) target(%dma_start3A_264 : memref<10000x128xf32, #tpu.memory_space<vmem_shared>>) offsets(%dma_start3A_261 : memref<124xi32, #tpu.memory_space<vmem>>) semaphore(%run_scoped3A_258 : memref<!tpu.dma_semaphore, #tpu.memory_space<semaphore_mem>>) {add = true}
          %dma_wait3A_265 = arith.constant 0 : i32
          %dma_wait3A_266 = tpu.memref_slice %arg8[%run_scoped3A, %dma_wait3A_265] : memref<2x124xi32, #tpu.memory_space<vmem>> -> memref<1x124xi32, #tpu.memory_space<vmem>>
          %dma_wait3A_267 = tpu.memref_squeeze %dma_wait3A_266 : memref<1x124xi32, #tpu.memory_space<vmem>> -> memref<124xi32, #tpu.memory_space<vmem>>
          %dma_wait3A_268 = arith.constant 0 : i32
          %dma_wait3A_269 = arith.constant 0 : i32
          %dma_wait3A_270 = tpu.memref_slice %arg14[%dma_wait3A_268, %dma_wait3A_269] : memref<10000x128xf32, #tpu.memory_space<vmem_shared>> -> memref<10000x128xf32, #tpu.memory_space<vmem_shared>>
          tpu.wait_indirect_dma semaphore(%run_scoped3A_258 : memref<!tpu.dma_semaphore, #tpu.memory_space<semaphore_mem>>) src(%arg11 : memref<124x128xf32, #tpu.memory_space<vmem>>) dst(%dma_wait3A_270 : memref<10000x128xf32, #tpu.memory_space<vmem_shared>>)
          tpu.yield
        }) : () -> ()
        %add3A_170 = arith.constant 3 : i32
        %add3A_171 = arith.addi %add3A_144, %add3A_170 : i32
        %dma_start3A_172 = arith.constant 0 : i32
        %dma_start3A_173 = arith.constant 0 : i32
        %dma_start3A_174 = tpu.memref_slice %arg5[%arg1, %add3A_171, %dma_start3A_172, %dma_start3A_173] : memref<16x165x2x124xi32, #tpu.memory_space<hbm>> -> memref<1x1x2x124xi32, #tpu.memory_space<hbm>>
        %dma_start3A_175 = tpu.memref_squeeze %dma_start3A_174 : memref<1x1x2x124xi32, #tpu.memory_space<hbm>> -> memref<2x124xi32, #tpu.memory_space<hbm>>
        %dma_start3A_176 = arith.constant 0 : i32
        %dma_start3A_177 = arith.constant 0 : i32
        %dma_start3A_178 = tpu.memref_slice %arg5[%arg1, %add3A_171, %dma_start3A_176, %dma_start3A_177] : memref<16x165x2x124xi32, #tpu.memory_space<hbm>> -> memref<1x1x2x124xi32, #tpu.memory_space<hbm>>
        %dma_start3A_179 = tpu.memref_squeeze %dma_start3A_178 : memref<1x1x2x124xi32, #tpu.memory_space<hbm>> -> memref<2x124xi32, #tpu.memory_space<hbm>>
        tpu.enqueue_dma source(%dma_start3A_179 : memref<2x124xi32, #tpu.memory_space<hbm>>) target(%arg8 : memref<2x124xi32, #tpu.memory_space<vmem>>) target_semaphore(%arg15 : memref<!tpu.dma_semaphore, #tpu.memory_space<semaphore_mem>>)
        %add3A_180 = arith.constant 1 : i32
        %add3A_181 = arith.addi %mul3A_142, %add3A_180 : i32
        %add3A_182 = arith.constant 3 : i32
        %add3A_183 = arith.addi %add3A_181, %add3A_182 : i32
        %sub3A_184 = arith.constant 1 : i32
        %sub3A_185 = arith.subi %add3A_183, %sub3A_184 : i32
        %dma_wait3A_186 = arith.constant 0 : i32
        %dma_wait3A_187 = arith.constant 0 : i32
        %dma_wait3A_188 = tpu.memref_slice %arg5[%arg1, %sub3A_185, %dma_wait3A_186, %dma_wait3A_187] : memref<16x165x2x124xi32, #tpu.memory_space<hbm>> -> memref<1x1x2x124xi32, #tpu.memory_space<hbm>>
        %dma_wait3A_189 = tpu.memref_squeeze %dma_wait3A_188 : memref<1x1x2x124xi32, #tpu.memory_space<hbm>> -> memref<2x124xi32, #tpu.memory_space<hbm>>
        %dma_wait3A_190 = arith.constant 0 : i32
        %dma_wait3A_191 = arith.constant 0 : i32
        %dma_wait3A_192 = tpu.memref_slice %arg5[%arg1, %sub3A_185, %dma_wait3A_190, %dma_wait3A_191] : memref<16x165x2x124xi32, #tpu.memory_space<hbm>> -> memref<1x1x2x124xi32, #tpu.memory_space<hbm>>
        %dma_wait3A_193 = tpu.memref_squeeze %dma_wait3A_192 : memref<1x1x2x124xi32, #tpu.memory_space<hbm>> -> memref<2x124xi32, #tpu.memory_space<hbm>>
        tpu.wait_dma2 semaphore(%arg15 : memref<!tpu.dma_semaphore, #tpu.memory_space<semaphore_mem>>) src(%dma_wait3A_193 : memref<2x124xi32, #tpu.memory_space<hbm>>) dst(%arg8 : memref<2x124xi32, #tpu.memory_space<vmem>>)
        %dma_start3A_194 = arith.constant 0 : i32
        %dma_start3A_195 = arith.constant 0 : i32
        %dma_start3A_196 = tpu.memref_slice %arg8[%dma_start3A_194, %dma_start3A_195] : memref<2x124xi32, #tpu.memory_space<vmem>> -> memref<1x124xi32, #tpu.memory_space<vmem>>
        %dma_start3A_197 = tpu.memref_squeeze %dma_start3A_196 : memref<1x124xi32, #tpu.memory_space<vmem>> -> memref<124xi32, #tpu.memory_space<vmem>>
        %dma_start3A_198 = arith.constant 0 : i32
        %dma_start3A_199 = arith.constant 0 : i32
        %dma_start3A_200 = tpu.memref_slice %arg4[%dma_start3A_198, %dma_start3A_199] : memref<10008x128xf32, #tpu.memory_space<hbm>> -> memref<10008x128xf32, #tpu.memory_space<hbm>>
        tpu.enqueue_indirect_dma source(%dma_start3A_200 : memref<10008x128xf32, #tpu.memory_space<hbm>>) target(%arg11 : memref<124x128xf32, #tpu.memory_space<vmem>>) offsets(%dma_start3A_197 : memref<124xi32, #tpu.memory_space<vmem>>) semaphore(%arg18 : memref<!tpu.dma_semaphore, #tpu.memory_space<semaphore_mem>>)
        %dma_wait3A_201 = arith.constant 0 : i32
        %dma_wait3A_202 = arith.constant 0 : i32
        %dma_wait3A_203 = tpu.memref_slice %arg9[%dma_wait3A_201, %dma_wait3A_202] : memref<2x124xi32, #tpu.memory_space<vmem>> -> memref<1x124xi32, #tpu.memory_space<vmem>>
        %dma_wait3A_204 = tpu.memref_squeeze %dma_wait3A_203 : memref<1x124xi32, #tpu.memory_space<vmem>> -> memref<124xi32, #tpu.memory_space<vmem>>
        %dma_wait3A_205 = arith.constant 0 : i32
        %dma_wait3A_206 = arith.constant 0 : i32
        %dma_wait3A_207 = tpu.memref_slice %arg4[%dma_wait3A_205, %dma_wait3A_206] : memref<10008x128xf32, #tpu.memory_space<hbm>> -> memref<10008x128xf32, #tpu.memory_space<hbm>>
        tpu.wait_indirect_dma semaphore(%arg19 : memref<!tpu.dma_semaphore, #tpu.memory_space<semaphore_mem>>) src(%dma_wait3A_207 : memref<10008x128xf32, #tpu.memory_space<hbm>>) dst(%arg12 : memref<124x128xf32, #tpu.memory_space<vmem>>)
        %run_scoped3A_208 = arith.constant 1 : i32
        "tpu.region"() ({
          %run_scoped3A_258 = tpu.sem_alloc : memref<!tpu.dma_semaphore, #tpu.memory_space<semaphore_mem>>
          %dma_start3A_259 = arith.constant 0 : i32
          %dma_start3A_260 = tpu.memref_slice %arg9[%run_scoped3A_208, %dma_start3A_259] : memref<2x124xi32, #tpu.memory_space<vmem>> -> memref<1x124xi32, #tpu.memory_space<vmem>>
          %dma_start3A_261 = tpu.memref_squeeze %dma_start3A_260 : memref<1x124xi32, #tpu.memory_space<vmem>> -> memref<124xi32, #tpu.memory_space<vmem>>
          %dma_start3A_262 = arith.constant 0 : i32
          %dma_start3A_263 = arith.constant 0 : i32
          %dma_start3A_264 = tpu.memref_slice %arg14[%dma_start3A_262, %dma_start3A_263] : memref<10000x128xf32, #tpu.memory_space<vmem_shared>> -> memref<10000x128xf32, #tpu.memory_space<vmem_shared>>
          tpu.enqueue_indirect_dma source(%arg12 : memref<124x128xf32, #tpu.memory_space<vmem>>) target(%dma_start3A_264 : memref<10000x128xf32, #tpu.memory_space<vmem_shared>>) offsets(%dma_start3A_261 : memref<124xi32, #tpu.memory_space<vmem>>) semaphore(%run_scoped3A_258 : memref<!tpu.dma_semaphore, #tpu.memory_space<semaphore_mem>>) {add = true}
          %dma_wait3A_265 = arith.constant 0 : i32
          %dma_wait3A_266 = tpu.memref_slice %arg9[%run_scoped3A_208, %dma_wait3A_265] : memref<2x124xi32, #tpu.memory_space<vmem>> -> memref<1x124xi32, #tpu.memory_space<vmem>>
          %dma_wait3A_267 = tpu.memref_squeeze %dma_wait3A_266 : memref<1x124xi32, #tpu.memory_space<vmem>> -> memref<124xi32, #tpu.memory_space<vmem>>
          %dma_wait3A_268 = arith.constant 0 : i32
          %dma_wait3A_269 = arith.constant 0 : i32
          %dma_wait3A_270 = tpu.memref_slice %arg14[%dma_wait3A_268, %dma_wait3A_269] : memref<10000x128xf32, #tpu.memory_space<vmem_shared>> -> memref<10000x128xf32, #tpu.memory_space<vmem_shared>>
          tpu.wait_indirect_dma semaphore(%run_scoped3A_258 : memref<!tpu.dma_semaphore, #tpu.memory_space<semaphore_mem>>) src(%arg12 : memref<124x128xf32, #tpu.memory_space<vmem>>) dst(%dma_wait3A_270 : memref<10000x128xf32, #tpu.memory_space<vmem_shared>>)
          tpu.yield
        }) : () -> ()
        %add3A_209 = arith.constant 3 : i32
        %add3A_210 = arith.addi %add3A_181, %add3A_209 : i32
        %dma_start3A_211 = arith.constant 0 : i32
        %dma_start3A_212 = arith.constant 0 : i32
        %dma_start3A_213 = tpu.memref_slice %arg5[%arg1, %add3A_210, %dma_start3A_211, %dma_start3A_212] : memref<16x165x2x124xi32, #tpu.memory_space<hbm>> -> memref<1x1x2x124xi32, #tpu.memory_space<hbm>>
        %dma_start3A_214 = tpu.memref_squeeze %dma_start3A_213 : memref<1x1x2x124xi32, #tpu.memory_space<hbm>> -> memref<2x124xi32, #tpu.memory_space<hbm>>
        %dma_start3A_215 = arith.constant 0 : i32
        %dma_start3A_216 = arith.constant 0 : i32
        %dma_start3A_217 = tpu.memref_slice %arg5[%arg1, %add3A_210, %dma_start3A_215, %dma_start3A_216] : memref<16x165x2x124xi32, #tpu.memory_space<hbm>> -> memref<1x1x2x124xi32, #tpu.memory_space<hbm>>
        %dma_start3A_218 = tpu.memref_squeeze %dma_start3A_217 : memref<1x1x2x124xi32, #tpu.memory_space<hbm>> -> memref<2x124xi32, #tpu.memory_space<hbm>>
        tpu.enqueue_dma source(%dma_start3A_218 : memref<2x124xi32, #tpu.memory_space<hbm>>) target(%arg9 : memref<2x124xi32, #tpu.memory_space<vmem>>) target_semaphore(%arg16 : memref<!tpu.dma_semaphore, #tpu.memory_space<semaphore_mem>>)
        %add3A_219 = arith.constant 2 : i32
        %add3A_220 = arith.addi %mul3A_142, %add3A_219 : i32
        %add3A_221 = arith.constant 3 : i32
        %add3A_222 = arith.addi %add3A_220, %add3A_221 : i32
        %sub3A_223 = arith.constant 1 : i32
        %sub3A_224 = arith.subi %add3A_222, %sub3A_223 : i32
        %dma_wait3A_225 = arith.constant 0 : i32
        %dma_wait3A_226 = arith.constant 0 : i32
        %dma_wait3A_227 = tpu.memref_slice %arg5[%arg1, %sub3A_224, %dma_wait3A_225, %dma_wait3A_226] : memref<16x165x2x124xi32, #tpu.memory_space<hbm>> -> memref<1x1x2x124xi32, #tpu.memory_space<hbm>>
        %dma_wait3A_228 = tpu.memref_squeeze %dma_wait3A_227 : memref<1x1x2x124xi32, #tpu.memory_space<hbm>> -> memref<2x124xi32, #tpu.memory_space<hbm>>
        %dma_wait3A_229 = arith.constant 0 : i32
        %dma_wait3A_230 = arith.constant 0 : i32
        %dma_wait3A_231 = tpu.memref_slice %arg5[%arg1, %sub3A_224, %dma_wait3A_229, %dma_wait3A_230] : memref<16x165x2x124xi32, #tpu.memory_space<hbm>> -> memref<1x1x2x124xi32, #tpu.memory_space<hbm>>
        %dma_wait3A_232 = tpu.memref_squeeze %dma_wait3A_231 : memref<1x1x2x124xi32, #tpu.memory_space<hbm>> -> memref<2x124xi32, #tpu.memory_space<hbm>>
        tpu.wait_dma2 semaphore(%arg16 : memref<!tpu.dma_semaphore, #tpu.memory_space<semaphore_mem>>) src(%dma_wait3A_232 : memref<2x124xi32, #tpu.memory_space<hbm>>) dst(%arg9 : memref<2x124xi32, #tpu.memory_space<vmem>>)
        %dma_start3A_233 = arith.constant 0 : i32
        %dma_start3A_234 = arith.constant 0 : i32
        %dma_start3A_235 = tpu.memref_slice %arg9[%dma_start3A_233, %dma_start3A_234] : memref<2x124xi32, #tpu.memory_space<vmem>> -> memref<1x124xi32, #tpu.memory_space<vmem>>
        %dma_start3A_236 = tpu.memref_squeeze %dma_start3A_235 : memref<1x124xi32, #tpu.memory_space<vmem>> -> memref<124xi32, #tpu.memory_space<vmem>>
        %dma_start3A_237 = arith.constant 0 : i32
        %dma_start3A_238 = arith.constant 0 : i32
        %dma_start3A_239 = tpu.memref_slice %arg4[%dma_start3A_237, %dma_start3A_238] : memref<10008x128xf32, #tpu.memory_space<hbm>> -> memref<10008x128xf32, #tpu.memory_space<hbm>>
        tpu.enqueue_indirect_dma source(%dma_start3A_239 : memref<10008x128xf32, #tpu.memory_space<hbm>>) target(%arg12 : memref<124x128xf32, #tpu.memory_space<vmem>>) offsets(%dma_start3A_236 : memref<124xi32, #tpu.memory_space<vmem>>) semaphore(%arg19 : memref<!tpu.dma_semaphore, #tpu.memory_space<semaphore_mem>>)
        %dma_wait3A_240 = arith.constant 0 : i32
        %dma_wait3A_241 = arith.constant 0 : i32
        %dma_wait3A_242 = tpu.memref_slice %arg10[%dma_wait3A_240, %dma_wait3A_241] : memref<2x124xi32, #tpu.memory_space<vmem>> -> memref<1x124xi32, #tpu.memory_space<vmem>>
        %dma_wait3A_243 = tpu.memref_squeeze %dma_wait3A_242 : memref<1x124xi32, #tpu.memory_space<vmem>> -> memref<124xi32, #tpu.memory_space<vmem>>
        %dma_wait3A_244 = arith.constant 0 : i32
        %dma_wait3A_245 = arith.constant 0 : i32
        %dma_wait3A_246 = tpu.memref_slice %arg4[%dma_wait3A_244, %dma_wait3A_245] : memref<10008x128xf32, #tpu.memory_space<hbm>> -> memref<10008x128xf32, #tpu.memory_space<hbm>>
        tpu.wait_indirect_dma semaphore(%arg20 : memref<!tpu.dma_semaphore, #tpu.memory_space<semaphore_mem>>) src(%dma_wait3A_246 : memref<10008x128xf32, #tpu.memory_space<hbm>>) dst(%arg13 : memref<124x128xf32, #tpu.memory_space<vmem>>)
        %run_scoped3A_247 = arith.constant 1 : i32
        "tpu.region"() ({
          %run_scoped3A_258 = tpu.sem_alloc : memref<!tpu.dma_semaphore, #tpu.memory_space<semaphore_mem>>
          %dma_start3A_259 = arith.constant 0 : i32
          %dma_start3A_260 = tpu.memref_slice %arg10[%run_scoped3A_247, %dma_start3A_259] : memref<2x124xi32, #tpu.memory_space<vmem>> -> memref<1x124xi32, #tpu.memory_space<vmem>>
          %dma_start3A_261 = tpu.memref_squeeze %dma_start3A_260 : memref<1x124xi32, #tpu.memory_space<vmem>> -> memref<124xi32, #tpu.memory_space<vmem>>
          %dma_start3A_262 = arith.constant 0 : i32
          %dma_start3A_263 = arith.constant 0 : i32
          %dma_start3A_264 = tpu.memref_slice %arg14[%dma_start3A_262, %dma_start3A_263] : memref<10000x128xf32, #tpu.memory_space<vmem_shared>> -> memref<10000x128xf32, #tpu.memory_space<vmem_shared>>
          tpu.enqueue_indirect_dma source(%arg13 : memref<124x128xf32, #tpu.memory_space<vmem>>) target(%dma_start3A_264 : memref<10000x128xf32, #tpu.memory_space<vmem_shared>>) offsets(%dma_start3A_261 : memref<124xi32, #tpu.memory_space<vmem>>) semaphore(%run_scoped3A_258 : memref<!tpu.dma_semaphore, #tpu.memory_space<semaphore_mem>>) {add = true}
          %dma_wait3A_265 = arith.constant 0 : i32
          %dma_wait3A_266 = tpu.memref_slice %arg10[%run_scoped3A_247, %dma_wait3A_265] : memref<2x124xi32, #tpu.memory_space<vmem>> -> memref<1x124xi32, #tpu.memory_space<vmem>>
          %dma_wait3A_267 = tpu.memref_squeeze %dma_wait3A_266 : memref<1x124xi32, #tpu.memory_space<vmem>> -> memref<124xi32, #tpu.memory_space<vmem>>
          %dma_wait3A_268 = arith.constant 0 : i32
          %dma_wait3A_269 = arith.constant 0 : i32
          %dma_wait3A_270 = tpu.memref_slice %arg14[%dma_wait3A_268, %dma_wait3A_269] : memref<10000x128xf32, #tpu.memory_space<vmem_shared>> -> memref<10000x128xf32, #tpu.memory_space<vmem_shared>>
          tpu.wait_indirect_dma semaphore(%run_scoped3A_258 : memref<!tpu.dma_semaphore, #tpu.memory_space<semaphore_mem>>) src(%arg13 : memref<124x128xf32, #tpu.memory_space<vmem>>) dst(%dma_wait3A_270 : memref<10000x128xf32, #tpu.memory_space<vmem_shared>>)
          tpu.yield
        }) : () -> ()
        %add3A_248 = arith.constant 3 : i32
        %add3A_249 = arith.addi %add3A_220, %add3A_248 : i32
        %dma_start3A_250 = arith.constant 0 : i32
        %dma_start3A_251 = arith.constant 0 : i32
        %dma_start3A_252 = tpu.memref_slice %arg5[%arg1, %add3A_249, %dma_start3A_250, %dma_start3A_251] : memref<16x165x2x124xi32, #tpu.memory_space<hbm>> -> memref<1x1x2x124xi32, #tpu.memory_space<hbm>>
        %dma_start3A_253 = tpu.memref_squeeze %dma_start3A_252 : memref<1x1x2x124xi32, #tpu.memory_space<hbm>> -> memref<2x124xi32, #tpu.memory_space<hbm>>
        %dma_start3A_254 = arith.constant 0 : i32
        %dma_start3A_255 = arith.constant 0 : i32
        %dma_start3A_256 = tpu.memref_slice %arg5[%arg1, %add3A_249, %dma_start3A_254, %dma_start3A_255] : memref<16x165x2x124xi32, #tpu.memory_space<hbm>> -> memref<1x1x2x124xi32, #tpu.memory_space<hbm>>
        %dma_start3A_257 = tpu.memref_squeeze %dma_start3A_256 : memref<1x1x2x124xi32, #tpu.memory_space<hbm>> -> memref<2x124xi32, #tpu.memory_space<hbm>>
        tpu.enqueue_dma source(%dma_start3A_257 : memref<2x124xi32, #tpu.memory_space<hbm>>) target(%arg10 : memref<2x124xi32, #tpu.memory_space<vmem>>) target_semaphore(%arg17 : memref<!tpu.dma_semaphore, #tpu.memory_space<semaphore_mem>>)
      }
      %scan3A_116 = arith.constant 54 : i32
      %dma_wait3A_117 = arith.constant 0 : i32
      %dma_wait3A_118 = arith.constant 0 : i32
      %dma_wait3A_119 = tpu.memref_slice %arg8[%dma_wait3A_117, %dma_wait3A_118] : memref<2x124xi32, #tpu.memory_space<vmem>> -> memref<1x124xi32, #tpu.memory_space<vmem>>
      %dma_wait3A_120 = tpu.memref_squeeze %dma_wait3A_119 : memref<1x124xi32, #tpu.memory_space<vmem>> -> memref<124xi32, #tpu.memory_space<vmem>>
      %dma_wait3A_121 = arith.constant 0 : i32
      %dma_wait3A_122 = arith.constant 0 : i32
      %dma_wait3A_123 = tpu.memref_slice %arg4[%dma_wait3A_121, %dma_wait3A_122] : memref<10008x128xf32, #tpu.memory_space<hbm>> -> memref<10008x128xf32, #tpu.memory_space<hbm>>
      tpu.wait_indirect_dma semaphore(%arg18 : memref<!tpu.dma_semaphore, #tpu.memory_space<semaphore_mem>>) src(%dma_wait3A_123 : memref<10008x128xf32, #tpu.memory_space<hbm>>) dst(%arg11 : memref<124x128xf32, #tpu.memory_space<vmem>>)
      %dma_wait3A_124 = arith.constant 0 : i32
      %dma_wait3A_125 = arith.constant 0 : i32
      %dma_wait3A_126 = tpu.memref_slice %arg9[%dma_wait3A_124, %dma_wait3A_125] : memref<2x124xi32, #tpu.memory_space<vmem>> -> memref<1x124xi32, #tpu.memory_space<vmem>>
      %dma_wait3A_127 = tpu.memref_squeeze %dma_wait3A_126 : memref<1x124xi32, #tpu.memory_space<vmem>> -> memref<124xi32, #tpu.memory_space<vmem>>
      %dma_wait3A_128 = arith.constant 0 : i32
      %dma_wait3A_129 = arith.constant 0 : i32
      %dma_wait3A_130 = tpu.memref_slice %arg4[%dma_wait3A_128, %dma_wait3A_129] : memref<10008x128xf32, #tpu.memory_space<hbm>> -> memref<10008x128xf32, #tpu.memory_space<hbm>>
      tpu.wait_indirect_dma semaphore(%arg19 : memref<!tpu.dma_semaphore, #tpu.memory_space<semaphore_mem>>) src(%dma_wait3A_130 : memref<10008x128xf32, #tpu.memory_space<hbm>>) dst(%arg12 : memref<124x128xf32, #tpu.memory_space<vmem>>)
      %dma_wait3A_131 = arith.constant 164 : i32
      %dma_wait3A_132 = arith.constant 0 : i32
      %dma_wait3A_133 = arith.constant 0 : i32
      %dma_wait3A_134 = tpu.memref_slice %arg5[%arg1, %dma_wait3A_131, %dma_wait3A_132, %dma_wait3A_133] : memref<16x165x2x124xi32, #tpu.memory_space<hbm>> -> memref<1x1x2x124xi32, #tpu.memory_space<hbm>>
      %dma_wait3A_135 = tpu.memref_squeeze %dma_wait3A_134 : memref<1x1x2x124xi32, #tpu.memory_space<hbm>> -> memref<2x124xi32, #tpu.memory_space<hbm>>
      %dma_wait3A_136 = arith.constant 0 : i32
      %dma_wait3A_137 = arith.constant 0 : i32
      %dma_wait3A_138 = tpu.memref_slice %arg5[%arg1, %dma_wait3A_131, %dma_wait3A_136, %dma_wait3A_137] : memref<16x165x2x124xi32, #tpu.memory_space<hbm>> -> memref<1x1x2x124xi32, #tpu.memory_space<hbm>>
      %dma_wait3A_139 = tpu.memref_squeeze %dma_wait3A_138 : memref<1x1x2x124xi32, #tpu.memory_space<hbm>> -> memref<2x124xi32, #tpu.memory_space<hbm>>
      tpu.wait_dma2 semaphore(%arg17 : memref<!tpu.dma_semaphore, #tpu.memory_space<semaphore_mem>>) src(%dma_wait3A_139 : memref<2x124xi32, #tpu.memory_space<hbm>>) dst(%arg10 : memref<2x124xi32, #tpu.memory_space<vmem>>)
    } else {
    }
    %barrier3A_43 = arith.constant 0 : index
    tpu.barrier barrier_id(%barrier3A_43)
    %eq3A_44 = arith.constant 0 : i32
    %eq3A_45 = arith.cmpi eq, %arg0, %eq3A_44 : i32
    %convert_element_type3A_46 = arith.extui %eq3A_45 : i1 to i32
    %cond3A_47 = arith.constant 0 : i32
    %cond3A_48 = arith.cmpi ne, %convert_element_type3A_46, %cond3A_47 : i32
    scf.if %cond3A_48 {
      "tpu.region"() ({
        %run_scoped3A = tpu.sem_alloc : memref<!tpu.dma_semaphore, #tpu.memory_space<semaphore_mem>>
        %dma_start3A = arith.constant 0 : i32
        %dma_start3A_59 = tpu.memref_slice %arg6[%mul3A_0, %dma_start3A] : memref<10000x128xf32, #tpu.memory_space<hbm>> -> memref<624x128xf32, #tpu.memory_space<hbm>>
        %dma_start3A_60 = arith.constant 0 : i32
        %dma_start3A_61 = tpu.memref_slice %arg14[%mul3A_0, %dma_start3A_60] : memref<10000x128xf32, #tpu.memory_space<vmem_shared>> -> memref<624x128xf32, #tpu.memory_space<vmem_shared>>
        tpu.enqueue_dma source(%dma_start3A_61 : memref<624x128xf32, #tpu.memory_space<vmem_shared>>) target(%dma_start3A_59 : memref<624x128xf32, #tpu.memory_space<hbm>>) target_semaphore(%run_scoped3A : memref<!tpu.dma_semaphore, #tpu.memory_space<semaphore_mem>>)
        %dma_wait3A = arith.constant 0 : i32
        %dma_wait3A_62 = tpu.memref_slice %arg6[%mul3A_0, %dma_wait3A] : memref<10000x128xf32, #tpu.memory_space<hbm>> -> memref<624x128xf32, #tpu.memory_space<hbm>>
        %dma_wait3A_63 = arith.constant 0 : i32
        %dma_wait3A_64 = tpu.memref_slice %arg14[%mul3A_0, %dma_wait3A_63] : memref<10000x128xf32, #tpu.memory_space<vmem_shared>> -> memref<624x128xf32, #tpu.memory_space<vmem_shared>>
        tpu.wait_dma2 semaphore(%run_scoped3A : memref<!tpu.dma_semaphore, #tpu.memory_space<semaphore_mem>>) src(%dma_wait3A_64 : memref<624x128xf32, #tpu.memory_space<vmem_shared>>) dst(%dma_wait3A_62 : memref<624x128xf32, #tpu.memory_space<hbm>>)
        tpu.yield
      }) : () -> ()
      %eq3A_54 = arith.constant 15 : i32
      %eq3A_55 = arith.cmpi eq, %arg1, %eq3A_54 : i32
      %convert_element_type3A_56 = arith.extui %eq3A_55 : i1 to i32
      %cond3A_57 = arith.constant 0 : i32
      %cond3A_58 = arith.cmpi ne, %convert_element_type3A_56, %cond3A_57 : i32
      scf.if %cond3A_58 {
        "tpu.region"() ({
          %run_scoped3A = tpu.sem_alloc : memref<!tpu.dma_semaphore, #tpu.memory_space<semaphore_mem>>
          %dma_start3A = arith.constant 9984 : i32
          %dma_start3A_59 = arith.constant 0 : i32
          %dma_start3A_60 = tpu.memref_slice %arg6[%dma_start3A, %dma_start3A_59] : memref<10000x128xf32, #tpu.memory_space<hbm>> -> memref<16x128xf32, #tpu.memory_space<hbm>>
          %dma_start3A_61 = arith.constant 9984 : i32
          %dma_start3A_62 = arith.constant 0 : i32
          %dma_start3A_63 = tpu.memref_slice %arg14[%dma_start3A_61, %dma_start3A_62] : memref<10000x128xf32, #tpu.memory_space<vmem_shared>> -> memref<16x128xf32, #tpu.memory_space<vmem_shared>>
          tpu.enqueue_dma source(%dma_start3A_63 : memref<16x128xf32, #tpu.memory_space<vmem_shared>>) target(%dma_start3A_60 : memref<16x128xf32, #tpu.memory_space<hbm>>) target_semaphore(%run_scoped3A : memref<!tpu.dma_semaphore, #tpu.memory_space<semaphore_mem>>)
          %dma_wait3A = arith.constant 9984 : i32
          %dma_wait3A_64 = arith.constant 0 : i32
          %dma_wait3A_65 = tpu.memref_slice %arg6[%dma_wait3A, %dma_wait3A_64] : memref<10000x128xf32, #tpu.memory_space<hbm>> -> memref<16x128xf32, #tpu.memory_space<hbm>>
          %dma_wait3A_66 = arith.constant 9984 : i32
          %dma_wait3A_67 = arith.constant 0 : i32
          %dma_wait3A_68 = tpu.memref_slice %arg14[%dma_wait3A_66, %dma_wait3A_67] : memref<10000x128xf32, #tpu.memory_space<vmem_shared>> -> memref<16x128xf32, #tpu.memory_space<vmem_shared>>
          tpu.wait_dma2 semaphore(%run_scoped3A : memref<!tpu.dma_semaphore, #tpu.memory_space<semaphore_mem>>) src(%dma_wait3A_68 : memref<16x128xf32, #tpu.memory_space<vmem_shared>>) dst(%dma_wait3A_65 : memref<16x128xf32, #tpu.memory_space<hbm>>)
          tpu.yield
        }) : () -> ()
      } else {
      }
    } else {
    }
    %eq3A_49 = arith.constant 1 : i32
    %eq3A_50 = arith.cmpi eq, %arg0, %eq3A_49 : i32
    %convert_element_type3A_51 = arith.extui %eq3A_50 : i1 to i32
    %cond3A_52 = arith.constant 0 : i32
    %cond3A_53 = arith.cmpi ne, %convert_element_type3A_51, %cond3A_52 : i32
    scf.if %cond3A_53 {
      "tpu.region"() ({
        %run_scoped3A = tpu.sem_alloc : memref<!tpu.dma_semaphore, #tpu.memory_space<semaphore_mem>>
        %dma_start3A = arith.constant 0 : i32
        %dma_start3A_59 = tpu.memref_slice %arg7[%mul3A_0, %dma_start3A] : memref<10000x128xf32, #tpu.memory_space<hbm>> -> memref<624x128xf32, #tpu.memory_space<hbm>>
        %dma_start3A_60 = arith.constant 0 : i32
        %dma_start3A_61 = tpu.memref_slice %arg14[%mul3A_0, %dma_start3A_60] : memref<10000x128xf32, #tpu.memory_space<vmem_shared>> -> memref<624x128xf32, #tpu.memory_space<vmem_shared>>
        tpu.enqueue_dma source(%dma_start3A_61 : memref<624x128xf32, #tpu.memory_space<vmem_shared>>) target(%dma_start3A_59 : memref<624x128xf32, #tpu.memory_space<hbm>>) target_semaphore(%run_scoped3A : memref<!tpu.dma_semaphore, #tpu.memory_space<semaphore_mem>>)
        %dma_wait3A = arith.constant 0 : i32
        %dma_wait3A_62 = tpu.memref_slice %arg7[%mul3A_0, %dma_wait3A] : memref<10000x128xf32, #tpu.memory_space<hbm>> -> memref<624x128xf32, #tpu.memory_space<hbm>>
        %dma_wait3A_63 = arith.constant 0 : i32
        %dma_wait3A_64 = tpu.memref_slice %arg14[%mul3A_0, %dma_wait3A_63] : memref<10000x128xf32, #tpu.memory_space<vmem_shared>> -> memref<624x128xf32, #tpu.memory_space<vmem_shared>>
        tpu.wait_dma2 semaphore(%run_scoped3A : memref<!tpu.dma_semaphore, #tpu.memory_space<semaphore_mem>>) src(%dma_wait3A_64 : memref<624x128xf32, #tpu.memory_space<vmem_shared>>) dst(%dma_wait3A_62 : memref<624x128xf32, #tpu.memory_space<hbm>>)
        tpu.yield
      }) : () -> ()
      %eq3A_54 = arith.constant 15 : i32
      %eq3A_55 = arith.cmpi eq, %arg1, %eq3A_54 : i32
      %convert_element_type3A_56 = arith.extui %eq3A_55 : i1 to i32
      %cond3A_57 = arith.constant 0 : i32
      %cond3A_58 = arith.cmpi ne, %convert_element_type3A_56, %cond3A_57 : i32
      scf.if %cond3A_58 {
        "tpu.region"() ({
          %run_scoped3A = tpu.sem_alloc : memref<!tpu.dma_semaphore, #tpu.memory_space<semaphore_mem>>
          %dma_start3A = arith.constant 9984 : i32
          %dma_start3A_59 = arith.constant 0 : i32
          %dma_start3A_60 = tpu.memref_slice %arg7[%dma_start3A, %dma_start3A_59] : memref<10000x128xf32, #tpu.memory_space<hbm>> -> memref<16x128xf32, #tpu.memory_space<hbm>>
          %dma_start3A_61 = arith.constant 9984 : i32
          %dma_start3A_62 = arith.constant 0 : i32
          %dma_start3A_63 = tpu.memref_slice %arg14[%dma_start3A_61, %dma_start3A_62] : memref<10000x128xf32, #tpu.memory_space<vmem_shared>> -> memref<16x128xf32, #tpu.memory_space<vmem_shared>>
          tpu.enqueue_dma source(%dma_start3A_63 : memref<16x128xf32, #tpu.memory_space<vmem_shared>>) target(%dma_start3A_60 : memref<16x128xf32, #tpu.memory_space<hbm>>) target_semaphore(%run_scoped3A : memref<!tpu.dma_semaphore, #tpu.memory_space<semaphore_mem>>)
          %dma_wait3A = arith.constant 9984 : i32
          %dma_wait3A_64 = arith.constant 0 : i32
          %dma_wait3A_65 = tpu.memref_slice %arg7[%dma_wait3A, %dma_wait3A_64] : memref<10000x128xf32, #tpu.memory_space<hbm>> -> memref<16x128xf32, #tpu.memory_space<hbm>>
          %dma_wait3A_66 = arith.constant 9984 : i32
          %dma_wait3A_67 = arith.constant 0 : i32
          %dma_wait3A_68 = tpu.memref_slice %arg14[%dma_wait3A_66, %dma_wait3A_67] : memref<10000x128xf32, #tpu.memory_space<vmem_shared>> -> memref<16x128xf32, #tpu.memory_space<vmem_shared>>
          tpu.wait_dma2 semaphore(%run_scoped3A : memref<!tpu.dma_semaphore, #tpu.memory_space<semaphore_mem>>) src(%dma_wait3A_68 : memref<16x128xf32, #tpu.memory_space<vmem_shared>>) dst(%dma_wait3A_65 : memref<16x128xf32, #tpu.memory_space<hbm>>)
          tpu.yield
        }) : () -> ()
      } else {
      }
    } else {
    }
    return
  }
}

#map = affine_map<(d0, d1) -> (0, 0)>
#map1 = affine_map<(d0, d1) -> (0, 0, 0, 0)>
module attributes {stable_mosaic.version = 14 : i64} {
  func.func @_sc_aggregate(%arg0: i32, %arg1: i32, %arg2: memref<10008x128xf32, #tpu.memory_space<hbm>>, %arg3: memref<16x165x2x124xi32, #tpu.memory_space<hbm>>, %arg4: memref<10008x128xf32, #tpu.memory_space<hbm>>, %arg5: memref<16x165x2x124xi32, #tpu.memory_space<hbm>>, %arg6: memref<10000x128xf32, #tpu.memory_space<hbm>>, %arg7: memref<10000x128xf32, #tpu.memory_space<hbm>>, %arg8: memref<2x124xi32, #tpu.memory_space<vmem>>, %arg9: memref<2x124xi32, #tpu.memory_space<vmem>>, %arg10: memref<2x124xi32, #tpu.memory_space<vmem>>, %arg11: memref<124x128xf32, #tpu.memory_space<vmem>>, %arg12: memref<124x128xf32, #tpu.memory_space<vmem>>, %arg13: memref<124x128xf32, #tpu.memory_space<vmem>>, %arg14: memref<10000x128xf32, #tpu.memory_space<vmem_shared>>, %arg15: memref<!tpu.dma_semaphore, #tpu.memory_space<semaphore_mem>>, %arg16: memref<!tpu.dma_semaphore, #tpu.memory_space<semaphore_mem>>, %arg17: memref<!tpu.dma_semaphore, #tpu.memory_space<semaphore_mem>>, %arg18: memref<!tpu.dma_semaphore, #tpu.memory_space<semaphore_mem>>, %arg19: memref<!tpu.dma_semaphore, #tpu.memory_space<semaphore_mem>>, %arg20: memref<!tpu.dma_semaphore, #tpu.memory_space<semaphore_mem>>) attributes {dimension_semantics = [#tpu.dimension_semantics<core_parallel>, #tpu.dimension_semantics<subcore_parallel>], iteration_bounds = array<i64: 2, 16>, scalar_prefetch = 0 : i64, scratch_operands = 13 : i64, tpu.core_type = #tpu.core_type<sc_vector_subcore>, window_params = [{transform_indices = #map}, {transform_indices = #map1}, {transform_indices = #map}, {transform_indices = #map1}, {transform_indices = #map}, {transform_indices = #map}]} {
    %mul3A = arith.constant 624 : i32
    %mul3A_0 = arith.muli %arg1, %mul3A : i32
    %scan3A = arith.constant 0 : i32
    %scan3A_1 = arith.constant 0 : i32
    %scan3A_2 = arith.constant 124 : i32
    %scan3A_3 = arith.addi %scan3A_1, %scan3A_2 : i32
    %scan3A_4 = arith.constant 1 : i32
    scf.for %scan3A_54 = %scan3A_1 to %scan3A_3 step %scan3A_4  : i32 {
      %broadcast_in_dim3A = arith.constant 0.000000e+00 : f32
      %broadcast_in_dim3A_55 = vector.broadcast %broadcast_in_dim3A : f32 to vector<16xf32>
      %swap3A = arith.index_cast %scan3A_54 : i32 to index
      %swap3A_56 = arith.constant 0 : index
      %swap3A_57 = tpu.vector_load %arg11[%swap3A, %swap3A_56] {strides = array<i32>} : memref<124x128xf32, #tpu.memory_space<vmem>>, vector<1x16xf32>,
      %swap3A_58 = vector.shape_cast %swap3A_57 : vector<1x16xf32> to vector<16xf32>
      %swap3A_59 = vector.shape_cast %broadcast_in_dim3A_55 : vector<16xf32> to vector<1x16xf32>
      tpu.vector_store %arg11[%swap3A, %swap3A_56], %swap3A_59 {strides = array<i32>} : memref<124x128xf32, #tpu.memory_space<vmem>>, vector<1x16xf32>,
      %broadcast_in_dim3A_60 = arith.constant 0.000000e+00 : f32
      %broadcast_in_dim3A_61 = vector.broadcast %broadcast_in_dim3A_60 : f32 to vector<16xf32>
      %swap3A_62 = arith.index_cast %scan3A_54 : i32 to index
      %swap3A_63 = arith.constant 16 : index
      %swap3A_64 = tpu.vector_load %arg11[%swap3A_62, %swap3A_63] {strides = array<i32>} : memref<124x128xf32, #tpu.memory_space<vmem>>, vector<1x16xf32>,
      %swap3A_65 = vector.shape_cast %swap3A_64 : vector<1x16xf32> to vector<16xf32>
      %swap3A_66 = vector.shape_cast %broadcast_in_dim3A_61 : vector<16xf32> to vector<1x16xf32>
      tpu.vector_store %arg11[%swap3A_62, %swap3A_63], %swap3A_66 {strides = array<i32>} : memref<124x128xf32, #tpu.memory_space<vmem>>, vector<1x16xf32>,
      %broadcast_in_dim3A_67 = arith.constant 0.000000e+00 : f32
      %broadcast_in_dim3A_68 = vector.broadcast %broadcast_in_dim3A_67 : f32 to vector<16xf32>
      %swap3A_69 = arith.index_cast %scan3A_54 : i32 to index
      %swap3A_70 = arith.constant 32 : index
      %swap3A_71 = tpu.vector_load %arg11[%swap3A_69, %swap3A_70] {strides = array<i32>} : memref<124x128xf32, #tpu.memory_space<vmem>>, vector<1x16xf32>,
      %swap3A_72 = vector.shape_cast %swap3A_71 : vector<1x16xf32> to vector<16xf32>
      %swap3A_73 = vector.shape_cast %broadcast_in_dim3A_68 : vector<16xf32> to vector<1x16xf32>
      tpu.vector_store %arg11[%swap3A_69, %swap3A_70], %swap3A_73 {strides = array<i32>} : memref<124x128xf32, #tpu.memory_space<vmem>>, vector<1x16xf32>,
      %broadcast_in_dim3A_74 = arith.constant 0.000000e+00 : f32
      %broadcast_in_dim3A_75 = vector.broadcast %broadcast_in_dim3A_74 : f32 to vector<16xf32>
      %swap3A_76 = arith.index_cast %scan3A_54 : i32 to index
      %swap3A_77 = arith.constant 48 : index
      %swap3A_78 = tpu.vector_load %arg11[%swap3A_76, %swap3A_77] {strides = array<i32>} : memref<124x128xf32, #tpu.memory_space<vmem>>, vector<1x16xf32>,
      %swap3A_79 = vector.shape_cast %swap3A_78 : vector<1x16xf32> to vector<16xf32>
      %swap3A_80 = vector.shape_cast %broadcast_in_dim3A_75 : vector<16xf32> to vector<1x16xf32>
      tpu.vector_store %arg11[%swap3A_76, %swap3A_77], %swap3A_80 {strides = array<i32>} : memref<124x128xf32, #tpu.memory_space<vmem>>, vector<1x16xf32>,
      %broadcast_in_dim3A_81 = arith.constant 0.000000e+00 : f32
      %broadcast_in_dim3A_82 = vector.broadcast %broadcast_in_dim3A_81 : f32 to vector<16xf32>
      %swap3A_83 = arith.index_cast %scan3A_54 : i32 to index
      %swap3A_84 = arith.constant 64 : index
      %swap3A_85 = tpu.vector_load %arg11[%swap3A_83, %swap3A_84] {strides = array<i32>} : memref<124x128xf32, #tpu.memory_space<vmem>>, vector<1x16xf32>,
      %swap3A_86 = vector.shape_cast %swap3A_85 : vector<1x16xf32> to vector<16xf32>
      %swap3A_87 = vector.shape_cast %broadcast_in_dim3A_82 : vector<16xf32> to vector<1x16xf32>
      tpu.vector_store %arg11[%swap3A_83, %swap3A_84], %swap3A_87 {strides = array<i32>} : memref<124x128xf32, #tpu.memory_space<vmem>>, vector<1x16xf32>,
      %broadcast_in_dim3A_88 = arith.constant 0.000000e+00 : f32
      %broadcast_in_dim3A_89 = vector.broadcast %broadcast_in_dim3A_88 : f32 to vector<16xf32>
      %swap3A_90 = arith.index_cast %scan3A_54 : i32 to index
      %swap3A_91 = arith.constant 80 : index
      %swap3A_92 = tpu.vector_load %arg11[%swap3A_90, %swap3A_91] {strides = array<i32>} : memref<124x128xf32, #tpu.memory_space<vmem>>, vector<1x16xf32>,
      %swap3A_93 = vector.shape_cast %swap3A_92 : vector<1x16xf32> to vector<16xf32>
      %swap3A_94 = vector.shape_cast %broadcast_in_dim3A_89 : vector<16xf32> to vector<1x16xf32>
      tpu.vector_store %arg11[%swap3A_90, %swap3A_91], %swap3A_94 {strides = array<i32>} : memref<124x128xf32, #tpu.memory_space<vmem>>, vector<1x16xf32>,
      %broadcast_in_dim3A_95 = arith.constant 0.000000e+00 : f32
      %broadcast_in_dim3A_96 = vector.broadcast %broadcast_in_dim3A_95 : f32 to vector<16xf32>
      %swap3A_97 = arith.index_cast %scan3A_54 : i32 to index
      %swap3A_98 = arith.constant 96 : index
      %swap3A_99 = tpu.vector_load %arg11[%swap3A_97, %swap3A_98] {strides = array<i32>} : memref<124x128xf32, #tpu.memory_space<vmem>>, vector<1x16xf32>,
      %swap3A_100 = vector.shape_cast %swap3A_99 : vector<1x16xf32> to vector<16xf32>
      %swap3A_101 = vector.shape_cast %broadcast_in_dim3A_96 : vector<16xf32> to vector<1x16xf32>
      tpu.vector_store %arg11[%swap3A_97, %swap3A_98], %swap3A_101 {strides = array<i32>} : memref<124x128xf32, #tpu.memory_space<vmem>>, vector<1x16xf32>,
      %broadcast_in_dim3A_102 = arith.constant 0.000000e+00 : f32
      %broadcast_in_dim3A_103 = vector.broadcast %broadcast_in_dim3A_102 : f32 to vector<16xf32>
      %swap3A_104 = arith.index_cast %scan3A_54 : i32 to index
      %swap3A_105 = arith.constant 112 : index
      %swap3A_106 = tpu.vector_load %arg11[%swap3A_104, %swap3A_105] {strides = array<i32>} : memref<124x128xf32, #tpu.memory_space<vmem>>, vector<1x16xf32>,
      %swap3A_107 = vector.shape_cast %swap3A_106 : vector<1x16xf32> to vector<16xf32>
      %swap3A_108 = vector.shape_cast %broadcast_in_dim3A_103 : vector<16xf32> to vector<1x16xf32>
      tpu.vector_store %arg11[%swap3A_104, %swap3A_105], %swap3A_108 {strides = array<i32>} : memref<124x128xf32, #tpu.memory_space<vmem>>, vector<1x16xf32>,
    }
    %scan3A_5 = arith.constant 124 : i32
    %add3A = arith.constant 0 : i32
    %add3A_6 = arith.addi %mul3A_0, %add3A : i32
    "tpu.region"() ({
      %run_scoped3A = tpu.sem_alloc : memref<!tpu.dma_semaphore, #tpu.memory_space<semaphore_mem>>
      %dma_start3A = arith.constant 0 : i32
      %dma_start3A_54 = arith.constant 0 : i32
      %dma_start3A_55 = tpu.memref_slice %arg11[%dma_start3A, %dma_start3A_54] : memref<124x128xf32, #tpu.memory_space<vmem>> -> memref<48x128xf32, #tpu.memory_space<vmem>>
      %dma_start3A_56 = arith.constant 0 : i32
      %dma_start3A_57 = tpu.memref_slice %arg14[%add3A_6, %dma_start3A_56] : memref<10000x128xf32, #tpu.memory_space<vmem_shared>> -> memref<48x128xf32, #tpu.memory_space<vmem_shared>>
      %dma_start3A_58 = arith.constant 0 : i32
      %dma_start3A_59 = tpu.memref_slice %arg14[%add3A_6, %dma_start3A_58] : memref<10000x128xf32, #tpu.memory_space<vmem_shared>> -> memref<48x128xf32, #tpu.memory_space<vmem_shared>>
      %dma_start3A_60 = arith.constant 0 : i32
      %dma_start3A_61 = arith.constant 0 : i32
      %dma_start3A_62 = tpu.memref_slice %arg11[%dma_start3A_60, %dma_start3A_61] : memref<124x128xf32, #tpu.memory_space<vmem>> -> memref<48x128xf32, #tpu.memory_space<vmem>>
      tpu.enqueue_dma source(%dma_start3A_62 : memref<48x128xf32, #tpu.memory_space<vmem>>) target(%dma_start3A_59 : memref<48x128xf32, #tpu.memory_space<vmem_shared>>) target_semaphore(%run_scoped3A : memref<!tpu.dma_semaphore, #tpu.memory_space<semaphore_mem>>)
      %dma_wait3A = arith.constant 0 : i32
      %dma_wait3A_63 = arith.constant 0 : i32
      %dma_wait3A_64 = tpu.memref_slice %arg11[%dma_wait3A, %dma_wait3A_63] : memref<124x128xf32, #tpu.memory_space<vmem>> -> memref<48x128xf32, #tpu.memory_space<vmem>>
      %dma_wait3A_65 = arith.constant 0 : i32
      %dma_wait3A_66 = tpu.memref_slice %arg14[%add3A_6, %dma_wait3A_65] : memref<10000x128xf32, #tpu.memory_space<vmem_shared>> -> memref<48x128xf32, #tpu.memory_space<vmem_shared>>
      %dma_wait3A_67 = arith.constant 0 : i32
      %dma_wait3A_68 = tpu.memref_slice %arg14[%add3A_6, %dma_wait3A_67] : memref<10000x128xf32, #tpu.memory_space<vmem_shared>> -> memref<48x128xf32, #tpu.memory_space<vmem_shared>>
      %dma_wait3A_69 = arith.constant 0 : i32
      %dma_wait3A_70 = arith.constant 0 : i32
      %dma_wait3A_71 = tpu.memref_slice %arg11[%dma_wait3A_69, %dma_wait3A_70] : memref<124x128xf32, #tpu.memory_space<vmem>> -> memref<48x128xf32, #tpu.memory_space<vmem>>
      tpu.wait_dma2 semaphore(%run_scoped3A : memref<!tpu.dma_semaphore, #tpu.memory_space<semaphore_mem>>) src(%dma_wait3A_71 : memref<48x128xf32, #tpu.memory_space<vmem>>) dst(%dma_wait3A_68 : memref<48x128xf32, #tpu.memory_space<vmem_shared>>)
      tpu.yield
    }) : () -> ()
    %add3A_7 = arith.constant 48 : i32
    %add3A_8 = arith.addi %mul3A_0, %add3A_7 : i32
    "tpu.region"() ({
      %run_scoped3A = tpu.sem_alloc : memref<!tpu.dma_semaphore, #tpu.memory_space<semaphore_mem>>
      %dma_start3A = arith.constant 0 : i32
      %dma_start3A_54 = arith.constant 0 : i32
      %dma_start3A_55 = tpu.memref_slice %arg11[%dma_start3A, %dma_start3A_54] : memref<124x128xf32, #tpu.memory_space<vmem>> -> memref<48x128xf32, #tpu.memory_space<vmem>>
      %dma_start3A_56 = arith.constant 0 : i32
      %dma_start3A_57 = tpu.memref_slice %arg14[%add3A_8, %dma_start3A_56] : memref<10000x128xf32, #tpu.memory_space<vmem_shared>> -> memref<48x128xf32, #tpu.memory_space<vmem_shared>>
      %dma_start3A_58 = arith.constant 0 : i32
      %dma_start3A_59 = tpu.memref_slice %arg14[%add3A_8, %dma_start3A_58] : memref<10000x128xf32, #tpu.memory_space<vmem_shared>> -> memref<48x128xf32, #tpu.memory_space<vmem_shared>>
      %dma_start3A_60 = arith.constant 0 : i32
      %dma_start3A_61 = arith.constant 0 : i32
      %dma_start3A_62 = tpu.memref_slice %arg11[%dma_start3A_60, %dma_start3A_61] : memref<124x128xf32, #tpu.memory_space<vmem>> -> memref<48x128xf32, #tpu.memory_space<vmem>>
      tpu.enqueue_dma source(%dma_start3A_62 : memref<48x128xf32, #tpu.memory_space<vmem>>) target(%dma_start3A_59 : memref<48x128xf32, #tpu.memory_space<vmem_shared>>) target_semaphore(%run_scoped3A : memref<!tpu.dma_semaphore, #tpu.memory_space<semaphore_mem>>)
      %dma_wait3A = arith.constant 0 : i32
      %dma_wait3A_63 = arith.constant 0 : i32
      %dma_wait3A_64 = tpu.memref_slice %arg11[%dma_wait3A, %dma_wait3A_63] : memref<124x128xf32, #tpu.memory_space<vmem>> -> memref<48x128xf32, #tpu.memory_space<vmem>>
      %dma_wait3A_65 = arith.constant 0 : i32
      %dma_wait3A_66 = tpu.memref_slice %arg14[%add3A_8, %dma_wait3A_65] : memref<10000x128xf32, #tpu.memory_space<vmem_shared>> -> memref<48x128xf32, #tpu.memory_space<vmem_shared>>
      %dma_wait3A_67 = arith.constant 0 : i32
      %dma_wait3A_68 = tpu.memref_slice %arg14[%add3A_8, %dma_wait3A_67] : memref<10000x128xf32, #tpu.memory_space<vmem_shared>> -> memref<48x128xf32, #tpu.memory_space<vmem_shared>>
      %dma_wait3A_69 = arith.constant 0 : i32
      %dma_wait3A_70 = arith.constant 0 : i32
      %dma_wait3A_71 = tpu.memref_slice %arg11[%dma_wait3A_69, %dma_wait3A_70] : memref<124x128xf32, #tpu.memory_space<vmem>> -> memref<48x128xf32, #tpu.memory_space<vmem>>
      tpu.wait_dma2 semaphore(%run_scoped3A : memref<!tpu.dma_semaphore, #tpu.memory_space<semaphore_mem>>) src(%dma_wait3A_71 : memref<48x128xf32, #tpu.memory_space<vmem>>) dst(%dma_wait3A_68 : memref<48x128xf32, #tpu.memory_space<vmem_shared>>)
      tpu.yield
    }) : () -> ()
    %add3A_9 = arith.constant 96 : i32
    %add3A_10 = arith.addi %mul3A_0, %add3A_9 : i32
    "tpu.region"() ({
      %run_scoped3A = tpu.sem_alloc : memref<!tpu.dma_semaphore, #tpu.memory_space<semaphore_mem>>
      %dma_start3A = arith.constant 0 : i32
      %dma_start3A_54 = arith.constant 0 : i32
      %dma_start3A_55 = tpu.memref_slice %arg11[%dma_start3A, %dma_start3A_54] : memref<124x128xf32, #tpu.memory_space<vmem>> -> memref<48x128xf32, #tpu.memory_space<vmem>>
      %dma_start3A_56 = arith.constant 0 : i32
      %dma_start3A_57 = tpu.memref_slice %arg14[%add3A_10, %dma_start3A_56] : memref<10000x128xf32, #tpu.memory_space<vmem_shared>> -> memref<48x128xf32, #tpu.memory_space<vmem_shared>>
      %dma_start3A_58 = arith.constant 0 : i32
      %dma_start3A_59 = tpu.memref_slice %arg14[%add3A_10, %dma_start3A_58] : memref<10000x128xf32, #tpu.memory_space<vmem_shared>> -> memref<48x128xf32, #tpu.memory_space<vmem_shared>>
      %dma_start3A_60 = arith.constant 0 : i32
      %dma_start3A_61 = arith.constant 0 : i32
      %dma_start3A_62 = tpu.memref_slice %arg11[%dma_start3A_60, %dma_start3A_61] : memref<124x128xf32, #tpu.memory_space<vmem>> -> memref<48x128xf32, #tpu.memory_space<vmem>>
      tpu.enqueue_dma source(%dma_start3A_62 : memref<48x128xf32, #tpu.memory_space<vmem>>) target(%dma_start3A_59 : memref<48x128xf32, #tpu.memory_space<vmem_shared>>) target_semaphore(%run_scoped3A : memref<!tpu.dma_semaphore, #tpu.memory_space<semaphore_mem>>)
      %dma_wait3A = arith.constant 0 : i32
      %dma_wait3A_63 = arith.constant 0 : i32
      %dma_wait3A_64 = tpu.memref_slice %arg11[%dma_wait3A, %dma_wait3A_63] : memref<124x128xf32, #tpu.memory_space<vmem>> -> memref<48x128xf32, #tpu.memory_space<vmem>>
      %dma_wait3A_65 = arith.constant 0 : i32
      %dma_wait3A_66 = tpu.memref_slice %arg14[%add3A_10, %dma_wait3A_65] : memref<10000x128xf32, #tpu.memory_space<vmem_shared>> -> memref<48x128xf32, #tpu.memory_space<vmem_shared>>
      %dma_wait3A_67 = arith.constant 0 : i32
      %dma_wait3A_68 = tpu.memref_slice %arg14[%add3A_10, %dma_wait3A_67] : memref<10000x128xf32, #tpu.memory_space<vmem_shared>> -> memref<48x128xf32, #tpu.memory_space<vmem_shared>>
      %dma_wait3A_69 = arith.constant 0 : i32
      %dma_wait3A_70 = arith.constant 0 : i32
      %dma_wait3A_71 = tpu.memref_slice %arg11[%dma_wait3A_69, %dma_wait3A_70] : memref<124x128xf32, #tpu.memory_space<vmem>> -> memref<48x128xf32, #tpu.memory_space<vmem>>
      tpu.wait_dma2 semaphore(%run_scoped3A : memref<!tpu.dma_semaphore, #tpu.memory_space<semaphore_mem>>) src(%dma_wait3A_71 : memref<48x128xf32, #tpu.memory_space<vmem>>) dst(%dma_wait3A_68 : memref<48x128xf32, #tpu.memory_space<vmem_shared>>)
      tpu.yield
    }) : () -> ()
    %add3A_11 = arith.constant 144 : i32
    %add3A_12 = arith.addi %mul3A_0, %add3A_11 : i32
    "tpu.region"() ({
      %run_scoped3A = tpu.sem_alloc : memref<!tpu.dma_semaphore, #tpu.memory_space<semaphore_mem>>
      %dma_start3A = arith.constant 0 : i32
      %dma_start3A_54 = arith.constant 0 : i32
      %dma_start3A_55 = tpu.memref_slice %arg11[%dma_start3A, %dma_start3A_54] : memref<124x128xf32, #tpu.memory_space<vmem>> -> memref<48x128xf32, #tpu.memory_space<vmem>>
      %dma_start3A_56 = arith.constant 0 : i32
      %dma_start3A_57 = tpu.memref_slice %arg14[%add3A_12, %dma_start3A_56] : memref<10000x128xf32, #tpu.memory_space<vmem_shared>> -> memref<48x128xf32, #tpu.memory_space<vmem_shared>>
      %dma_start3A_58 = arith.constant 0 : i32
      %dma_start3A_59 = tpu.memref_slice %arg14[%add3A_12, %dma_start3A_58] : memref<10000x128xf32, #tpu.memory_space<vmem_shared>> -> memref<48x128xf32, #tpu.memory_space<vmem_shared>>
      %dma_start3A_60 = arith.constant 0 : i32
      %dma_start3A_61 = arith.constant 0 : i32
      %dma_start3A_62 = tpu.memref_slice %arg11[%dma_start3A_60, %dma_start3A_61] : memref<124x128xf32, #tpu.memory_space<vmem>> -> memref<48x128xf32, #tpu.memory_space<vmem>>
      tpu.enqueue_dma source(%dma_start3A_62 : memref<48x128xf32, #tpu.memory_space<vmem>>) target(%dma_start3A_59 : memref<48x128xf32, #tpu.memory_space<vmem_shared>>) target_semaphore(%run_scoped3A : memref<!tpu.dma_semaphore, #tpu.memory_space<semaphore_mem>>)
      %dma_wait3A = arith.constant 0 : i32
      %dma_wait3A_63 = arith.constant 0 : i32
      %dma_wait3A_64 = tpu.memref_slice %arg11[%dma_wait3A, %dma_wait3A_63] : memref<124x128xf32, #tpu.memory_space<vmem>> -> memref<48x128xf32, #tpu.memory_space<vmem>>
      %dma_wait3A_65 = arith.constant 0 : i32
      %dma_wait3A_66 = tpu.memref_slice %arg14[%add3A_12, %dma_wait3A_65] : memref<10000x128xf32, #tpu.memory_space<vmem_shared>> -> memref<48x128xf32, #tpu.memory_space<vmem_shared>>
      %dma_wait3A_67 = arith.constant 0 : i32
      %dma_wait3A_68 = tpu.memref_slice %arg14[%add3A_12, %dma_wait3A_67] : memref<10000x128xf32, #tpu.memory_space<vmem_shared>> -> memref<48x128xf32, #tpu.memory_space<vmem_shared>>
      %dma_wait3A_69 = arith.constant 0 : i32
      %dma_wait3A_70 = arith.constant 0 : i32
      %dma_wait3A_71 = tpu.memref_slice %arg11[%dma_wait3A_69, %dma_wait3A_70] : memref<124x128xf32, #tpu.memory_space<vmem>> -> memref<48x128xf32, #tpu.memory_space<vmem>>
      tpu.wait_dma2 semaphore(%run_scoped3A : memref<!tpu.dma_semaphore, #tpu.memory_space<semaphore_mem>>) src(%dma_wait3A_71 : memref<48x128xf32, #tpu.memory_space<vmem>>) dst(%dma_wait3A_68 : memref<48x128xf32, #tpu.memory_space<vmem_shared>>)
      tpu.yield
    }) : () -> ()
    %add3A_13 = arith.constant 192 : i32
    %add3A_14 = arith.addi %mul3A_0, %add3A_13 : i32
    "tpu.region"() ({
      %run_scoped3A = tpu.sem_alloc : memref<!tpu.dma_semaphore, #tpu.memory_space<semaphore_mem>>
      %dma_start3A = arith.constant 0 : i32
      %dma_start3A_54 = arith.constant 0 : i32
      %dma_start3A_55 = tpu.memref_slice %arg11[%dma_start3A, %dma_start3A_54] : memref<124x128xf32, #tpu.memory_space<vmem>> -> memref<48x128xf32, #tpu.memory_space<vmem>>
      %dma_start3A_56 = arith.constant 0 : i32
      %dma_start3A_57 = tpu.memref_slice %arg14[%add3A_14, %dma_start3A_56] : memref<10000x128xf32, #tpu.memory_space<vmem_shared>> -> memref<48x128xf32, #tpu.memory_space<vmem_shared>>
      %dma_start3A_58 = arith.constant 0 : i32
      %dma_start3A_59 = tpu.memref_slice %arg14[%add3A_14, %dma_start3A_58] : memref<10000x128xf32, #tpu.memory_space<vmem_shared>> -> memref<48x128xf32, #tpu.memory_space<vmem_shared>>
      %dma_start3A_60 = arith.constant 0 : i32
      %dma_start3A_61 = arith.constant 0 : i32
      %dma_start3A_62 = tpu.memref_slice %arg11[%dma_start3A_60, %dma_start3A_61] : memref<124x128xf32, #tpu.memory_space<vmem>> -> memref<48x128xf32, #tpu.memory_space<vmem>>
      tpu.enqueue_dma source(%dma_start3A_62 : memref<48x128xf32, #tpu.memory_space<vmem>>) target(%dma_start3A_59 : memref<48x128xf32, #tpu.memory_space<vmem_shared>>) target_semaphore(%run_scoped3A : memref<!tpu.dma_semaphore, #tpu.memory_space<semaphore_mem>>)
      %dma_wait3A = arith.constant 0 : i32
      %dma_wait3A_63 = arith.constant 0 : i32
      %dma_wait3A_64 = tpu.memref_slice %arg11[%dma_wait3A, %dma_wait3A_63] : memref<124x128xf32, #tpu.memory_space<vmem>> -> memref<48x128xf32, #tpu.memory_space<vmem>>
      %dma_wait3A_65 = arith.constant 0 : i32
      %dma_wait3A_66 = tpu.memref_slice %arg14[%add3A_14, %dma_wait3A_65] : memref<10000x128xf32, #tpu.memory_space<vmem_shared>> -> memref<48x128xf32, #tpu.memory_space<vmem_shared>>
      %dma_wait3A_67 = arith.constant 0 : i32
      %dma_wait3A_68 = tpu.memref_slice %arg14[%add3A_14, %dma_wait3A_67] : memref<10000x128xf32, #tpu.memory_space<vmem_shared>> -> memref<48x128xf32, #tpu.memory_space<vmem_shared>>
      %dma_wait3A_69 = arith.constant 0 : i32
      %dma_wait3A_70 = arith.constant 0 : i32
      %dma_wait3A_71 = tpu.memref_slice %arg11[%dma_wait3A_69, %dma_wait3A_70] : memref<124x128xf32, #tpu.memory_space<vmem>> -> memref<48x128xf32, #tpu.memory_space<vmem>>
      tpu.wait_dma2 semaphore(%run_scoped3A : memref<!tpu.dma_semaphore, #tpu.memory_space<semaphore_mem>>) src(%dma_wait3A_71 : memref<48x128xf32, #tpu.memory_space<vmem>>) dst(%dma_wait3A_68 : memref<48x128xf32, #tpu.memory_space<vmem_shared>>)
      tpu.yield
    }) : () -> ()
    %add3A_15 = arith.constant 240 : i32
    %add3A_16 = arith.addi %mul3A_0, %add3A_15 : i32
    "tpu.region"() ({
      %run_scoped3A = tpu.sem_alloc : memref<!tpu.dma_semaphore, #tpu.memory_space<semaphore_mem>>
      %dma_start3A = arith.constant 0 : i32
      %dma_start3A_54 = arith.constant 0 : i32
      %dma_start3A_55 = tpu.memref_slice %arg11[%dma_start3A, %dma_start3A_54] : memref<124x128xf32, #tpu.memory_space<vmem>> -> memref<48x128xf32, #tpu.memory_space<vmem>>
      %dma_start3A_56 = arith.constant 0 : i32
      %dma_start3A_57 = tpu.memref_slice %arg14[%add3A_16, %dma_start3A_56] : memref<10000x128xf32, #tpu.memory_space<vmem_shared>> -> memref<48x128xf32, #tpu.memory_space<vmem_shared>>
      %dma_start3A_58 = arith.constant 0 : i32
      %dma_start3A_59 = tpu.memref_slice %arg14[%add3A_16, %dma_start3A_58] : memref<10000x128xf32, #tpu.memory_space<vmem_shared>> -> memref<48x128xf32, #tpu.memory_space<vmem_shared>>
      %dma_start3A_60 = arith.constant 0 : i32
      %dma_start3A_61 = arith.constant 0 : i32
      %dma_start3A_62 = tpu.memref_slice %arg11[%dma_start3A_60, %dma_start3A_61] : memref<124x128xf32, #tpu.memory_space<vmem>> -> memref<48x128xf32, #tpu.memory_space<vmem>>
      tpu.enqueue_dma source(%dma_start3A_62 : memref<48x128xf32, #tpu.memory_space<vmem>>) target(%dma_start3A_59 : memref<48x128xf32, #tpu.memory_space<vmem_shared>>) target_semaphore(%run_scoped3A : memref<!tpu.dma_semaphore, #tpu.memory_space<semaphore_mem>>)
      %dma_wait3A = arith.constant 0 : i32
      %dma_wait3A_63 = arith.constant 0 : i32
      %dma_wait3A_64 = tpu.memref_slice %arg11[%dma_wait3A, %dma_wait3A_63] : memref<124x128xf32, #tpu.memory_space<vmem>> -> memref<48x128xf32, #tpu.memory_space<vmem>>
      %dma_wait3A_65 = arith.constant 0 : i32
      %dma_wait3A_66 = tpu.memref_slice %arg14[%add3A_16, %dma_wait3A_65] : memref<10000x128xf32, #tpu.memory_space<vmem_shared>> -> memref<48x128xf32, #tpu.memory_space<vmem_shared>>
      %dma_wait3A_67 = arith.constant 0 : i32
      %dma_wait3A_68 = tpu.memref_slice %arg14[%add3A_16, %dma_wait3A_67] : memref<10000x128xf32, #tpu.memory_space<vmem_shared>> -> memref<48x128xf32, #tpu.memory_space<vmem_shared>>
      %dma_wait3A_69 = arith.constant 0 : i32
      %dma_wait3A_70 = arith.constant 0 : i32
      %dma_wait3A_71 = tpu.memref_slice %arg11[%dma_wait3A_69, %dma_wait3A_70] : memref<124x128xf32, #tpu.memory_space<vmem>> -> memref<48x128xf32, #tpu.memory_space<vmem>>
      tpu.wait_dma2 semaphore(%run_scoped3A : memref<!tpu.dma_semaphore, #tpu.memory_space<semaphore_mem>>) src(%dma_wait3A_71 : memref<48x128xf32, #tpu.memory_space<vmem>>) dst(%dma_wait3A_68 : memref<48x128xf32, #tpu.memory_space<vmem_shared>>)
      tpu.yield
    }) : () -> ()
    %add3A_17 = arith.constant 288 : i32
    %add3A_18 = arith.addi %mul3A_0, %add3A_17 : i32
    "tpu.region"() ({
      %run_scoped3A = tpu.sem_alloc : memref<!tpu.dma_semaphore, #tpu.memory_space<semaphore_mem>>
      %dma_start3A = arith.constant 0 : i32
      %dma_start3A_54 = arith.constant 0 : i32
      %dma_start3A_55 = tpu.memref_slice %arg11[%dma_start3A, %dma_start3A_54] : memref<124x128xf32, #tpu.memory_space<vmem>> -> memref<48x128xf32, #tpu.memory_space<vmem>>
      %dma_start3A_56 = arith.constant 0 : i32
      %dma_start3A_57 = tpu.memref_slice %arg14[%add3A_18, %dma_start3A_56] : memref<10000x128xf32, #tpu.memory_space<vmem_shared>> -> memref<48x128xf32, #tpu.memory_space<vmem_shared>>
      %dma_start3A_58 = arith.constant 0 : i32
      %dma_start3A_59 = tpu.memref_slice %arg14[%add3A_18, %dma_start3A_58] : memref<10000x128xf32, #tpu.memory_space<vmem_shared>> -> memref<48x128xf32, #tpu.memory_space<vmem_shared>>
      %dma_start3A_60 = arith.constant 0 : i32
      %dma_start3A_61 = arith.constant 0 : i32
      %dma_start3A_62 = tpu.memref_slice %arg11[%dma_start3A_60, %dma_start3A_61] : memref<124x128xf32, #tpu.memory_space<vmem>> -> memref<48x128xf32, #tpu.memory_space<vmem>>
      tpu.enqueue_dma source(%dma_start3A_62 : memref<48x128xf32, #tpu.memory_space<vmem>>) target(%dma_start3A_59 : memref<48x128xf32, #tpu.memory_space<vmem_shared>>) target_semaphore(%run_scoped3A : memref<!tpu.dma_semaphore, #tpu.memory_space<semaphore_mem>>)
      %dma_wait3A = arith.constant 0 : i32
      %dma_wait3A_63 = arith.constant 0 : i32
      %dma_wait3A_64 = tpu.memref_slice %arg11[%dma_wait3A, %dma_wait3A_63] : memref<124x128xf32, #tpu.memory_space<vmem>> -> memref<48x128xf32, #tpu.memory_space<vmem>>
      %dma_wait3A_65 = arith.constant 0 : i32
      %dma_wait3A_66 = tpu.memref_slice %arg14[%add3A_18, %dma_wait3A_65] : memref<10000x128xf32, #tpu.memory_space<vmem_shared>> -> memref<48x128xf32, #tpu.memory_space<vmem_shared>>
      %dma_wait3A_67 = arith.constant 0 : i32
      %dma_wait3A_68 = tpu.memref_slice %arg14[%add3A_18, %dma_wait3A_67] : memref<10000x128xf32, #tpu.memory_space<vmem_shared>> -> memref<48x128xf32, #tpu.memory_space<vmem_shared>>
      %dma_wait3A_69 = arith.constant 0 : i32
      %dma_wait3A_70 = arith.constant 0 : i32
      %dma_wait3A_71 = tpu.memref_slice %arg11[%dma_wait3A_69, %dma_wait3A_70] : memref<124x128xf32, #tpu.memory_space<vmem>> -> memref<48x128xf32, #tpu.memory_space<vmem>>
      tpu.wait_dma2 semaphore(%run_scoped3A : memref<!tpu.dma_semaphore, #tpu.memory_space<semaphore_mem>>) src(%dma_wait3A_71 : memref<48x128xf32, #tpu.memory_space<vmem>>) dst(%dma_wait3A_68 : memref<48x128xf32, #tpu.memory_space<vmem_shared>>)
      tpu.yield
    }) : () -> ()
    %add3A_19 = arith.constant 336 : i32
    %add3A_20 = arith.addi %mul3A_0, %add3A_19 : i32
    "tpu.region"() ({
      %run_scoped3A = tpu.sem_alloc : memref<!tpu.dma_semaphore, #tpu.memory_space<semaphore_mem>>
      %dma_start3A = arith.constant 0 : i32
      %dma_start3A_54 = arith.constant 0 : i32
      %dma_start3A_55 = tpu.memref_slice %arg11[%dma_start3A, %dma_start3A_54] : memref<124x128xf32, #tpu.memory_space<vmem>> -> memref<48x128xf32, #tpu.memory_space<vmem>>
      %dma_start3A_56 = arith.constant 0 : i32
      %dma_start3A_57 = tpu.memref_slice %arg14[%add3A_20, %dma_start3A_56] : memref<10000x128xf32, #tpu.memory_space<vmem_shared>> -> memref<48x128xf32, #tpu.memory_space<vmem_shared>>
      %dma_start3A_58 = arith.constant 0 : i32
      %dma_start3A_59 = tpu.memref_slice %arg14[%add3A_20, %dma_start3A_58] : memref<10000x128xf32, #tpu.memory_space<vmem_shared>> -> memref<48x128xf32, #tpu.memory_space<vmem_shared>>
      %dma_start3A_60 = arith.constant 0 : i32
      %dma_start3A_61 = arith.constant 0 : i32
      %dma_start3A_62 = tpu.memref_slice %arg11[%dma_start3A_60, %dma_start3A_61] : memref<124x128xf32, #tpu.memory_space<vmem>> -> memref<48x128xf32, #tpu.memory_space<vmem>>
      tpu.enqueue_dma source(%dma_start3A_62 : memref<48x128xf32, #tpu.memory_space<vmem>>) target(%dma_start3A_59 : memref<48x128xf32, #tpu.memory_space<vmem_shared>>) target_semaphore(%run_scoped3A : memref<!tpu.dma_semaphore, #tpu.memory_space<semaphore_mem>>)
      %dma_wait3A = arith.constant 0 : i32
      %dma_wait3A_63 = arith.constant 0 : i32
      %dma_wait3A_64 = tpu.memref_slice %arg11[%dma_wait3A, %dma_wait3A_63] : memref<124x128xf32, #tpu.memory_space<vmem>> -> memref<48x128xf32, #tpu.memory_space<vmem>>
      %dma_wait3A_65 = arith.constant 0 : i32
      %dma_wait3A_66 = tpu.memref_slice %arg14[%add3A_20, %dma_wait3A_65] : memref<10000x128xf32, #tpu.memory_space<vmem_shared>> -> memref<48x128xf32, #tpu.memory_space<vmem_shared>>
      %dma_wait3A_67 = arith.constant 0 : i32
      %dma_wait3A_68 = tpu.memref_slice %arg14[%add3A_20, %dma_wait3A_67] : memref<10000x128xf32, #tpu.memory_space<vmem_shared>> -> memref<48x128xf32, #tpu.memory_space<vmem_shared>>
      %dma_wait3A_69 = arith.constant 0 : i32
      %dma_wait3A_70 = arith.constant 0 : i32
      %dma_wait3A_71 = tpu.memref_slice %arg11[%dma_wait3A_69, %dma_wait3A_70] : memref<124x128xf32, #tpu.memory_space<vmem>> -> memref<48x128xf32, #tpu.memory_space<vmem>>
      tpu.wait_dma2 semaphore(%run_scoped3A : memref<!tpu.dma_semaphore, #tpu.memory_space<semaphore_mem>>) src(%dma_wait3A_71 : memref<48x128xf32, #tpu.memory_space<vmem>>) dst(%dma_wait3A_68 : memref<48x128xf32, #tpu.memory_space<vmem_shared>>)
      tpu.yield
    }) : () -> ()
    %add3A_21 = arith.constant 384 : i32
    %add3A_22 = arith.addi %mul3A_0, %add3A_21 : i32
    "tpu.region"() ({
      %run_scoped3A = tpu.sem_alloc : memref<!tpu.dma_semaphore, #tpu.memory_space<semaphore_mem>>
      %dma_start3A = arith.constant 0 : i32
      %dma_start3A_54 = arith.constant 0 : i32
      %dma_start3A_55 = tpu.memref_slice %arg11[%dma_start3A, %dma_start3A_54] : memref<124x128xf32, #tpu.memory_space<vmem>> -> memref<48x128xf32, #tpu.memory_space<vmem>>
      %dma_start3A_56 = arith.constant 0 : i32
      %dma_start3A_57 = tpu.memref_slice %arg14[%add3A_22, %dma_start3A_56] : memref<10000x128xf32, #tpu.memory_space<vmem_shared>> -> memref<48x128xf32, #tpu.memory_space<vmem_shared>>
      %dma_start3A_58 = arith.constant 0 : i32
      %dma_start3A_59 = tpu.memref_slice %arg14[%add3A_22, %dma_start3A_58] : memref<10000x128xf32, #tpu.memory_space<vmem_shared>> -> memref<48x128xf32, #tpu.memory_space<vmem_shared>>
      %dma_start3A_60 = arith.constant 0 : i32
      %dma_start3A_61 = arith.constant 0 : i32
      %dma_start3A_62 = tpu.memref_slice %arg11[%dma_start3A_60, %dma_start3A_61] : memref<124x128xf32, #tpu.memory_space<vmem>> -> memref<48x128xf32, #tpu.memory_space<vmem>>
      tpu.enqueue_dma source(%dma_start3A_62 : memref<48x128xf32, #tpu.memory_space<vmem>>) target(%dma_start3A_59 : memref<48x128xf32, #tpu.memory_space<vmem_shared>>) target_semaphore(%run_scoped3A : memref<!tpu.dma_semaphore, #tpu.memory_space<semaphore_mem>>)
      %dma_wait3A = arith.constant 0 : i32
      %dma_wait3A_63 = arith.constant 0 : i32
      %dma_wait3A_64 = tpu.memref_slice %arg11[%dma_wait3A, %dma_wait3A_63] : memref<124x128xf32, #tpu.memory_space<vmem>> -> memref<48x128xf32, #tpu.memory_space<vmem>>
      %dma_wait3A_65 = arith.constant 0 : i32
      %dma_wait3A_66 = tpu.memref_slice %arg14[%add3A_22, %dma_wait3A_65] : memref<10000x128xf32, #tpu.memory_space<vmem_shared>> -> memref<48x128xf32, #tpu.memory_space<vmem_shared>>
      %dma_wait3A_67 = arith.constant 0 : i32
      %dma_wait3A_68 = tpu.memref_slice %arg14[%add3A_22, %dma_wait3A_67] : memref<10000x128xf32, #tpu.memory_space<vmem_shared>> -> memref<48x128xf32, #tpu.memory_space<vmem_shared>>
      %dma_wait3A_69 = arith.constant 0 : i32
      %dma_wait3A_70 = arith.constant 0 : i32
      %dma_wait3A_71 = tpu.memref_slice %arg11[%dma_wait3A_69, %dma_wait3A_70] : memref<124x128xf32, #tpu.memory_space<vmem>> -> memref<48x128xf32, #tpu.memory_space<vmem>>
      tpu.wait_dma2 semaphore(%run_scoped3A : memref<!tpu.dma_semaphore, #tpu.memory_space<semaphore_mem>>) src(%dma_wait3A_71 : memref<48x128xf32, #tpu.memory_space<vmem>>) dst(%dma_wait3A_68 : memref<48x128xf32, #tpu.memory_space<vmem_shared>>)
      tpu.yield
    }) : () -> ()
    %add3A_23 = arith.constant 432 : i32
    %add3A_24 = arith.addi %mul3A_0, %add3A_23 : i32
    "tpu.region"() ({
      %run_scoped3A = tpu.sem_alloc : memref<!tpu.dma_semaphore, #tpu.memory_space<semaphore_mem>>
      %dma_start3A = arith.constant 0 : i32
      %dma_start3A_54 = arith.constant 0 : i32
      %dma_start3A_55 = tpu.memref_slice %arg11[%dma_start3A, %dma_start3A_54] : memref<124x128xf32, #tpu.memory_space<vmem>> -> memref<48x128xf32, #tpu.memory_space<vmem>>
      %dma_start3A_56 = arith.constant 0 : i32
      %dma_start3A_57 = tpu.memref_slice %arg14[%add3A_24, %dma_start3A_56] : memref<10000x128xf32, #tpu.memory_space<vmem_shared>> -> memref<48x128xf32, #tpu.memory_space<vmem_shared>>
      %dma_start3A_58 = arith.constant 0 : i32
      %dma_start3A_59 = tpu.memref_slice %arg14[%add3A_24, %dma_start3A_58] : memref<10000x128xf32, #tpu.memory_space<vmem_shared>> -> memref<48x128xf32, #tpu.memory_space<vmem_shared>>
      %dma_start3A_60 = arith.constant 0 : i32
      %dma_start3A_61 = arith.constant 0 : i32
      %dma_start3A_62 = tpu.memref_slice %arg11[%dma_start3A_60, %dma_start3A_61] : memref<124x128xf32, #tpu.memory_space<vmem>> -> memref<48x128xf32, #tpu.memory_space<vmem>>
      tpu.enqueue_dma source(%dma_start3A_62 : memref<48x128xf32, #tpu.memory_space<vmem>>) target(%dma_start3A_59 : memref<48x128xf32, #tpu.memory_space<vmem_shared>>) target_semaphore(%run_scoped3A : memref<!tpu.dma_semaphore, #tpu.memory_space<semaphore_mem>>)
      %dma_wait3A = arith.constant 0 : i32
      %dma_wait3A_63 = arith.constant 0 : i32
      %dma_wait3A_64 = tpu.memref_slice %arg11[%dma_wait3A, %dma_wait3A_63] : memref<124x128xf32, #tpu.memory_space<vmem>> -> memref<48x128xf32, #tpu.memory_space<vmem>>
      %dma_wait3A_65 = arith.constant 0 : i32
      %dma_wait3A_66 = tpu.memref_slice %arg14[%add3A_24, %dma_wait3A_65] : memref<10000x128xf32, #tpu.memory_space<vmem_shared>> -> memref<48x128xf32, #tpu.memory_space<vmem_shared>>
      %dma_wait3A_67 = arith.constant 0 : i32
      %dma_wait3A_68 = tpu.memref_slice %arg14[%add3A_24, %dma_wait3A_67] : memref<10000x128xf32, #tpu.memory_space<vmem_shared>> -> memref<48x128xf32, #tpu.memory_space<vmem_shared>>
      %dma_wait3A_69 = arith.constant 0 : i32
      %dma_wait3A_70 = arith.constant 0 : i32
      %dma_wait3A_71 = tpu.memref_slice %arg11[%dma_wait3A_69, %dma_wait3A_70] : memref<124x128xf32, #tpu.memory_space<vmem>> -> memref<48x128xf32, #tpu.memory_space<vmem>>
      tpu.wait_dma2 semaphore(%run_scoped3A : memref<!tpu.dma_semaphore, #tpu.memory_space<semaphore_mem>>) src(%dma_wait3A_71 : memref<48x128xf32, #tpu.memory_space<vmem>>) dst(%dma_wait3A_68 : memref<48x128xf32, #tpu.memory_space<vmem_shared>>)
      tpu.yield
    }) : () -> ()
    %add3A_25 = arith.constant 480 : i32
    %add3A_26 = arith.addi %mul3A_0, %add3A_25 : i32
    "tpu.region"() ({
      %run_scoped3A = tpu.sem_alloc : memref<!tpu.dma_semaphore, #tpu.memory_space<semaphore_mem>>
      %dma_start3A = arith.constant 0 : i32
      %dma_start3A_54 = arith.constant 0 : i32
      %dma_start3A_55 = tpu.memref_slice %arg11[%dma_start3A, %dma_start3A_54] : memref<124x128xf32, #tpu.memory_space<vmem>> -> memref<48x128xf32, #tpu.memory_space<vmem>>
      %dma_start3A_56 = arith.constant 0 : i32
      %dma_start3A_57 = tpu.memref_slice %arg14[%add3A_26, %dma_start3A_56] : memref<10000x128xf32, #tpu.memory_space<vmem_shared>> -> memref<48x128xf32, #tpu.memory_space<vmem_shared>>
      %dma_start3A_58 = arith.constant 0 : i32
      %dma_start3A_59 = tpu.memref_slice %arg14[%add3A_26, %dma_start3A_58] : memref<10000x128xf32, #tpu.memory_space<vmem_shared>> -> memref<48x128xf32, #tpu.memory_space<vmem_shared>>
      %dma_start3A_60 = arith.constant 0 : i32
      %dma_start3A_61 = arith.constant 0 : i32
      %dma_start3A_62 = tpu.memref_slice %arg11[%dma_start3A_60, %dma_start3A_61] : memref<124x128xf32, #tpu.memory_space<vmem>> -> memref<48x128xf32, #tpu.memory_space<vmem>>
      tpu.enqueue_dma source(%dma_start3A_62 : memref<48x128xf32, #tpu.memory_space<vmem>>) target(%dma_start3A_59 : memref<48x128xf32, #tpu.memory_space<vmem_shared>>) target_semaphore(%run_scoped3A : memref<!tpu.dma_semaphore, #tpu.memory_space<semaphore_mem>>)
      %dma_wait3A = arith.constant 0 : i32
      %dma_wait3A_63 = arith.constant 0 : i32
      %dma_wait3A_64 = tpu.memref_slice %arg11[%dma_wait3A, %dma_wait3A_63] : memref<124x128xf32, #tpu.memory_space<vmem>> -> memref<48x128xf32, #tpu.memory_space<vmem>>
      %dma_wait3A_65 = arith.constant 0 : i32
      %dma_wait3A_66 = tpu.memref_slice %arg14[%add3A_26, %dma_wait3A_65] : memref<10000x128xf32, #tpu.memory_space<vmem_shared>> -> memref<48x128xf32, #tpu.memory_space<vmem_shared>>
      %dma_wait3A_67 = arith.constant 0 : i32
      %dma_wait3A_68 = tpu.memref_slice %arg14[%add3A_26, %dma_wait3A_67] : memref<10000x128xf32, #tpu.memory_space<vmem_shared>> -> memref<48x128xf32, #tpu.memory_space<vmem_shared>>
      %dma_wait3A_69 = arith.constant 0 : i32
      %dma_wait3A_70 = arith.constant 0 : i32
      %dma_wait3A_71 = tpu.memref_slice %arg11[%dma_wait3A_69, %dma_wait3A_70] : memref<124x128xf32, #tpu.memory_space<vmem>> -> memref<48x128xf32, #tpu.memory_space<vmem>>
      tpu.wait_dma2 semaphore(%run_scoped3A : memref<!tpu.dma_semaphore, #tpu.memory_space<semaphore_mem>>) src(%dma_wait3A_71 : memref<48x128xf32, #tpu.memory_space<vmem>>) dst(%dma_wait3A_68 : memref<48x128xf32, #tpu.memory_space<vmem_shared>>)
      tpu.yield
    }) : () -> ()
    %add3A_27 = arith.constant 528 : i32
    %add3A_28 = arith.addi %mul3A_0, %add3A_27 : i32
    "tpu.region"() ({
      %run_scoped3A = tpu.sem_alloc : memref<!tpu.dma_semaphore, #tpu.memory_space<semaphore_mem>>
      %dma_start3A = arith.constant 0 : i32
      %dma_start3A_54 = arith.constant 0 : i32
      %dma_start3A_55 = tpu.memref_slice %arg11[%dma_start3A, %dma_start3A_54] : memref<124x128xf32, #tpu.memory_space<vmem>> -> memref<48x128xf32, #tpu.memory_space<vmem>>
      %dma_start3A_56 = arith.constant 0 : i32
      %dma_start3A_57 = tpu.memref_slice %arg14[%add3A_28, %dma_start3A_56] : memref<10000x128xf32, #tpu.memory_space<vmem_shared>> -> memref<48x128xf32, #tpu.memory_space<vmem_shared>>
      %dma_start3A_58 = arith.constant 0 : i32
      %dma_start3A_59 = tpu.memref_slice %arg14[%add3A_28, %dma_start3A_58] : memref<10000x128xf32, #tpu.memory_space<vmem_shared>> -> memref<48x128xf32, #tpu.memory_space<vmem_shared>>
      %dma_start3A_60 = arith.constant 0 : i32
      %dma_start3A_61 = arith.constant 0 : i32
      %dma_start3A_62 = tpu.memref_slice %arg11[%dma_start3A_60, %dma_start3A_61] : memref<124x128xf32, #tpu.memory_space<vmem>> -> memref<48x128xf32, #tpu.memory_space<vmem>>
      tpu.enqueue_dma source(%dma_start3A_62 : memref<48x128xf32, #tpu.memory_space<vmem>>) target(%dma_start3A_59 : memref<48x128xf32, #tpu.memory_space<vmem_shared>>) target_semaphore(%run_scoped3A : memref<!tpu.dma_semaphore, #tpu.memory_space<semaphore_mem>>)
      %dma_wait3A = arith.constant 0 : i32
      %dma_wait3A_63 = arith.constant 0 : i32
      %dma_wait3A_64 = tpu.memref_slice %arg11[%dma_wait3A, %dma_wait3A_63] : memref<124x128xf32, #tpu.memory_space<vmem>> -> memref<48x128xf32, #tpu.memory_space<vmem>>
      %dma_wait3A_65 = arith.constant 0 : i32
      %dma_wait3A_66 = tpu.memref_slice %arg14[%add3A_28, %dma_wait3A_65] : memref<10000x128xf32, #tpu.memory_space<vmem_shared>> -> memref<48x128xf32, #tpu.memory_space<vmem_shared>>
      %dma_wait3A_67 = arith.constant 0 : i32
      %dma_wait3A_68 = tpu.memref_slice %arg14[%add3A_28, %dma_wait3A_67] : memref<10000x128xf32, #tpu.memory_space<vmem_shared>> -> memref<48x128xf32, #tpu.memory_space<vmem_shared>>
      %dma_wait3A_69 = arith.constant 0 : i32
      %dma_wait3A_70 = arith.constant 0 : i32
      %dma_wait3A_71 = tpu.memref_slice %arg11[%dma_wait3A_69, %dma_wait3A_70] : memref<124x128xf32, #tpu.memory_space<vmem>> -> memref<48x128xf32, #tpu.memory_space<vmem>>
      tpu.wait_dma2 semaphore(%run_scoped3A : memref<!tpu.dma_semaphore, #tpu.memory_space<semaphore_mem>>) src(%dma_wait3A_71 : memref<48x128xf32, #tpu.memory_space<vmem>>) dst(%dma_wait3A_68 : memref<48x128xf32, #tpu.memory_space<vmem_shared>>)
      tpu.yield
    }) : () -> ()
    %add3A_29 = arith.constant 576 : i32
    %add3A_30 = arith.addi %mul3A_0, %add3A_29 : i32
    "tpu.region"() ({
      %run_scoped3A = tpu.sem_alloc : memref<!tpu.dma_semaphore, #tpu.memory_space<semaphore_mem>>
      %dma_start3A = arith.constant 0 : i32
      %dma_start3A_54 = arith.constant 0 : i32
      %dma_start3A_55 = tpu.memref_slice %arg11[%dma_start3A, %dma_start3A_54] : memref<124x128xf32, #tpu.memory_space<vmem>> -> memref<48x128xf32, #tpu.memory_space<vmem>>
      %dma_start3A_56 = arith.constant 0 : i32
      %dma_start3A_57 = tpu.memref_slice %arg14[%add3A_30, %dma_start3A_56] : memref<10000x128xf32, #tpu.memory_space<vmem_shared>> -> memref<48x128xf32, #tpu.memory_space<vmem_shared>>
      %dma_start3A_58 = arith.constant 0 : i32
      %dma_start3A_59 = tpu.memref_slice %arg14[%add3A_30, %dma_start3A_58] : memref<10000x128xf32, #tpu.memory_space<vmem_shared>> -> memref<48x128xf32, #tpu.memory_space<vmem_shared>>
      %dma_start3A_60 = arith.constant 0 : i32
      %dma_start3A_61 = arith.constant 0 : i32
      %dma_start3A_62 = tpu.memref_slice %arg11[%dma_start3A_60, %dma_start3A_61] : memref<124x128xf32, #tpu.memory_space<vmem>> -> memref<48x128xf32, #tpu.memory_space<vmem>>
      tpu.enqueue_dma source(%dma_start3A_62 : memref<48x128xf32, #tpu.memory_space<vmem>>) target(%dma_start3A_59 : memref<48x128xf32, #tpu.memory_space<vmem_shared>>) target_semaphore(%run_scoped3A : memref<!tpu.dma_semaphore, #tpu.memory_space<semaphore_mem>>)
      %dma_wait3A = arith.constant 0 : i32
      %dma_wait3A_63 = arith.constant 0 : i32
      %dma_wait3A_64 = tpu.memref_slice %arg11[%dma_wait3A, %dma_wait3A_63] : memref<124x128xf32, #tpu.memory_space<vmem>> -> memref<48x128xf32, #tpu.memory_space<vmem>>
      %dma_wait3A_65 = arith.constant 0 : i32
      %dma_wait3A_66 = tpu.memref_slice %arg14[%add3A_30, %dma_wait3A_65] : memref<10000x128xf32, #tpu.memory_space<vmem_shared>> -> memref<48x128xf32, #tpu.memory_space<vmem_shared>>
      %dma_wait3A_67 = arith.constant 0 : i32
      %dma_wait3A_68 = tpu.memref_slice %arg14[%add3A_30, %dma_wait3A_67] : memref<10000x128xf32, #tpu.memory_space<vmem_shared>> -> memref<48x128xf32, #tpu.memory_space<vmem_shared>>
      %dma_wait3A_69 = arith.constant 0 : i32
      %dma_wait3A_70 = arith.constant 0 : i32
      %dma_wait3A_71 = tpu.memref_slice %arg11[%dma_wait3A_69, %dma_wait3A_70] : memref<124x128xf32, #tpu.memory_space<vmem>> -> memref<48x128xf32, #tpu.memory_space<vmem>>
      tpu.wait_dma2 semaphore(%run_scoped3A : memref<!tpu.dma_semaphore, #tpu.memory_space<semaphore_mem>>) src(%dma_wait3A_71 : memref<48x128xf32, #tpu.memory_space<vmem>>) dst(%dma_wait3A_68 : memref<48x128xf32, #tpu.memory_space<vmem_shared>>)
      tpu.yield
    }) : () -> ()
    %eq3A = arith.constant 15 : i32
    %eq3A_31 = arith.cmpi eq, %arg1, %eq3A : i32
    %convert_element_type3A = arith.extui %eq3A_31 : i1 to i32
    %cond3A = arith.constant 0 : i32
    %cond3A_32 = arith.cmpi ne, %convert_element_type3A, %cond3A : i32
    scf.if %cond3A_32 {
      "tpu.region"() ({
        %run_scoped3A = tpu.sem_alloc : memref<!tpu.dma_semaphore, #tpu.memory_space<semaphore_mem>>
        %dma_start3A = arith.constant 0 : i32
        %dma_start3A_54 = arith.constant 0 : i32
        %dma_start3A_55 = tpu.memref_slice %arg11[%dma_start3A, %dma_start3A_54] : memref<124x128xf32, #tpu.memory_space<vmem>> -> memref<16x128xf32, #tpu.memory_space<vmem>>
        %dma_start3A_56 = arith.constant 9984 : i32
        %dma_start3A_57 = arith.constant 0 : i32
        %dma_start3A_58 = tpu.memref_slice %arg14[%dma_start3A_56, %dma_start3A_57] : memref<10000x128xf32, #tpu.memory_space<vmem_shared>> -> memref<16x128xf32, #tpu.memory_space<vmem_shared>>
        %dma_start3A_59 = arith.constant 9984 : i32
        %dma_start3A_60 = arith.constant 0 : i32
        %dma_start3A_61 = tpu.memref_slice %arg14[%dma_start3A_59, %dma_start3A_60] : memref<10000x128xf32, #tpu.memory_space<vmem_shared>> -> memref<16x128xf32, #tpu.memory_space<vmem_shared>>
        %dma_start3A_62 = arith.constant 0 : i32
        %dma_start3A_63 = arith.constant 0 : i32
        %dma_start3A_64 = tpu.memref_slice %arg11[%dma_start3A_62, %dma_start3A_63] : memref<124x128xf32, #tpu.memory_space<vmem>> -> memref<16x128xf32, #tpu.memory_space<vmem>>
        tpu.enqueue_dma source(%dma_start3A_64 : memref<16x128xf32, #tpu.memory_space<vmem>>) target(%dma_start3A_61 : memref<16x128xf32, #tpu.memory_space<vmem_shared>>) target_semaphore(%run_scoped3A : memref<!tpu.dma_semaphore, #tpu.memory_space<semaphore_mem>>)
        %dma_wait3A = arith.constant 0 : i32
        %dma_wait3A_65 = arith.constant 0 : i32
        %dma_wait3A_66 = tpu.memref_slice %arg11[%dma_wait3A, %dma_wait3A_65] : memref<124x128xf32, #tpu.memory_space<vmem>> -> memref<16x128xf32, #tpu.memory_space<vmem>>
        %dma_wait3A_67 = arith.constant 9984 : i32
        %dma_wait3A_68 = arith.constant 0 : i32
        %dma_wait3A_69 = tpu.memref_slice %arg14[%dma_wait3A_67, %dma_wait3A_68] : memref<10000x128xf32, #tpu.memory_space<vmem_shared>> -> memref<16x128xf32, #tpu.memory_space<vmem_shared>>
        %dma_wait3A_70 = arith.constant 9984 : i32
        %dma_wait3A_71 = arith.constant 0 : i32
        %dma_wait3A_72 = tpu.memref_slice %arg14[%dma_wait3A_70, %dma_wait3A_71] : memref<10000x128xf32, #tpu.memory_space<vmem_shared>> -> memref<16x128xf32, #tpu.memory_space<vmem_shared>>
        %dma_wait3A_73 = arith.constant 0 : i32
        %dma_wait3A_74 = arith.constant 0 : i32
        %dma_wait3A_75 = tpu.memref_slice %arg11[%dma_wait3A_73, %dma_wait3A_74] : memref<124x128xf32, #tpu.memory_space<vmem>> -> memref<16x128xf32, #tpu.memory_space<vmem>>
        tpu.wait_dma2 semaphore(%run_scoped3A : memref<!tpu.dma_semaphore, #tpu.memory_space<semaphore_mem>>) src(%dma_wait3A_75 : memref<16x128xf32, #tpu.memory_space<vmem>>) dst(%dma_wait3A_72 : memref<16x128xf32, #tpu.memory_space<vmem_shared>>)
        tpu.yield
      }) : () -> ()
    } else {
    }
    %barrier3A = arith.constant 0 : index
    tpu.barrier barrier_id(%barrier3A)
    %eq3A_33 = arith.constant 0 : i32
    %eq3A_34 = arith.cmpi eq, %arg0, %eq3A_33 : i32
    %convert_element_type3A_35 = arith.extui %eq3A_34 : i1 to i32
    %cond3A_36 = arith.constant 0 : i32
    %cond3A_37 = arith.cmpi ne, %convert_element_type3A_35, %cond3A_36 : i32
    scf.if %cond3A_37 {
      %dma_start3A = arith.constant 0 : i32
      %dma_start3A_54 = arith.constant 0 : i32
      %dma_start3A_55 = arith.constant 0 : i32
      %dma_start3A_56 = tpu.memref_slice %arg3[%arg1, %dma_start3A, %dma_start3A_54, %dma_start3A_55] : memref<16x165x2x124xi32, #tpu.memory_space<hbm>> -> memref<1x1x2x124xi32, #tpu.memory_space<hbm>>
      %dma_start3A_57 = tpu.memref_squeeze %dma_start3A_56 : memref<1x1x2x124xi32, #tpu.memory_space<hbm>> -> memref<2x124xi32, #tpu.memory_space<hbm>>
      %dma_start3A_58 = arith.constant 0 : i32
      %dma_start3A_59 = arith.constant 0 : i32
      %dma_start3A_60 = tpu.memref_slice %arg3[%arg1, %dma_start3A, %dma_start3A_58, %dma_start3A_59] : memref<16x165x2x124xi32, #tpu.memory_space<hbm>> -> memref<1x1x2x124xi32, #tpu.memory_space<hbm>>
      %dma_start3A_61 = tpu.memref_squeeze %dma_start3A_60 : memref<1x1x2x124xi32, #tpu.memory_space<hbm>> -> memref<2x124xi32, #tpu.memory_space<hbm>>
      tpu.enqueue_dma source(%dma_start3A_61 : memref<2x124xi32, #tpu.memory_space<hbm>>) target(%arg8 : memref<2x124xi32, #tpu.memory_space<vmem>>) target_semaphore(%arg15 : memref<!tpu.dma_semaphore, #tpu.memory_space<semaphore_mem>>)
      %dma_start3A_62 = arith.constant 1 : i32
      %dma_start3A_63 = arith.constant 0 : i32
      %dma_start3A_64 = arith.constant 0 : i32
      %dma_start3A_65 = tpu.memref_slice %arg3[%arg1, %dma_start3A_62, %dma_start3A_63, %dma_start3A_64] : memref<16x165x2x124xi32, #tpu.memory_space<hbm>> -> memref<1x1x2x124xi32, #tpu.memory_space<hbm>>
      %dma_start3A_66 = tpu.memref_squeeze %dma_start3A_65 : memref<1x1x2x124xi32, #tpu.memory_space<hbm>> -> memref<2x124xi32, #tpu.memory_space<hbm>>
      %dma_start3A_67 = arith.constant 0 : i32
      %dma_start3A_68 = arith.constant 0 : i32
      %dma_start3A_69 = tpu.memref_slice %arg3[%arg1, %dma_start3A_62, %dma_start3A_67, %dma_start3A_68] : memref<16x165x2x124xi32, #tpu.memory_space<hbm>> -> memref<1x1x2x124xi32, #tpu.memory_space<hbm>>
      %dma_start3A_70 = tpu.memref_squeeze %dma_start3A_69 : memref<1x1x2x124xi32, #tpu.memory_space<hbm>> -> memref<2x124xi32, #tpu.memory_space<hbm>>
      tpu.enqueue_dma source(%dma_start3A_70 : memref<2x124xi32, #tpu.memory_space<hbm>>) target(%arg9 : memref<2x124xi32, #tpu.memory_space<vmem>>) target_semaphore(%arg16 : memref<!tpu.dma_semaphore, #tpu.memory_space<semaphore_mem>>)
      %dma_start3A_71 = arith.constant 2 : i32
      %dma_start3A_72 = arith.constant 0 : i32
      %dma_start3A_73 = arith.constant 0 : i32
      %dma_start3A_74 = tpu.memref_slice %arg3[%arg1, %dma_start3A_71, %dma_start3A_72, %dma_start3A_73] : memref<16x165x2x124xi32, #tpu.memory_space<hbm>> -> memref<1x1x2x124xi32, #tpu.memory_space<hbm>>
      %dma_start3A_75 = tpu.memref_squeeze %dma_start3A_74 : memref<1x1x2x124xi32, #tpu.memory_space<hbm>> -> memref<2x124xi32, #tpu.memory_space<hbm>>
      %dma_start3A_76 = arith.constant 0 : i32
      %dma_start3A_77 = arith.constant 0 : i32
      %dma_start3A_78 = tpu.memref_slice %arg3[%arg1, %dma_start3A_71, %dma_start3A_76, %dma_start3A_77] : memref<16x165x2x124xi32, #tpu.memory_space<hbm>> -> memref<1x1x2x124xi32, #tpu.memory_space<hbm>>
      %dma_start3A_79 = tpu.memref_squeeze %dma_start3A_78 : memref<1x1x2x124xi32, #tpu.memory_space<hbm>> -> memref<2x124xi32, #tpu.memory_space<hbm>>
      tpu.enqueue_dma source(%dma_start3A_79 : memref<2x124xi32, #tpu.memory_space<hbm>>) target(%arg10 : memref<2x124xi32, #tpu.memory_space<vmem>>) target_semaphore(%arg17 : memref<!tpu.dma_semaphore, #tpu.memory_space<semaphore_mem>>)
      %dma_wait3A = arith.constant 0 : i32
      %dma_wait3A_80 = arith.constant 0 : i32
      %dma_wait3A_81 = arith.constant 0 : i32
      %dma_wait3A_82 = tpu.memref_slice %arg3[%arg1, %dma_wait3A, %dma_wait3A_80, %dma_wait3A_81] : memref<16x165x2x124xi32, #tpu.memory_space<hbm>> -> memref<1x1x2x124xi32, #tpu.memory_space<hbm>>
      %dma_wait3A_83 = tpu.memref_squeeze %dma_wait3A_82 : memref<1x1x2x124xi32, #tpu.memory_space<hbm>> -> memref<2x124xi32, #tpu.memory_space<hbm>>
      %dma_wait3A_84 = arith.constant 0 : i32
      %dma_wait3A_85 = arith.constant 0 : i32
      %dma_wait3A_86 = tpu.memref_slice %arg3[%arg1, %dma_wait3A, %dma_wait3A_84, %dma_wait3A_85] : memref<16x165x2x124xi32, #tpu.memory_space<hbm>> -> memref<1x1x2x124xi32, #tpu.memory_space<hbm>>
      %dma_wait3A_87 = tpu.memref_squeeze %dma_wait3A_86 : memref<1x1x2x124xi32, #tpu.memory_space<hbm>> -> memref<2x124xi32, #tpu.memory_space<hbm>>
      tpu.wait_dma2 semaphore(%arg15 : memref<!tpu.dma_semaphore, #tpu.memory_space<semaphore_mem>>) src(%dma_wait3A_87 : memref<2x124xi32, #tpu.memory_space<hbm>>) dst(%arg8 : memref<2x124xi32, #tpu.memory_space<vmem>>)
      %dma_start3A_88 = arith.constant 0 : i32
      %dma_start3A_89 = arith.constant 0 : i32
      %dma_start3A_90 = tpu.memref_slice %arg8[%dma_start3A_88, %dma_start3A_89] : memref<2x124xi32, #tpu.memory_space<vmem>> -> memref<1x124xi32, #tpu.memory_space<vmem>>
      %dma_start3A_91 = tpu.memref_squeeze %dma_start3A_90 : memref<1x124xi32, #tpu.memory_space<vmem>> -> memref<124xi32, #tpu.memory_space<vmem>>
      %dma_start3A_92 = arith.constant 0 : i32
      %dma_start3A_93 = arith.constant 0 : i32
      %dma_start3A_94 = tpu.memref_slice %arg2[%dma_start3A_92, %dma_start3A_93] : memref<10008x128xf32, #tpu.memory_space<hbm>> -> memref<10008x128xf32, #tpu.memory_space<hbm>>
      tpu.enqueue_indirect_dma source(%dma_start3A_94 : memref<10008x128xf32, #tpu.memory_space<hbm>>) target(%arg11 : memref<124x128xf32, #tpu.memory_space<vmem>>) offsets(%dma_start3A_91 : memref<124xi32, #tpu.memory_space<vmem>>) semaphore(%arg18 : memref<!tpu.dma_semaphore, #tpu.memory_space<semaphore_mem>>)
      %dma_wait3A_95 = arith.constant 1 : i32
      %dma_wait3A_96 = arith.constant 0 : i32
      %dma_wait3A_97 = arith.constant 0 : i32
      %dma_wait3A_98 = tpu.memref_slice %arg3[%arg1, %dma_wait3A_95, %dma_wait3A_96, %dma_wait3A_97] : memref<16x165x2x124xi32, #tpu.memory_space<hbm>> -> memref<1x1x2x124xi32, #tpu.memory_space<hbm>>
      %dma_wait3A_99 = tpu.memref_squeeze %dma_wait3A_98 : memref<1x1x2x124xi32, #tpu.memory_space<hbm>> -> memref<2x124xi32, #tpu.memory_space<hbm>>
      %dma_wait3A_100 = arith.constant 0 : i32
      %dma_wait3A_101 = arith.constant 0 : i32
      %dma_wait3A_102 = tpu.memref_slice %arg3[%arg1, %dma_wait3A_95, %dma_wait3A_100, %dma_wait3A_101] : memref<16x165x2x124xi32, #tpu.memory_space<hbm>> -> memref<1x1x2x124xi32, #tpu.memory_space<hbm>>
      %dma_wait3A_103 = tpu.memref_squeeze %dma_wait3A_102 : memref<1x1x2x124xi32, #tpu.memory_space<hbm>> -> memref<2x124xi32, #tpu.memory_space<hbm>>
      tpu.wait_dma2 semaphore(%arg16 : memref<!tpu.dma_semaphore, #tpu.memory_space<semaphore_mem>>) src(%dma_wait3A_103 : memref<2x124xi32, #tpu.memory_space<hbm>>) dst(%arg9 : memref<2x124xi32, #tpu.memory_space<vmem>>)
      %dma_start3A_104 = arith.constant 0 : i32
      %dma_start3A_105 = arith.constant 0 : i32
      %dma_start3A_106 = tpu.memref_slice %arg9[%dma_start3A_104, %dma_start3A_105] : memref<2x124xi32, #tpu.memory_space<vmem>> -> memref<1x124xi32, #tpu.memory_space<vmem>>
      %dma_start3A_107 = tpu.memref_squeeze %dma_start3A_106 : memref<1x124xi32, #tpu.memory_space<vmem>> -> memref<124xi32, #tpu.memory_space<vmem>>
      %dma_start3A_108 = arith.constant 0 : i32
      %dma_start3A_109 = arith.constant 0 : i32
      %dma_start3A_110 = tpu.memref_slice %arg2[%dma_start3A_108, %dma_start3A_109] : memref<10008x128xf32, #tpu.memory_space<hbm>> -> memref<10008x128xf32, #tpu.memory_space<hbm>>
      tpu.enqueue_indirect_dma source(%dma_start3A_110 : memref<10008x128xf32, #tpu.memory_space<hbm>>) target(%arg12 : memref<124x128xf32, #tpu.memory_space<vmem>>) offsets(%dma_start3A_107 : memref<124xi32, #tpu.memory_space<vmem>>) semaphore(%arg19 : memref<!tpu.dma_semaphore, #tpu.memory_space<semaphore_mem>>)
      %scan3A_111 = arith.constant 0 : i32
      %scan3A_112 = arith.constant 0 : i32
      %scan3A_113 = arith.constant 54 : i32
      %scan3A_114 = arith.addi %scan3A_112, %scan3A_113 : i32
      %scan3A_115 = arith.constant 1 : i32
      scf.for %scan3A_140 = %scan3A_112 to %scan3A_114 step %scan3A_115  : i32 {
        %mul3A_141 = arith.constant 3 : i32
        %mul3A_142 = arith.muli %mul3A_141, %scan3A_140 : i32
        %add3A_143 = arith.constant 0 : i32
        %add3A_144 = arith.addi %mul3A_142, %add3A_143 : i32
        %add3A_145 = arith.constant 3 : i32
        %add3A_146 = arith.addi %add3A_144, %add3A_145 : i32
        %sub3A = arith.constant 1 : i32
        %sub3A_147 = arith.subi %add3A_146, %sub3A : i32
        %dma_wait3A_148 = arith.constant 0 : i32
        %dma_wait3A_149 = arith.constant 0 : i32
        %dma_wait3A_150 = tpu.memref_slice %arg3[%arg1, %sub3A_147, %dma_wait3A_148, %dma_wait3A_149] : memref<16x165x2x124xi32, #tpu.memory_space<hbm>> -> memref<1x1x2x124xi32, #tpu.memory_space<hbm>>
        %dma_wait3A_151 = tpu.memref_squeeze %dma_wait3A_150 : memref<1x1x2x124xi32, #tpu.memory_space<hbm>> -> memref<2x124xi32, #tpu.memory_space<hbm>>
        %dma_wait3A_152 = arith.constant 0 : i32
        %dma_wait3A_153 = arith.constant 0 : i32
        %dma_wait3A_154 = tpu.memref_slice %arg3[%arg1, %sub3A_147, %dma_wait3A_152, %dma_wait3A_153] : memref<16x165x2x124xi32, #tpu.memory_space<hbm>> -> memref<1x1x2x124xi32, #tpu.memory_space<hbm>>
        %dma_wait3A_155 = tpu.memref_squeeze %dma_wait3A_154 : memref<1x1x2x124xi32, #tpu.memory_space<hbm>> -> memref<2x124xi32, #tpu.memory_space<hbm>>
        tpu.wait_dma2 semaphore(%arg17 : memref<!tpu.dma_semaphore, #tpu.memory_space<semaphore_mem>>) src(%dma_wait3A_155 : memref<2x124xi32, #tpu.memory_space<hbm>>) dst(%arg10 : memref<2x124xi32, #tpu.memory_space<vmem>>)
        %dma_start3A_156 = arith.constant 0 : i32
        %dma_start3A_157 = arith.constant 0 : i32
        %dma_start3A_158 = tpu.memref_slice %arg10[%dma_start3A_156, %dma_start3A_157] : memref<2x124xi32, #tpu.memory_space<vmem>> -> memref<1x124xi32, #tpu.memory_space<vmem>>
        %dma_start3A_159 = tpu.memref_squeeze %dma_start3A_158 : memref<1x124xi32, #tpu.memory_space<vmem>> -> memref<124xi32, #tpu.memory_space<vmem>>
        %dma_start3A_160 = arith.constant 0 : i32
        %dma_start3A_161 = arith.constant 0 : i32
        %dma_start3A_162 = tpu.memref_slice %arg2[%dma_start3A_160, %dma_start3A_161] : memref<10008x128xf32, #tpu.memory_space<hbm>> -> memref<10008x128xf32, #tpu.memory_space<hbm>>
        tpu.enqueue_indirect_dma source(%dma_start3A_162 : memref<10008x128xf32, #tpu.memory_space<hbm>>) target(%arg13 : memref<124x128xf32, #tpu.memory_space<vmem>>) offsets(%dma_start3A_159 : memref<124xi32, #tpu.memory_space<vmem>>) semaphore(%arg20 : memref<!tpu.dma_semaphore, #tpu.memory_space<semaphore_mem>>)
        %dma_wait3A_163 = arith.constant 0 : i32
        %dma_wait3A_164 = arith.constant 0 : i32
        %dma_wait3A_165 = tpu.memref_slice %arg8[%dma_wait3A_163, %dma_wait3A_164] : memref<2x124xi32, #tpu.memory_space<vmem>> -> memref<1x124xi32, #tpu.memory_space<vmem>>
        %dma_wait3A_166 = tpu.memref_squeeze %dma_wait3A_165 : memref<1x124xi32, #tpu.memory_space<vmem>> -> memref<124xi32, #tpu.memory_space<vmem>>
        %dma_wait3A_167 = arith.constant 0 : i32
        %dma_wait3A_168 = arith.constant 0 : i32
        %dma_wait3A_169 = tpu.memref_slice %arg2[%dma_wait3A_167, %dma_wait3A_168] : memref<10008x128xf32, #tpu.memory_space<hbm>> -> memref<10008x128xf32, #tpu.memory_space<hbm>>
        tpu.wait_indirect_dma semaphore(%arg18 : memref<!tpu.dma_semaphore, #tpu.memory_space<semaphore_mem>>) src(%dma_wait3A_169 : memref<10008x128xf32, #tpu.memory_space<hbm>>) dst(%arg11 : memref<124x128xf32, #tpu.memory_space<vmem>>)
        %run_scoped3A = arith.constant 1 : i32
        "tpu.region"() ({
          %run_scoped3A_258 = tpu.sem_alloc : memref<!tpu.dma_semaphore, #tpu.memory_space<semaphore_mem>>
          %dma_start3A_259 = arith.constant 0 : i32
          %dma_start3A_260 = tpu.memref_slice %arg8[%run_scoped3A, %dma_start3A_259] : memref<2x124xi32, #tpu.memory_space<vmem>> -> memref<1x124xi32, #tpu.memory_space<vmem>>
          %dma_start3A_261 = tpu.memref_squeeze %dma_start3A_260 : memref<1x124xi32, #tpu.memory_space<vmem>> -> memref<124xi32, #tpu.memory_space<vmem>>
          %dma_start3A_262 = arith.constant 0 : i32
          %dma_start3A_263 = arith.constant 0 : i32
          %dma_start3A_264 = tpu.memref_slice %arg14[%dma_start3A_262, %dma_start3A_263] : memref<10000x128xf32, #tpu.memory_space<vmem_shared>> -> memref<10000x128xf32, #tpu.memory_space<vmem_shared>>
          tpu.enqueue_indirect_dma source(%arg11 : memref<124x128xf32, #tpu.memory_space<vmem>>) target(%dma_start3A_264 : memref<10000x128xf32, #tpu.memory_space<vmem_shared>>) offsets(%dma_start3A_261 : memref<124xi32, #tpu.memory_space<vmem>>) semaphore(%run_scoped3A_258 : memref<!tpu.dma_semaphore, #tpu.memory_space<semaphore_mem>>) {add = true}
          %dma_wait3A_265 = arith.constant 0 : i32
          %dma_wait3A_266 = tpu.memref_slice %arg8[%run_scoped3A, %dma_wait3A_265] : memref<2x124xi32, #tpu.memory_space<vmem>> -> memref<1x124xi32, #tpu.memory_space<vmem>>
          %dma_wait3A_267 = tpu.memref_squeeze %dma_wait3A_266 : memref<1x124xi32, #tpu.memory_space<vmem>> -> memref<124xi32, #tpu.memory_space<vmem>>
          %dma_wait3A_268 = arith.constant 0 : i32
          %dma_wait3A_269 = arith.constant 0 : i32
          %dma_wait3A_270 = tpu.memref_slice %arg14[%dma_wait3A_268, %dma_wait3A_269] : memref<10000x128xf32, #tpu.memory_space<vmem_shared>> -> memref<10000x128xf32, #tpu.memory_space<vmem_shared>>
          tpu.wait_indirect_dma semaphore(%run_scoped3A_258 : memref<!tpu.dma_semaphore, #tpu.memory_space<semaphore_mem>>) src(%arg11 : memref<124x128xf32, #tpu.memory_space<vmem>>) dst(%dma_wait3A_270 : memref<10000x128xf32, #tpu.memory_space<vmem_shared>>)
          tpu.yield
        }) : () -> ()
        %add3A_170 = arith.constant 3 : i32
        %add3A_171 = arith.addi %add3A_144, %add3A_170 : i32
        %dma_start3A_172 = arith.constant 0 : i32
        %dma_start3A_173 = arith.constant 0 : i32
        %dma_start3A_174 = tpu.memref_slice %arg3[%arg1, %add3A_171, %dma_start3A_172, %dma_start3A_173] : memref<16x165x2x124xi32, #tpu.memory_space<hbm>> -> memref<1x1x2x124xi32, #tpu.memory_space<hbm>>
        %dma_start3A_175 = tpu.memref_squeeze %dma_start3A_174 : memref<1x1x2x124xi32, #tpu.memory_space<hbm>> -> memref<2x124xi32, #tpu.memory_space<hbm>>
        %dma_start3A_176 = arith.constant 0 : i32
        %dma_start3A_177 = arith.constant 0 : i32
        %dma_start3A_178 = tpu.memref_slice %arg3[%arg1, %add3A_171, %dma_start3A_176, %dma_start3A_177] : memref<16x165x2x124xi32, #tpu.memory_space<hbm>> -> memref<1x1x2x124xi32, #tpu.memory_space<hbm>>
        %dma_start3A_179 = tpu.memref_squeeze %dma_start3A_178 : memref<1x1x2x124xi32, #tpu.memory_space<hbm>> -> memref<2x124xi32, #tpu.memory_space<hbm>>
        tpu.enqueue_dma source(%dma_start3A_179 : memref<2x124xi32, #tpu.memory_space<hbm>>) target(%arg8 : memref<2x124xi32, #tpu.memory_space<vmem>>) target_semaphore(%arg15 : memref<!tpu.dma_semaphore, #tpu.memory_space<semaphore_mem>>)
        %add3A_180 = arith.constant 1 : i32
        %add3A_181 = arith.addi %mul3A_142, %add3A_180 : i32
        %add3A_182 = arith.constant 3 : i32
        %add3A_183 = arith.addi %add3A_181, %add3A_182 : i32
        %sub3A_184 = arith.constant 1 : i32
        %sub3A_185 = arith.subi %add3A_183, %sub3A_184 : i32
        %dma_wait3A_186 = arith.constant 0 : i32
        %dma_wait3A_187 = arith.constant 0 : i32
        %dma_wait3A_188 = tpu.memref_slice %arg3[%arg1, %sub3A_185, %dma_wait3A_186, %dma_wait3A_187] : memref<16x165x2x124xi32, #tpu.memory_space<hbm>> -> memref<1x1x2x124xi32, #tpu.memory_space<hbm>>
        %dma_wait3A_189 = tpu.memref_squeeze %dma_wait3A_188 : memref<1x1x2x124xi32, #tpu.memory_space<hbm>> -> memref<2x124xi32, #tpu.memory_space<hbm>>
        %dma_wait3A_190 = arith.constant 0 : i32
        %dma_wait3A_191 = arith.constant 0 : i32
        %dma_wait3A_192 = tpu.memref_slice %arg3[%arg1, %sub3A_185, %dma_wait3A_190, %dma_wait3A_191] : memref<16x165x2x124xi32, #tpu.memory_space<hbm>> -> memref<1x1x2x124xi32, #tpu.memory_space<hbm>>
        %dma_wait3A_193 = tpu.memref_squeeze %dma_wait3A_192 : memref<1x1x2x124xi32, #tpu.memory_space<hbm>> -> memref<2x124xi32, #tpu.memory_space<hbm>>
        tpu.wait_dma2 semaphore(%arg15 : memref<!tpu.dma_semaphore, #tpu.memory_space<semaphore_mem>>) src(%dma_wait3A_193 : memref<2x124xi32, #tpu.memory_space<hbm>>) dst(%arg8 : memref<2x124xi32, #tpu.memory_space<vmem>>)
        %dma_start3A_194 = arith.constant 0 : i32
        %dma_start3A_195 = arith.constant 0 : i32
        %dma_start3A_196 = tpu.memref_slice %arg8[%dma_start3A_194, %dma_start3A_195] : memref<2x124xi32, #tpu.memory_space<vmem>> -> memref<1x124xi32, #tpu.memory_space<vmem>>
        %dma_start3A_197 = tpu.memref_squeeze %dma_start3A_196 : memref<1x124xi32, #tpu.memory_space<vmem>> -> memref<124xi32, #tpu.memory_space<vmem>>
        %dma_start3A_198 = arith.constant 0 : i32
        %dma_start3A_199 = arith.constant 0 : i32
        %dma_start3A_200 = tpu.memref_slice %arg2[%dma_start3A_198, %dma_start3A_199] : memref<10008x128xf32, #tpu.memory_space<hbm>> -> memref<10008x128xf32, #tpu.memory_space<hbm>>
        tpu.enqueue_indirect_dma source(%dma_start3A_200 : memref<10008x128xf32, #tpu.memory_space<hbm>>) target(%arg11 : memref<124x128xf32, #tpu.memory_space<vmem>>) offsets(%dma_start3A_197 : memref<124xi32, #tpu.memory_space<vmem>>) semaphore(%arg18 : memref<!tpu.dma_semaphore, #tpu.memory_space<semaphore_mem>>)
        %dma_wait3A_201 = arith.constant 0 : i32
        %dma_wait3A_202 = arith.constant 0 : i32
        %dma_wait3A_203 = tpu.memref_slice %arg9[%dma_wait3A_201, %dma_wait3A_202] : memref<2x124xi32, #tpu.memory_space<vmem>> -> memref<1x124xi32, #tpu.memory_space<vmem>>
        %dma_wait3A_204 = tpu.memref_squeeze %dma_wait3A_203 : memref<1x124xi32, #tpu.memory_space<vmem>> -> memref<124xi32, #tpu.memory_space<vmem>>
        %dma_wait3A_205 = arith.constant 0 : i32
        %dma_wait3A_206 = arith.constant 0 : i32
        %dma_wait3A_207 = tpu.memref_slice %arg2[%dma_wait3A_205, %dma_wait3A_206] : memref<10008x128xf32, #tpu.memory_space<hbm>> -> memref<10008x128xf32, #tpu.memory_space<hbm>>
        tpu.wait_indirect_dma semaphore(%arg19 : memref<!tpu.dma_semaphore, #tpu.memory_space<semaphore_mem>>) src(%dma_wait3A_207 : memref<10008x128xf32, #tpu.memory_space<hbm>>) dst(%arg12 : memref<124x128xf32, #tpu.memory_space<vmem>>)
        %run_scoped3A_208 = arith.constant 1 : i32
        "tpu.region"() ({
          %run_scoped3A_258 = tpu.sem_alloc : memref<!tpu.dma_semaphore, #tpu.memory_space<semaphore_mem>>
          %dma_start3A_259 = arith.constant 0 : i32
          %dma_start3A_260 = tpu.memref_slice %arg9[%run_scoped3A_208, %dma_start3A_259] : memref<2x124xi32, #tpu.memory_space<vmem>> -> memref<1x124xi32, #tpu.memory_space<vmem>>
          %dma_start3A_261 = tpu.memref_squeeze %dma_start3A_260 : memref<1x124xi32, #tpu.memory_space<vmem>> -> memref<124xi32, #tpu.memory_space<vmem>>
          %dma_start3A_262 = arith.constant 0 : i32
          %dma_start3A_263 = arith.constant 0 : i32
          %dma_start3A_264 = tpu.memref_slice %arg14[%dma_start3A_262, %dma_start3A_263] : memref<10000x128xf32, #tpu.memory_space<vmem_shared>> -> memref<10000x128xf32, #tpu.memory_space<vmem_shared>>
          tpu.enqueue_indirect_dma source(%arg12 : memref<124x128xf32, #tpu.memory_space<vmem>>) target(%dma_start3A_264 : memref<10000x128xf32, #tpu.memory_space<vmem_shared>>) offsets(%dma_start3A_261 : memref<124xi32, #tpu.memory_space<vmem>>) semaphore(%run_scoped3A_258 : memref<!tpu.dma_semaphore, #tpu.memory_space<semaphore_mem>>) {add = true}
          %dma_wait3A_265 = arith.constant 0 : i32
          %dma_wait3A_266 = tpu.memref_slice %arg9[%run_scoped3A_208, %dma_wait3A_265] : memref<2x124xi32, #tpu.memory_space<vmem>> -> memref<1x124xi32, #tpu.memory_space<vmem>>
          %dma_wait3A_267 = tpu.memref_squeeze %dma_wait3A_266 : memref<1x124xi32, #tpu.memory_space<vmem>> -> memref<124xi32, #tpu.memory_space<vmem>>
          %dma_wait3A_268 = arith.constant 0 : i32
          %dma_wait3A_269 = arith.constant 0 : i32
          %dma_wait3A_270 = tpu.memref_slice %arg14[%dma_wait3A_268, %dma_wait3A_269] : memref<10000x128xf32, #tpu.memory_space<vmem_shared>> -> memref<10000x128xf32, #tpu.memory_space<vmem_shared>>
          tpu.wait_indirect_dma semaphore(%run_scoped3A_258 : memref<!tpu.dma_semaphore, #tpu.memory_space<semaphore_mem>>) src(%arg12 : memref<124x128xf32, #tpu.memory_space<vmem>>) dst(%dma_wait3A_270 : memref<10000x128xf32, #tpu.memory_space<vmem_shared>>)
          tpu.yield
        }) : () -> ()
        %add3A_209 = arith.constant 3 : i32
        %add3A_210 = arith.addi %add3A_181, %add3A_209 : i32
        %dma_start3A_211 = arith.constant 0 : i32
        %dma_start3A_212 = arith.constant 0 : i32
        %dma_start3A_213 = tpu.memref_slice %arg3[%arg1, %add3A_210, %dma_start3A_211, %dma_start3A_212] : memref<16x165x2x124xi32, #tpu.memory_space<hbm>> -> memref<1x1x2x124xi32, #tpu.memory_space<hbm>>
        %dma_start3A_214 = tpu.memref_squeeze %dma_start3A_213 : memref<1x1x2x124xi32, #tpu.memory_space<hbm>> -> memref<2x124xi32, #tpu.memory_space<hbm>>
        %dma_start3A_215 = arith.constant 0 : i32
        %dma_start3A_216 = arith.constant 0 : i32
        %dma_start3A_217 = tpu.memref_slice %arg3[%arg1, %add3A_210, %dma_start3A_215, %dma_start3A_216] : memref<16x165x2x124xi32, #tpu.memory_space<hbm>> -> memref<1x1x2x124xi32, #tpu.memory_space<hbm>>
        %dma_start3A_218 = tpu.memref_squeeze %dma_start3A_217 : memref<1x1x2x124xi32, #tpu.memory_space<hbm>> -> memref<2x124xi32, #tpu.memory_space<hbm>>
        tpu.enqueue_dma source(%dma_start3A_218 : memref<2x124xi32, #tpu.memory_space<hbm>>) target(%arg9 : memref<2x124xi32, #tpu.memory_space<vmem>>) target_semaphore(%arg16 : memref<!tpu.dma_semaphore, #tpu.memory_space<semaphore_mem>>)
        %add3A_219 = arith.constant 2 : i32
        %add3A_220 = arith.addi %mul3A_142, %add3A_219 : i32
        %add3A_221 = arith.constant 3 : i32
        %add3A_222 = arith.addi %add3A_220, %add3A_221 : i32
        %sub3A_223 = arith.constant 1 : i32
        %sub3A_224 = arith.subi %add3A_222, %sub3A_223 : i32
        %dma_wait3A_225 = arith.constant 0 : i32
        %dma_wait3A_226 = arith.constant 0 : i32
        %dma_wait3A_227 = tpu.memref_slice %arg3[%arg1, %sub3A_224, %dma_wait3A_225, %dma_wait3A_226] : memref<16x165x2x124xi32, #tpu.memory_space<hbm>> -> memref<1x1x2x124xi32, #tpu.memory_space<hbm>>
        %dma_wait3A_228 = tpu.memref_squeeze %dma_wait3A_227 : memref<1x1x2x124xi32, #tpu.memory_space<hbm>> -> memref<2x124xi32, #tpu.memory_space<hbm>>
        %dma_wait3A_229 = arith.constant 0 : i32
        %dma_wait3A_230 = arith.constant 0 : i32
        %dma_wait3A_231 = tpu.memref_slice %arg3[%arg1, %sub3A_224, %dma_wait3A_229, %dma_wait3A_230] : memref<16x165x2x124xi32, #tpu.memory_space<hbm>> -> memref<1x1x2x124xi32, #tpu.memory_space<hbm>>
        %dma_wait3A_232 = tpu.memref_squeeze %dma_wait3A_231 : memref<1x1x2x124xi32, #tpu.memory_space<hbm>> -> memref<2x124xi32, #tpu.memory_space<hbm>>
        tpu.wait_dma2 semaphore(%arg16 : memref<!tpu.dma_semaphore, #tpu.memory_space<semaphore_mem>>) src(%dma_wait3A_232 : memref<2x124xi32, #tpu.memory_space<hbm>>) dst(%arg9 : memref<2x124xi32, #tpu.memory_space<vmem>>)
        %dma_start3A_233 = arith.constant 0 : i32
        %dma_start3A_234 = arith.constant 0 : i32
        %dma_start3A_235 = tpu.memref_slice %arg9[%dma_start3A_233, %dma_start3A_234] : memref<2x124xi32, #tpu.memory_space<vmem>> -> memref<1x124xi32, #tpu.memory_space<vmem>>
        %dma_start3A_236 = tpu.memref_squeeze %dma_start3A_235 : memref<1x124xi32, #tpu.memory_space<vmem>> -> memref<124xi32, #tpu.memory_space<vmem>>
        %dma_start3A_237 = arith.constant 0 : i32
        %dma_start3A_238 = arith.constant 0 : i32
        %dma_start3A_239 = tpu.memref_slice %arg2[%dma_start3A_237, %dma_start3A_238] : memref<10008x128xf32, #tpu.memory_space<hbm>> -> memref<10008x128xf32, #tpu.memory_space<hbm>>
        tpu.enqueue_indirect_dma source(%dma_start3A_239 : memref<10008x128xf32, #tpu.memory_space<hbm>>) target(%arg12 : memref<124x128xf32, #tpu.memory_space<vmem>>) offsets(%dma_start3A_236 : memref<124xi32, #tpu.memory_space<vmem>>) semaphore(%arg19 : memref<!tpu.dma_semaphore, #tpu.memory_space<semaphore_mem>>)
        %dma_wait3A_240 = arith.constant 0 : i32
        %dma_wait3A_241 = arith.constant 0 : i32
        %dma_wait3A_242 = tpu.memref_slice %arg10[%dma_wait3A_240, %dma_wait3A_241] : memref<2x124xi32, #tpu.memory_space<vmem>> -> memref<1x124xi32, #tpu.memory_space<vmem>>
        %dma_wait3A_243 = tpu.memref_squeeze %dma_wait3A_242 : memref<1x124xi32, #tpu.memory_space<vmem>> -> memref<124xi32, #tpu.memory_space<vmem>>
        %dma_wait3A_244 = arith.constant 0 : i32
        %dma_wait3A_245 = arith.constant 0 : i32
        %dma_wait3A_246 = tpu.memref_slice %arg2[%dma_wait3A_244, %dma_wait3A_245] : memref<10008x128xf32, #tpu.memory_space<hbm>> -> memref<10008x128xf32, #tpu.memory_space<hbm>>
        tpu.wait_indirect_dma semaphore(%arg20 : memref<!tpu.dma_semaphore, #tpu.memory_space<semaphore_mem>>) src(%dma_wait3A_246 : memref<10008x128xf32, #tpu.memory_space<hbm>>) dst(%arg13 : memref<124x128xf32, #tpu.memory_space<vmem>>)
        %run_scoped3A_247 = arith.constant 1 : i32
        "tpu.region"() ({
          %run_scoped3A_258 = tpu.sem_alloc : memref<!tpu.dma_semaphore, #tpu.memory_space<semaphore_mem>>
          %dma_start3A_259 = arith.constant 0 : i32
          %dma_start3A_260 = tpu.memref_slice %arg10[%run_scoped3A_247, %dma_start3A_259] : memref<2x124xi32, #tpu.memory_space<vmem>> -> memref<1x124xi32, #tpu.memory_space<vmem>>
          %dma_start3A_261 = tpu.memref_squeeze %dma_start3A_260 : memref<1x124xi32, #tpu.memory_space<vmem>> -> memref<124xi32, #tpu.memory_space<vmem>>
          %dma_start3A_262 = arith.constant 0 : i32
          %dma_start3A_263 = arith.constant 0 : i32
          %dma_start3A_264 = tpu.memref_slice %arg14[%dma_start3A_262, %dma_start3A_263] : memref<10000x128xf32, #tpu.memory_space<vmem_shared>> -> memref<10000x128xf32, #tpu.memory_space<vmem_shared>>
          tpu.enqueue_indirect_dma source(%arg13 : memref<124x128xf32, #tpu.memory_space<vmem>>) target(%dma_start3A_264 : memref<10000x128xf32, #tpu.memory_space<vmem_shared>>) offsets(%dma_start3A_261 : memref<124xi32, #tpu.memory_space<vmem>>) semaphore(%run_scoped3A_258 : memref<!tpu.dma_semaphore, #tpu.memory_space<semaphore_mem>>) {add = true}
          %dma_wait3A_265 = arith.constant 0 : i32
          %dma_wait3A_266 = tpu.memref_slice %arg10[%run_scoped3A_247, %dma_wait3A_265] : memref<2x124xi32, #tpu.memory_space<vmem>> -> memref<1x124xi32, #tpu.memory_space<vmem>>
          %dma_wait3A_267 = tpu.memref_squeeze %dma_wait3A_266 : memref<1x124xi32, #tpu.memory_space<vmem>> -> memref<124xi32, #tpu.memory_space<vmem>>
          %dma_wait3A_268 = arith.constant 0 : i32
          %dma_wait3A_269 = arith.constant 0 : i32
          %dma_wait3A_270 = tpu.memref_slice %arg14[%dma_wait3A_268, %dma_wait3A_269] : memref<10000x128xf32, #tpu.memory_space<vmem_shared>> -> memref<10000x128xf32, #tpu.memory_space<vmem_shared>>
          tpu.wait_indirect_dma semaphore(%run_scoped3A_258 : memref<!tpu.dma_semaphore, #tpu.memory_space<semaphore_mem>>) src(%arg13 : memref<124x128xf32, #tpu.memory_space<vmem>>) dst(%dma_wait3A_270 : memref<10000x128xf32, #tpu.memory_space<vmem_shared>>)
          tpu.yield
        }) : () -> ()
        %add3A_248 = arith.constant 3 : i32
        %add3A_249 = arith.addi %add3A_220, %add3A_248 : i32
        %dma_start3A_250 = arith.constant 0 : i32
        %dma_start3A_251 = arith.constant 0 : i32
        %dma_start3A_252 = tpu.memref_slice %arg3[%arg1, %add3A_249, %dma_start3A_250, %dma_start3A_251] : memref<16x165x2x124xi32, #tpu.memory_space<hbm>> -> memref<1x1x2x124xi32, #tpu.memory_space<hbm>>
        %dma_start3A_253 = tpu.memref_squeeze %dma_start3A_252 : memref<1x1x2x124xi32, #tpu.memory_space<hbm>> -> memref<2x124xi32, #tpu.memory_space<hbm>>
        %dma_start3A_254 = arith.constant 0 : i32
        %dma_start3A_255 = arith.constant 0 : i32
        %dma_start3A_256 = tpu.memref_slice %arg3[%arg1, %add3A_249, %dma_start3A_254, %dma_start3A_255] : memref<16x165x2x124xi32, #tpu.memory_space<hbm>> -> memref<1x1x2x124xi32, #tpu.memory_space<hbm>>
        %dma_start3A_257 = tpu.memref_squeeze %dma_start3A_256 : memref<1x1x2x124xi32, #tpu.memory_space<hbm>> -> memref<2x124xi32, #tpu.memory_space<hbm>>
        tpu.enqueue_dma source(%dma_start3A_257 : memref<2x124xi32, #tpu.memory_space<hbm>>) target(%arg10 : memref<2x124xi32, #tpu.memory_space<vmem>>) target_semaphore(%arg17 : memref<!tpu.dma_semaphore, #tpu.memory_space<semaphore_mem>>)
      }
      %scan3A_116 = arith.constant 54 : i32
      %dma_wait3A_117 = arith.constant 0 : i32
      %dma_wait3A_118 = arith.constant 0 : i32
      %dma_wait3A_119 = tpu.memref_slice %arg8[%dma_wait3A_117, %dma_wait3A_118] : memref<2x124xi32, #tpu.memory_space<vmem>> -> memref<1x124xi32, #tpu.memory_space<vmem>>
      %dma_wait3A_120 = tpu.memref_squeeze %dma_wait3A_119 : memref<1x124xi32, #tpu.memory_space<vmem>> -> memref<124xi32, #tpu.memory_space<vmem>>
      %dma_wait3A_121 = arith.constant 0 : i32
      %dma_wait3A_122 = arith.constant 0 : i32
      %dma_wait3A_123 = tpu.memref_slice %arg2[%dma_wait3A_121, %dma_wait3A_122] : memref<10008x128xf32, #tpu.memory_space<hbm>> -> memref<10008x128xf32, #tpu.memory_space<hbm>>
      tpu.wait_indirect_dma semaphore(%arg18 : memref<!tpu.dma_semaphore, #tpu.memory_space<semaphore_mem>>) src(%dma_wait3A_123 : memref<10008x128xf32, #tpu.memory_space<hbm>>) dst(%arg11 : memref<124x128xf32, #tpu.memory_space<vmem>>)
      %dma_wait3A_124 = arith.constant 0 : i32
      %dma_wait3A_125 = arith.constant 0 : i32
      %dma_wait3A_126 = tpu.memref_slice %arg9[%dma_wait3A_124, %dma_wait3A_125] : memref<2x124xi32, #tpu.memory_space<vmem>> -> memref<1x124xi32, #tpu.memory_space<vmem>>
      %dma_wait3A_127 = tpu.memref_squeeze %dma_wait3A_126 : memref<1x124xi32, #tpu.memory_space<vmem>> -> memref<124xi32, #tpu.memory_space<vmem>>
      %dma_wait3A_128 = arith.constant 0 : i32
      %dma_wait3A_129 = arith.constant 0 : i32
      %dma_wait3A_130 = tpu.memref_slice %arg2[%dma_wait3A_128, %dma_wait3A_129] : memref<10008x128xf32, #tpu.memory_space<hbm>> -> memref<10008x128xf32, #tpu.memory_space<hbm>>
      tpu.wait_indirect_dma semaphore(%arg19 : memref<!tpu.dma_semaphore, #tpu.memory_space<semaphore_mem>>) src(%dma_wait3A_130 : memref<10008x128xf32, #tpu.memory_space<hbm>>) dst(%arg12 : memref<124x128xf32, #tpu.memory_space<vmem>>)
      %dma_wait3A_131 = arith.constant 164 : i32
      %dma_wait3A_132 = arith.constant 0 : i32
      %dma_wait3A_133 = arith.constant 0 : i32
      %dma_wait3A_134 = tpu.memref_slice %arg3[%arg1, %dma_wait3A_131, %dma_wait3A_132, %dma_wait3A_133] : memref<16x165x2x124xi32, #tpu.memory_space<hbm>> -> memref<1x1x2x124xi32, #tpu.memory_space<hbm>>
      %dma_wait3A_135 = tpu.memref_squeeze %dma_wait3A_134 : memref<1x1x2x124xi32, #tpu.memory_space<hbm>> -> memref<2x124xi32, #tpu.memory_space<hbm>>
      %dma_wait3A_136 = arith.constant 0 : i32
      %dma_wait3A_137 = arith.constant 0 : i32
      %dma_wait3A_138 = tpu.memref_slice %arg3[%arg1, %dma_wait3A_131, %dma_wait3A_136, %dma_wait3A_137] : memref<16x165x2x124xi32, #tpu.memory_space<hbm>> -> memref<1x1x2x124xi32, #tpu.memory_space<hbm>>
      %dma_wait3A_139 = tpu.memref_squeeze %dma_wait3A_138 : memref<1x1x2x124xi32, #tpu.memory_space<hbm>> -> memref<2x124xi32, #tpu.memory_space<hbm>>
      tpu.wait_dma2 semaphore(%arg17 : memref<!tpu.dma_semaphore, #tpu.memory_space<semaphore_mem>>) src(%dma_wait3A_139 : memref<2x124xi32, #tpu.memory_space<hbm>>) dst(%arg10 : memref<2x124xi32, #tpu.memory_space<vmem>>)
    } else {
    }
    %eq3A_38 = arith.constant 1 : i32
    %eq3A_39 = arith.cmpi eq, %arg0, %eq3A_38 : i32
    %convert_element_type3A_40 = arith.extui %eq3A_39 : i1 to i32
    %cond3A_41 = arith.constant 0 : i32
    %cond3A_42 = arith.cmpi ne, %convert_element_type3A_40, %cond3A_41 : i32
    scf.if %cond3A_42 {
      %dma_start3A = arith.constant 0 : i32
      %dma_start3A_54 = arith.constant 0 : i32
      %dma_start3A_55 = arith.constant 0 : i32
      %dma_start3A_56 = tpu.memref_slice %arg5[%arg1, %dma_start3A, %dma_start3A_54, %dma_start3A_55] : memref<16x165x2x124xi32, #tpu.memory_space<hbm>> -> memref<1x1x2x124xi32, #tpu.memory_space<hbm>>
      %dma_start3A_57 = tpu.memref_squeeze %dma_start3A_56 : memref<1x1x2x124xi32, #tpu.memory_space<hbm>> -> memref<2x124xi32, #tpu.memory_space<hbm>>
      %dma_start3A_58 = arith.constant 0 : i32
      %dma_start3A_59 = arith.constant 0 : i32
      %dma_start3A_60 = tpu.memref_slice %arg5[%arg1, %dma_start3A, %dma_start3A_58, %dma_start3A_59] : memref<16x165x2x124xi32, #tpu.memory_space<hbm>> -> memref<1x1x2x124xi32, #tpu.memory_space<hbm>>
      %dma_start3A_61 = tpu.memref_squeeze %dma_start3A_60 : memref<1x1x2x124xi32, #tpu.memory_space<hbm>> -> memref<2x124xi32, #tpu.memory_space<hbm>>
      tpu.enqueue_dma source(%dma_start3A_61 : memref<2x124xi32, #tpu.memory_space<hbm>>) target(%arg8 : memref<2x124xi32, #tpu.memory_space<vmem>>) target_semaphore(%arg15 : memref<!tpu.dma_semaphore, #tpu.memory_space<semaphore_mem>>)
      %dma_start3A_62 = arith.constant 1 : i32
      %dma_start3A_63 = arith.constant 0 : i32
      %dma_start3A_64 = arith.constant 0 : i32
      %dma_start3A_65 = tpu.memref_slice %arg5[%arg1, %dma_start3A_62, %dma_start3A_63, %dma_start3A_64] : memref<16x165x2x124xi32, #tpu.memory_space<hbm>> -> memref<1x1x2x124xi32, #tpu.memory_space<hbm>>
      %dma_start3A_66 = tpu.memref_squeeze %dma_start3A_65 : memref<1x1x2x124xi32, #tpu.memory_space<hbm>> -> memref<2x124xi32, #tpu.memory_space<hbm>>
      %dma_start3A_67 = arith.constant 0 : i32
      %dma_start3A_68 = arith.constant 0 : i32
      %dma_start3A_69 = tpu.memref_slice %arg5[%arg1, %dma_start3A_62, %dma_start3A_67, %dma_start3A_68] : memref<16x165x2x124xi32, #tpu.memory_space<hbm>> -> memref<1x1x2x124xi32, #tpu.memory_space<hbm>>
      %dma_start3A_70 = tpu.memref_squeeze %dma_start3A_69 : memref<1x1x2x124xi32, #tpu.memory_space<hbm>> -> memref<2x124xi32, #tpu.memory_space<hbm>>
      tpu.enqueue_dma source(%dma_start3A_70 : memref<2x124xi32, #tpu.memory_space<hbm>>) target(%arg9 : memref<2x124xi32, #tpu.memory_space<vmem>>) target_semaphore(%arg16 : memref<!tpu.dma_semaphore, #tpu.memory_space<semaphore_mem>>)
      %dma_start3A_71 = arith.constant 2 : i32
      %dma_start3A_72 = arith.constant 0 : i32
      %dma_start3A_73 = arith.constant 0 : i32
      %dma_start3A_74 = tpu.memref_slice %arg5[%arg1, %dma_start3A_71, %dma_start3A_72, %dma_start3A_73] : memref<16x165x2x124xi32, #tpu.memory_space<hbm>> -> memref<1x1x2x124xi32, #tpu.memory_space<hbm>>
      %dma_start3A_75 = tpu.memref_squeeze %dma_start3A_74 : memref<1x1x2x124xi32, #tpu.memory_space<hbm>> -> memref<2x124xi32, #tpu.memory_space<hbm>>
      %dma_start3A_76 = arith.constant 0 : i32
      %dma_start3A_77 = arith.constant 0 : i32
      %dma_start3A_78 = tpu.memref_slice %arg5[%arg1, %dma_start3A_71, %dma_start3A_76, %dma_start3A_77] : memref<16x165x2x124xi32, #tpu.memory_space<hbm>> -> memref<1x1x2x124xi32, #tpu.memory_space<hbm>>
      %dma_start3A_79 = tpu.memref_squeeze %dma_start3A_78 : memref<1x1x2x124xi32, #tpu.memory_space<hbm>> -> memref<2x124xi32, #tpu.memory_space<hbm>>
      tpu.enqueue_dma source(%dma_start3A_79 : memref<2x124xi32, #tpu.memory_space<hbm>>) target(%arg10 : memref<2x124xi32, #tpu.memory_space<vmem>>) target_semaphore(%arg17 : memref<!tpu.dma_semaphore, #tpu.memory_space<semaphore_mem>>)
      %dma_wait3A = arith.constant 0 : i32
      %dma_wait3A_80 = arith.constant 0 : i32
      %dma_wait3A_81 = arith.constant 0 : i32
      %dma_wait3A_82 = tpu.memref_slice %arg5[%arg1, %dma_wait3A, %dma_wait3A_80, %dma_wait3A_81] : memref<16x165x2x124xi32, #tpu.memory_space<hbm>> -> memref<1x1x2x124xi32, #tpu.memory_space<hbm>>
      %dma_wait3A_83 = tpu.memref_squeeze %dma_wait3A_82 : memref<1x1x2x124xi32, #tpu.memory_space<hbm>> -> memref<2x124xi32, #tpu.memory_space<hbm>>
      %dma_wait3A_84 = arith.constant 0 : i32
      %dma_wait3A_85 = arith.constant 0 : i32
      %dma_wait3A_86 = tpu.memref_slice %arg5[%arg1, %dma_wait3A, %dma_wait3A_84, %dma_wait3A_85] : memref<16x165x2x124xi32, #tpu.memory_space<hbm>> -> memref<1x1x2x124xi32, #tpu.memory_space<hbm>>
      %dma_wait3A_87 = tpu.memref_squeeze %dma_wait3A_86 : memref<1x1x2x124xi32, #tpu.memory_space<hbm>> -> memref<2x124xi32, #tpu.memory_space<hbm>>
      tpu.wait_dma2 semaphore(%arg15 : memref<!tpu.dma_semaphore, #tpu.memory_space<semaphore_mem>>) src(%dma_wait3A_87 : memref<2x124xi32, #tpu.memory_space<hbm>>) dst(%arg8 : memref<2x124xi32, #tpu.memory_space<vmem>>)
      %dma_start3A_88 = arith.constant 0 : i32
      %dma_start3A_89 = arith.constant 0 : i32
      %dma_start3A_90 = tpu.memref_slice %arg8[%dma_start3A_88, %dma_start3A_89] : memref<2x124xi32, #tpu.memory_space<vmem>> -> memref<1x124xi32, #tpu.memory_space<vmem>>
      %dma_start3A_91 = tpu.memref_squeeze %dma_start3A_90 : memref<1x124xi32, #tpu.memory_space<vmem>> -> memref<124xi32, #tpu.memory_space<vmem>>
      %dma_start3A_92 = arith.constant 0 : i32
      %dma_start3A_93 = arith.constant 0 : i32
      %dma_start3A_94 = tpu.memref_slice %arg4[%dma_start3A_92, %dma_start3A_93] : memref<10008x128xf32, #tpu.memory_space<hbm>> -> memref<10008x128xf32, #tpu.memory_space<hbm>>
      tpu.enqueue_indirect_dma source(%dma_start3A_94 : memref<10008x128xf32, #tpu.memory_space<hbm>>) target(%arg11 : memref<124x128xf32, #tpu.memory_space<vmem>>) offsets(%dma_start3A_91 : memref<124xi32, #tpu.memory_space<vmem>>) semaphore(%arg18 : memref<!tpu.dma_semaphore, #tpu.memory_space<semaphore_mem>>)
      %dma_wait3A_95 = arith.constant 1 : i32
      %dma_wait3A_96 = arith.constant 0 : i32
      %dma_wait3A_97 = arith.constant 0 : i32
      %dma_wait3A_98 = tpu.memref_slice %arg5[%arg1, %dma_wait3A_95, %dma_wait3A_96, %dma_wait3A_97] : memref<16x165x2x124xi32, #tpu.memory_space<hbm>> -> memref<1x1x2x124xi32, #tpu.memory_space<hbm>>
      %dma_wait3A_99 = tpu.memref_squeeze %dma_wait3A_98 : memref<1x1x2x124xi32, #tpu.memory_space<hbm>> -> memref<2x124xi32, #tpu.memory_space<hbm>>
      %dma_wait3A_100 = arith.constant 0 : i32
      %dma_wait3A_101 = arith.constant 0 : i32
      %dma_wait3A_102 = tpu.memref_slice %arg5[%arg1, %dma_wait3A_95, %dma_wait3A_100, %dma_wait3A_101] : memref<16x165x2x124xi32, #tpu.memory_space<hbm>> -> memref<1x1x2x124xi32, #tpu.memory_space<hbm>>
      %dma_wait3A_103 = tpu.memref_squeeze %dma_wait3A_102 : memref<1x1x2x124xi32, #tpu.memory_space<hbm>> -> memref<2x124xi32, #tpu.memory_space<hbm>>
      tpu.wait_dma2 semaphore(%arg16 : memref<!tpu.dma_semaphore, #tpu.memory_space<semaphore_mem>>) src(%dma_wait3A_103 : memref<2x124xi32, #tpu.memory_space<hbm>>) dst(%arg9 : memref<2x124xi32, #tpu.memory_space<vmem>>)
      %dma_start3A_104 = arith.constant 0 : i32
      %dma_start3A_105 = arith.constant 0 : i32
      %dma_start3A_106 = tpu.memref_slice %arg9[%dma_start3A_104, %dma_start3A_105] : memref<2x124xi32, #tpu.memory_space<vmem>> -> memref<1x124xi32, #tpu.memory_space<vmem>>
      %dma_start3A_107 = tpu.memref_squeeze %dma_start3A_106 : memref<1x124xi32, #tpu.memory_space<vmem>> -> memref<124xi32, #tpu.memory_space<vmem>>
      %dma_start3A_108 = arith.constant 0 : i32
      %dma_start3A_109 = arith.constant 0 : i32
      %dma_start3A_110 = tpu.memref_slice %arg4[%dma_start3A_108, %dma_start3A_109] : memref<10008x128xf32, #tpu.memory_space<hbm>> -> memref<10008x128xf32, #tpu.memory_space<hbm>>
      tpu.enqueue_indirect_dma source(%dma_start3A_110 : memref<10008x128xf32, #tpu.memory_space<hbm>>) target(%arg12 : memref<124x128xf32, #tpu.memory_space<vmem>>) offsets(%dma_start3A_107 : memref<124xi32, #tpu.memory_space<vmem>>) semaphore(%arg19 : memref<!tpu.dma_semaphore, #tpu.memory_space<semaphore_mem>>)
      %scan3A_111 = arith.constant 0 : i32
      %scan3A_112 = arith.constant 0 : i32
      %scan3A_113 = arith.constant 54 : i32
      %scan3A_114 = arith.addi %scan3A_112, %scan3A_113 : i32
      %scan3A_115 = arith.constant 1 : i32
      scf.for %scan3A_140 = %scan3A_112 to %scan3A_114 step %scan3A_115  : i32 {
        %mul3A_141 = arith.constant 3 : i32
        %mul3A_142 = arith.muli %mul3A_141, %scan3A_140 : i32
        %add3A_143 = arith.constant 0 : i32
        %add3A_144 = arith.addi %mul3A_142, %add3A_143 : i32
        %add3A_145 = arith.constant 3 : i32
        %add3A_146 = arith.addi %add3A_144, %add3A_145 : i32
        %sub3A = arith.constant 1 : i32
        %sub3A_147 = arith.subi %add3A_146, %sub3A : i32
        %dma_wait3A_148 = arith.constant 0 : i32
        %dma_wait3A_149 = arith.constant 0 : i32
        %dma_wait3A_150 = tpu.memref_slice %arg5[%arg1, %sub3A_147, %dma_wait3A_148, %dma_wait3A_149] : memref<16x165x2x124xi32, #tpu.memory_space<hbm>> -> memref<1x1x2x124xi32, #tpu.memory_space<hbm>>
        %dma_wait3A_151 = tpu.memref_squeeze %dma_wait3A_150 : memref<1x1x2x124xi32, #tpu.memory_space<hbm>> -> memref<2x124xi32, #tpu.memory_space<hbm>>
        %dma_wait3A_152 = arith.constant 0 : i32
        %dma_wait3A_153 = arith.constant 0 : i32
        %dma_wait3A_154 = tpu.memref_slice %arg5[%arg1, %sub3A_147, %dma_wait3A_152, %dma_wait3A_153] : memref<16x165x2x124xi32, #tpu.memory_space<hbm>> -> memref<1x1x2x124xi32, #tpu.memory_space<hbm>>
        %dma_wait3A_155 = tpu.memref_squeeze %dma_wait3A_154 : memref<1x1x2x124xi32, #tpu.memory_space<hbm>> -> memref<2x124xi32, #tpu.memory_space<hbm>>
        tpu.wait_dma2 semaphore(%arg17 : memref<!tpu.dma_semaphore, #tpu.memory_space<semaphore_mem>>) src(%dma_wait3A_155 : memref<2x124xi32, #tpu.memory_space<hbm>>) dst(%arg10 : memref<2x124xi32, #tpu.memory_space<vmem>>)
        %dma_start3A_156 = arith.constant 0 : i32
        %dma_start3A_157 = arith.constant 0 : i32
        %dma_start3A_158 = tpu.memref_slice %arg10[%dma_start3A_156, %dma_start3A_157] : memref<2x124xi32, #tpu.memory_space<vmem>> -> memref<1x124xi32, #tpu.memory_space<vmem>>
        %dma_start3A_159 = tpu.memref_squeeze %dma_start3A_158 : memref<1x124xi32, #tpu.memory_space<vmem>> -> memref<124xi32, #tpu.memory_space<vmem>>
        %dma_start3A_160 = arith.constant 0 : i32
        %dma_start3A_161 = arith.constant 0 : i32
        %dma_start3A_162 = tpu.memref_slice %arg4[%dma_start3A_160, %dma_start3A_161] : memref<10008x128xf32, #tpu.memory_space<hbm>> -> memref<10008x128xf32, #tpu.memory_space<hbm>>
        tpu.enqueue_indirect_dma source(%dma_start3A_162 : memref<10008x128xf32, #tpu.memory_space<hbm>>) target(%arg13 : memref<124x128xf32, #tpu.memory_space<vmem>>) offsets(%dma_start3A_159 : memref<124xi32, #tpu.memory_space<vmem>>) semaphore(%arg20 : memref<!tpu.dma_semaphore, #tpu.memory_space<semaphore_mem>>)
        %dma_wait3A_163 = arith.constant 0 : i32
        %dma_wait3A_164 = arith.constant 0 : i32
        %dma_wait3A_165 = tpu.memref_slice %arg8[%dma_wait3A_163, %dma_wait3A_164] : memref<2x124xi32, #tpu.memory_space<vmem>> -> memref<1x124xi32, #tpu.memory_space<vmem>>
        %dma_wait3A_166 = tpu.memref_squeeze %dma_wait3A_165 : memref<1x124xi32, #tpu.memory_space<vmem>> -> memref<124xi32, #tpu.memory_space<vmem>>
        %dma_wait3A_167 = arith.constant 0 : i32
        %dma_wait3A_168 = arith.constant 0 : i32
        %dma_wait3A_169 = tpu.memref_slice %arg4[%dma_wait3A_167, %dma_wait3A_168] : memref<10008x128xf32, #tpu.memory_space<hbm>> -> memref<10008x128xf32, #tpu.memory_space<hbm>>
        tpu.wait_indirect_dma semaphore(%arg18 : memref<!tpu.dma_semaphore, #tpu.memory_space<semaphore_mem>>) src(%dma_wait3A_169 : memref<10008x128xf32, #tpu.memory_space<hbm>>) dst(%arg11 : memref<124x128xf32, #tpu.memory_space<vmem>>)
        %run_scoped3A = arith.constant 1 : i32
        "tpu.region"() ({
          %run_scoped3A_258 = tpu.sem_alloc : memref<!tpu.dma_semaphore, #tpu.memory_space<semaphore_mem>>
          %dma_start3A_259 = arith.constant 0 : i32
          %dma_start3A_260 = tpu.memref_slice %arg8[%run_scoped3A, %dma_start3A_259] : memref<2x124xi32, #tpu.memory_space<vmem>> -> memref<1x124xi32, #tpu.memory_space<vmem>>
          %dma_start3A_261 = tpu.memref_squeeze %dma_start3A_260 : memref<1x124xi32, #tpu.memory_space<vmem>> -> memref<124xi32, #tpu.memory_space<vmem>>
          %dma_start3A_262 = arith.constant 0 : i32
          %dma_start3A_263 = arith.constant 0 : i32
          %dma_start3A_264 = tpu.memref_slice %arg14[%dma_start3A_262, %dma_start3A_263] : memref<10000x128xf32, #tpu.memory_space<vmem_shared>> -> memref<10000x128xf32, #tpu.memory_space<vmem_shared>>
          tpu.enqueue_indirect_dma source(%arg11 : memref<124x128xf32, #tpu.memory_space<vmem>>) target(%dma_start3A_264 : memref<10000x128xf32, #tpu.memory_space<vmem_shared>>) offsets(%dma_start3A_261 : memref<124xi32, #tpu.memory_space<vmem>>) semaphore(%run_scoped3A_258 : memref<!tpu.dma_semaphore, #tpu.memory_space<semaphore_mem>>) {add = true}
          %dma_wait3A_265 = arith.constant 0 : i32
          %dma_wait3A_266 = tpu.memref_slice %arg8[%run_scoped3A, %dma_wait3A_265] : memref<2x124xi32, #tpu.memory_space<vmem>> -> memref<1x124xi32, #tpu.memory_space<vmem>>
          %dma_wait3A_267 = tpu.memref_squeeze %dma_wait3A_266 : memref<1x124xi32, #tpu.memory_space<vmem>> -> memref<124xi32, #tpu.memory_space<vmem>>
          %dma_wait3A_268 = arith.constant 0 : i32
          %dma_wait3A_269 = arith.constant 0 : i32
          %dma_wait3A_270 = tpu.memref_slice %arg14[%dma_wait3A_268, %dma_wait3A_269] : memref<10000x128xf32, #tpu.memory_space<vmem_shared>> -> memref<10000x128xf32, #tpu.memory_space<vmem_shared>>
          tpu.wait_indirect_dma semaphore(%run_scoped3A_258 : memref<!tpu.dma_semaphore, #tpu.memory_space<semaphore_mem>>) src(%arg11 : memref<124x128xf32, #tpu.memory_space<vmem>>) dst(%dma_wait3A_270 : memref<10000x128xf32, #tpu.memory_space<vmem_shared>>)
          tpu.yield
        }) : () -> ()
        %add3A_170 = arith.constant 3 : i32
        %add3A_171 = arith.addi %add3A_144, %add3A_170 : i32
        %dma_start3A_172 = arith.constant 0 : i32
        %dma_start3A_173 = arith.constant 0 : i32
        %dma_start3A_174 = tpu.memref_slice %arg5[%arg1, %add3A_171, %dma_start3A_172, %dma_start3A_173] : memref<16x165x2x124xi32, #tpu.memory_space<hbm>> -> memref<1x1x2x124xi32, #tpu.memory_space<hbm>>
        %dma_start3A_175 = tpu.memref_squeeze %dma_start3A_174 : memref<1x1x2x124xi32, #tpu.memory_space<hbm>> -> memref<2x124xi32, #tpu.memory_space<hbm>>
        %dma_start3A_176 = arith.constant 0 : i32
        %dma_start3A_177 = arith.constant 0 : i32
        %dma_start3A_178 = tpu.memref_slice %arg5[%arg1, %add3A_171, %dma_start3A_176, %dma_start3A_177] : memref<16x165x2x124xi32, #tpu.memory_space<hbm>> -> memref<1x1x2x124xi32, #tpu.memory_space<hbm>>
        %dma_start3A_179 = tpu.memref_squeeze %dma_start3A_178 : memref<1x1x2x124xi32, #tpu.memory_space<hbm>> -> memref<2x124xi32, #tpu.memory_space<hbm>>
        tpu.enqueue_dma source(%dma_start3A_179 : memref<2x124xi32, #tpu.memory_space<hbm>>) target(%arg8 : memref<2x124xi32, #tpu.memory_space<vmem>>) target_semaphore(%arg15 : memref<!tpu.dma_semaphore, #tpu.memory_space<semaphore_mem>>)
        %add3A_180 = arith.constant 1 : i32
        %add3A_181 = arith.addi %mul3A_142, %add3A_180 : i32
        %add3A_182 = arith.constant 3 : i32
        %add3A_183 = arith.addi %add3A_181, %add3A_182 : i32
        %sub3A_184 = arith.constant 1 : i32
        %sub3A_185 = arith.subi %add3A_183, %sub3A_184 : i32
        %dma_wait3A_186 = arith.constant 0 : i32
        %dma_wait3A_187 = arith.constant 0 : i32
        %dma_wait3A_188 = tpu.memref_slice %arg5[%arg1, %sub3A_185, %dma_wait3A_186, %dma_wait3A_187] : memref<16x165x2x124xi32, #tpu.memory_space<hbm>> -> memref<1x1x2x124xi32, #tpu.memory_space<hbm>>
        %dma_wait3A_189 = tpu.memref_squeeze %dma_wait3A_188 : memref<1x1x2x124xi32, #tpu.memory_space<hbm>> -> memref<2x124xi32, #tpu.memory_space<hbm>>
        %dma_wait3A_190 = arith.constant 0 : i32
        %dma_wait3A_191 = arith.constant 0 : i32
        %dma_wait3A_192 = tpu.memref_slice %arg5[%arg1, %sub3A_185, %dma_wait3A_190, %dma_wait3A_191] : memref<16x165x2x124xi32, #tpu.memory_space<hbm>> -> memref<1x1x2x124xi32, #tpu.memory_space<hbm>>
        %dma_wait3A_193 = tpu.memref_squeeze %dma_wait3A_192 : memref<1x1x2x124xi32, #tpu.memory_space<hbm>> -> memref<2x124xi32, #tpu.memory_space<hbm>>
        tpu.wait_dma2 semaphore(%arg15 : memref<!tpu.dma_semaphore, #tpu.memory_space<semaphore_mem>>) src(%dma_wait3A_193 : memref<2x124xi32, #tpu.memory_space<hbm>>) dst(%arg8 : memref<2x124xi32, #tpu.memory_space<vmem>>)
        %dma_start3A_194 = arith.constant 0 : i32
        %dma_start3A_195 = arith.constant 0 : i32
        %dma_start3A_196 = tpu.memref_slice %arg8[%dma_start3A_194, %dma_start3A_195] : memref<2x124xi32, #tpu.memory_space<vmem>> -> memref<1x124xi32, #tpu.memory_space<vmem>>
        %dma_start3A_197 = tpu.memref_squeeze %dma_start3A_196 : memref<1x124xi32, #tpu.memory_space<vmem>> -> memref<124xi32, #tpu.memory_space<vmem>>
        %dma_start3A_198 = arith.constant 0 : i32
        %dma_start3A_199 = arith.constant 0 : i32
        %dma_start3A_200 = tpu.memref_slice %arg4[%dma_start3A_198, %dma_start3A_199] : memref<10008x128xf32, #tpu.memory_space<hbm>> -> memref<10008x128xf32, #tpu.memory_space<hbm>>
        tpu.enqueue_indirect_dma source(%dma_start3A_200 : memref<10008x128xf32, #tpu.memory_space<hbm>>) target(%arg11 : memref<124x128xf32, #tpu.memory_space<vmem>>) offsets(%dma_start3A_197 : memref<124xi32, #tpu.memory_space<vmem>>) semaphore(%arg18 : memref<!tpu.dma_semaphore, #tpu.memory_space<semaphore_mem>>)
        %dma_wait3A_201 = arith.constant 0 : i32
        %dma_wait3A_202 = arith.constant 0 : i32
        %dma_wait3A_203 = tpu.memref_slice %arg9[%dma_wait3A_201, %dma_wait3A_202] : memref<2x124xi32, #tpu.memory_space<vmem>> -> memref<1x124xi32, #tpu.memory_space<vmem>>
        %dma_wait3A_204 = tpu.memref_squeeze %dma_wait3A_203 : memref<1x124xi32, #tpu.memory_space<vmem>> -> memref<124xi32, #tpu.memory_space<vmem>>
        %dma_wait3A_205 = arith.constant 0 : i32
        %dma_wait3A_206 = arith.constant 0 : i32
        %dma_wait3A_207 = tpu.memref_slice %arg4[%dma_wait3A_205, %dma_wait3A_206] : memref<10008x128xf32, #tpu.memory_space<hbm>> -> memref<10008x128xf32, #tpu.memory_space<hbm>>
        tpu.wait_indirect_dma semaphore(%arg19 : memref<!tpu.dma_semaphore, #tpu.memory_space<semaphore_mem>>) src(%dma_wait3A_207 : memref<10008x128xf32, #tpu.memory_space<hbm>>) dst(%arg12 : memref<124x128xf32, #tpu.memory_space<vmem>>)
        %run_scoped3A_208 = arith.constant 1 : i32
        "tpu.region"() ({
          %run_scoped3A_258 = tpu.sem_alloc : memref<!tpu.dma_semaphore, #tpu.memory_space<semaphore_mem>>
          %dma_start3A_259 = arith.constant 0 : i32
          %dma_start3A_260 = tpu.memref_slice %arg9[%run_scoped3A_208, %dma_start3A_259] : memref<2x124xi32, #tpu.memory_space<vmem>> -> memref<1x124xi32, #tpu.memory_space<vmem>>
          %dma_start3A_261 = tpu.memref_squeeze %dma_start3A_260 : memref<1x124xi32, #tpu.memory_space<vmem>> -> memref<124xi32, #tpu.memory_space<vmem>>
          %dma_start3A_262 = arith.constant 0 : i32
          %dma_start3A_263 = arith.constant 0 : i32
          %dma_start3A_264 = tpu.memref_slice %arg14[%dma_start3A_262, %dma_start3A_263] : memref<10000x128xf32, #tpu.memory_space<vmem_shared>> -> memref<10000x128xf32, #tpu.memory_space<vmem_shared>>
          tpu.enqueue_indirect_dma source(%arg12 : memref<124x128xf32, #tpu.memory_space<vmem>>) target(%dma_start3A_264 : memref<10000x128xf32, #tpu.memory_space<vmem_shared>>) offsets(%dma_start3A_261 : memref<124xi32, #tpu.memory_space<vmem>>) semaphore(%run_scoped3A_258 : memref<!tpu.dma_semaphore, #tpu.memory_space<semaphore_mem>>) {add = true}
          %dma_wait3A_265 = arith.constant 0 : i32
          %dma_wait3A_266 = tpu.memref_slice %arg9[%run_scoped3A_208, %dma_wait3A_265] : memref<2x124xi32, #tpu.memory_space<vmem>> -> memref<1x124xi32, #tpu.memory_space<vmem>>
          %dma_wait3A_267 = tpu.memref_squeeze %dma_wait3A_266 : memref<1x124xi32, #tpu.memory_space<vmem>> -> memref<124xi32, #tpu.memory_space<vmem>>
          %dma_wait3A_268 = arith.constant 0 : i32
          %dma_wait3A_269 = arith.constant 0 : i32
          %dma_wait3A_270 = tpu.memref_slice %arg14[%dma_wait3A_268, %dma_wait3A_269] : memref<10000x128xf32, #tpu.memory_space<vmem_shared>> -> memref<10000x128xf32, #tpu.memory_space<vmem_shared>>
          tpu.wait_indirect_dma semaphore(%run_scoped3A_258 : memref<!tpu.dma_semaphore, #tpu.memory_space<semaphore_mem>>) src(%arg12 : memref<124x128xf32, #tpu.memory_space<vmem>>) dst(%dma_wait3A_270 : memref<10000x128xf32, #tpu.memory_space<vmem_shared>>)
          tpu.yield
        }) : () -> ()
        %add3A_209 = arith.constant 3 : i32
        %add3A_210 = arith.addi %add3A_181, %add3A_209 : i32
        %dma_start3A_211 = arith.constant 0 : i32
        %dma_start3A_212 = arith.constant 0 : i32
        %dma_start3A_213 = tpu.memref_slice %arg5[%arg1, %add3A_210, %dma_start3A_211, %dma_start3A_212] : memref<16x165x2x124xi32, #tpu.memory_space<hbm>> -> memref<1x1x2x124xi32, #tpu.memory_space<hbm>>
        %dma_start3A_214 = tpu.memref_squeeze %dma_start3A_213 : memref<1x1x2x124xi32, #tpu.memory_space<hbm>> -> memref<2x124xi32, #tpu.memory_space<hbm>>
        %dma_start3A_215 = arith.constant 0 : i32
        %dma_start3A_216 = arith.constant 0 : i32
        %dma_start3A_217 = tpu.memref_slice %arg5[%arg1, %add3A_210, %dma_start3A_215, %dma_start3A_216] : memref<16x165x2x124xi32, #tpu.memory_space<hbm>> -> memref<1x1x2x124xi32, #tpu.memory_space<hbm>>
        %dma_start3A_218 = tpu.memref_squeeze %dma_start3A_217 : memref<1x1x2x124xi32, #tpu.memory_space<hbm>> -> memref<2x124xi32, #tpu.memory_space<hbm>>
        tpu.enqueue_dma source(%dma_start3A_218 : memref<2x124xi32, #tpu.memory_space<hbm>>) target(%arg9 : memref<2x124xi32, #tpu.memory_space<vmem>>) target_semaphore(%arg16 : memref<!tpu.dma_semaphore, #tpu.memory_space<semaphore_mem>>)
        %add3A_219 = arith.constant 2 : i32
        %add3A_220 = arith.addi %mul3A_142, %add3A_219 : i32
        %add3A_221 = arith.constant 3 : i32
        %add3A_222 = arith.addi %add3A_220, %add3A_221 : i32
        %sub3A_223 = arith.constant 1 : i32
        %sub3A_224 = arith.subi %add3A_222, %sub3A_223 : i32
        %dma_wait3A_225 = arith.constant 0 : i32
        %dma_wait3A_226 = arith.constant 0 : i32
        %dma_wait3A_227 = tpu.memref_slice %arg5[%arg1, %sub3A_224, %dma_wait3A_225, %dma_wait3A_226] : memref<16x165x2x124xi32, #tpu.memory_space<hbm>> -> memref<1x1x2x124xi32, #tpu.memory_space<hbm>>
        %dma_wait3A_228 = tpu.memref_squeeze %dma_wait3A_227 : memref<1x1x2x124xi32, #tpu.memory_space<hbm>> -> memref<2x124xi32, #tpu.memory_space<hbm>>
        %dma_wait3A_229 = arith.constant 0 : i32
        %dma_wait3A_230 = arith.constant 0 : i32
        %dma_wait3A_231 = tpu.memref_slice %arg5[%arg1, %sub3A_224, %dma_wait3A_229, %dma_wait3A_230] : memref<16x165x2x124xi32, #tpu.memory_space<hbm>> -> memref<1x1x2x124xi32, #tpu.memory_space<hbm>>
        %dma_wait3A_232 = tpu.memref_squeeze %dma_wait3A_231 : memref<1x1x2x124xi32, #tpu.memory_space<hbm>> -> memref<2x124xi32, #tpu.memory_space<hbm>>
        tpu.wait_dma2 semaphore(%arg16 : memref<!tpu.dma_semaphore, #tpu.memory_space<semaphore_mem>>) src(%dma_wait3A_232 : memref<2x124xi32, #tpu.memory_space<hbm>>) dst(%arg9 : memref<2x124xi32, #tpu.memory_space<vmem>>)
        %dma_start3A_233 = arith.constant 0 : i32
        %dma_start3A_234 = arith.constant 0 : i32
        %dma_start3A_235 = tpu.memref_slice %arg9[%dma_start3A_233, %dma_start3A_234] : memref<2x124xi32, #tpu.memory_space<vmem>> -> memref<1x124xi32, #tpu.memory_space<vmem>>
        %dma_start3A_236 = tpu.memref_squeeze %dma_start3A_235 : memref<1x124xi32, #tpu.memory_space<vmem>> -> memref<124xi32, #tpu.memory_space<vmem>>
        %dma_start3A_237 = arith.constant 0 : i32
        %dma_start3A_238 = arith.constant 0 : i32
        %dma_start3A_239 = tpu.memref_slice %arg4[%dma_start3A_237, %dma_start3A_238] : memref<10008x128xf32, #tpu.memory_space<hbm>> -> memref<10008x128xf32, #tpu.memory_space<hbm>>
        tpu.enqueue_indirect_dma source(%dma_start3A_239 : memref<10008x128xf32, #tpu.memory_space<hbm>>) target(%arg12 : memref<124x128xf32, #tpu.memory_space<vmem>>) offsets(%dma_start3A_236 : memref<124xi32, #tpu.memory_space<vmem>>) semaphore(%arg19 : memref<!tpu.dma_semaphore, #tpu.memory_space<semaphore_mem>>)
        %dma_wait3A_240 = arith.constant 0 : i32
        %dma_wait3A_241 = arith.constant 0 : i32
        %dma_wait3A_242 = tpu.memref_slice %arg10[%dma_wait3A_240, %dma_wait3A_241] : memref<2x124xi32, #tpu.memory_space<vmem>> -> memref<1x124xi32, #tpu.memory_space<vmem>>
        %dma_wait3A_243 = tpu.memref_squeeze %dma_wait3A_242 : memref<1x124xi32, #tpu.memory_space<vmem>> -> memref<124xi32, #tpu.memory_space<vmem>>
        %dma_wait3A_244 = arith.constant 0 : i32
        %dma_wait3A_245 = arith.constant 0 : i32
        %dma_wait3A_246 = tpu.memref_slice %arg4[%dma_wait3A_244, %dma_wait3A_245] : memref<10008x128xf32, #tpu.memory_space<hbm>> -> memref<10008x128xf32, #tpu.memory_space<hbm>>
        tpu.wait_indirect_dma semaphore(%arg20 : memref<!tpu.dma_semaphore, #tpu.memory_space<semaphore_mem>>) src(%dma_wait3A_246 : memref<10008x128xf32, #tpu.memory_space<hbm>>) dst(%arg13 : memref<124x128xf32, #tpu.memory_space<vmem>>)
        %run_scoped3A_247 = arith.constant 1 : i32
        "tpu.region"() ({
          %run_scoped3A_258 = tpu.sem_alloc : memref<!tpu.dma_semaphore, #tpu.memory_space<semaphore_mem>>
          %dma_start3A_259 = arith.constant 0 : i32
          %dma_start3A_260 = tpu.memref_slice %arg10[%run_scoped3A_247, %dma_start3A_259] : memref<2x124xi32, #tpu.memory_space<vmem>> -> memref<1x124xi32, #tpu.memory_space<vmem>>
          %dma_start3A_261 = tpu.memref_squeeze %dma_start3A_260 : memref<1x124xi32, #tpu.memory_space<vmem>> -> memref<124xi32, #tpu.memory_space<vmem>>
          %dma_start3A_262 = arith.constant 0 : i32
          %dma_start3A_263 = arith.constant 0 : i32
          %dma_start3A_264 = tpu.memref_slice %arg14[%dma_start3A_262, %dma_start3A_263] : memref<10000x128xf32, #tpu.memory_space<vmem_shared>> -> memref<10000x128xf32, #tpu.memory_space<vmem_shared>>
          tpu.enqueue_indirect_dma source(%arg13 : memref<124x128xf32, #tpu.memory_space<vmem>>) target(%dma_start3A_264 : memref<10000x128xf32, #tpu.memory_space<vmem_shared>>) offsets(%dma_start3A_261 : memref<124xi32, #tpu.memory_space<vmem>>) semaphore(%run_scoped3A_258 : memref<!tpu.dma_semaphore, #tpu.memory_space<semaphore_mem>>) {add = true}
          %dma_wait3A_265 = arith.constant 0 : i32
          %dma_wait3A_266 = tpu.memref_slice %arg10[%run_scoped3A_247, %dma_wait3A_265] : memref<2x124xi32, #tpu.memory_space<vmem>> -> memref<1x124xi32, #tpu.memory_space<vmem>>
          %dma_wait3A_267 = tpu.memref_squeeze %dma_wait3A_266 : memref<1x124xi32, #tpu.memory_space<vmem>> -> memref<124xi32, #tpu.memory_space<vmem>>
          %dma_wait3A_268 = arith.constant 0 : i32
          %dma_wait3A_269 = arith.constant 0 : i32
          %dma_wait3A_270 = tpu.memref_slice %arg14[%dma_wait3A_268, %dma_wait3A_269] : memref<10000x128xf32, #tpu.memory_space<vmem_shared>> -> memref<10000x128xf32, #tpu.memory_space<vmem_shared>>
          tpu.wait_indirect_dma semaphore(%run_scoped3A_258 : memref<!tpu.dma_semaphore, #tpu.memory_space<semaphore_mem>>) src(%arg13 : memref<124x128xf32, #tpu.memory_space<vmem>>) dst(%dma_wait3A_270 : memref<10000x128xf32, #tpu.memory_space<vmem_shared>>)
          tpu.yield
        }) : () -> ()
        %add3A_248 = arith.constant 3 : i32
        %add3A_249 = arith.addi %add3A_220, %add3A_248 : i32
        %dma_start3A_250 = arith.constant 0 : i32
        %dma_start3A_251 = arith.constant 0 : i32
        %dma_start3A_252 = tpu.memref_slice %arg5[%arg1, %add3A_249, %dma_start3A_250, %dma_start3A_251] : memref<16x165x2x124xi32, #tpu.memory_space<hbm>> -> memref<1x1x2x124xi32, #tpu.memory_space<hbm>>
        %dma_start3A_253 = tpu.memref_squeeze %dma_start3A_252 : memref<1x1x2x124xi32, #tpu.memory_space<hbm>> -> memref<2x124xi32, #tpu.memory_space<hbm>>
        %dma_start3A_254 = arith.constant 0 : i32
        %dma_start3A_255 = arith.constant 0 : i32
        %dma_start3A_256 = tpu.memref_slice %arg5[%arg1, %add3A_249, %dma_start3A_254, %dma_start3A_255] : memref<16x165x2x124xi32, #tpu.memory_space<hbm>> -> memref<1x1x2x124xi32, #tpu.memory_space<hbm>>
        %dma_start3A_257 = tpu.memref_squeeze %dma_start3A_256 : memref<1x1x2x124xi32, #tpu.memory_space<hbm>> -> memref<2x124xi32, #tpu.memory_space<hbm>>
        tpu.enqueue_dma source(%dma_start3A_257 : memref<2x124xi32, #tpu.memory_space<hbm>>) target(%arg10 : memref<2x124xi32, #tpu.memory_space<vmem>>) target_semaphore(%arg17 : memref<!tpu.dma_semaphore, #tpu.memory_space<semaphore_mem>>)
      }
      %scan3A_116 = arith.constant 54 : i32
      %dma_wait3A_117 = arith.constant 0 : i32
      %dma_wait3A_118 = arith.constant 0 : i32
      %dma_wait3A_119 = tpu.memref_slice %arg8[%dma_wait3A_117, %dma_wait3A_118] : memref<2x124xi32, #tpu.memory_space<vmem>> -> memref<1x124xi32, #tpu.memory_space<vmem>>
      %dma_wait3A_120 = tpu.memref_squeeze %dma_wait3A_119 : memref<1x124xi32, #tpu.memory_space<vmem>> -> memref<124xi32, #tpu.memory_space<vmem>>
      %dma_wait3A_121 = arith.constant 0 : i32
      %dma_wait3A_122 = arith.constant 0 : i32
      %dma_wait3A_123 = tpu.memref_slice %arg4[%dma_wait3A_121, %dma_wait3A_122] : memref<10008x128xf32, #tpu.memory_space<hbm>> -> memref<10008x128xf32, #tpu.memory_space<hbm>>
      tpu.wait_indirect_dma semaphore(%arg18 : memref<!tpu.dma_semaphore, #tpu.memory_space<semaphore_mem>>) src(%dma_wait3A_123 : memref<10008x128xf32, #tpu.memory_space<hbm>>) dst(%arg11 : memref<124x128xf32, #tpu.memory_space<vmem>>)
      %dma_wait3A_124 = arith.constant 0 : i32
      %dma_wait3A_125 = arith.constant 0 : i32
      %dma_wait3A_126 = tpu.memref_slice %arg9[%dma_wait3A_124, %dma_wait3A_125] : memref<2x124xi32, #tpu.memory_space<vmem>> -> memref<1x124xi32, #tpu.memory_space<vmem>>
      %dma_wait3A_127 = tpu.memref_squeeze %dma_wait3A_126 : memref<1x124xi32, #tpu.memory_space<vmem>> -> memref<124xi32, #tpu.memory_space<vmem>>
      %dma_wait3A_128 = arith.constant 0 : i32
      %dma_wait3A_129 = arith.constant 0 : i32
      %dma_wait3A_130 = tpu.memref_slice %arg4[%dma_wait3A_128, %dma_wait3A_129] : memref<10008x128xf32, #tpu.memory_space<hbm>> -> memref<10008x128xf32, #tpu.memory_space<hbm>>
      tpu.wait_indirect_dma semaphore(%arg19 : memref<!tpu.dma_semaphore, #tpu.memory_space<semaphore_mem>>) src(%dma_wait3A_130 : memref<10008x128xf32, #tpu.memory_space<hbm>>) dst(%arg12 : memref<124x128xf32, #tpu.memory_space<vmem>>)
      %dma_wait3A_131 = arith.constant 164 : i32
      %dma_wait3A_132 = arith.constant 0 : i32
      %dma_wait3A_133 = arith.constant 0 : i32
      %dma_wait3A_134 = tpu.memref_slice %arg5[%arg1, %dma_wait3A_131, %dma_wait3A_132, %dma_wait3A_133] : memref<16x165x2x124xi32, #tpu.memory_space<hbm>> -> memref<1x1x2x124xi32, #tpu.memory_space<hbm>>
      %dma_wait3A_135 = tpu.memref_squeeze %dma_wait3A_134 : memref<1x1x2x124xi32, #tpu.memory_space<hbm>> -> memref<2x124xi32, #tpu.memory_space<hbm>>
      %dma_wait3A_136 = arith.constant 0 : i32
      %dma_wait3A_137 = arith.constant 0 : i32
      %dma_wait3A_138 = tpu.memref_slice %arg5[%arg1, %dma_wait3A_131, %dma_wait3A_136, %dma_wait3A_137] : memref<16x165x2x124xi32, #tpu.memory_space<hbm>> -> memref<1x1x2x124xi32, #tpu.memory_space<hbm>>
      %dma_wait3A_139 = tpu.memref_squeeze %dma_wait3A_138 : memref<1x1x2x124xi32, #tpu.memory_space<hbm>> -> memref<2x124xi32, #tpu.memory_space<hbm>>
      tpu.wait_dma2 semaphore(%arg17 : memref<!tpu.dma_semaphore, #tpu.memory_space<semaphore_mem>>) src(%dma_wait3A_139 : memref<2x124xi32, #tpu.memory_space<hbm>>) dst(%arg10 : memref<2x124xi32, #tpu.memory_space<vmem>>)
    } else {
    }
    %barrier3A_43 = arith.constant 0 : index
    tpu.barrier barrier_id(%barrier3A_43)
    %eq3A_44 = arith.constant 0 : i32
    %eq3A_45 = arith.cmpi eq, %arg0, %eq3A_44 : i32
    %convert_element_type3A_46 = arith.extui %eq3A_45 : i1 to i32
    %cond3A_47 = arith.constant 0 : i32
    %cond3A_48 = arith.cmpi ne, %convert_element_type3A_46, %cond3A_47 : i32
    scf.if %cond3A_48 {
      "tpu.region"() ({
        %run_scoped3A = tpu.sem_alloc : memref<!tpu.dma_semaphore, #tpu.memory_space<semaphore_mem>>
        %dma_start3A = arith.constant 0 : i32
        %dma_start3A_59 = tpu.memref_slice %arg6[%mul3A_0, %dma_start3A] : memref<10000x128xf32, #tpu.memory_space<hbm>> -> memref<624x128xf32, #tpu.memory_space<hbm>>
        %dma_start3A_60 = arith.constant 0 : i32
        %dma_start3A_61 = tpu.memref_slice %arg14[%mul3A_0, %dma_start3A_60] : memref<10000x128xf32, #tpu.memory_space<vmem_shared>> -> memref<624x128xf32, #tpu.memory_space<vmem_shared>>
        tpu.enqueue_dma source(%dma_start3A_61 : memref<624x128xf32, #tpu.memory_space<vmem_shared>>) target(%dma_start3A_59 : memref<624x128xf32, #tpu.memory_space<hbm>>) target_semaphore(%run_scoped3A : memref<!tpu.dma_semaphore, #tpu.memory_space<semaphore_mem>>)
        %dma_wait3A = arith.constant 0 : i32
        %dma_wait3A_62 = tpu.memref_slice %arg6[%mul3A_0, %dma_wait3A] : memref<10000x128xf32, #tpu.memory_space<hbm>> -> memref<624x128xf32, #tpu.memory_space<hbm>>
        %dma_wait3A_63 = arith.constant 0 : i32
        %dma_wait3A_64 = tpu.memref_slice %arg14[%mul3A_0, %dma_wait3A_63] : memref<10000x128xf32, #tpu.memory_space<vmem_shared>> -> memref<624x128xf32, #tpu.memory_space<vmem_shared>>
        tpu.wait_dma2 semaphore(%run_scoped3A : memref<!tpu.dma_semaphore, #tpu.memory_space<semaphore_mem>>) src(%dma_wait3A_64 : memref<624x128xf32, #tpu.memory_space<vmem_shared>>) dst(%dma_wait3A_62 : memref<624x128xf32, #tpu.memory_space<hbm>>)
        tpu.yield
      }) : () -> ()
      %eq3A_54 = arith.constant 15 : i32
      %eq3A_55 = arith.cmpi eq, %arg1, %eq3A_54 : i32
      %convert_element_type3A_56 = arith.extui %eq3A_55 : i1 to i32
      %cond3A_57 = arith.constant 0 : i32
      %cond3A_58 = arith.cmpi ne, %convert_element_type3A_56, %cond3A_57 : i32
      scf.if %cond3A_58 {
        "tpu.region"() ({
          %run_scoped3A = tpu.sem_alloc : memref<!tpu.dma_semaphore, #tpu.memory_space<semaphore_mem>>
          %dma_start3A = arith.constant 9984 : i32
          %dma_start3A_59 = arith.constant 0 : i32
          %dma_start3A_60 = tpu.memref_slice %arg6[%dma_start3A, %dma_start3A_59] : memref<10000x128xf32, #tpu.memory_space<hbm>> -> memref<16x128xf32, #tpu.memory_space<hbm>>
          %dma_start3A_61 = arith.constant 9984 : i32
          %dma_start3A_62 = arith.constant 0 : i32
          %dma_start3A_63 = tpu.memref_slice %arg14[%dma_start3A_61, %dma_start3A_62] : memref<10000x128xf32, #tpu.memory_space<vmem_shared>> -> memref<16x128xf32, #tpu.memory_space<vmem_shared>>
          tpu.enqueue_dma source(%dma_start3A_63 : memref<16x128xf32, #tpu.memory_space<vmem_shared>>) target(%dma_start3A_60 : memref<16x128xf32, #tpu.memory_space<hbm>>) target_semaphore(%run_scoped3A : memref<!tpu.dma_semaphore, #tpu.memory_space<semaphore_mem>>)
          %dma_wait3A = arith.constant 9984 : i32
          %dma_wait3A_64 = arith.constant 0 : i32
          %dma_wait3A_65 = tpu.memref_slice %arg6[%dma_wait3A, %dma_wait3A_64] : memref<10000x128xf32, #tpu.memory_space<hbm>> -> memref<16x128xf32, #tpu.memory_space<hbm>>
          %dma_wait3A_66 = arith.constant 9984 : i32
          %dma_wait3A_67 = arith.constant 0 : i32
          %dma_wait3A_68 = tpu.memref_slice %arg14[%dma_wait3A_66, %dma_wait3A_67] : memref<10000x128xf32, #tpu.memory_space<vmem_shared>> -> memref<16x128xf32, #tpu.memory_space<vmem_shared>>
          tpu.wait_dma2 semaphore(%run_scoped3A : memref<!tpu.dma_semaphore, #tpu.memory_space<semaphore_mem>>) src(%dma_wait3A_68 : memref<16x128xf32, #tpu.memory_space<vmem_shared>>) dst(%dma_wait3A_65 : memref<16x128xf32, #tpu.memory_space<hbm>>)
          tpu.yield
        }) : () -> ()
      } else {
      }
    } else {
    }
    %eq3A_49 = arith.constant 1 : i32
    %eq3A_50 = arith.cmpi eq, %arg0, %eq3A_49 : i32
    %convert_element_type3A_51 = arith.extui %eq3A_50 : i1 to i32
    %cond3A_52 = arith.constant 0 : i32
    %cond3A_53 = arith.cmpi ne, %convert_element_type3A_51, %cond3A_52 : i32
    scf.if %cond3A_53 {
      "tpu.region"() ({
        %run_scoped3A = tpu.sem_alloc : memref<!tpu.dma_semaphore, #tpu.memory_space<semaphore_mem>>
        %dma_start3A = arith.constant 0 : i32
        %dma_start3A_59 = tpu.memref_slice %arg7[%mul3A_0, %dma_start3A] : memref<10000x128xf32, #tpu.memory_space<hbm>> -> memref<624x128xf32, #tpu.memory_space<hbm>>
        %dma_start3A_60 = arith.constant 0 : i32
        %dma_start3A_61 = tpu.memref_slice %arg14[%mul3A_0, %dma_start3A_60] : memref<10000x128xf32, #tpu.memory_space<vmem_shared>> -> memref<624x128xf32, #tpu.memory_space<vmem_shared>>
        tpu.enqueue_dma source(%dma_start3A_61 : memref<624x128xf32, #tpu.memory_space<vmem_shared>>) target(%dma_start3A_59 : memref<624x128xf32, #tpu.memory_space<hbm>>) target_semaphore(%run_scoped3A : memref<!tpu.dma_semaphore, #tpu.memory_space<semaphore_mem>>)
        %dma_wait3A = arith.constant 0 : i32
        %dma_wait3A_62 = tpu.memref_slice %arg7[%mul3A_0, %dma_wait3A] : memref<10000x128xf32, #tpu.memory_space<hbm>> -> memref<624x128xf32, #tpu.memory_space<hbm>>
        %dma_wait3A_63 = arith.constant 0 : i32
        %dma_wait3A_64 = tpu.memref_slice %arg14[%mul3A_0, %dma_wait3A_63] : memref<10000x128xf32, #tpu.memory_space<vmem_shared>> -> memref<624x128xf32, #tpu.memory_space<vmem_shared>>
        tpu.wait_dma2 semaphore(%run_scoped3A : memref<!tpu.dma_semaphore, #tpu.memory_space<semaphore_mem>>) src(%dma_wait3A_64 : memref<624x128xf32, #tpu.memory_space<vmem_shared>>) dst(%dma_wait3A_62 : memref<624x128xf32, #tpu.memory_space<hbm>>)
        tpu.yield
      }) : () -> ()
      %eq3A_54 = arith.constant 15 : i32
      %eq3A_55 = arith.cmpi eq, %arg1, %eq3A_54 : i32
      %convert_element_type3A_56 = arith.extui %eq3A_55 : i1 to i32
      %cond3A_57 = arith.constant 0 : i32
      %cond3A_58 = arith.cmpi ne, %convert_element_type3A_56, %cond3A_57 : i32
      scf.if %cond3A_58 {
        "tpu.region"() ({
          %run_scoped3A = tpu.sem_alloc : memref<!tpu.dma_semaphore, #tpu.memory_space<semaphore_mem>>
          %dma_start3A = arith.constant 9984 : i32
          %dma_start3A_59 = arith.constant 0 : i32
          %dma_start3A_60 = tpu.memref_slice %arg7[%dma_start3A, %dma_start3A_59] : memref<10000x128xf32, #tpu.memory_space<hbm>> -> memref<16x128xf32, #tpu.memory_space<hbm>>
          %dma_start3A_61 = arith.constant 9984 : i32
          %dma_start3A_62 = arith.constant 0 : i32
          %dma_start3A_63 = tpu.memref_slice %arg14[%dma_start3A_61, %dma_start3A_62] : memref<10000x128xf32, #tpu.memory_space<vmem_shared>> -> memref<16x128xf32, #tpu.memory_space<vmem_shared>>
          tpu.enqueue_dma source(%dma_start3A_63 : memref<16x128xf32, #tpu.memory_space<vmem_shared>>) target(%dma_start3A_60 : memref<16x128xf32, #tpu.memory_space<hbm>>) target_semaphore(%run_scoped3A : memref<!tpu.dma_semaphore, #tpu.memory_space<semaphore_mem>>)
          %dma_wait3A = arith.constant 9984 : i32
          %dma_wait3A_64 = arith.constant 0 : i32
          %dma_wait3A_65 = tpu.memref_slice %arg7[%dma_wait3A, %dma_wait3A_64] : memref<10000x128xf32, #tpu.memory_space<hbm>> -> memref<16x128xf32, #tpu.memory_space<hbm>>
          %dma_wait3A_66 = arith.constant 9984 : i32
          %dma_wait3A_67 = arith.constant 0 : i32
          %dma_wait3A_68 = tpu.memref_slice %arg14[%dma_wait3A_66, %dma_wait3A_67] : memref<10000x128xf32, #tpu.memory_space<vmem_shared>> -> memref<16x128xf32, #tpu.memory_space<vmem_shared>>
          tpu.wait_dma2 semaphore(%run_scoped3A : memref<!tpu.dma_semaphore, #tpu.memory_space<semaphore_mem>>) src(%dma_wait3A_68 : memref<16x128xf32, #tpu.memory_space<vmem_shared>>) dst(%dma_wait3A_65 : memref<16x128xf32, #tpu.memory_space<hbm>>)
          tpu.yield
        }) : () -> ()
      } else {
      }
    } else {
    }
    return
  }
}

module attributes {stable_mosaic.version = 14 : i64} {
  func.func @_pre_body(%arg0: i32, %arg1: memref<1000x128xf32, #tpu.memory_space<vmem>>, %arg2: memref<1000x128xf32, #tpu.memory_space<vmem>>, %arg3: memref<1000x16xf32, #tpu.memory_space<vmem>>, %arg4: memref<1000x16xf32, #tpu.memory_space<vmem>>, %arg5: memref<128x128xf32, #tpu.memory_space<vmem>>, %arg6: memref<1x128xf32, #tpu.memory_space<vmem>>, %arg7: memref<128x128xf32, #tpu.memory_space<vmem>>, %arg8: memref<1x128xf32, #tpu.memory_space<vmem>>, %arg9: memref<16x128xf32, #tpu.memory_space<vmem>>, %arg10: memref<1x128xf32, #tpu.memory_space<vmem>>, %arg11: memref<16x128xf32, #tpu.memory_space<vmem>>, %arg12: memref<1x128xf32, #tpu.memory_space<vmem>>, %arg13: memref<128x128xf32, #tpu.memory_space<vmem>>, %arg14: memref<128x128xf32, #tpu.memory_space<vmem>>, %arg15: memref<128x128xf32, #tpu.memory_space<vmem>>, %arg16: memref<128x128xf32, #tpu.memory_space<vmem>>, %arg17: memref<1000x128xf32, #tpu.memory_space<vmem>>, %arg18: memref<1000x128xf32, #tpu.memory_space<vmem>>, %arg19: memref<1000x128xf32, #tpu.memory_space<vmem>>, %arg20: memref<1000x128xf32, #tpu.memory_space<vmem>>, %arg21: memref<1000x128xf32, #tpu.memory_space<vmem>>, %arg22: memref<1000x128xf32, #tpu.memory_space<vmem>>) attributes {dimension_semantics = [#tpu.dimension_semantics<arbitrary>], iteration_bounds = array<i64: 10>, scalar_prefetch = 0 : i64, scratch_operands = 0 : i64, tpu.core_type = #tpu.core_type<tc>, window_params = [{transform_indices = @transform_0, window_bounds = array<i64: 1000, 128>}, {transform_indices = @transform_1, window_bounds = array<i64: 1000, 128>}, {transform_indices = @transform_2, window_bounds = array<i64: 1000, 16>}, {transform_indices = @transform_3, window_bounds = array<i64: 1000, 16>}, {pipeline_mode = #tpu.pipeline_mode<synchronous>, transform_indices = @transform_4, window_bounds = array<i64: 128, 128>}, {pipeline_mode = #tpu.pipeline_mode<synchronous>, transform_indices = @transform_5, window_bounds = array<i64: 1, 128>}, {pipeline_mode = #tpu.pipeline_mode<synchronous>, transform_indices = @transform_6, window_bounds = array<i64: 128, 128>}, {pipeline_mode = #tpu.pipeline_mode<synchronous>, transform_indices = @transform_7, window_bounds = array<i64: 1, 128>}, {pipeline_mode = #tpu.pipeline_mode<synchronous>, transform_indices = @transform_8, window_bounds = array<i64: 16, 128>}, {pipeline_mode = #tpu.pipeline_mode<synchronous>, transform_indices = @transform_9, window_bounds = array<i64: 1, 128>}, {pipeline_mode = #tpu.pipeline_mode<synchronous>, transform_indices = @transform_10, window_bounds = array<i64: 16, 128>}, {pipeline_mode = #tpu.pipeline_mode<synchronous>, transform_indices = @transform_11, window_bounds = array<i64: 1, 128>}, {pipeline_mode = #tpu.pipeline_mode<synchronous>, transform_indices = @transform_12, window_bounds = array<i64: 128, 128>}, {pipeline_mode = #tpu.pipeline_mode<synchronous>, transform_indices = @transform_13, window_bounds = array<i64: 128, 128>}, {pipeline_mode = #tpu.pipeline_mode<synchronous>, transform_indices = @transform_14, window_bounds = array<i64: 128, 128>}, {pipeline_mode = #tpu.pipeline_mode<synchronous>, transform_indices = @transform_15, window_bounds = array<i64: 128, 128>}, {transform_indices = @transform_16, window_bounds = array<i64: 1000, 128>}, {transform_indices = @transform_17, window_bounds = array<i64: 1000, 128>}, {transform_indices = @transform_18, window_bounds = array<i64: 1000, 128>}, {transform_indices = @transform_19, window_bounds = array<i64: 1000, 128>}, {transform_indices = @transform_20, window_bounds = array<i64: 1000, 128>}, {transform_indices = @transform_21, window_bounds = array<i64: 1000, 128>}]} {
    %get3A = arith.constant 0 : index
    %get3A_0 = arith.constant 0 : index
    %get3A_1 = vector.load %arg1[%get3A, %get3A_0] : memref<1000x128xf32, #tpu.memory_space<vmem>>, vector<1000x128xf32>
    %get3A_2 = arith.constant 0 : index
    %get3A_3 = arith.constant 0 : index
    %get3A_4 = vector.load %arg5[%get3A_2, %get3A_3] : memref<128x128xf32, #tpu.memory_space<vmem>>, vector<128x128xf32>
    %dot_general3A = arith.constant dense<0.000000e+00> : vector<1000x128xf32>
    %dot_general3A_5 = tpu.matmul %get3A_1, %get3A_4, %dot_general3A {dimension_numbers = #tpu.dot_dimension_numbers<[1], [0], [0], [1], [0, 0, 1, 1], [], []>, transpose_lhs_hint = false} : vector<1000x128xf32>, vector<128x128xf32>, vector<1000x128xf32> -> vector<1000x128xf32>
    %get3A_6 = arith.constant 0 : index
    %get3A_7 = arith.constant 0 : index
    %get3A_8 = vector.load %arg6[%get3A_6, %get3A_7] : memref<1x128xf32, #tpu.memory_space<vmem>>, vector<1x128xf32>
    %add3A = vector.broadcast %get3A_8 : vector<1x128xf32> to vector<1000x128xf32>
    %add3A_9 = arith.addf %dot_general3A_5, %add3A : vector<1000x128xf32>
    %get3A_10 = arith.constant 0 : index
    %get3A_11 = arith.constant 0 : index
    %get3A_12 = vector.load %arg2[%get3A_10, %get3A_11] : memref<1000x128xf32, #tpu.memory_space<vmem>>, vector<1000x128xf32>
    %get3A_13 = arith.constant 0 : index
    %get3A_14 = arith.constant 0 : index
    %get3A_15 = vector.load %arg7[%get3A_13, %get3A_14] : memref<128x128xf32, #tpu.memory_space<vmem>>, vector<128x128xf32>
    %dot_general3A_16 = arith.constant dense<0.000000e+00> : vector<1000x128xf32>
    %dot_general3A_17 = tpu.matmul %get3A_12, %get3A_15, %dot_general3A_16 {dimension_numbers = #tpu.dot_dimension_numbers<[1], [0], [0], [1], [0, 0, 1, 1], [], []>, transpose_lhs_hint = false} : vector<1000x128xf32>, vector<128x128xf32>, vector<1000x128xf32> -> vector<1000x128xf32>
    %get3A_18 = arith.constant 0 : index
    %get3A_19 = arith.constant 0 : index
    %get3A_20 = vector.load %arg8[%get3A_18, %get3A_19] : memref<1x128xf32, #tpu.memory_space<vmem>>, vector<1x128xf32>
    %add3A_21 = vector.broadcast %get3A_20 : vector<1x128xf32> to vector<1000x128xf32>
    %add3A_22 = arith.addf %dot_general3A_17, %add3A_21 : vector<1000x128xf32>
    %get3A_23 = arith.constant 0 : index
    %get3A_24 = arith.constant 0 : index
    %get3A_25 = vector.load %arg3[%get3A_23, %get3A_24] : memref<1000x16xf32, #tpu.memory_space<vmem>>, vector<1000x16xf32>
    %get3A_26 = arith.constant 0 : index
    %get3A_27 = arith.constant 0 : index
    %get3A_28 = vector.load %arg9[%get3A_26, %get3A_27] : memref<16x128xf32, #tpu.memory_space<vmem>>, vector<16x128xf32>
    %dot_general3A_29 = arith.constant dense<0.000000e+00> : vector<1000x128xf32>
    %dot_general3A_30 = tpu.matmul %get3A_25, %get3A_28, %dot_general3A_29 {dimension_numbers = #tpu.dot_dimension_numbers<[1], [0], [0], [1], [0, 0, 1, 1], [], []>, transpose_lhs_hint = false} : vector<1000x16xf32>, vector<16x128xf32>, vector<1000x128xf32> -> vector<1000x128xf32>
    %get3A_31 = arith.constant 0 : index
    %get3A_32 = arith.constant 0 : index
    %get3A_33 = vector.load %arg10[%get3A_31, %get3A_32] : memref<1x128xf32, #tpu.memory_space<vmem>>, vector<1x128xf32>
    %add3A_34 = vector.broadcast %get3A_33 : vector<1x128xf32> to vector<1000x128xf32>
    %add3A_35 = arith.addf %dot_general3A_30, %add3A_34 : vector<1000x128xf32>
    %get3A_36 = arith.constant 0 : index
    %get3A_37 = arith.constant 0 : index
    %get3A_38 = vector.load %arg4[%get3A_36, %get3A_37] : memref<1000x16xf32, #tpu.memory_space<vmem>>, vector<1000x16xf32>
    %get3A_39 = arith.constant 0 : index
    %get3A_40 = arith.constant 0 : index
    %get3A_41 = vector.load %arg11[%get3A_39, %get3A_40] : memref<16x128xf32, #tpu.memory_space<vmem>>, vector<16x128xf32>
    %dot_general3A_42 = arith.constant dense<0.000000e+00> : vector<1000x128xf32>
    %dot_general3A_43 = tpu.matmul %get3A_38, %get3A_41, %dot_general3A_42 {dimension_numbers = #tpu.dot_dimension_numbers<[1], [0], [0], [1], [0, 0, 1, 1], [], []>, transpose_lhs_hint = false} : vector<1000x16xf32>, vector<16x128xf32>, vector<1000x128xf32> -> vector<1000x128xf32>
    %get3A_44 = arith.constant 0 : index
    %get3A_45 = arith.constant 0 : index
    %get3A_46 = vector.load %arg12[%get3A_44, %get3A_45] : memref<1x128xf32, #tpu.memory_space<vmem>>, vector<1x128xf32>
    %add3A_47 = vector.broadcast %get3A_46 : vector<1x128xf32> to vector<1000x128xf32>
    %add3A_48 = arith.addf %dot_general3A_43, %add3A_47 : vector<1000x128xf32>
    %get3A_49 = arith.constant 0 : index
    %get3A_50 = arith.constant 0 : index
    %get3A_51 = vector.load %arg13[%get3A_49, %get3A_50] : memref<128x128xf32, #tpu.memory_space<vmem>>, vector<128x128xf32>
    %dot_general3A_52 = arith.constant dense<0.000000e+00> : vector<1000x128xf32>
    %dot_general3A_53 = tpu.matmul %add3A_9, %get3A_51, %dot_general3A_52 {dimension_numbers = #tpu.dot_dimension_numbers<[1], [0], [0], [1], [0, 0, 1, 1], [], []>, transpose_lhs_hint = false} : vector<1000x128xf32>, vector<128x128xf32>, vector<1000x128xf32> -> vector<1000x128xf32>
    %swap3A = arith.constant 0 : index
    %swap3A_54 = arith.constant 0 : index
    %swap3A_55 = vector.load %arg17[%swap3A, %swap3A_54] : memref<1000x128xf32, #tpu.memory_space<vmem>>, vector<1000x128xf32>
    tpu.vector_store %arg17[%swap3A, %swap3A_54], %dot_general3A_53 {strides = array<i32>} : memref<1000x128xf32, #tpu.memory_space<vmem>>, vector<1000x128xf32>,
    %get3A_56 = arith.constant 0 : index
    %get3A_57 = arith.constant 0 : index
    %get3A_58 = vector.load %arg14[%get3A_56, %get3A_57] : memref<128x128xf32, #tpu.memory_space<vmem>>, vector<128x128xf32>
    %dot_general3A_59 = arith.constant dense<0.000000e+00> : vector<1000x128xf32>
    %dot_general3A_60 = tpu.matmul %add3A_22, %get3A_58, %dot_general3A_59 {dimension_numbers = #tpu.dot_dimension_numbers<[1], [0], [0], [1], [0, 0, 1, 1], [], []>, transpose_lhs_hint = false} : vector<1000x128xf32>, vector<128x128xf32>, vector<1000x128xf32> -> vector<1000x128xf32>
    %swap3A_61 = arith.constant 0 : index
    %swap3A_62 = arith.constant 0 : index
    %swap3A_63 = vector.load %arg18[%swap3A_61, %swap3A_62] : memref<1000x128xf32, #tpu.memory_space<vmem>>, vector<1000x128xf32>
    tpu.vector_store %arg18[%swap3A_61, %swap3A_62], %dot_general3A_60 {strides = array<i32>} : memref<1000x128xf32, #tpu.memory_space<vmem>>, vector<1000x128xf32>,
    %get3A_64 = arith.constant 0 : index
    %get3A_65 = arith.constant 0 : index
    %get3A_66 = vector.load %arg15[%get3A_64, %get3A_65] : memref<128x128xf32, #tpu.memory_space<vmem>>, vector<128x128xf32>
    %dot_general3A_67 = arith.constant dense<0.000000e+00> : vector<1000x128xf32>
    %dot_general3A_68 = tpu.matmul %add3A_9, %get3A_66, %dot_general3A_67 {dimension_numbers = #tpu.dot_dimension_numbers<[1], [0], [0], [1], [0, 0, 1, 1], [], []>, transpose_lhs_hint = false} : vector<1000x128xf32>, vector<128x128xf32>, vector<1000x128xf32> -> vector<1000x128xf32>
    %mul3A = arith.mulf %dot_general3A_68, %add3A_35 : vector<1000x128xf32>
    %swap3A_69 = arith.constant 0 : index
    %swap3A_70 = arith.constant 0 : index
    %swap3A_71 = vector.load %arg19[%swap3A_69, %swap3A_70] : memref<1000x128xf32, #tpu.memory_space<vmem>>, vector<1000x128xf32>
    tpu.vector_store %arg19[%swap3A_69, %swap3A_70], %mul3A {strides = array<i32>} : memref<1000x128xf32, #tpu.memory_space<vmem>>, vector<1000x128xf32>,
    %get3A_72 = arith.constant 0 : index
    %get3A_73 = arith.constant 0 : index
    %get3A_74 = vector.load %arg16[%get3A_72, %get3A_73] : memref<128x128xf32, #tpu.memory_space<vmem>>, vector<128x128xf32>
    %dot_general3A_75 = arith.constant dense<0.000000e+00> : vector<1000x128xf32>
    %dot_general3A_76 = tpu.matmul %add3A_22, %get3A_74, %dot_general3A_75 {dimension_numbers = #tpu.dot_dimension_numbers<[1], [0], [0], [1], [0, 0, 1, 1], [], []>, transpose_lhs_hint = false} : vector<1000x128xf32>, vector<128x128xf32>, vector<1000x128xf32> -> vector<1000x128xf32>
    %mul3A_77 = arith.mulf %dot_general3A_76, %add3A_48 : vector<1000x128xf32>
    %swap3A_78 = arith.constant 0 : index
    %swap3A_79 = arith.constant 0 : index
    %swap3A_80 = vector.load %arg20[%swap3A_78, %swap3A_79] : memref<1000x128xf32, #tpu.memory_space<vmem>>, vector<1000x128xf32>
    tpu.vector_store %arg20[%swap3A_78, %swap3A_79], %mul3A_77 {strides = array<i32>} : memref<1000x128xf32, #tpu.memory_space<vmem>>, vector<1000x128xf32>,
    %swap3A_81 = arith.constant 0 : index
    %swap3A_82 = arith.constant 0 : index
    %swap3A_83 = vector.load %arg21[%swap3A_81, %swap3A_82] : memref<1000x128xf32, #tpu.memory_space<vmem>>, vector<1000x128xf32>
    tpu.vector_store %arg21[%swap3A_81, %swap3A_82], %add3A_35 {strides = array<i32>} : memref<1000x128xf32, #tpu.memory_space<vmem>>, vector<1000x128xf32>,
    %swap3A_84 = arith.constant 0 : index
    %swap3A_85 = arith.constant 0 : index
    %swap3A_86 = vector.load %arg22[%swap3A_84, %swap3A_85] : memref<1000x128xf32, #tpu.memory_space<vmem>>, vector<1000x128xf32>
    tpu.vector_store %arg22[%swap3A_84, %swap3A_85], %add3A_48 {strides = array<i32>} : memref<1000x128xf32, #tpu.memory_space<vmem>>, vector<1000x128xf32>,
    return
  }
  func.func @transform_0(%arg0: i32) -> (i32, i32) {
    %c0_i32 = arith.constant 0 : i32
    %c0_i32_0 = arith.constant 0 : i32
    return %arg0, %c0_i32 : i32, i32
  }
  func.func @transform_1(%arg0: i32) -> (i32, i32) {
    %c0_i32 = arith.constant 0 : i32
    %c0_i32_0 = arith.constant 0 : i32
    return %arg0, %c0_i32 : i32, i32
  }
  func.func @transform_2(%arg0: i32) -> (i32, i32) {
    %c0_i32 = arith.constant 0 : i32
    %c0_i32_0 = arith.constant 0 : i32
    return %arg0, %c0_i32 : i32, i32
  }
  func.func @transform_3(%arg0: i32) -> (i32, i32) {
    %c0_i32 = arith.constant 0 : i32
    %c0_i32_0 = arith.constant 0 : i32
    return %arg0, %c0_i32 : i32, i32
  }
  func.func @transform_4(%arg0: i32) -> (i32, i32) {
    %c0_i32 = arith.constant 0 : i32
    %c0_i32_0 = arith.constant 0 : i32
    %c0_i32_1 = arith.constant 0 : i32
    return %c0_i32, %c0_i32_0 : i32, i32
  }
  func.func @transform_5(%arg0: i32) -> (i32, i32) {
    %c0_i32 = arith.constant 0 : i32
    %c0_i32_0 = arith.constant 0 : i32
    %c0_i32_1 = arith.constant 0 : i32
    return %c0_i32, %c0_i32_0 : i32, i32
  }
  func.func @transform_6(%arg0: i32) -> (i32, i32) {
    %c0_i32 = arith.constant 0 : i32
    %c0_i32_0 = arith.constant 0 : i32
    %c0_i32_1 = arith.constant 0 : i32
    return %c0_i32, %c0_i32_0 : i32, i32
  }
  func.func @transform_7(%arg0: i32) -> (i32, i32) {
    %c0_i32 = arith.constant 0 : i32
    %c0_i32_0 = arith.constant 0 : i32
    %c0_i32_1 = arith.constant 0 : i32
    return %c0_i32, %c0_i32_0 : i32, i32
  }
  func.func @transform_8(%arg0: i32) -> (i32, i32) {
    %c0_i32 = arith.constant 0 : i32
    %c0_i32_0 = arith.constant 0 : i32
    %c0_i32_1 = arith.constant 0 : i32
    return %c0_i32, %c0_i32_0 : i32, i32
  }
  func.func @transform_9(%arg0: i32) -> (i32, i32) {
    %c0_i32 = arith.constant 0 : i32
    %c0_i32_0 = arith.constant 0 : i32
    %c0_i32_1 = arith.constant 0 : i32
    return %c0_i32, %c0_i32_0 : i32, i32
  }
  func.func @transform_10(%arg0: i32) -> (i32, i32) {
    %c0_i32 = arith.constant 0 : i32
    %c0_i32_0 = arith.constant 0 : i32
    %c0_i32_1 = arith.constant 0 : i32
    return %c0_i32, %c0_i32_0 : i32, i32
  }
  func.func @transform_11(%arg0: i32) -> (i32, i32) {
    %c0_i32 = arith.constant 0 : i32
    %c0_i32_0 = arith.constant 0 : i32
    %c0_i32_1 = arith.constant 0 : i32
    return %c0_i32, %c0_i32_0 : i32, i32
  }
  func.func @transform_12(%arg0: i32) -> (i32, i32) {
    %c0_i32 = arith.constant 0 : i32
    %c0_i32_0 = arith.constant 0 : i32
    %c0_i32_1 = arith.constant 0 : i32
    return %c0_i32, %c0_i32_0 : i32, i32
  }
  func.func @transform_13(%arg0: i32) -> (i32, i32) {
    %c0_i32 = arith.constant 0 : i32
    %c0_i32_0 = arith.constant 0 : i32
    %c0_i32_1 = arith.constant 0 : i32
    return %c0_i32, %c0_i32_0 : i32, i32
  }
  func.func @transform_14(%arg0: i32) -> (i32, i32) {
    %c0_i32 = arith.constant 0 : i32
    %c0_i32_0 = arith.constant 0 : i32
    %c0_i32_1 = arith.constant 0 : i32
    return %c0_i32, %c0_i32_0 : i32, i32
  }
  func.func @transform_15(%arg0: i32) -> (i32, i32) {
    %c0_i32 = arith.constant 0 : i32
    %c0_i32_0 = arith.constant 0 : i32
    %c0_i32_1 = arith.constant 0 : i32
    return %c0_i32, %c0_i32_0 : i32, i32
  }
  func.func @transform_16(%arg0: i32) -> (i32, i32) {
    %c0_i32 = arith.constant 0 : i32
    %c0_i32_0 = arith.constant 0 : i32
    return %arg0, %c0_i32 : i32, i32
  }
  func.func @transform_17(%arg0: i32) -> (i32, i32) {
    %c0_i32 = arith.constant 0 : i32
    %c0_i32_0 = arith.constant 0 : i32
    return %arg0, %c0_i32 : i32, i32
  }
  func.func @transform_18(%arg0: i32) -> (i32, i32) {
    %c0_i32 = arith.constant 0 : i32
    %c0_i32_0 = arith.constant 0 : i32
    return %arg0, %c0_i32 : i32, i32
  }
  func.func @transform_19(%arg0: i32) -> (i32, i32) {
    %c0_i32 = arith.constant 0 : i32
    %c0_i32_0 = arith.constant 0 : i32
    return %arg0, %c0_i32 : i32, i32
  }
  func.func @transform_20(%arg0: i32) -> (i32, i32) {
    %c0_i32 = arith.constant 0 : i32
    %c0_i32_0 = arith.constant 0 : i32
    return %arg0, %c0_i32 : i32, i32
  }
  func.func @transform_21(%arg0: i32) -> (i32, i32) {
    %c0_i32 = arith.constant 0 : i32
    %c0_i32_0 = arith.constant 0 : i32
    return %arg0, %c0_i32 : i32, i32
  }
}

module attributes {stable_mosaic.version = 14 : i64} {
  func.func @_mid_body(%arg0: i32, %arg1: memref<1000x128xf32, #tpu.memory_space<vmem>>, %arg2: memref<1000x128xf32, #tpu.memory_space<vmem>>, %arg3: memref<1000x128xf32, #tpu.memory_space<vmem>>, %arg4: memref<1000x128xf32, #tpu.memory_space<vmem>>, %arg5: memref<1000x128xf32, #tpu.memory_space<vmem>>, %arg6: memref<1000x128xf32, #tpu.memory_space<vmem>>, %arg7: memref<128x128xf32, #tpu.memory_space<vmem>>, %arg8: memref<128x128xf32, #tpu.memory_space<vmem>>, %arg9: memref<128x128xf32, #tpu.memory_space<vmem>>, %arg10: memref<128x128xf32, #tpu.memory_space<vmem>>, %arg11: memref<1000x128xf32, #tpu.memory_space<vmem>>, %arg12: memref<1000x128xf32, #tpu.memory_space<vmem>>, %arg13: memref<1000x128xf32, #tpu.memory_space<vmem>>, %arg14: memref<1000x128xf32, #tpu.memory_space<vmem>>) attributes {dimension_semantics = [#tpu.dimension_semantics<arbitrary>], iteration_bounds = array<i64: 10>, scalar_prefetch = 0 : i64, scratch_operands = 0 : i64, tpu.core_type = #tpu.core_type<tc>, window_params = [{transform_indices = @transform_0, window_bounds = array<i64: 1000, 128>}, {transform_indices = @transform_1, window_bounds = array<i64: 1000, 128>}, {transform_indices = @transform_2, window_bounds = array<i64: 1000, 128>}, {transform_indices = @transform_3, window_bounds = array<i64: 1000, 128>}, {transform_indices = @transform_4, window_bounds = array<i64: 1000, 128>}, {transform_indices = @transform_5, window_bounds = array<i64: 1000, 128>}, {pipeline_mode = #tpu.pipeline_mode<synchronous>, transform_indices = @transform_6, window_bounds = array<i64: 128, 128>}, {pipeline_mode = #tpu.pipeline_mode<synchronous>, transform_indices = @transform_7, window_bounds = array<i64: 128, 128>}, {pipeline_mode = #tpu.pipeline_mode<synchronous>, transform_indices = @transform_8, window_bounds = array<i64: 128, 128>}, {pipeline_mode = #tpu.pipeline_mode<synchronous>, transform_indices = @transform_9, window_bounds = array<i64: 128, 128>}, {transform_indices = @transform_10, window_bounds = array<i64: 1000, 128>}, {transform_indices = @transform_11, window_bounds = array<i64: 1000, 128>}, {transform_indices = @transform_12, window_bounds = array<i64: 1000, 128>}, {transform_indices = @transform_13, window_bounds = array<i64: 1000, 128>}]} {
    %get3A = arith.constant 0 : index
    %get3A_0 = arith.constant 0 : index
    %get3A_1 = vector.load %arg1[%get3A, %get3A_0] : memref<1000x128xf32, #tpu.memory_space<vmem>>, vector<1000x128xf32>
    %get3A_2 = arith.constant 0 : index
    %get3A_3 = arith.constant 0 : index
    %get3A_4 = vector.load %arg2[%get3A_2, %get3A_3] : memref<1000x128xf32, #tpu.memory_space<vmem>>, vector<1000x128xf32>
    %add3A = arith.addf %get3A_1, %get3A_4 : vector<1000x128xf32>
    %max3A = arith.constant 0.000000e+00 : f32
    %max3A_5 = vector.broadcast %max3A : f32 to vector<1000x128xf32>
    %max3A_6 = arith.maximumf %add3A, %max3A_5 : vector<1000x128xf32>
    %get3A_7 = arith.constant 0 : index
    %get3A_8 = arith.constant 0 : index
    %get3A_9 = vector.load %arg3[%get3A_7, %get3A_8] : memref<1000x128xf32, #tpu.memory_space<vmem>>, vector<1000x128xf32>
    %get3A_10 = arith.constant 0 : index
    %get3A_11 = arith.constant 0 : index
    %get3A_12 = vector.load %arg4[%get3A_10, %get3A_11] : memref<1000x128xf32, #tpu.memory_space<vmem>>, vector<1000x128xf32>
    %add3A_13 = arith.addf %get3A_9, %get3A_12 : vector<1000x128xf32>
    %max3A_14 = arith.constant 0.000000e+00 : f32
    %max3A_15 = vector.broadcast %max3A_14 : f32 to vector<1000x128xf32>
    %max3A_16 = arith.maximumf %add3A_13, %max3A_15 : vector<1000x128xf32>
    %get3A_17 = arith.constant 0 : index
    %get3A_18 = arith.constant 0 : index
    %get3A_19 = vector.load %arg7[%get3A_17, %get3A_18] : memref<128x128xf32, #tpu.memory_space<vmem>>, vector<128x128xf32>
    %dot_general3A = arith.constant dense<0.000000e+00> : vector<1000x128xf32>
    %dot_general3A_20 = tpu.matmul %max3A_6, %get3A_19, %dot_general3A {dimension_numbers = #tpu.dot_dimension_numbers<[1], [0], [0], [1], [0, 0, 1, 1], [], []>, transpose_lhs_hint = false} : vector<1000x128xf32>, vector<128x128xf32>, vector<1000x128xf32> -> vector<1000x128xf32>
    %swap3A = arith.constant 0 : index
    %swap3A_21 = arith.constant 0 : index
    %swap3A_22 = vector.load %arg11[%swap3A, %swap3A_21] : memref<1000x128xf32, #tpu.memory_space<vmem>>, vector<1000x128xf32>
    tpu.vector_store %arg11[%swap3A, %swap3A_21], %dot_general3A_20 {strides = array<i32>} : memref<1000x128xf32, #tpu.memory_space<vmem>>, vector<1000x128xf32>,
    %get3A_23 = arith.constant 0 : index
    %get3A_24 = arith.constant 0 : index
    %get3A_25 = vector.load %arg8[%get3A_23, %get3A_24] : memref<128x128xf32, #tpu.memory_space<vmem>>, vector<128x128xf32>
    %dot_general3A_26 = arith.constant dense<0.000000e+00> : vector<1000x128xf32>
    %dot_general3A_27 = tpu.matmul %max3A_16, %get3A_25, %dot_general3A_26 {dimension_numbers = #tpu.dot_dimension_numbers<[1], [0], [0], [1], [0, 0, 1, 1], [], []>, transpose_lhs_hint = false} : vector<1000x128xf32>, vector<128x128xf32>, vector<1000x128xf32> -> vector<1000x128xf32>
    %swap3A_28 = arith.constant 0 : index
    %swap3A_29 = arith.constant 0 : index
    %swap3A_30 = vector.load %arg12[%swap3A_28, %swap3A_29] : memref<1000x128xf32, #tpu.memory_space<vmem>>, vector<1000x128xf32>
    tpu.vector_store %arg12[%swap3A_28, %swap3A_29], %dot_general3A_27 {strides = array<i32>} : memref<1000x128xf32, #tpu.memory_space<vmem>>, vector<1000x128xf32>,
    %get3A_31 = arith.constant 0 : index
    %get3A_32 = arith.constant 0 : index
    %get3A_33 = vector.load %arg9[%get3A_31, %get3A_32] : memref<128x128xf32, #tpu.memory_space<vmem>>, vector<128x128xf32>
    %dot_general3A_34 = arith.constant dense<0.000000e+00> : vector<1000x128xf32>
    %dot_general3A_35 = tpu.matmul %max3A_6, %get3A_33, %dot_general3A_34 {dimension_numbers = #tpu.dot_dimension_numbers<[1], [0], [0], [1], [0, 0, 1, 1], [], []>, transpose_lhs_hint = false} : vector<1000x128xf32>, vector<128x128xf32>, vector<1000x128xf32> -> vector<1000x128xf32>
    %get3A_36 = arith.constant 0 : index
    %get3A_37 = arith.constant 0 : index
    %get3A_38 = vector.load %arg5[%get3A_36, %get3A_37] : memref<1000x128xf32, #tpu.memory_space<vmem>>, vector<1000x128xf32>
    %mul3A = arith.mulf %dot_general3A_35, %get3A_38 : vector<1000x128xf32>
    %swap3A_39 = arith.constant 0 : index
    %swap3A_40 = arith.constant 0 : index
    %swap3A_41 = vector.load %arg13[%swap3A_39, %swap3A_40] : memref<1000x128xf32, #tpu.memory_space<vmem>>, vector<1000x128xf32>
    tpu.vector_store %arg13[%swap3A_39, %swap3A_40], %mul3A {strides = array<i32>} : memref<1000x128xf32, #tpu.memory_space<vmem>>, vector<1000x128xf32>,
    %get3A_42 = arith.constant 0 : index
    %get3A_43 = arith.constant 0 : index
    %get3A_44 = vector.load %arg10[%get3A_42, %get3A_43] : memref<128x128xf32, #tpu.memory_space<vmem>>, vector<128x128xf32>
    %dot_general3A_45 = arith.constant dense<0.000000e+00> : vector<1000x128xf32>
    %dot_general3A_46 = tpu.matmul %max3A_16, %get3A_44, %dot_general3A_45 {dimension_numbers = #tpu.dot_dimension_numbers<[1], [0], [0], [1], [0, 0, 1, 1], [], []>, transpose_lhs_hint = false} : vector<1000x128xf32>, vector<128x128xf32>, vector<1000x128xf32> -> vector<1000x128xf32>
    %get3A_47 = arith.constant 0 : index
    %get3A_48 = arith.constant 0 : index
    %get3A_49 = vector.load %arg6[%get3A_47, %get3A_48] : memref<1000x128xf32, #tpu.memory_space<vmem>>, vector<1000x128xf32>
    %mul3A_50 = arith.mulf %dot_general3A_46, %get3A_49 : vector<1000x128xf32>
    %swap3A_51 = arith.constant 0 : index
    %swap3A_52 = arith.constant 0 : index
    %swap3A_53 = vector.load %arg14[%swap3A_51, %swap3A_52] : memref<1000x128xf32, #tpu.memory_space<vmem>>, vector<1000x128xf32>
    tpu.vector_store %arg14[%swap3A_51, %swap3A_52], %mul3A_50 {strides = array<i32>} : memref<1000x128xf32, #tpu.memory_space<vmem>>, vector<1000x128xf32>,
    return
  }
  func.func @transform_0(%arg0: i32) -> (i32, i32) {
    %c0_i32 = arith.constant 0 : i32
    %c0_i32_0 = arith.constant 0 : i32
    return %arg0, %c0_i32 : i32, i32
  }
  func.func @transform_1(%arg0: i32) -> (i32, i32) {
    %c0_i32 = arith.constant 0 : i32
    %c0_i32_0 = arith.constant 0 : i32
    return %arg0, %c0_i32 : i32, i32
  }
  func.func @transform_2(%arg0: i32) -> (i32, i32) {
    %c0_i32 = arith.constant 0 : i32
    %c0_i32_0 = arith.constant 0 : i32
    return %arg0, %c0_i32 : i32, i32
  }
  func.func @transform_3(%arg0: i32) -> (i32, i32) {
    %c0_i32 = arith.constant 0 : i32
    %c0_i32_0 = arith.constant 0 : i32
    return %arg0, %c0_i32 : i32, i32
  }
  func.func @transform_4(%arg0: i32) -> (i32, i32) {
    %c0_i32 = arith.constant 0 : i32
    %c0_i32_0 = arith.constant 0 : i32
    return %arg0, %c0_i32 : i32, i32
  }
  func.func @transform_5(%arg0: i32) -> (i32, i32) {
    %c0_i32 = arith.constant 0 : i32
    %c0_i32_0 = arith.constant 0 : i32
    return %arg0, %c0_i32 : i32, i32
  }
  func.func @transform_6(%arg0: i32) -> (i32, i32) {
    %c0_i32 = arith.constant 0 : i32
    %c0_i32_0 = arith.constant 0 : i32
    %c0_i32_1 = arith.constant 0 : i32
    return %c0_i32, %c0_i32_0 : i32, i32
  }
  func.func @transform_7(%arg0: i32) -> (i32, i32) {
    %c0_i32 = arith.constant 0 : i32
    %c0_i32_0 = arith.constant 0 : i32
    %c0_i32_1 = arith.constant 0 : i32
    return %c0_i32, %c0_i32_0 : i32, i32
  }
  func.func @transform_8(%arg0: i32) -> (i32, i32) {
    %c0_i32 = arith.constant 0 : i32
    %c0_i32_0 = arith.constant 0 : i32
    %c0_i32_1 = arith.constant 0 : i32
    return %c0_i32, %c0_i32_0 : i32, i32
  }
  func.func @transform_9(%arg0: i32) -> (i32, i32) {
    %c0_i32 = arith.constant 0 : i32
    %c0_i32_0 = arith.constant 0 : i32
    %c0_i32_1 = arith.constant 0 : i32
    return %c0_i32, %c0_i32_0 : i32, i32
  }
  func.func @transform_10(%arg0: i32) -> (i32, i32) {
    %c0_i32 = arith.constant 0 : i32
    %c0_i32_0 = arith.constant 0 : i32
    return %arg0, %c0_i32 : i32, i32
  }
  func.func @transform_11(%arg0: i32) -> (i32, i32) {
    %c0_i32 = arith.constant 0 : i32
    %c0_i32_0 = arith.constant 0 : i32
    return %arg0, %c0_i32 : i32, i32
  }
  func.func @transform_12(%arg0: i32) -> (i32, i32) {
    %c0_i32 = arith.constant 0 : i32
    %c0_i32_0 = arith.constant 0 : i32
    return %arg0, %c0_i32 : i32, i32
  }
  func.func @transform_13(%arg0: i32) -> (i32, i32) {
    %c0_i32 = arith.constant 0 : i32
    %c0_i32_0 = arith.constant 0 : i32
    return %arg0, %c0_i32 : i32, i32
  }
}

module attributes {stable_mosaic.version = 14 : i64} {
  func.func @_post_body(%arg0: i32, %arg1: memref<1000x128xf32, #tpu.memory_space<vmem>>, %arg2: memref<1000x128xf32, #tpu.memory_space<vmem>>, %arg3: memref<1000x128xf32, #tpu.memory_space<vmem>>, %arg4: memref<1000x128xf32, #tpu.memory_space<vmem>>, %arg5: memref<128x128xf32, #tpu.memory_space<vmem>>, %arg6: memref<1000x128xf32, #tpu.memory_space<vmem>>, %arg7: memref<1000x128xf32, #tpu.memory_space<vmem>>) attributes {dimension_semantics = [#tpu.dimension_semantics<arbitrary>], iteration_bounds = array<i64: 10>, scalar_prefetch = 0 : i64, scratch_operands = 0 : i64, tpu.core_type = #tpu.core_type<tc>, window_params = [{transform_indices = @transform_0, window_bounds = array<i64: 1000, 128>}, {transform_indices = @transform_1, window_bounds = array<i64: 1000, 128>}, {transform_indices = @transform_2, window_bounds = array<i64: 1000, 128>}, {transform_indices = @transform_3, window_bounds = array<i64: 1000, 128>}, {pipeline_mode = #tpu.pipeline_mode<synchronous>, transform_indices = @transform_4, window_bounds = array<i64: 128, 128>}, {transform_indices = @transform_5, window_bounds = array<i64: 1000, 128>}, {transform_indices = @transform_6, window_bounds = array<i64: 1000, 128>}]} {
    %get3A = arith.constant 0 : index
    %get3A_0 = arith.constant 0 : index
    %get3A_1 = vector.load %arg1[%get3A, %get3A_0] : memref<1000x128xf32, #tpu.memory_space<vmem>>, vector<1000x128xf32>
    %get3A_2 = arith.constant 0 : index
    %get3A_3 = arith.constant 0 : index
    %get3A_4 = vector.load %arg2[%get3A_2, %get3A_3] : memref<1000x128xf32, #tpu.memory_space<vmem>>, vector<1000x128xf32>
    %add3A = arith.addf %get3A_1, %get3A_4 : vector<1000x128xf32>
    %max3A = arith.constant 0.000000e+00 : f32
    %max3A_5 = vector.broadcast %max3A : f32 to vector<1000x128xf32>
    %max3A_6 = arith.maximumf %add3A, %max3A_5 : vector<1000x128xf32>
    %get3A_7 = arith.constant 0 : index
    %get3A_8 = arith.constant 0 : index
    %get3A_9 = vector.load %arg5[%get3A_7, %get3A_8] : memref<128x128xf32, #tpu.memory_space<vmem>>, vector<128x128xf32>
    %dot_general3A = arith.constant dense<0.000000e+00> : vector<1000x128xf32>
    %dot_general3A_10 = tpu.matmul %max3A_6, %get3A_9, %dot_general3A {dimension_numbers = #tpu.dot_dimension_numbers<[1], [0], [0], [1], [0, 0, 1, 1], [], []>, transpose_lhs_hint = false} : vector<1000x128xf32>, vector<128x128xf32>, vector<1000x128xf32> -> vector<1000x128xf32>
    %swap3A = arith.constant 0 : index
    %swap3A_11 = arith.constant 0 : index
    %swap3A_12 = vector.load %arg6[%swap3A, %swap3A_11] : memref<1000x128xf32, #tpu.memory_space<vmem>>, vector<1000x128xf32>
    tpu.vector_store %arg6[%swap3A, %swap3A_11], %dot_general3A_10 {strides = array<i32>} : memref<1000x128xf32, #tpu.memory_space<vmem>>, vector<1000x128xf32>,
    %get3A_13 = arith.constant 0 : index
    %get3A_14 = arith.constant 0 : index
    %get3A_15 = vector.load %arg3[%get3A_13, %get3A_14] : memref<1000x128xf32, #tpu.memory_space<vmem>>, vector<1000x128xf32>
    %get3A_16 = arith.constant 0 : index
    %get3A_17 = arith.constant 0 : index
    %get3A_18 = vector.load %arg4[%get3A_16, %get3A_17] : memref<1000x128xf32, #tpu.memory_space<vmem>>, vector<1000x128xf32>
    %add3A_19 = arith.addf %get3A_15, %get3A_18 : vector<1000x128xf32>
    %max3A_20 = arith.constant 0.000000e+00 : f32
    %max3A_21 = vector.broadcast %max3A_20 : f32 to vector<1000x128xf32>
    %max3A_22 = arith.maximumf %add3A_19, %max3A_21 : vector<1000x128xf32>
    %get3A_23 = arith.constant 0 : index
    %get3A_24 = arith.constant 0 : index
    %get3A_25 = vector.load %arg5[%get3A_23, %get3A_24] : memref<128x128xf32, #tpu.memory_space<vmem>>, vector<128x128xf32>
    %dot_general3A_26 = arith.constant dense<0.000000e+00> : vector<1000x128xf32>
    %dot_general3A_27 = tpu.matmul %max3A_22, %get3A_25, %dot_general3A_26 {dimension_numbers = #tpu.dot_dimension_numbers<[1], [0], [0], [1], [0, 0, 1, 1], [], []>, transpose_lhs_hint = false} : vector<1000x128xf32>, vector<128x128xf32>, vector<1000x128xf32> -> vector<1000x128xf32>
    %swap3A_28 = arith.constant 0 : index
    %swap3A_29 = arith.constant 0 : index
    %swap3A_30 = vector.load %arg7[%swap3A_28, %swap3A_29] : memref<1000x128xf32, #tpu.memory_space<vmem>>, vector<1000x128xf32>
    tpu.vector_store %arg7[%swap3A_28, %swap3A_29], %dot_general3A_27 {strides = array<i32>} : memref<1000x128xf32, #tpu.memory_space<vmem>>, vector<1000x128xf32>,
    return
  }
  func.func @transform_0(%arg0: i32) -> (i32, i32) {
    %c0_i32 = arith.constant 0 : i32
    %c0_i32_0 = arith.constant 0 : i32
    return %arg0, %c0_i32 : i32, i32
  }
  func.func @transform_1(%arg0: i32) -> (i32, i32) {
    %c0_i32 = arith.constant 0 : i32
    %c0_i32_0 = arith.constant 0 : i32
    return %arg0, %c0_i32 : i32, i32
  }
  func.func @transform_2(%arg0: i32) -> (i32, i32) {
    %c0_i32 = arith.constant 0 : i32
    %c0_i32_0 = arith.constant 0 : i32
    return %arg0, %c0_i32 : i32, i32
  }
  func.func @transform_3(%arg0: i32) -> (i32, i32) {
    %c0_i32 = arith.constant 0 : i32
    %c0_i32_0 = arith.constant 0 : i32
    return %arg0, %c0_i32 : i32, i32
  }
  func.func @transform_4(%arg0: i32) -> (i32, i32) {
    %c0_i32 = arith.constant 0 : i32
    %c0_i32_0 = arith.constant 0 : i32
    %c0_i32_1 = arith.constant 0 : i32
    return %c0_i32, %c0_i32_0 : i32, i32
  }
  func.func @transform_5(%arg0: i32) -> (i32, i32) {
    %c0_i32 = arith.constant 0 : i32
    %c0_i32_0 = arith.constant 0 : i32
    return %arg0, %c0_i32 : i32, i32
  }
  func.func @transform_6(%arg0: i32) -> (i32, i32) {
    %c0_i32 = arith.constant 0 : i32
    %c0_i32_0 = arith.constant 0 : i32
    return %arg0, %c0_i32 : i32, i32
  }
}

</mosaic_0001>

<sc_bundles>
// kernel: kernel.10.cloned.1.call-start
scs
__scs_entry_jumppad:
0x0: {  	(pc) =	sbr.rel $0x88, $3  }
0x1: {  	(tag) =	ssettag $0x0;
	lr =	simm.s32 $0x1  }
0x2: {  	[smem:$0x3F88] =	sst lr;
	_ =	strace $0xD0000000  }
0x3: {  	_ = 	snop  }
0x4: {  	_ = 	snop  }
0x5: {  	_ = 	snop  }
0x6: {  	_ = 	snop  }
0x7: {  	_ = 	snop  }
__scs_overlays_trampoline_lowered:
0x8: {  	[smem:$0x3F97] =	sst s0  }
0x9: {  	[smem:$0x3F98] =	sst s1  }
0xa: {  	[smem:$0x3F99] =	sst s2  }
0xb: {  	[smem:$0x3F9A] =	sst s3  }
0xc: {  	[smem:$0x3F9B] =	sst s4  }
0xd: {  	[smem:$0x3F9C] =	sst s5  }
0xe: {  	[smem:$0x3F9D] =	sst s6  }
0xf: {  	[smem:$0x3F9E] =	sst s7  }
0x10: {  	[smem:$0x3F9F] =	sst s8  }
0x11: {  	[smem:$0x3FA0] =	sst s9;
	s0 =	simm.s32 @!p0 $0x0  }
0x12: {  	s1 =	sld [smem:$0x3F86];
	s0 =	simm.s32 @p0 $0x1  }
0x13: {  	[smem:$0x3FA1] =	sst s0;
	s0 =	simm.s32 @!p1 $0x0  }
0x14: {  	s2 =	sld [smem:$0x3F85];
	s0 =	simm.s32 @p1 $0x1  }
0x15: {  	[smem:$0x3FA2] =	sst s0;
	s0 =	simm.s32 @!p2 $0x0  }
0x16: {  	s3 =	sld [smem:$0x3FDB];
	s0 =	simm.s32 @p2 $0x1  }
0x17: {  	s4 =	simm.s32 $0x1BF5;
	[smem:$0x3FA4] =	sst s0  }
0x18: {  	s0 =	sld [smem:$0x3F87];
	_ =	swait.ge [sflag:s4], $0x0  }
0x19: {  	s7 =	sld [smem:$0x3F88]  }
0x1a: {  	s8 =	sadd.s32 $0xFFFFE003, lr  }
0x1b: {  	s9 =	sadd.s32 $0xFFFFFEF7, lr;
	s5 =	simm.s32 $0xFFFFFFFF;
	p2 =	slt.u32 s8, $0xFFFFF086  }
0x1c: {  	p1 =	slt.u32 s9, $0xF7A;
	s5 =	simm.s32 @!p2 $0x0  }
0x1d: {  	s5 =	simm.s32 @p1 $0x1;
	p0 =	seq.s32 s7, s2  }
0x1e: {  	s7 =	smul.u32 @!p0 $0xF7A, s2;
	p2 =	seq.s32 @!p0 s5, $0x0  }
0x1f: {  	s9 =	smul.u32 $0xF7A, s1;
	s8 =	simm.s32 @!p0 $0x1BF5;
	p2 =	por !p2, p0  }
0x20: {  	[sflag:s8] =	ssyncset.s32 @!p0 $0xFFFFF086;
	s6 =	sadd.s32 @!p0 s3, s7;
	s7 =	simm.s32 @!p0 $0x108  }
0x21: {  	s3 =	sadd.s32 s3, s9;
	s6 =	sadd.s32 @!p0 $0x88, s6;
	s7 =	simm.s32 @p2 $0x1082  }
0x22: {  	[simem:s7], [sflag:s8] =	dma.local @!p0 [hbm:s6], $0xF7A  }
0x23: {  	s9 =	sor.u32 $0xD0000000, s2;
	s6 =	simm.s32 $0x108;
	_ =	swait.ge @!p0 [sflag:s8], $0x0  }
0x24: {  	s3 =	sadd.s32 $0x88, s3;
	s6 =	simm.s32 @!p1 $0x1082;
	[sflag:s4] =	ssyncset.s32 $0xFFFFF086  }
0x25: {  	[simem:s6], [sflag:s4] =	dma.local [hbm:s3], $0xF7A  }
0x26: {  	[smem:$0x3F88] =	sst s1;
	(tag) =	ssettag s2;
	_ =	strace s9  }
0x27: {  	s1 =	sld [smem:$0x3F98]  }
0x28: {  	s2 =	sld [smem:$0x3F99]  }
0x29: {  	s4 =	sld [smem:$0x3F9B]  }
0x2a: {  	p0 =	seq.s32 s5, $0x0;
	s5 =	sld [smem:$0x3F9C]  }
0x2b: {  	s6 =	sld [smem:$0x3F9D]  }
0x2c: {  	s7 =	sld [smem:$0x3F9E]  }
0x2d: {  	s3 =	simm.s32 $0x108;
	s8 =	sld [smem:$0x3F9F]  }
0x2e: {  	s3 =	simm.s32 @!p0 $0x1082;
	s9 =	sld [smem:$0x3FA0]  }
0x2f: {  	lr =	sadd.s32 s0, s3;
	s0 =	sld [smem:$0x3F97]  }
0x30: {  	s3 =	sld [smem:$0x3F9A]  }
0x31: {  	[smem:$0x3FA3] =	sst s10  }
0x32: {  	s10 =	sld [smem:$0x3FA1];
	_ =	sdelay $0x3  }
0x33: {  	p0 =	seq.s32 s10, $0x1;
	s10 =	sld [smem:$0x3FA3];
	_ =	sdelay $0x3  }
0x34: {  	[smem:$0x3FA3] =	sst s10  }
0x35: {  	s10 =	sld [smem:$0x3FA2];
	_ =	sdelay $0x3  }
0x36: {  	p1 =	seq.s32 s10, $0x1;
	s10 =	sld [smem:$0x3FA3];
	_ =	sdelay $0x3  }
0x37: {  	[smem:$0x3FA3] =	sst s10  }
0x38: {  	s10 =	sld [smem:$0x3FA4]  }
0x39: {  	_ = 	snop;
	(pc) =	sbr.ind lr, $3  }
0x3a: {  	_ = 	snop  }
0x3b: {  	_ = 	snop  }
0x3c: {  	p2 =	seq.s32 s10, $0x1;
	s10 =	sld [smem:$0x3FA3]  }
0x3d: {  	_ =	shalt  }
0x3e: {  	_ =	shalt  }
0x3f: {  	_ =	shalt  }
0x40: {  	_ =	shalt  }
0x41: {  	_ =	shalt  }
0x42: {  	_ =	shalt  }
0x43: {  	_ =	shalt  }
0x44: {  	_ =	shalt  }
0x45: {  	_ =	shalt  }
0x46: {  	_ =	shalt  }
0x47: {  	_ =	shalt  }
0x48: {  	_ =	shalt  }
0x49: {  	_ =	shalt  }
0x4a: {  	_ =	shalt  }
0x4b: {  	_ =	shalt  }
0x4c: {  	_ =	shalt  }
0x4d: {  	_ =	shalt  }
0x4e: {  	_ =	shalt  }
0x4f: {  	_ =	shalt  }
0x50: {  	_ =	shalt  }
0x51: {  	_ =	shalt  }
0x52: {  	_ =	shalt  }
0x53: {  	_ =	shalt  }
0x54: {  	_ =	shalt  }
0x55: {  	_ =	shalt  }
0x56: {  	_ =	shalt  }
0x57: {  	_ =	shalt  }
0x58: {  	_ =	shalt  }
0x59: {  	_ =	shalt  }
0x5a: {  	_ =	shalt  }
0x5b: {  	_ =	shalt  }
0x5c: {  	_ =	shalt  }
0x5d: {  	_ =	shalt  }
0x5e: {  	_ =	shalt  }
0x5f: {  	_ =	shalt  }
0x60: {  	_ =	shalt  }
0x61: {  	_ =	shalt  }
0x62: {  	_ =	shalt  }
0x63: {  	_ =	shalt  }
0x64: {  	_ =	shalt  }
0x65: {  	_ =	shalt  }
0x66: {  	_ =	shalt  }
0x67: {  	_ =	shalt  }
0x68: {  	_ =	shalt  }
0x69: {  	_ =	shalt  }
0x6a: {  	_ =	shalt  }
0x6b: {  	_ =	shalt  }
0x6c: {  	_ =	shalt  }
0x6d: {  	_ =	shalt  }
0x6e: {  	_ =	shalt  }
0x6f: {  	_ =	shalt  }
0x70: {  	_ =	shalt  }
0x71: {  	_ =	shalt  }
0x72: {  	_ =	shalt  }
0x73: {  	_ =	shalt  }
0x74: {  	_ =	shalt  }
0x75: {  	_ =	shalt  }
0x76: {  	_ =	shalt  }
0x77: {  	_ =	shalt  }
0x78: {  	_ =	shalt  }
0x79: {  	_ =	shalt  }
0x7a: {  	_ =	shalt  }
0x7b: {  	_ =	shalt  }
0x7c: {  	_ =	shalt  }
0x7d: {  	_ =	shalt  }
0x7e: {  	_ =	shalt  }
0x7f: {  	_ =	shalt  }
0x80: {  	_ =	shalt  }
0x81: {  	_ =	shalt  }
0x82: {  	_ =	shalt  }
0x83: {  	_ =	shalt  }
0x84: {  	_ =	shalt  }
0x85: {  	_ =	shalt  }
0x86: {  	_ =	shalt  }
0x87: {  	_ =	shalt  }
.Lfunc_end0:
.L_simem_size_0:
called_computation.1_lowered:
.L_overlay_start_0:
0x88: {  	s2 =	sld [smem:$0x3FD9]  }
0x89: {  	s3 =	sld [smem:$0x3FFE];
	_ =	sdelay $0x1  }
0x8a: {  	s1 =	srdreg.scid  }
0x8b: {  	s0 =	sand.u32 $0x1, s1  }
0x8c: {  	s14 =	sshll.u32 s0, $0xA;
	s2 =	sadd.s32 s3, s2  }
0x8d: {  	s2 =	sadd.s32 s2, s14  }
0x8e: {  	[smem:$0x3FAF] =	sst s2  }
0x8f: {  	_ = 	snop  }
0x90: {  	s2 =	sld [smem:$0x3FD0];
	_ =	sdelay $0x2  }
0x91: {  	s15 =	simm.s32 $0xA;
	s4 =	simm.s32 $0x10  }
0x92: {  	[smem:s4], [sflag:s15] =	dma.local [hbm:s2], $0x1  }
0x93: {  	_ =	swait.eq [sflag:s15], $0x1  }
0x94: {  	[sflag:s15] =	ssyncset.done $0x0  }
0x95: {  	s16 =	sld [smem:$0x10];
	[sflag:s15] =	ssyncadd.s32 $0xFFFFFFFF  }
0x96: {  	s17 =	sld [smem:$0x11];
	(tm) =	ssettm $0x1  }
0x97: {  	s18 =	sld [smem:$0x3FFB];
	_ =	sdelay $0x3  }
0x98: {  	_ =	strace s18  }
0x99: {  	s4 =	sld [smem:$0x3FFC];
	_ =	sdelay $0x3  }
0x9a: {  	_ =	strace s4  }
0x9b: {  	s4 =	sld [smem:$0x3FFD];
	_ =	sdelay $0x3  }
0x9c: {  	_ =	strace s4  }
0x9d: {  	_ =	strace $0x8FFFFFFF  }
0x9e: {  	s19 =	sld [smem:$0x3FDB];
	_ =	sdelay $0x1  }
0x9f: {  	s5 =	simm.s32 $_scs_section_size  }
0xa0: {  	s6 =	simm.s32 $_size__tile_overlayer_lowered;
	s7 =	simm.s32 $_tile_overlayer_lowered  }
0xa1: {  	s22 =	simm.s32 $0x1BFF;
	s21 =	sshll.u32 s7, $0x1;
	s4 =	sadd.s32 s5, s19  }
0xa2: {  	s8 =	simm.s32 $0x0;
	s20 =	sshll.u32 s6, $0x1;
	s6 =	sadd.s32 s21, s4  }
0xa3: {  	[timem:s8], [sflag:s22] =	dma.local [hbm:s6], s20  }
0xa4: {  	_ =	swait.ge [sflag:s22], s20  }
0xa5: {  	s5 =	ssub.s32 $0x0, s20;
	[sflag:s22] =	ssyncset.done $0x0  }
0xa6: {  	[sflag:s22] =	ssyncadd.s32 s5;
	_ =	sdelay $0x1  }
0xa7: {  	s23 =	simm.s32 $0x1B8B  }
0xa8: {  	_ =	swait.ge [sflag:s23], $0x1  }
0xa9: {  	[sflag:s23] =	ssyncset.done $0x0  }
0xaa: {  	s25 =	simm.s32 $0x1B8E;
	s24 =	sld [smem:$0x3FFE];
	[sflag:s23] =	ssyncadd.s32 $0xFFFFFFFF  }
0xab: {  	s26 =	simm.s32 $execute0_lowered;
	[smem:$0x3FD2] =	sst s25  }
0xac: {  	s6 =	sshll.u32 s26, $0x1;
	_ =	strace $0x80000049;
	[dreg:$0x1] =	wrdreg $0xFFFFFFFF  }
0xad: {  	s28 =	simm.s32 $_size_execute0_lowered;
	s4 =	sadd.s32 s4, s6;
	[dreg:$0x0] =	wrdreg $0x0  }
0xae: {  	s6 =	sshll.u32 s28, $0x1;
	[dreg:$0x2] =	wrdreg s4  }
0xaf: {  	[dreg:$0x3] =	wrdreg s6  }
0xb0: {  	[dreg:$0x4] =	wrdreg $0xC0  }
0xb1: {  	_ =	task [dreg:s8], $0x5FFFF  }
0xb2: {  	[dreg:$0x1] =	wrdreg $0xFFFFFFFF  }
0xb3: {  	[dreg:$0x0] =	wrdreg $0x60  }
0xb4: {  	[dreg:$0x2] =	wrdreg s24  }
0xb5: {  	[dreg:$0x3] =	wrdreg s17  }
0xb6: {  	[dreg:$0x4] =	wrdreg s16  }
0xb7: {  	[dreg:$0x5] =	wrdreg $0xC3000  }
0xb8: {  	[dreg:$0x6] =	wrdreg $0x9  }
0xb9: {  	_ =	task.clear_ibuf [dreg:s8], $0x7FFFF;
	_ =	strace $0x90000049  }
0xba: {  	s29 =	simm.s32 $0x9;
	_ =	strace $0x8000004B  }
0xbb: {  	_ =	swait.ge [sflag:s29], $0x1  }
0xbc: {  	[sflag:s29] =	ssyncadd.s32 $0xFFFFFFFF  }
0xbd: {  	_ =	strace $0x9000004B  }
0xbe: {  	_ =	sfence  }
0xbf: {  	s30 =	sld [smem:$0x0];
	_ =	sdelay $0x2  }
0xc0: {  	s31 =	sshll.u32 s1, $0xD;
	s1 =	sshrl.u32 s1, $0x2  }
0xc1: {  	s3 =	sand.u32 $0x4000, s31;
	s1 =	sadd.s32 s1, s30  }
0xc2: {  	s0 =	sor.u32 s3, s0;
	s1 =	sshll.u32 s1, $0x11  }
0xc3: {  	s0 =	sor.u32 s1, s0  }
0xc4: {  	s0 =	sadd.s32 $0x8F2B, s0  }
0xc5: {  	[sflag:s0] =	ssyncadd.remote.s32 $0x1  }
0xc6: {  	_ =	sfence.sel $0xFFFF  }
0xc7: {  	[dreg:$0x0] =	wrdreg $0xFFFFFFFF;
	(pc) =	sbr.abs _section_cstart, $3  }
0xc8: {  	[dreg:$0x1] =	wrdreg $0xFFFFFFFF  }
0xc9: {  	_ =	task.clear_ibuf [dreg:s8], $0x2FFFF;
	_ =	strace $0x9FFFFFFF  }
0xca: {  	(tm) =	ssettm $0x7FFFFFFF  }
0xcb: {  	_ =	shalt  }
tec
execute0_lowered:
.L_overlay_start_1:
0x0: {  	(tag) =	ssettag $0x1  }
0x1: {  	s0 =	rddreg [dreg:$0x0]  }
0x2: {  	s14 =	rddreg [dreg:$0x1]  }
0x3: {  	s15 =	rddreg [dreg:$0x2]  }
0x4: {  	s4 =	rddreg [dreg:$0x3];
	s5 =	simm.s32 $0x0;
	s16 =	stileid.u32  }
0x5: {  	s1 =	srdreg.scid;
	[smem:$0x7FF] =	sst s5  }
0x6: {  	s2 =	smul.u32 $0x4E000, s16;
	s6 =	sadd.s32 $0x4A00, s0;
	s3 =	sadd.s32 $0xA1200, s0  }
0x7: {  	s1 =	sand.u32 $0x1, s1;
	s7 =	sadd.s32 $0x2BC00, s0;
	s25 =	smul.u32 $0xA500, s16  }
0x8: {  	s0 =	sadd.s32 $0xB5C00, s0;
	s19 =	smul.u32 $0x14A0, s16;
	p1 =	sne.s32 s16, $0xF  }
0x9: {  	p2 =	seq.s32 s16, $0xF;
	_ =	strace $0x8000004A;
	s9 =	ssub.s32 $0x2, s1  }
0xa: {  	p0 =	sne.s32 s1, $0x0;
	s2 =	sshrl.u32 s2, $0x2;
	s10 =	sshrl.u32 s9, $0x1  }
0xb: {  	s1 =	sadd.s32 $0x138000, s4;
	s8 =	sadd.s32 s2, s4;
	s9 =	ssub.s32 s9, s10  }
0xc: {  	s2 =	sshrl.u32 s25, $0x3;
	s10 =	simm.s32 $0x80;
	s26 =	sadd.s32 $0x1800, s8  }
0xd: {  	s28 =	sadd.s32 $0x3000, s8;
	s29 =	sadd.s32 $0x4800, s8;
	[dreg:$0x5] =	wrdreg s26  }
0xe: {  	s11 =	sadd.s32 $0x6000, s8;
	s12 =	sadd.s32 $0x7800, s8;
	[dreg:$0x6] =	wrdreg s28  }
0xf: {  	s13 =	sadd.s32 s0, s2;
	s17 =	sadd.s32 $0x20, s2;
	[dreg:$0x7] =	wrdreg s29  }
0x10: {  	s22 =	sadd.s32 $0x9000, s8;
	s25 =	smax.u32 s9, $0x1;
	[dreg:$0x8] =	wrdreg s11  }
0x11: {  	s30 =	sadd.s32 $0xF000, s8;
	s31 =	sadd.s32 $0x10800, s8;
	[dreg:$0x9] =	wrdreg s12  }
0x12: {  	s9 =	simm.s32 $0x4;
	[dreg:$0xa] =	wrdreg s13;
	s11 =	sadd.s32 $0x40, s2  }
0x13: {  	s12 =	smul.u32 $0x2700, s16;
	s13 =	sadd.s32 s0, s17;
	[dreg:$0x10] =	wrdreg s22  }
0x14: {  	s2 =	sadd.s32 s3, s2;
	s20 =	sadd.s32 s3, s17;
	[dreg:$0x13] =	wrdreg s25  }
0x15: {  	s26 =	sadd.s32 $0xA800, s8;
	s28 =	sadd.s32 $0xC000, s8;
	[dreg:$0xb] =	wrdreg s13  }
0x16: {  	s29 =	sadd.s32 $0xD800, s8;
	s16 =	simm.s32 $0x200;
	[dreg:$0xd] =	wrdreg s2  }
0x17: {  	s17 =	simm.s32 $0x1;
	s22 =	simm.s32 $0x280;
	[dreg:$0xe] =	wrdreg s20  }
0x18: {  	s25 =	simm.s32 $0x0;
	s18 =	sadd.s32 s0, s11;
	[dreg:$0x14] =	wrdreg s26  }
0x19: {  	s21 =	sadd.s32 s3, s11;
	s20 =	sadd.s32 s19, s0;
	[dreg:$0x15] =	wrdreg s28  }
0x1a: {  	[dreg:$0x16] =	wrdreg s29;
	s0 =	sadd.s32 $0x12000, s8;
	s2 =	simm.s32 $0x300  }
0x1b: {  	s11 =	simm.s32 $0x5;
	s13 =	simm.s32 $0x6;
	[dreg:$0xc] =	wrdreg s18  }
.Ltmp0:
0x1c: {  	[dreg:$0xf] =	wrdreg s21;
	s21 =	sadd.s32 s19, s3;
	(pc) =	sbr.rel .LBB2_1-.Ltmp0, $4  }
0x1d: {  	s23 =	sadd.s32 s15, s12;
	s24 =	sadd.s32 s14, s12;
	s14 =	simm.s32 $0x7  }
0x1e: {  	s15 =	simm.s32 $0x100;
	s18 =	simm.s32 $0x7C;
	s19 =	simm.s32 $0x2  }
0x1f: {  	s3 =	simm.s32 $0x8300;
	s12 =	simm.s32 $0x180;
	[dreg:$0x11] =	wrdreg s23  }
0x20: {  	v0 =	vimm.f32 $0.0e+00;
	[dreg:$0x12] =	wrdreg s24;
	s23 =	simm.s32 $0x4300;
	s24 =	simm.s32 $0x3  }
.LBB2_10:
0x21: {  	s28 =	sadd.s32 $0x27000, s28;
	s29 =	sshrl.u32 s1, $0x3  }
0x22: {  	[hbm:s28], [sflag:s26] =	dma.local [spmem:s29], $0x100  }
0x23: {  	_ =	swait.ge [sflag:s14], $0x100  }
0x24: {  	[sflag:s14] =	ssyncset.done $0x0  }
0x25: {  	[sflag:s14] =	ssyncadd.s32 $0xFFFFFF00  }
.LBB2_11:
0x26: {  	s25 =	sadd.s32 $0x1, s25;
	s26 =	rddreg [dreg:$0x13]  }
0x27: {  	p3 =	sne.s32 s25, s26  }
.Ltmp1:
0x28: {  	_ = 	snop;
	(pc) =	sbr.rel @!p3 .LBB2_12-.Ltmp1, $1  }
0x29: {  	_ =	sdelay $0x3  }
.LBB2_1:
0x2a: {  	s26 =	simm.s32 $0x0;
	s28 =	simm.s32 $0x200  }
.LBB2_2:
0x2b: {  	p3 =	sne.s32 s28, $0xF600;
	[tilespmem:s26+$0x370] =	vst v0  }
0x2c: {  	[tilespmem:s26+$0x300] =	vst v0  }
0x2d: {  	[tilespmem:s26+$0x310] =	vst v0  }
.Ltmp2:
0x2e: {  	[tilespmem:s26+$0x320] =	vst v0;
	(pc) =	sbr.rel @p3 .LBB2_2-.Ltmp2, $4  }
0x2f: {  	[tilespmem:s26+$0x330] =	vst v0  }
0x30: {  	[tilespmem:s26+$0x340] =	vst v0  }
0x31: {  	[tilespmem:s26+$0x350] =	vst v0  }
0x32: {  	[tilespmem:s26+$0x360] =	vst v0;
	s26 =	sshra.s32 s28, $0x2;
	s28 =	sadd.s32 $0x200, s28  }
0x33: {  	[tilespmem:s26+$0x370] =	vst v0  }
0x34: {  	[tilespmem:s26+$0x300] =	vst v0  }
0x35: {  	[tilespmem:s26+$0x310] =	vst v0  }
0x36: {  	[tilespmem:s26+$0x320] =	vst v0  }
0x37: {  	[tilespmem:s26+$0x330] =	vst v0  }
0x38: {  	[tilespmem:s26+$0x340] =	vst v0  }
0x39: {  	[tilespmem:s26+$0x350] =	vst v0  }
0x3a: {  	[tilespmem:s26+$0x360] =	vst v0  }
0x3b: {  	[spmem:s8] =	stream.linear.scatter [tilespmem:s2], [sflag:$0x7], $0x1800, $0x38;
	[tilespmem:$0x1FB80] =	vst v63  }
0x3c: {  	_ =	swait.ge [sflag:s14], $0x1800  }
0x3d: {  	[sflag:s14] =	ssyncset.done $0x0  }
0x3e: {  	s29 =	rddreg [dreg:$0x5];
	[sflag:s14] =	ssyncadd.s32 $0xFFFFE800  }
0x3f: {  	[spmem:s29] =	stream.linear.scatter [tilespmem:s2], [sflag:$0x7], $0x1800, $0x38;
	[tilespmem:$0x1FB80] =	vst v63  }
0x40: {  	_ =	swait.ge [sflag:s14], $0x1800  }
0x41: {  	[sflag:s14] =	ssyncset.done $0x0  }
0x42: {  	s28 =	rddreg [dreg:$0x6];
	[sflag:s14] =	ssyncadd.s32 $0xFFFFE800  }
0x43: {  	[spmem:s28] =	stream.linear.scatter [tilespmem:s2], [sflag:$0x7], $0x1800, $0x38;
	[tilespmem:$0x1FB80] =	vst v63  }
0x44: {  	_ =	swait.ge [sflag:s14], $0x1800  }
0x45: {  	[sflag:s14] =	ssyncset.done $0x0  }
0x46: {  	s29 =	rddreg [dreg:$0x7];
	[sflag:s14] =	ssyncadd.s32 $0xFFFFE800  }
0x47: {  	[spmem:s29] =	stream.linear.scatter [tilespmem:s2], [sflag:$0x7], $0x1800, $0x38;
	[tilespmem:$0x1FB80] =	vst v63  }
0x48: {  	_ =	swait.ge [sflag:s14], $0x1800  }
0x49: {  	[sflag:s14] =	ssyncset.done $0x0  }
0x4a: {  	s28 =	rddreg [dreg:$0x8];
	[sflag:s14] =	ssyncadd.s32 $0xFFFFE800  }
0x4b: {  	[spmem:s28] =	stream.linear.scatter [tilespmem:s2], [sflag:$0x7], $0x1800, $0x38;
	[tilespmem:$0x1FB80] =	vst v63  }
0x4c: {  	_ =	swait.ge [sflag:s14], $0x1800  }
0x4d: {  	[sflag:s14] =	ssyncset.done $0x0  }
0x4e: {  	s29 =	rddreg [dreg:$0x9];
	[sflag:s14] =	ssyncadd.s32 $0xFFFFE800  }
0x4f: {  	[spmem:s29] =	stream.linear.scatter [tilespmem:s2], [sflag:$0x7], $0x1800, $0x38;
	[tilespmem:$0x1FB80] =	vst v63  }
0x50: {  	_ =	swait.ge [sflag:s14], $0x1800  }
0x51: {  	[sflag:s14] =	ssyncset.done $0x0  }
0x52: {  	s28 =	rddreg [dreg:$0x10];
	[sflag:s14] =	ssyncadd.s32 $0xFFFFE800  }
0x53: {  	[spmem:s28] =	stream.linear.scatter [tilespmem:s2], [sflag:$0x7], $0x1800, $0x38;
	[tilespmem:$0x1FB80] =	vst v63  }
0x54: {  	_ =	swait.ge [sflag:s14], $0x1800  }
0x55: {  	[sflag:s14] =	ssyncset.done $0x0  }
0x56: {  	s29 =	rddreg [dreg:$0x14];
	[sflag:s14] =	ssyncadd.s32 $0xFFFFE800  }
0x57: {  	[spmem:s29] =	stream.linear.scatter [tilespmem:s2], [sflag:$0x7], $0x1800, $0x38;
	[tilespmem:$0x1FB80] =	vst v63  }
0x58: {  	_ =	swait.ge [sflag:s14], $0x1800  }
0x59: {  	[sflag:s14] =	ssyncset.done $0x0  }
0x5a: {  	s28 =	rddreg [dreg:$0x15];
	[sflag:s14] =	ssyncadd.s32 $0xFFFFE800  }
0x5b: {  	[spmem:s28] =	stream.linear.scatter [tilespmem:s2], [sflag:$0x7], $0x1800, $0x38;
	[tilespmem:$0x1FB80] =	vst v63  }
0x5c: {  	_ =	swait.ge [sflag:s14], $0x1800  }
0x5d: {  	[sflag:s14] =	ssyncset.done $0x0  }
0x5e: {  	s29 =	rddreg [dreg:$0x16];
	[sflag:s14] =	ssyncadd.s32 $0xFFFFE800  }
0x5f: {  	[spmem:s29] =	stream.linear.scatter [tilespmem:s2], [sflag:$0x7], $0x1800, $0x38;
	[tilespmem:$0x1FB80] =	vst v63  }
0x60: {  	_ =	swait.ge [sflag:s14], $0x1800  }
0x61: {  	[sflag:s14] =	ssyncset.done $0x0  }
0x62: {  	[sflag:s14] =	ssyncadd.s32 $0xFFFFE800  }
0x63: {  	[spmem:s30] =	stream.linear.scatter [tilespmem:s2], [sflag:$0x7], $0x1800, $0x38;
	[tilespmem:$0x1FB80] =	vst v63  }
0x64: {  	_ =	swait.ge [sflag:s14], $0x1800  }
0x65: {  	[sflag:s14] =	ssyncset.done $0x0  }
0x66: {  	[sflag:s14] =	ssyncadd.s32 $0xFFFFE800  }
0x67: {  	[spmem:s31] =	stream.linear.scatter [tilespmem:s2], [sflag:$0x7], $0x1800, $0x38;
	[tilespmem:$0x1FB80] =	vst v63  }
0x68: {  	_ =	swait.ge [sflag:s14], $0x1800  }
0x69: {  	[sflag:s14] =	ssyncset.done $0x0  }
0x6a: {  	[sflag:s14] =	ssyncadd.s32 $0xFFFFE800  }
0x6b: {  	[spmem:s0] =	stream.linear.scatter [tilespmem:s2], [sflag:$0x7], $0x1800, $0x38;
	[tilespmem:$0x1FB80] =	vst v63  }
0x6c: {  	_ =	swait.ge [sflag:s14], $0x1800  }
0x6d: {  	[sflag:s14] =	ssyncset.done $0x0  }
0x6e: {  	s26 =	simm.s32 @!p1 $0x300;
	[sflag:s14] =	ssyncadd.s32 $0xFFFFE800  }
0x6f: {  	[spmem:s1] =	stream.linear.scatter @!p1 [tilespmem:s26], [sflag:$0x7], $0x800, $0x38;
	[tilespmem:$0x1FB80] =	vst v63  }
0x70: {  	s26 =	simm.s32 @!p1 $0x7  }
.Ltmp3:
0x71: {  	_ =	swait.ge @!p1 [sflag:s26], $0x800;
	(pc) =	sbr.rel @p0 .LBB2_7-.Ltmp3, $3  }
0x72: {  	[sflag:s26] =	ssyncset.done @!p1 $0x0  }
0x73: {  	[sflag:s26] =	ssyncadd.s32 @!p1 $0xFFFFF800  }
0x74: {  	[bflag:$0x0] =	sbarrier.arrive $0xFFFF;
	_ =	sdelay $0x1  }
0x75: {  	s26 =	rddreg [dreg:$0xd]  }
0x76: {  	[tilespmem:s5], [sflag:$0x1] =	stream.linear.gather [hbm4b:s26+s5], $0x100, $0x38;
	[tilespmem:$0x1FB80] =	vst v63  }
0x77: {  	s29 =	rddreg [dreg:$0xe]  }
0x78: {  	[tilespmem:s15], [sflag:$0x2] =	stream.linear.gather [hbm4b:s29+s5], $0x100, $0x38;
	[tilespmem:$0x1FB80] =	vst v63  }
0x79: {  	s29 =	rddreg [dreg:$0xf]  }
0x7a: {  	[tilespmem:s16], [sflag:$0x3] =	stream.linear.gather [hbm4b:s29+s5], $0x100, $0x38;
	[tilespmem:$0x1FB80] =	vst v63  }
0x7b: {  	_ =	swait.ge [sflag:s17], $0x100  }
0x7c: {  	[sflag:s17] =	ssyncset.done $0x0  }
0x7d: {  	[sflag:s17] =	ssyncadd.s32 $0xFFFFFF00  }
0x7e: {  	[tilespmem:s2], [sflag:$0x4] =	stream.indirect.gather [hbm4b:s6+s18], $0x80, s5, s18, $0xb8;
	[tilespmem:$0x1FB80] =	vst v63  }
0x7f: {  	_ =	swait.ge [sflag:s19], $0x100  }
0x80: {  	[sflag:s19] =	ssyncset.done $0x0  }
0x81: {  	[sflag:s19] =	ssyncadd.s32 $0xFFFFFF00  }
0x82: {  	[tilespmem:s23], [sflag:$0x5] =	stream.indirect.gather [hbm4b:s6+s18], $0x80, s15, s18, $0xb8;
	[tilespmem:$0x1FB80] =	vst v63  }
0x83: {  	_ =	swait.ge [sflag:s24], $0x100  }
0x84: {  	[sflag:s24] =	ssyncset.done $0x0  }
0x85: {  	[sflag:s24] =	ssyncadd.s32 $0xFFFFFF00  }
0x86: {  	[tilespmem:s3], [sflag:$0x6] =	stream.indirect.gather [hbm4b:s6+s18], $0x80, s16, s18, $0xb8;
	[tilespmem:$0x1FB80] =	vst v63  }
0x87: {  	_ =	swait.ge [sflag:s9], $0x3E00  }
0x88: {  	[sflag:s9] =	ssyncset.done $0x0  }
0x89: {  	[sflag:s9] =	ssyncadd.s32 $0xFFFFC200  }
0x8a: {  	[spmem:s4] =	stream.indirect.scatter.add.f32 [tilespmem:s2], [sflag:$0x7], $0x80, s10, s18, $0xb8;
	[tilespmem:$0x1FB80] =	vst v63  }
0x8b: {  	_ =	swait.ge [sflag:s14], $0x3E00  }
0x8c: {  	s28 =	sadd.s32 $0xFFFFEBC0, s21;
	[sflag:s14] =	ssyncset.done $0x0  }
0x8d: {  	s29 =	sadd.s32 $0x14A0, s28;
	[sflag:s14] =	ssyncadd.s32 $0xFFFFC200  }
0x8e: {  	[tilespmem:s5], [sflag:$0x1] =	stream.linear.gather [hbm4b:s29+s5], $0x100, $0x38;
	[tilespmem:$0x1FB80] =	vst v63  }
0x8f: {  	_ =	swait.ge [sflag:s17], $0x100  }
0x90: {  	[sflag:s17] =	ssyncset.done $0x0  }
0x91: {  	[sflag:s17] =	ssyncadd.s32 $0xFFFFFF00  }
0x92: {  	[tilespmem:s2], [sflag:$0x4] =	stream.indirect.gather [hbm4b:s6+s18], $0x80, s5, s18, $0xb8;
	[tilespmem:$0x1FB80] =	vst v63  }
0x93: {  	_ =	swait.ge [sflag:s11], $0x3E00  }
0x94: {  	[sflag:s11] =	ssyncset.done $0x0  }
0x95: {  	[sflag:s11] =	ssyncadd.s32 $0xFFFFC200  }
0x96: {  	[spmem:s4] =	stream.indirect.scatter.add.f32 [tilespmem:s23], [sflag:$0x7], $0x80, s12, s18, $0xb8;
	[tilespmem:$0x1FB80] =	vst v63  }
0x97: {  	_ =	swait.ge [sflag:s14], $0x3E00  }
0x98: {  	[sflag:s14] =	ssyncset.done $0x0  }
0x99: {  	s29 =	sadd.s32 $0x14C0, s28;
	[sflag:s14] =	ssyncadd.s32 $0xFFFFC200  }
0x9a: {  	[tilespmem:s15], [sflag:$0x2] =	stream.linear.gather [hbm4b:s29+s5], $0x100, $0x38;
	[tilespmem:$0x1FB80] =	vst v63  }
0x9b: {  	_ =	swait.ge [sflag:s19], $0x100  }
0x9c: {  	[sflag:s19] =	ssyncset.done $0x0  }
0x9d: {  	[sflag:s19] =	ssyncadd.s32 $0xFFFFFF00  }
0x9e: {  	[tilespmem:s23], [sflag:$0x5] =	stream.indirect.gather [hbm4b:s6+s18], $0x80, s15, s18, $0xb8;
	[tilespmem:$0x1FB80] =	vst v63  }
0x9f: {  	_ =	swait.ge [sflag:s13], $0x3E00  }
0xa0: {  	[sflag:s13] =	ssyncset.done $0x0  }
0xa1: {  	[sflag:s13] =	ssyncadd.s32 $0xFFFFC200  }
0xa2: {  	[spmem:s4] =	stream.indirect.scatter.add.f32 [tilespmem:s3], [sflag:$0x7], $0x80, s22, s18, $0xb8;
	[tilespmem:$0x1FB80] =	vst v63  }
0xa3: {  	_ =	swait.ge [sflag:s14], $0x3E00  }
0xa4: {  	[sflag:s14] =	ssyncset.done $0x0  }
0xa5: {  	s26 =	simm.s32 $0xFFFFEC20;
	s28 =	sadd.s32 $0x14E0, s28;
	[sflag:s14] =	ssyncadd.s32 $0xFFFFC200  }
.LBB2_5:
0xa6: {  	[tilespmem:s16], [sflag:$0x3] =	stream.linear.gather [hbm4b:s28+s5], $0x100, $0x38;
	[tilespmem:$0x1FB80] =	vst v63  }
0xa7: {  	s28 =	smov.u32 s26  }
0xa8: {  	p3 =	sne.s32 s26, $0xFFFFFFA0;
	s26 =	sadd.s32 $0x60, s26;
	_ =	swait.ge [sflag:s24], $0x100  }
0xa9: {  	[sflag:s24] =	ssyncset.done $0x0  }
0xaa: {  	[sflag:s24] =	ssyncadd.s32 $0xFFFFFF00  }
0xab: {  	[tilespmem:s3], [sflag:$0x6] =	stream.indirect.gather [hbm4b:s6+s18], $0x80, s16, s18, $0xb8;
	[tilespmem:$0x1FB80] =	vst v63  }
0xac: {  	_ =	swait.ge [sflag:s9], $0x3E00  }
0xad: {  	[sflag:s9] =	ssyncset.done $0x0  }
0xae: {  	[sflag:s9] =	ssyncadd.s32 $0xFFFFC200  }
0xaf: {  	[spmem:s4] =	stream.indirect.scatter.add.f32 [tilespmem:s2], [sflag:$0x7], $0x80, s10, s18, $0xb8;
	[tilespmem:$0x1FB80] =	vst v63  }
0xb0: {  	_ =	swait.ge [sflag:s14], $0x3E00  }
0xb1: {  	s28 =	sadd.s32 s28, s21;
	[sflag:s14] =	ssyncset.done $0x0  }
0xb2: {  	s29 =	sadd.s32 $0x14A0, s28;
	[sflag:s14] =	ssyncadd.s32 $0xFFFFC200  }
0xb3: {  	[tilespmem:s5], [sflag:$0x1] =	stream.linear.gather [hbm4b:s29+s5], $0x100, $0x38;
	[tilespmem:$0x1FB80] =	vst v63  }
0xb4: {  	_ =	swait.ge [sflag:s17], $0x100  }
0xb5: {  	[sflag:s17] =	ssyncset.done $0x0  }
0xb6: {  	[sflag:s17] =	ssyncadd.s32 $0xFFFFFF00  }
0xb7: {  	[tilespmem:s2], [sflag:$0x4] =	stream.indirect.gather [hbm4b:s6+s18], $0x80, s5, s18, $0xb8;
	[tilespmem:$0x1FB80] =	vst v63  }
0xb8: {  	_ =	swait.ge [sflag:s11], $0x3E00  }
0xb9: {  	[sflag:s11] =	ssyncset.done $0x0  }
0xba: {  	[sflag:s11] =	ssyncadd.s32 $0xFFFFC200  }
0xbb: {  	[spmem:s4] =	stream.indirect.scatter.add.f32 [tilespmem:s23], [sflag:$0x7], $0x80, s12, s18, $0xb8;
	[tilespmem:$0x1FB80] =	vst v63  }
0xbc: {  	_ =	swait.ge [sflag:s14], $0x3E00  }
0xbd: {  	[sflag:s14] =	ssyncset.done $0x0  }
0xbe: {  	s29 =	sadd.s32 $0x14C0, s28;
	[sflag:s14] =	ssyncadd.s32 $0xFFFFC200  }
0xbf: {  	[tilespmem:s15], [sflag:$0x2] =	stream.linear.gather [hbm4b:s29+s5], $0x100, $0x38;
	[tilespmem:$0x1FB80] =	vst v63  }
0xc0: {  	_ =	swait.ge [sflag:s19], $0x100  }
0xc1: {  	[sflag:s19] =	ssyncset.done $0x0  }
0xc2: {  	[sflag:s19] =	ssyncadd.s32 $0xFFFFFF00  }
0xc3: {  	[tilespmem:s23], [sflag:$0x5] =	stream.indirect.gather [hbm4b:s6+s18], $0x80, s15, s18, $0xb8;
	[tilespmem:$0x1FB80] =	vst v63  }
0xc4: {  	_ =	swait.ge [sflag:s13], $0x3E00  }
0xc5: {  	[sflag:s13] =	ssyncset.done $0x0  }
.Ltmp4:
0xc6: {  	[sflag:s13] =	ssyncadd.s32 $0xFFFFC200;
	(pc) =	sbr.rel @p3 .LBB2_5-.Ltmp4, $4  }
0xc7: {  	[spmem:s4] =	stream.indirect.scatter.add.f32 [tilespmem:s3], [sflag:$0x7], $0x80, s22, s18, $0xb8;
	[tilespmem:$0x1FB80] =	vst v63  }
0xc8: {  	_ =	swait.ge [sflag:s14], $0x3E00  }
0xc9: {  	[sflag:s14] =	ssyncset.done $0x0  }
0xca: {  	s28 =	sadd.s32 $0x14E0, s28;
	[sflag:s14] =	ssyncadd.s32 $0xFFFFC200  }
0xcb: {  	[tilespmem:s16], [sflag:$0x3] =	stream.linear.gather [hbm4b:s28+s5], $0x100, $0x38;
	[tilespmem:$0x1FB80] =	vst v63  }
0xcc: {  	_ =	swait.ge [sflag:s9], $0x3E00  }
0xcd: {  	[sflag:s9] =	ssyncset.done $0x0  }
0xce: {  	[sflag:s9] =	ssyncadd.s32 $0xFFFFC200  }
0xcf: {  	_ =	swait.ge [sflag:s11], $0x3E00  }
0xd0: {  	[sflag:s11] =	ssyncset.done $0x0  }
0xd1: {  	[sflag:s11] =	ssyncadd.s32 $0xFFFFC200  }
0xd2: {  	_ =	swait.ge [sflag:s24], $0x100  }
0xd3: {  	[sflag:s24] =	ssyncset.done $0x0  }
0xd4: {  	s26 =	stileid.u32;
	[sflag:s24] =	ssyncadd.s32 $0xFFFFFF00  }
0xd5: {  	s26 =	sshll.u32 s26, $0x6;
	[bflag:$0x0] =	sbarrier.arrive $0xFFFF  }
0xd6: {  	s28 =	sshrl.u32 s8, $0x3;
	s26 =	sor.u32 $0x1C07, s26;
	s29 =	rddreg [dreg:$0x12]  }
0xd7: {  	[hbm:s29], [sflag:s26] =	dma.local [spmem:s28], $0x2700  }
.Ltmp5:
0xd8: {  	_ = 	snop;
	(pc) =	sbr.rel @p2 .LBB2_10-.Ltmp5, $4  }
.Ltmp6:
0xd9: {  	_ =	swait.ge [sflag:s14], $0x2700;
	(pc) =	sbr.rel @!p2 .LBB2_11-.Ltmp6, $4  }
0xda: {  	[sflag:s14] =	ssyncset.done $0x0  }
0xdb: {  	[sflag:s14] =	ssyncadd.s32 $0xFFFFD900  }
0xdc: {  	s28 =	rddreg [dreg:$0x1]  }
0xdd: {  	_ = 	snop  }
.LBB2_7:
0xde: {  	s26 =	rddreg [dreg:$0xa]  }
0xdf: {  	[tilespmem:s5], [sflag:$0x1] =	stream.linear.gather [hbm4b:s26+s5], $0x100, $0x38;
	[tilespmem:$0x1FB80] =	vst v63  }
0xe0: {  	s29 =	rddreg [dreg:$0xb]  }
0xe1: {  	[tilespmem:s15], [sflag:$0x2] =	stream.linear.gather [hbm4b:s29+s5], $0x100, $0x38;
	[tilespmem:$0x1FB80] =	vst v63  }
0xe2: {  	s29 =	rddreg [dreg:$0xc]  }
0xe3: {  	[tilespmem:s16], [sflag:$0x3] =	stream.linear.gather [hbm4b:s29+s5], $0x100, $0x38;
	[tilespmem:$0x1FB80] =	vst v63  }
0xe4: {  	_ =	swait.ge [sflag:s17], $0x100  }
0xe5: {  	[sflag:s17] =	ssyncset.done $0x0  }
0xe6: {  	[sflag:s17] =	ssyncadd.s32 $0xFFFFFF00  }
0xe7: {  	[tilespmem:s2], [sflag:$0x4] =	stream.indirect.gather [hbm4b:s7+s18], $0x80, s5, s18, $0xb8;
	[tilespmem:$0x1FB80] =	vst v63  }
0xe8: {  	_ =	swait.ge [sflag:s19], $0x100  }
0xe9: {  	[sflag:s19] =	ssyncset.done $0x0  }
0xea: {  	[sflag:s19] =	ssyncadd.s32 $0xFFFFFF00  }
0xeb: {  	[tilespmem:s23], [sflag:$0x5] =	stream.indirect.gather [hbm4b:s7+s18], $0x80, s15, s18, $0xb8;
	[tilespmem:$0x1FB80] =	vst v63  }
0xec: {  	_ =	swait.ge [sflag:s24], $0x100  }
0xed: {  	[sflag:s24] =	ssyncset.done $0x0  }
0xee: {  	[sflag:s24] =	ssyncadd.s32 $0xFFFFFF00  }
0xef: {  	[tilespmem:s3], [sflag:$0x6] =	stream.indirect.gather [hbm4b:s7+s18], $0x80, s16, s18, $0xb8;
	[tilespmem:$0x1FB80] =	vst v63  }
0xf0: {  	_ =	swait.ge [sflag:s9], $0x3E00  }
0xf1: {  	[sflag:s9] =	ssyncset.done $0x0  }
0xf2: {  	[sflag:s9] =	ssyncadd.s32 $0xFFFFC200  }
0xf3: {  	[spmem:s4] =	stream.indirect.scatter.add.f32 [tilespmem:s2], [sflag:$0x7], $0x80, s10, s18, $0xb8;
	[tilespmem:$0x1FB80] =	vst v63  }
0xf4: {  	_ =	swait.ge [sflag:s14], $0x3E00  }
0xf5: {  	s28 =	sadd.s32 $0xFFFFEBC0, s20;
	[sflag:s14] =	ssyncset.done $0x0  }
0xf6: {  	s29 =	sadd.s32 $0x14A0, s28;
	[sflag:s14] =	ssyncadd.s32 $0xFFFFC200  }
0xf7: {  	[tilespmem:s5], [sflag:$0x1] =	stream.linear.gather [hbm4b:s29+s5], $0x100, $0x38;
	[tilespmem:$0x1FB80] =	vst v63  }
0xf8: {  	_ =	swait.ge [sflag:s17], $0x100  }
0xf9: {  	[sflag:s17] =	ssyncset.done $0x0  }
0xfa: {  	[sflag:s17] =	ssyncadd.s32 $0xFFFFFF00  }
0xfb: {  	[tilespmem:s2], [sflag:$0x4] =	stream.indirect.gather [hbm4b:s7+s18], $0x80, s5, s18, $0xb8;
	[tilespmem:$0x1FB80] =	vst v63  }
0xfc: {  	_ =	swait.ge [sflag:s11], $0x3E00  }
0xfd: {  	[sflag:s11] =	ssyncset.done $0x0  }
0xfe: {  	[sflag:s11] =	ssyncadd.s32 $0xFFFFC200  }
0xff: {  	[spmem:s4] =	stream.indirect.scatter.add.f32 [tilespmem:s23], [sflag:$0x7], $0x80, s12, s18, $0xb8;
	[tilespmem:$0x1FB80] =	vst v63  }
0x100: {  	_ =	swait.ge [sflag:s14], $0x3E00  }
0x101: {  	[sflag:s14] =	ssyncset.done $0x0  }
0x102: {  	s29 =	sadd.s32 $0x14C0, s28;
	[sflag:s14] =	ssyncadd.s32 $0xFFFFC200  }
0x103: {  	[tilespmem:s15], [sflag:$0x2] =	stream.linear.gather [hbm4b:s29+s5], $0x100, $0x38;
	[tilespmem:$0x1FB80] =	vst v63  }
0x104: {  	_ =	swait.ge [sflag:s19], $0x100  }
0x105: {  	[sflag:s19] =	ssyncset.done $0x0  }
0x106: {  	[sflag:s19] =	ssyncadd.s32 $0xFFFFFF00  }
0x107: {  	[tilespmem:s23], [sflag:$0x5] =	stream.indirect.gather [hbm4b:s7+s18], $0x80, s15, s18, $0xb8;
	[tilespmem:$0x1FB80] =	vst v63  }
0x108: {  	_ =	swait.ge [sflag:s13], $0x3E00  }
0x109: {  	[sflag:s13] =	ssyncset.done $0x0  }
0x10a: {  	[sflag:s13] =	ssyncadd.s32 $0xFFFFC200  }
0x10b: {  	[spmem:s4] =	stream.indirect.scatter.add.f32 [tilespmem:s3], [sflag:$0x7], $0x80, s22, s18, $0xb8;
	[tilespmem:$0x1FB80] =	vst v63  }
0x10c: {  	_ =	swait.ge [sflag:s14], $0x3E00  }
0x10d: {  	[sflag:s14] =	ssyncset.done $0x0  }
0x10e: {  	s26 =	simm.s32 $0xFFFFEC20;
	s28 =	sadd.s32 $0x14E0, s28;
	[sflag:s14] =	ssyncadd.s32 $0xFFFFC200  }
.LBB2_8:
0x10f: {  	[tilespmem:s16], [sflag:$0x3] =	stream.linear.gather [hbm4b:s28+s5], $0x100, $0x38;
	[tilespmem:$0x1FB80] =	vst v63  }
0x110: {  	s28 =	smov.u32 s26  }
0x111: {  	p3 =	sne.s32 s26, $0xFFFFFFA0;
	s26 =	sadd.s32 $0x60, s26;
	_ =	swait.ge [sflag:s24], $0x100  }
0x112: {  	[sflag:s24] =	ssyncset.done $0x0  }
0x113: {  	[sflag:s24] =	ssyncadd.s32 $0xFFFFFF00  }
0x114: {  	[tilespmem:s3], [sflag:$0x6] =	stream.indirect.gather [hbm4b:s7+s18], $0x80, s16, s18, $0xb8;
	[tilespmem:$0x1FB80] =	vst v63  }
0x115: {  	_ =	swait.ge [sflag:s9], $0x3E00  }
0x116: {  	[sflag:s9] =	ssyncset.done $0x0  }
0x117: {  	[sflag:s9] =	ssyncadd.s32 $0xFFFFC200  }
0x118: {  	[spmem:s4] =	stream.indirect.scatter.add.f32 [tilespmem:s2], [sflag:$0x7], $0x80, s10, s18, $0xb8;
	[tilespmem:$0x1FB80] =	vst v63  }
0x119: {  	_ =	swait.ge [sflag:s14], $0x3E00  }
0x11a: {  	s28 =	sadd.s32 s28, s20;
	[sflag:s14] =	ssyncset.done $0x0  }
0x11b: {  	s29 =	sadd.s32 $0x14A0, s28;
	[sflag:s14] =	ssyncadd.s32 $0xFFFFC200  }
0x11c: {  	[tilespmem:s5], [sflag:$0x1] =	stream.linear.gather [hbm4b:s29+s5], $0x100, $0x38;
	[tilespmem:$0x1FB80] =	vst v63  }
0x11d: {  	_ =	swait.ge [sflag:s17], $0x100  }
0x11e: {  	[sflag:s17] =	ssyncset.done $0x0  }
0x11f: {  	[sflag:s17] =	ssyncadd.s32 $0xFFFFFF00  }
0x120: {  	[tilespmem:s2], [sflag:$0x4] =	stream.indirect.gather [hbm4b:s7+s18], $0x80, s5, s18, $0xb8;
	[tilespmem:$0x1FB80] =	vst v63  }
0x121: {  	_ =	swait.ge [sflag:s11], $0x3E00  }
0x122: {  	[sflag:s11] =	ssyncset.done $0x0  }
0x123: {  	[sflag:s11] =	ssyncadd.s32 $0xFFFFC200  }
0x124: {  	[spmem:s4] =	stream.indirect.scatter.add.f32 [tilespmem:s23], [sflag:$0x7], $0x80, s12, s18, $0xb8;
	[tilespmem:$0x1FB80] =	vst v63  }
0x125: {  	_ =	swait.ge [sflag:s14], $0x3E00  }
0x126: {  	[sflag:s14] =	ssyncset.done $0x0  }
0x127: {  	s29 =	sadd.s32 $0x14C0, s28;
	[sflag:s14] =	ssyncadd.s32 $0xFFFFC200  }
0x128: {  	[tilespmem:s15], [sflag:$0x2] =	stream.linear.gather [hbm4b:s29+s5], $0x100, $0x38;
	[tilespmem:$0x1FB80] =	vst v63  }
0x129: {  	_ =	swait.ge [sflag:s19], $0x100  }
0x12a: {  	[sflag:s19] =	ssyncset.done $0x0  }
0x12b: {  	[sflag:s19] =	ssyncadd.s32 $0xFFFFFF00  }
0x12c: {  	[tilespmem:s23], [sflag:$0x5] =	stream.indirect.gather [hbm4b:s7+s18], $0x80, s15, s18, $0xb8;
	[tilespmem:$0x1FB80] =	vst v63  }
0x12d: {  	_ =	swait.ge [sflag:s13], $0x3E00  }
0x12e: {  	[sflag:s13] =	ssyncset.done $0x0  }
.Ltmp7:
0x12f: {  	[sflag:s13] =	ssyncadd.s32 $0xFFFFC200;
	(pc) =	sbr.rel @p3 .LBB2_8-.Ltmp7, $4  }
0x130: {  	[spmem:s4] =	stream.indirect.scatter.add.f32 [tilespmem:s3], [sflag:$0x7], $0x80, s22, s18, $0xb8;
	[tilespmem:$0x1FB80] =	vst v63  }
0x131: {  	_ =	swait.ge [sflag:s14], $0x3E00  }
0x132: {  	[sflag:s14] =	ssyncset.done $0x0  }
0x133: {  	s28 =	sadd.s32 $0x14E0, s28;
	[sflag:s14] =	ssyncadd.s32 $0xFFFFC200  }
0x134: {  	[tilespmem:s16], [sflag:$0x3] =	stream.linear.gather [hbm4b:s28+s5], $0x100, $0x38;
	[tilespmem:$0x1FB80] =	vst v63  }
0x135: {  	_ =	swait.ge [sflag:s9], $0x3E00  }
0x136: {  	[sflag:s9] =	ssyncset.done $0x0  }
0x137: {  	[sflag:s9] =	ssyncadd.s32 $0xFFFFC200  }
0x138: {  	_ =	swait.ge [sflag:s11], $0x3E00  }
0x139: {  	[sflag:s11] =	ssyncset.done $0x0  }
0x13a: {  	[sflag:s11] =	ssyncadd.s32 $0xFFFFC200  }
0x13b: {  	_ =	swait.ge [sflag:s24], $0x100  }
0x13c: {  	[sflag:s24] =	ssyncset.done $0x0  }
0x13d: {  	s26 =	stileid.u32;
	[sflag:s24] =	ssyncadd.s32 $0xFFFFFF00  }
0x13e: {  	s26 =	sshll.u32 s26, $0x6;
	[bflag:$0x0] =	sbarrier.arrive $0xFFFF  }
0x13f: {  	s28 =	sshrl.u32 s8, $0x3;
	s26 =	sor.u32 $0x1C07, s26;
	s29 =	rddreg [dreg:$0x11]  }
0x140: {  	[hbm:s29], [sflag:s26] =	dma.local [spmem:s28], $0x2700  }
.Ltmp8:
0x141: {  	_ = 	snop;
	(pc) =	sbr.rel @p1 .LBB2_11-.Ltmp8, $4  }
.Ltmp9:
0x142: {  	_ =	swait.ge [sflag:s14], $0x2700;
	(pc) =	sbr.rel @!p1 .LBB2_10-.Ltmp9, $4  }
0x143: {  	[sflag:s14] =	ssyncset.done $0x0  }
0x144: {  	[sflag:s14] =	ssyncadd.s32 $0xFFFFD900  }
0x145: {  	s28 =	rddreg [dreg:$0x2]  }
0x146: {  	_ = 	snop  }
.LBB2_12:
0x147: {  	_ =	sfence.sel $0x180000  }
0x148: {  	[bflag:$0x0] =	sbarrier.arrive $0xFFFF  }
0x149: {  	_ =	strace $0x9000004A  }
0x14a: {  	s0 =	stileid.u32;
	[bflag:$0x2] =	sbarrier.arrive $0xFFFF  }
0x14b: {  	p0 =	sne.s32 s0, $0x0;
	s0 =	rddreg [dreg:$0x4]  }
0x14c: {  	s0 =	sadd.s32 @!p0 $0x100000, s0  }
0x14d: {  	[sflag:s0] =	ssyncadd.tile.s32 @!p0 $0x1;
	_ =	shalt  }
.Lfunc_end2:
_tile_overlayer_lowered:
.L_overlay_start_2:
0x14e: {  	(tag) =	ssettag $0x2  }
0x14f: {  	s0 =	rddreg [dreg:$0x0];
	s2 =	stileid.u32  }
0x150: {  	s1 =	rddreg [dreg:$0x1];
	p0 =	sne.s32 s2, $0x0  }
0x151: {  	s3 =	rddreg [dreg:$0x2];
	[bflag:$0x3] =	sbarrier.arrive $0xFFFF;
	s2 =	simm.s32 @!p0 $0x1C07  }
0x152: {  	[timem:s3], [sflag:s2] =	dma.local @!p0 [hbm:s0], s1  }
0x153: {  	s0 =	simm.s32 @!p0 $0x7  }
0x154: {  	_ =	swait.ge @!p0 [sflag:s0], s1  }
0x155: {  	s1 =	ssub.s32 @!p0 $0x0, s1;
	[sflag:s0] =	ssyncset.done @!p0 $0x0  }
0x156: {  	[sflag:s0] =	ssyncadd.s32 @!p0 s1  }
0x157: {  	[bflag:$0x3] =	sbarrier.arrive $0xFFFF  }
0x158: {  	_ =	shalt  }

// kernel: kernel.7.cloned.1.call-start
scs
__scs_entry_jumppad:
0x0: {  	(pc) =	sbr.rel $0x88, $3  }
0x1: {  	(tag) =	ssettag $0x0;
	lr =	simm.s32 $0x1  }
0x2: {  	[smem:$0x3F88] =	sst lr;
	_ =	strace $0xD0000000  }
0x3: {  	_ = 	snop  }
0x4: {  	_ = 	snop  }
0x5: {  	_ = 	snop  }
0x6: {  	_ = 	snop  }
0x7: {  	_ = 	snop  }
__scs_overlays_trampoline_lowered:
0x8: {  	[smem:$0x3F97] =	sst s0  }
0x9: {  	[smem:$0x3F98] =	sst s1  }
0xa: {  	[smem:$0x3F99] =	sst s2  }
0xb: {  	[smem:$0x3F9A] =	sst s3  }
0xc: {  	[smem:$0x3F9B] =	sst s4  }
0xd: {  	[smem:$0x3F9C] =	sst s5  }
0xe: {  	[smem:$0x3F9D] =	sst s6  }
0xf: {  	[smem:$0x3F9E] =	sst s7  }
0x10: {  	[smem:$0x3F9F] =	sst s8  }
0x11: {  	[smem:$0x3FA0] =	sst s9;
	s0 =	simm.s32 @!p0 $0x0  }
0x12: {  	s1 =	sld [smem:$0x3F86];
	s0 =	simm.s32 @p0 $0x1  }
0x13: {  	[smem:$0x3FA1] =	sst s0;
	s0 =	simm.s32 @!p1 $0x0  }
0x14: {  	s2 =	sld [smem:$0x3F85];
	s0 =	simm.s32 @p1 $0x1  }
0x15: {  	[smem:$0x3FA2] =	sst s0;
	s0 =	simm.s32 @!p2 $0x0  }
0x16: {  	s3 =	sld [smem:$0x3FDB];
	s0 =	simm.s32 @p2 $0x1  }
0x17: {  	s4 =	simm.s32 $0x1BF5;
	[smem:$0x3FA4] =	sst s0  }
0x18: {  	s0 =	sld [smem:$0x3F87];
	_ =	swait.ge [sflag:s4], $0x0  }
0x19: {  	s7 =	sld [smem:$0x3F88]  }
0x1a: {  	s8 =	sadd.s32 $0xFFFFE003, lr  }
0x1b: {  	s9 =	sadd.s32 $0xFFFFFEF7, lr;
	s5 =	simm.s32 $0xFFFFFFFF;
	p2 =	slt.u32 s8, $0xFFFFF086  }
0x1c: {  	p1 =	slt.u32 s9, $0xF7A;
	s5 =	simm.s32 @!p2 $0x0  }
0x1d: {  	s5 =	simm.s32 @p1 $0x1;
	p0 =	seq.s32 s7, s2  }
0x1e: {  	s7 =	smul.u32 @!p0 $0xF7A, s2;
	p2 =	seq.s32 @!p0 s5, $0x0  }
0x1f: {  	s9 =	smul.u32 $0xF7A, s1;
	s8 =	simm.s32 @!p0 $0x1BF5;
	p2 =	por !p2, p0  }
0x20: {  	[sflag:s8] =	ssyncset.s32 @!p0 $0xFFFFF086;
	s6 =	sadd.s32 @!p0 s3, s7;
	s7 =	simm.s32 @!p0 $0x108  }
0x21: {  	s3 =	sadd.s32 s3, s9;
	s6 =	sadd.s32 @!p0 $0x88, s6;
	s7 =	simm.s32 @p2 $0x1082  }
0x22: {  	[simem:s7], [sflag:s8] =	dma.local @!p0 [hbm:s6], $0xF7A  }
0x23: {  	s9 =	sor.u32 $0xD0000000, s2;
	s6 =	simm.s32 $0x108;
	_ =	swait.ge @!p0 [sflag:s8], $0x0  }
0x24: {  	s3 =	sadd.s32 $0x88, s3;
	s6 =	simm.s32 @!p1 $0x1082;
	[sflag:s4] =	ssyncset.s32 $0xFFFFF086  }
0x25: {  	[simem:s6], [sflag:s4] =	dma.local [hbm:s3], $0xF7A  }
0x26: {  	[smem:$0x3F88] =	sst s1;
	(tag) =	ssettag s2;
	_ =	strace s9  }
0x27: {  	s1 =	sld [smem:$0x3F98]  }
0x28: {  	s2 =	sld [smem:$0x3F99]  }
0x29: {  	s4 =	sld [smem:$0x3F9B]  }
0x2a: {  	p0 =	seq.s32 s5, $0x0;
	s5 =	sld [smem:$0x3F9C]  }
0x2b: {  	s6 =	sld [smem:$0x3F9D]  }
0x2c: {  	s7 =	sld [smem:$0x3F9E]  }
0x2d: {  	s3 =	simm.s32 $0x108;
	s8 =	sld [smem:$0x3F9F]  }
0x2e: {  	s3 =	simm.s32 @!p0 $0x1082;
	s9 =	sld [smem:$0x3FA0]  }
0x2f: {  	lr =	sadd.s32 s0, s3;
	s0 =	sld [smem:$0x3F97]  }
0x30: {  	s3 =	sld [smem:$0x3F9A]  }
0x31: {  	[smem:$0x3FA3] =	sst s10  }
0x32: {  	s10 =	sld [smem:$0x3FA1];
	_ =	sdelay $0x3  }
0x33: {  	p0 =	seq.s32 s10, $0x1;
	s10 =	sld [smem:$0x3FA3];
	_ =	sdelay $0x3  }
0x34: {  	[smem:$0x3FA3] =	sst s10  }
0x35: {  	s10 =	sld [smem:$0x3FA2];
	_ =	sdelay $0x3  }
0x36: {  	p1 =	seq.s32 s10, $0x1;
	s10 =	sld [smem:$0x3FA3];
	_ =	sdelay $0x3  }
0x37: {  	[smem:$0x3FA3] =	sst s10  }
0x38: {  	s10 =	sld [smem:$0x3FA4]  }
0x39: {  	_ = 	snop;
	(pc) =	sbr.ind lr, $3  }
0x3a: {  	_ = 	snop  }
0x3b: {  	_ = 	snop  }
0x3c: {  	p2 =	seq.s32 s10, $0x1;
	s10 =	sld [smem:$0x3FA3]  }
0x3d: {  	_ =	shalt  }
0x3e: {  	_ =	shalt  }
0x3f: {  	_ =	shalt  }
0x40: {  	_ =	shalt  }
0x41: {  	_ =	shalt  }
0x42: {  	_ =	shalt  }
0x43: {  	_ =	shalt  }
0x44: {  	_ =	shalt  }
0x45: {  	_ =	shalt  }
0x46: {  	_ =	shalt  }
0x47: {  	_ =	shalt  }
0x48: {  	_ =	shalt  }
0x49: {  	_ =	shalt  }
0x4a: {  	_ =	shalt  }
0x4b: {  	_ =	shalt  }
0x4c: {  	_ =	shalt  }
0x4d: {  	_ =	shalt  }
0x4e: {  	_ =	shalt  }
0x4f: {  	_ =	shalt  }
0x50: {  	_ =	shalt  }
0x51: {  	_ =	shalt  }
0x52: {  	_ =	shalt  }
0x53: {  	_ =	shalt  }
0x54: {  	_ =	shalt  }
0x55: {  	_ =	shalt  }
0x56: {  	_ =	shalt  }
0x57: {  	_ =	shalt  }
0x58: {  	_ =	shalt  }
0x59: {  	_ =	shalt  }
0x5a: {  	_ =	shalt  }
0x5b: {  	_ =	shalt  }
0x5c: {  	_ =	shalt  }
0x5d: {  	_ =	shalt  }
0x5e: {  	_ =	shalt  }
0x5f: {  	_ =	shalt  }
0x60: {  	_ =	shalt  }
0x61: {  	_ =	shalt  }
0x62: {  	_ =	shalt  }
0x63: {  	_ =	shalt  }
0x64: {  	_ =	shalt  }
0x65: {  	_ =	shalt  }
0x66: {  	_ =	shalt  }
0x67: {  	_ =	shalt  }
0x68: {  	_ =	shalt  }
0x69: {  	_ =	shalt  }
0x6a: {  	_ =	shalt  }
0x6b: {  	_ =	shalt  }
0x6c: {  	_ =	shalt  }
0x6d: {  	_ =	shalt  }
0x6e: {  	_ =	shalt  }
0x6f: {  	_ =	shalt  }
0x70: {  	_ =	shalt  }
0x71: {  	_ =	shalt  }
0x72: {  	_ =	shalt  }
0x73: {  	_ =	shalt  }
0x74: {  	_ =	shalt  }
0x75: {  	_ =	shalt  }
0x76: {  	_ =	shalt  }
0x77: {  	_ =	shalt  }
0x78: {  	_ =	shalt  }
0x79: {  	_ =	shalt  }
0x7a: {  	_ =	shalt  }
0x7b: {  	_ =	shalt  }
0x7c: {  	_ =	shalt  }
0x7d: {  	_ =	shalt  }
0x7e: {  	_ =	shalt  }
0x7f: {  	_ =	shalt  }
0x80: {  	_ =	shalt  }
0x81: {  	_ =	shalt  }
0x82: {  	_ =	shalt  }
0x83: {  	_ =	shalt  }
0x84: {  	_ =	shalt  }
0x85: {  	_ =	shalt  }
0x86: {  	_ =	shalt  }
0x87: {  	_ =	shalt  }
.Lfunc_end0:
.L_simem_size_0:
called_computation_lowered:
.L_overlay_start_0:
0x88: {  	s2 =	sld [smem:$0x3FD9]  }
0x89: {  	s3 =	sld [smem:$0x3FFE];
	_ =	sdelay $0x1  }
0x8a: {  	s1 =	srdreg.scid  }
0x8b: {  	s0 =	sand.u32 $0x1, s1  }
0x8c: {  	s16 =	sshll.u32 s0, $0xA;
	s2 =	sadd.s32 s3, s2  }
0x8d: {  	s2 =	sadd.s32 s2, s16  }
0x8e: {  	[smem:$0x3FAF] =	sst s2  }
0x8f: {  	_ = 	snop  }
0x90: {  	(tm) =	ssettm $0x1  }
0x91: {  	s17 =	sld [smem:$0x3FFB];
	_ =	sdelay $0x3  }
0x92: {  	_ =	strace s17  }
0x93: {  	s2 =	sld [smem:$0x3FFC];
	_ =	sdelay $0x3  }
0x94: {  	_ =	strace s2  }
0x95: {  	s2 =	sld [smem:$0x3FFD];
	_ =	sdelay $0x3  }
0x96: {  	_ =	strace s2  }
0x97: {  	_ =	strace $0x8FFFFFFF  }
0x98: {  	s18 =	sld [smem:$0x3FDB];
	_ =	sdelay $0x1  }
0x99: {  	s19 =	simm.s32 $_scs_section_size  }
0x9a: {  	s4 =	simm.s32 $_size__tile_overlayer_lowered;
	s5 =	simm.s32 $_tile_overlayer_lowered  }
0x9b: {  	s22 =	simm.s32 $0x1BFF;
	s21 =	sshll.u32 s5, $0x1;
	s2 =	sadd.s32 s19, s18  }
0x9c: {  	s6 =	simm.s32 $0x0;
	s20 =	sshll.u32 s4, $0x1;
	s4 =	sadd.s32 s21, s2  }
0x9d: {  	[timem:s6], [sflag:s22] =	dma.local [hbm:s4], s20  }
0x9e: {  	_ =	swait.ge [sflag:s22], s20  }
0x9f: {  	s3 =	ssub.s32 $0x0, s20;
	[sflag:s22] =	ssyncset.done $0x0  }
0xa0: {  	[sflag:s22] =	ssyncadd.s32 s3;
	_ =	sdelay $0x1  }
0xa1: {  	s23 =	simm.s32 $0x1B8B  }
0xa2: {  	_ =	swait.ge [sflag:s23], $0x1  }
0xa3: {  	[sflag:s23] =	ssyncset.done $0x0  }
0xa4: {  	s25 =	simm.s32 $0x1B8E;
	s24 =	sld [smem:$0x3FFE];
	[sflag:s23] =	ssyncadd.s32 $0xFFFFFFFF  }
0xa5: {  	s26 =	simm.s32 $execute0_lowered;
	[smem:$0x3FD2] =	sst s25  }
0xa6: {  	s4 =	sshll.u32 s26, $0x1;
	_ =	strace $0x80000046;
	[dreg:$0x1] =	wrdreg $0xFFFFFFFF  }
0xa7: {  	s28 =	simm.s32 $_size_execute0_lowered;
	s2 =	sadd.s32 s2, s4;
	[dreg:$0x0] =	wrdreg $0x0  }
0xa8: {  	s4 =	sshll.u32 s28, $0x1;
	[dreg:$0x2] =	wrdreg s2  }
0xa9: {  	[dreg:$0x3] =	wrdreg s4  }
0xaa: {  	[dreg:$0x4] =	wrdreg $0xC0  }
0xab: {  	_ =	task [dreg:s6], $0x5FFFF  }
0xac: {  	[dreg:$0x1] =	wrdreg $0xFFFFFFFF  }
0xad: {  	[dreg:$0x0] =	wrdreg $0x60  }
0xae: {  	[dreg:$0x2] =	wrdreg s24  }
0xaf: {  	[dreg:$0x3] =	wrdreg $0xC3000  }
0xb0: {  	[dreg:$0x4] =	wrdreg $0x9  }
0xb1: {  	_ =	task.clear_ibuf [dreg:s6], $0x5FFFF;
	_ =	strace $0x90000046  }
0xb2: {  	s29 =	simm.s32 $0x9;
	_ =	strace $0x80000048  }
0xb3: {  	_ =	swait.ge [sflag:s29], $0x1  }
0xb4: {  	[sflag:s29] =	ssyncadd.s32 $0xFFFFFFFF  }
0xb5: {  	_ =	strace $0x90000048  }
0xb6: {  	_ =	sfence  }
0xb7: {  	s30 =	sld [smem:$0x0];
	_ =	sdelay $0x2  }
0xb8: {  	s31 =	sshll.u32 s1, $0xD;
	s1 =	sshrl.u32 s1, $0x2  }
0xb9: {  	s3 =	sand.u32 $0x4000, s31;
	s1 =	sadd.s32 s1, s30  }
0xba: {  	s0 =	sor.u32 s3, s0;
	s1 =	sshll.u32 s1, $0x11  }
0xbb: {  	s0 =	sor.u32 s1, s0  }
0xbc: {  	s0 =	sadd.s32 $0x8F2B, s0  }
0xbd: {  	[sflag:s0] =	ssyncadd.remote.s32 $0x1  }
0xbe: {  	_ =	sfence.sel $0xFFFF  }
0xbf: {  	[dreg:$0x0] =	wrdreg $0xFFFFFFFF;
	(pc) =	sbr.abs _section_cstart, $3  }
0xc0: {  	[dreg:$0x1] =	wrdreg $0xFFFFFFFF  }
0xc1: {  	_ =	task.clear_ibuf [dreg:s6], $0x2FFFF;
	_ =	strace $0x9FFFFFFF  }
0xc2: {  	(tm) =	ssettm $0x7FFFFFFF  }
0xc3: {  	_ =	shalt  }
tec
execute0_lowered:
.L_overlay_start_1:
0x0: {  	(tag) =	ssettag $0x1  }
0x1: {  	s0 =	rddreg [dreg:$0x0]  }
0x2: {  	s1 =	rddreg [dreg:$0x1];
	s3 =	simm.s32 $0x0;
	s14 =	stileid.u32  }
0x3: {  	s6 =	srdreg.scid;
	[smem:$0x7FF] =	sst s3;
	s4 =	sadd.s32 $0x52E00, s0  }
0x4: {  	s2 =	sadd.s32 $0xA1200, s0;
	s7 =	smul.u32 $0x4E000, s14;
	s5 =	sadd.s32 $0x7A000, s0  }
0x5: {  	s8 =	sadd.s32 $0xB5C00, s0;
	s6 =	sand.u32 $0x1, s6;
	s11 =	smul.u32 $0xA500, s14  }
0x6: {  	s15 =	sadd.s32 $0xCA600, s0;
	s16 =	sadd.s32 $0xF1800, s0;
	s19 =	smul.u32 $0x14A0, s14  }
0x7: {  	p1 =	sne.s32 s14, $0xF;
	p2 =	seq.s32 s14, $0xF;
	_ =	strace $0x80000047  }
0x8: {  	s9 =	ssub.s32 $0x2, s6;
	p0 =	sne.s32 s6, $0x0;
	[dreg:$0x4] =	wrdreg s16  }
0x9: {  	[dreg:$0x3] =	wrdreg s15;
	s7 =	sshrl.u32 s7, $0x2;
	s29 =	sshrl.u32 s11, $0x3  }
0xa: {  	s10 =	sshrl.u32 s9, $0x1;
	s7 =	sadd.s32 s7, s1;
	s13 =	sadd.s32 s8, s29  }
0xb: {  	s0 =	ssub.s32 s9, s10;
	s9 =	sadd.s32 s2, s29;
	[dreg:$0xa] =	wrdreg s13  }
0xc: {  	s6 =	simm.s32 $0x4300;
	s25 =	sadd.s32 $0x1800, s7;
	[dreg:$0xd] =	wrdreg s9  }
0xd: {  	s20 =	sadd.s32 s19, s8;
	s26 =	sadd.s32 $0x3000, s7;
	[dreg:$0x5] =	wrdreg s25  }
0xe: {  	s17 =	sadd.s32 $0x20, s29;
	s28 =	sadd.s32 $0x4800, s7;
	[dreg:$0x6] =	wrdreg s26  }
0xf: {  	s10 =	simm.s32 $0x80;
	s11 =	sadd.s32 $0x6000, s7;
	[dreg:$0x7] =	wrdreg s28  }
0x10: {  	s12 =	sadd.s32 $0x7800, s7;
	s13 =	sadd.s32 s8, s17;
	[dreg:$0x8] =	wrdreg s11  }
0x11: {  	s21 =	sadd.s32 s2, s17;
	s23 =	sadd.s32 $0x9000, s7;
	[dreg:$0x9] =	wrdreg s12  }
0x12: {  	s0 =	smax.u32 s0, $0x1;
	s30 =	sadd.s32 $0xF000, s7;
	[dreg:$0xb] =	wrdreg s13  }
0x13: {  	s31 =	sadd.s32 $0x10800, s7;
	s17 =	simm.s32 $0x100;
	[dreg:$0xe] =	wrdreg s21  }
0x14: {  	s9 =	simm.s32 $0x4;
	s11 =	sadd.s32 $0x40, s29;
	[dreg:$0x10] =	wrdreg s23  }
0x15: {  	s12 =	smul.u32 $0x2700, s14;
	s21 =	sadd.s32 s19, s2;
	[dreg:$0x13] =	wrdreg s0  }
0x16: {  	s26 =	sadd.s32 $0xA800, s7;
	s28 =	sadd.s32 $0xC000, s7;
	s29 =	sadd.s32 $0xD800, s7  }
0x17: {  	s0 =	sadd.s32 $0x12000, s7;
	s14 =	sadd.s32 $0x138000, s1;
	s19 =	simm.s32 $0x1  }
0x18: {  	s23 =	simm.s32 $0x7C;
	s13 =	simm.s32 $0x6;
	[dreg:$0x14] =	wrdreg s26  }
0x19: {  	s18 =	sadd.s32 s8, s11;
	s22 =	sadd.s32 s2, s11;
	[dreg:$0x15] =	wrdreg s28  }
0x1a: {  	[dreg:$0x16] =	wrdreg s29;
	s8 =	simm.s32 $0x3;
	s2 =	simm.s32 $0x8300  }
.Ltmp0:
0x1b: {  	s11 =	simm.s32 $0x5;
	[dreg:$0xc] =	wrdreg s18;
	(pc) =	sbr.rel .LBB2_1-.Ltmp0, $4  }
0x1c: {  	[dreg:$0xf] =	wrdreg s22;
	s24 =	sadd.s32 s16, s12;
	s25 =	sadd.s32 s15, s12  }
0x1d: {  	s15 =	simm.s32 $0x300;
	s16 =	simm.s32 $0x7;
	s18 =	simm.s32 $0x200  }
0x1e: {  	s12 =	simm.s32 $0x180;
	s22 =	simm.s32 $0x280;
	[dreg:$0x11] =	wrdreg s24  }
0x1f: {  	v0 =	vimm.f32 $0.0e+00;
	[dreg:$0x12] =	wrdreg s25;
	s24 =	simm.s32 $0x2;
	s25 =	simm.s32 $0x0  }
.LBB2_10:
0x20: {  	s28 =	sadd.s32 $0x27000, s28;
	s29 =	sshrl.u32 s14, $0x3  }
0x21: {  	[hbm:s28], [sflag:s26] =	dma.local [spmem:s29], $0x100  }
0x22: {  	_ =	swait.ge [sflag:s16], $0x100  }
0x23: {  	[sflag:s16] =	ssyncset.done $0x0  }
0x24: {  	[sflag:s16] =	ssyncadd.s32 $0xFFFFFF00  }
.LBB2_11:
0x25: {  	s25 =	sadd.s32 $0x1, s25;
	s26 =	rddreg [dreg:$0x13]  }
0x26: {  	p3 =	sne.s32 s25, s26  }
.Ltmp1:
0x27: {  	_ = 	snop;
	(pc) =	sbr.rel @!p3 .LBB2_12-.Ltmp1, $1  }
0x28: {  	_ =	sdelay $0x3  }
.LBB2_1:
0x29: {  	s26 =	simm.s32 $0x0;
	s28 =	simm.s32 $0x200  }
.LBB2_2:
0x2a: {  	p3 =	sne.s32 s28, $0xF600;
	[tilespmem:s26+$0x370] =	vst v0  }
0x2b: {  	[tilespmem:s26+$0x300] =	vst v0  }
0x2c: {  	[tilespmem:s26+$0x310] =	vst v0  }
.Ltmp2:
0x2d: {  	[tilespmem:s26+$0x320] =	vst v0;
	(pc) =	sbr.rel @p3 .LBB2_2-.Ltmp2, $4  }
0x2e: {  	[tilespmem:s26+$0x330] =	vst v0  }
0x2f: {  	[tilespmem:s26+$0x340] =	vst v0  }
0x30: {  	[tilespmem:s26+$0x350] =	vst v0  }
0x31: {  	[tilespmem:s26+$0x360] =	vst v0;
	s26 =	sshra.s32 s28, $0x2;
	s28 =	sadd.s32 $0x200, s28  }
0x32: {  	[tilespmem:s26+$0x370] =	vst v0  }
0x33: {  	[tilespmem:s26+$0x300] =	vst v0  }
0x34: {  	[tilespmem:s26+$0x310] =	vst v0  }
0x35: {  	[tilespmem:s26+$0x320] =	vst v0  }
0x36: {  	[tilespmem:s26+$0x330] =	vst v0  }
0x37: {  	[tilespmem:s26+$0x340] =	vst v0  }
0x38: {  	[tilespmem:s26+$0x350] =	vst v0  }
0x39: {  	[tilespmem:s26+$0x360] =	vst v0  }
0x3a: {  	[spmem:s7] =	stream.linear.scatter [tilespmem:s15], [sflag:$0x7], $0x1800, $0x38;
	[tilespmem:$0x1FB80] =	vst v63  }
0x3b: {  	_ =	swait.ge [sflag:s16], $0x1800  }
0x3c: {  	[sflag:s16] =	ssyncset.done $0x0  }
0x3d: {  	s29 =	rddreg [dreg:$0x5];
	[sflag:s16] =	ssyncadd.s32 $0xFFFFE800  }
0x3e: {  	[spmem:s29] =	stream.linear.scatter [tilespmem:s15], [sflag:$0x7], $0x1800, $0x38;
	[tilespmem:$0x1FB80] =	vst v63  }
0x3f: {  	_ =	swait.ge [sflag:s16], $0x1800  }
0x40: {  	[sflag:s16] =	ssyncset.done $0x0  }
0x41: {  	s28 =	rddreg [dreg:$0x6];
	[sflag:s16] =	ssyncadd.s32 $0xFFFFE800  }
0x42: {  	[spmem:s28] =	stream.linear.scatter [tilespmem:s15], [sflag:$0x7], $0x1800, $0x38;
	[tilespmem:$0x1FB80] =	vst v63  }
0x43: {  	_ =	swait.ge [sflag:s16], $0x1800  }
0x44: {  	[sflag:s16] =	ssyncset.done $0x0  }
0x45: {  	s29 =	rddreg [dreg:$0x7];
	[sflag:s16] =	ssyncadd.s32 $0xFFFFE800  }
0x46: {  	[spmem:s29] =	stream.linear.scatter [tilespmem:s15], [sflag:$0x7], $0x1800, $0x38;
	[tilespmem:$0x1FB80] =	vst v63  }
0x47: {  	_ =	swait.ge [sflag:s16], $0x1800  }
0x48: {  	[sflag:s16] =	ssyncset.done $0x0  }
0x49: {  	s28 =	rddreg [dreg:$0x8];
	[sflag:s16] =	ssyncadd.s32 $0xFFFFE800  }
0x4a: {  	[spmem:s28] =	stream.linear.scatter [tilespmem:s15], [sflag:$0x7], $0x1800, $0x38;
	[tilespmem:$0x1FB80] =	vst v63  }
0x4b: {  	_ =	swait.ge [sflag:s16], $0x1800  }
0x4c: {  	[sflag:s16] =	ssyncset.done $0x0  }
0x4d: {  	s29 =	rddreg [dreg:$0x9];
	[sflag:s16] =	ssyncadd.s32 $0xFFFFE800  }
0x4e: {  	[spmem:s29] =	stream.linear.scatter [tilespmem:s15], [sflag:$0x7], $0x1800, $0x38;
	[tilespmem:$0x1FB80] =	vst v63  }
0x4f: {  	_ =	swait.ge [sflag:s16], $0x1800  }
0x50: {  	[sflag:s16] =	ssyncset.done $0x0  }
0x51: {  	s28 =	rddreg [dreg:$0x10];
	[sflag:s16] =	ssyncadd.s32 $0xFFFFE800  }
0x52: {  	[spmem:s28] =	stream.linear.scatter [tilespmem:s15], [sflag:$0x7], $0x1800, $0x38;
	[tilespmem:$0x1FB80] =	vst v63  }
0x53: {  	_ =	swait.ge [sflag:s16], $0x1800  }
0x54: {  	[sflag:s16] =	ssyncset.done $0x0  }
0x55: {  	s29 =	rddreg [dreg:$0x14];
	[sflag:s16] =	ssyncadd.s32 $0xFFFFE800  }
0x56: {  	[spmem:s29] =	stream.linear.scatter [tilespmem:s15], [sflag:$0x7], $0x1800, $0x38;
	[tilespmem:$0x1FB80] =	vst v63  }
0x57: {  	_ =	swait.ge [sflag:s16], $0x1800  }
0x58: {  	[sflag:s16] =	ssyncset.done $0x0  }
0x59: {  	s28 =	rddreg [dreg:$0x15];
	[sflag:s16] =	ssyncadd.s32 $0xFFFFE800  }
0x5a: {  	[spmem:s28] =	stream.linear.scatter [tilespmem:s15], [sflag:$0x7], $0x1800, $0x38;
	[tilespmem:$0x1FB80] =	vst v63  }
0x5b: {  	_ =	swait.ge [sflag:s16], $0x1800  }
0x5c: {  	[sflag:s16] =	ssyncset.done $0x0  }
0x5d: {  	s29 =	rddreg [dreg:$0x16];
	[sflag:s16] =	ssyncadd.s32 $0xFFFFE800  }
0x5e: {  	[spmem:s29] =	stream.linear.scatter [tilespmem:s15], [sflag:$0x7], $0x1800, $0x38;
	[tilespmem:$0x1FB80] =	vst v63  }
0x5f: {  	_ =	swait.ge [sflag:s16], $0x1800  }
0x60: {  	[sflag:s16] =	ssyncset.done $0x0  }
0x61: {  	[sflag:s16] =	ssyncadd.s32 $0xFFFFE800  }
0x62: {  	[spmem:s30] =	stream.linear.scatter [tilespmem:s15], [sflag:$0x7], $0x1800, $0x38;
	[tilespmem:$0x1FB80] =	vst v63  }
0x63: {  	_ =	swait.ge [sflag:s16], $0x1800  }
0x64: {  	[sflag:s16] =	ssyncset.done $0x0  }
0x65: {  	[sflag:s16] =	ssyncadd.s32 $0xFFFFE800  }
0x66: {  	[spmem:s31] =	stream.linear.scatter [tilespmem:s15], [sflag:$0x7], $0x1800, $0x38;
	[tilespmem:$0x1FB80] =	vst v63  }
0x67: {  	_ =	swait.ge [sflag:s16], $0x1800  }
0x68: {  	[sflag:s16] =	ssyncset.done $0x0  }
0x69: {  	[sflag:s16] =	ssyncadd.s32 $0xFFFFE800  }
0x6a: {  	[spmem:s0] =	stream.linear.scatter [tilespmem:s15], [sflag:$0x7], $0x1800, $0x38;
	[tilespmem:$0x1FB80] =	vst v63  }
0x6b: {  	_ =	swait.ge [sflag:s16], $0x1800  }
0x6c: {  	[sflag:s16] =	ssyncset.done $0x0  }
0x6d: {  	s26 =	simm.s32 @!p1 $0x300;
	[sflag:s16] =	ssyncadd.s32 $0xFFFFE800  }
0x6e: {  	[spmem:s14] =	stream.linear.scatter @!p1 [tilespmem:s26], [sflag:$0x7], $0x800, $0x38;
	[tilespmem:$0x1FB80] =	vst v63  }
0x6f: {  	s26 =	simm.s32 @!p1 $0x7  }
.Ltmp3:
0x70: {  	_ =	swait.ge @!p1 [sflag:s26], $0x800;
	(pc) =	sbr.rel @p0 .LBB2_7-.Ltmp3, $3  }
0x71: {  	[sflag:s26] =	ssyncset.done @!p1 $0x0  }
0x72: {  	[sflag:s26] =	ssyncadd.s32 @!p1 $0xFFFFF800  }
0x73: {  	[bflag:$0x0] =	sbarrier.arrive $0xFFFF;
	_ =	sdelay $0x1  }
0x74: {  	s26 =	rddreg [dreg:$0xd]  }
0x75: {  	[tilespmem:s3], [sflag:$0x1] =	stream.linear.gather [hbm4b:s26+s3], $0x100, $0x38;
	[tilespmem:$0x1FB80] =	vst v63  }
0x76: {  	s29 =	rddreg [dreg:$0xe]  }
0x77: {  	[tilespmem:s17], [sflag:$0x2] =	stream.linear.gather [hbm4b:s29+s3], $0x100, $0x38;
	[tilespmem:$0x1FB80] =	vst v63  }
0x78: {  	s29 =	rddreg [dreg:$0xf]  }
0x79: {  	[tilespmem:s18], [sflag:$0x3] =	stream.linear.gather [hbm4b:s29+s3], $0x100, $0x38;
	[tilespmem:$0x1FB80] =	vst v63  }
0x7a: {  	_ =	swait.ge [sflag:s19], $0x100  }
0x7b: {  	[sflag:s19] =	ssyncset.done $0x0  }
0x7c: {  	[sflag:s19] =	ssyncadd.s32 $0xFFFFFF00  }
0x7d: {  	[tilespmem:s15], [sflag:$0x4] =	stream.indirect.gather [hbm4b:s4+s23], $0x80, s3, s23, $0xb8;
	[tilespmem:$0x1FB80] =	vst v63  }
0x7e: {  	_ =	swait.ge [sflag:s24], $0x100  }
0x7f: {  	[sflag:s24] =	ssyncset.done $0x0  }
0x80: {  	[sflag:s24] =	ssyncadd.s32 $0xFFFFFF00  }
0x81: {  	[tilespmem:s6], [sflag:$0x5] =	stream.indirect.gather [hbm4b:s4+s23], $0x80, s17, s23, $0xb8;
	[tilespmem:$0x1FB80] =	vst v63  }
0x82: {  	_ =	swait.ge [sflag:s8], $0x100  }
0x83: {  	[sflag:s8] =	ssyncset.done $0x0  }
0x84: {  	[sflag:s8] =	ssyncadd.s32 $0xFFFFFF00  }
0x85: {  	[tilespmem:s2], [sflag:$0x6] =	stream.indirect.gather [hbm4b:s4+s23], $0x80, s18, s23, $0xb8;
	[tilespmem:$0x1FB80] =	vst v63  }
0x86: {  	_ =	swait.ge [sflag:s9], $0x3E00  }
0x87: {  	[sflag:s9] =	ssyncset.done $0x0  }
0x88: {  	[sflag:s9] =	ssyncadd.s32 $0xFFFFC200  }
0x89: {  	[spmem:s1] =	stream.indirect.scatter.add.f32 [tilespmem:s15], [sflag:$0x7], $0x80, s10, s23, $0xb8;
	[tilespmem:$0x1FB80] =	vst v63  }
0x8a: {  	_ =	swait.ge [sflag:s16], $0x3E00  }
0x8b: {  	s28 =	sadd.s32 $0xFFFFEBC0, s21;
	[sflag:s16] =	ssyncset.done $0x0  }
0x8c: {  	s29 =	sadd.s32 $0x14A0, s28;
	[sflag:s16] =	ssyncadd.s32 $0xFFFFC200  }
0x8d: {  	[tilespmem:s3], [sflag:$0x1] =	stream.linear.gather [hbm4b:s29+s3], $0x100, $0x38;
	[tilespmem:$0x1FB80] =	vst v63  }
0x8e: {  	_ =	swait.ge [sflag:s19], $0x100  }
0x8f: {  	[sflag:s19] =	ssyncset.done $0x0  }
0x90: {  	[sflag:s19] =	ssyncadd.s32 $0xFFFFFF00  }
0x91: {  	[tilespmem:s15], [sflag:$0x4] =	stream.indirect.gather [hbm4b:s4+s23], $0x80, s3, s23, $0xb8;
	[tilespmem:$0x1FB80] =	vst v63  }
0x92: {  	_ =	swait.ge [sflag:s11], $0x3E00  }
0x93: {  	[sflag:s11] =	ssyncset.done $0x0  }
0x94: {  	[sflag:s11] =	ssyncadd.s32 $0xFFFFC200  }
0x95: {  	[spmem:s1] =	stream.indirect.scatter.add.f32 [tilespmem:s6], [sflag:$0x7], $0x80, s12, s23, $0xb8;
	[tilespmem:$0x1FB80] =	vst v63  }
0x96: {  	_ =	swait.ge [sflag:s16], $0x3E00  }
0x97: {  	[sflag:s16] =	ssyncset.done $0x0  }
0x98: {  	s29 =	sadd.s32 $0x14C0, s28;
	[sflag:s16] =	ssyncadd.s32 $0xFFFFC200  }
0x99: {  	[tilespmem:s17], [sflag:$0x2] =	stream.linear.gather [hbm4b:s29+s3], $0x100, $0x38;
	[tilespmem:$0x1FB80] =	vst v63  }
0x9a: {  	_ =	swait.ge [sflag:s24], $0x100  }
0x9b: {  	[sflag:s24] =	ssyncset.done $0x0  }
0x9c: {  	[sflag:s24] =	ssyncadd.s32 $0xFFFFFF00  }
0x9d: {  	[tilespmem:s6], [sflag:$0x5] =	stream.indirect.gather [hbm4b:s4+s23], $0x80, s17, s23, $0xb8;
	[tilespmem:$0x1FB80] =	vst v63  }
0x9e: {  	_ =	swait.ge [sflag:s13], $0x3E00  }
0x9f: {  	[sflag:s13] =	ssyncset.done $0x0  }
0xa0: {  	[sflag:s13] =	ssyncadd.s32 $0xFFFFC200  }
0xa1: {  	[spmem:s1] =	stream.indirect.scatter.add.f32 [tilespmem:s2], [sflag:$0x7], $0x80, s22, s23, $0xb8;
	[tilespmem:$0x1FB80] =	vst v63  }
0xa2: {  	_ =	swait.ge [sflag:s16], $0x3E00  }
0xa3: {  	[sflag:s16] =	ssyncset.done $0x0  }
0xa4: {  	s26 =	simm.s32 $0xFFFFEC20;
	s28 =	sadd.s32 $0x14E0, s28;
	[sflag:s16] =	ssyncadd.s32 $0xFFFFC200  }
.LBB2_5:
0xa5: {  	[tilespmem:s18], [sflag:$0x3] =	stream.linear.gather [hbm4b:s28+s3], $0x100, $0x38;
	[tilespmem:$0x1FB80] =	vst v63  }
0xa6: {  	s28 =	smov.u32 s26  }
0xa7: {  	p3 =	sne.s32 s26, $0xFFFFFFA0;
	s26 =	sadd.s32 $0x60, s26;
	_ =	swait.ge [sflag:s8], $0x100  }
0xa8: {  	[sflag:s8] =	ssyncset.done $0x0  }
0xa9: {  	[sflag:s8] =	ssyncadd.s32 $0xFFFFFF00  }
0xaa: {  	[tilespmem:s2], [sflag:$0x6] =	stream.indirect.gather [hbm4b:s4+s23], $0x80, s18, s23, $0xb8;
	[tilespmem:$0x1FB80] =	vst v63  }
0xab: {  	_ =	swait.ge [sflag:s9], $0x3E00  }
0xac: {  	[sflag:s9] =	ssyncset.done $0x0  }
0xad: {  	[sflag:s9] =	ssyncadd.s32 $0xFFFFC200  }
0xae: {  	[spmem:s1] =	stream.indirect.scatter.add.f32 [tilespmem:s15], [sflag:$0x7], $0x80, s10, s23, $0xb8;
	[tilespmem:$0x1FB80] =	vst v63  }
0xaf: {  	_ =	swait.ge [sflag:s16], $0x3E00  }
0xb0: {  	s28 =	sadd.s32 s28, s21;
	[sflag:s16] =	ssyncset.done $0x0  }
0xb1: {  	s29 =	sadd.s32 $0x14A0, s28;
	[sflag:s16] =	ssyncadd.s32 $0xFFFFC200  }
0xb2: {  	[tilespmem:s3], [sflag:$0x1] =	stream.linear.gather [hbm4b:s29+s3], $0x100, $0x38;
	[tilespmem:$0x1FB80] =	vst v63  }
0xb3: {  	_ =	swait.ge [sflag:s19], $0x100  }
0xb4: {  	[sflag:s19] =	ssyncset.done $0x0  }
0xb5: {  	[sflag:s19] =	ssyncadd.s32 $0xFFFFFF00  }
0xb6: {  	[tilespmem:s15], [sflag:$0x4] =	stream.indirect.gather [hbm4b:s4+s23], $0x80, s3, s23, $0xb8;
	[tilespmem:$0x1FB80] =	vst v63  }
0xb7: {  	_ =	swait.ge [sflag:s11], $0x3E00  }
0xb8: {  	[sflag:s11] =	ssyncset.done $0x0  }
0xb9: {  	[sflag:s11] =	ssyncadd.s32 $0xFFFFC200  }
0xba: {  	[spmem:s1] =	stream.indirect.scatter.add.f32 [tilespmem:s6], [sflag:$0x7], $0x80, s12, s23, $0xb8;
	[tilespmem:$0x1FB80] =	vst v63  }
0xbb: {  	_ =	swait.ge [sflag:s16], $0x3E00  }
0xbc: {  	[sflag:s16] =	ssyncset.done $0x0  }
0xbd: {  	s29 =	sadd.s32 $0x14C0, s28;
	[sflag:s16] =	ssyncadd.s32 $0xFFFFC200  }
0xbe: {  	[tilespmem:s17], [sflag:$0x2] =	stream.linear.gather [hbm4b:s29+s3], $0x100, $0x38;
	[tilespmem:$0x1FB80] =	vst v63  }
0xbf: {  	_ =	swait.ge [sflag:s24], $0x100  }
0xc0: {  	[sflag:s24] =	ssyncset.done $0x0  }
0xc1: {  	[sflag:s24] =	ssyncadd.s32 $0xFFFFFF00  }
0xc2: {  	[tilespmem:s6], [sflag:$0x5] =	stream.indirect.gather [hbm4b:s4+s23], $0x80, s17, s23, $0xb8;
	[tilespmem:$0x1FB80] =	vst v63  }
0xc3: {  	_ =	swait.ge [sflag:s13], $0x3E00  }
0xc4: {  	[sflag:s13] =	ssyncset.done $0x0  }
.Ltmp4:
0xc5: {  	[sflag:s13] =	ssyncadd.s32 $0xFFFFC200;
	(pc) =	sbr.rel @p3 .LBB2_5-.Ltmp4, $4  }
0xc6: {  	[spmem:s1] =	stream.indirect.scatter.add.f32 [tilespmem:s2], [sflag:$0x7], $0x80, s22, s23, $0xb8;
	[tilespmem:$0x1FB80] =	vst v63  }
0xc7: {  	_ =	swait.ge [sflag:s16], $0x3E00  }
0xc8: {  	[sflag:s16] =	ssyncset.done $0x0  }
0xc9: {  	s28 =	sadd.s32 $0x14E0, s28;
	[sflag:s16] =	ssyncadd.s32 $0xFFFFC200  }
0xca: {  	[tilespmem:s18], [sflag:$0x3] =	stream.linear.gather [hbm4b:s28+s3], $0x100, $0x38;
	[tilespmem:$0x1FB80] =	vst v63  }
0xcb: {  	_ =	swait.ge [sflag:s9], $0x3E00  }
0xcc: {  	[sflag:s9] =	ssyncset.done $0x0  }
0xcd: {  	[sflag:s9] =	ssyncadd.s32 $0xFFFFC200  }
0xce: {  	_ =	swait.ge [sflag:s11], $0x3E00  }
0xcf: {  	[sflag:s11] =	ssyncset.done $0x0  }
0xd0: {  	[sflag:s11] =	ssyncadd.s32 $0xFFFFC200  }
0xd1: {  	_ =	swait.ge [sflag:s8], $0x100  }
0xd2: {  	[sflag:s8] =	ssyncset.done $0x0  }
0xd3: {  	s26 =	stileid.u32;
	[sflag:s8] =	ssyncadd.s32 $0xFFFFFF00  }
0xd4: {  	s26 =	sshll.u32 s26, $0x6;
	[bflag:$0x0] =	sbarrier.arrive $0xFFFF  }
0xd5: {  	s28 =	sshrl.u32 s7, $0x3;
	s26 =	sor.u32 $0x1C07, s26;
	s29 =	rddreg [dreg:$0x12]  }
0xd6: {  	[hbm:s29], [sflag:s26] =	dma.local [spmem:s28], $0x2700  }
.Ltmp5:
0xd7: {  	_ = 	snop;
	(pc) =	sbr.rel @p2 .LBB2_10-.Ltmp5, $4  }
.Ltmp6:
0xd8: {  	_ = 	snop;
	(pc) =	sbr.rel @!p2 .LBB2_11-.Ltmp6, $4  }
0xd9: {  	_ =	swait.ge [sflag:s16], $0x2700  }
0xda: {  	[sflag:s16] =	ssyncset.done $0x0  }
0xdb: {  	s28 =	rddreg [dreg:$0x3];
	[sflag:s16] =	ssyncadd.s32 $0xFFFFD900  }
0xdc: {  	_ = 	snop  }
.LBB2_7:
0xdd: {  	s26 =	rddreg [dreg:$0xa]  }
0xde: {  	[tilespmem:s3], [sflag:$0x1] =	stream.linear.gather [hbm4b:s26+s3], $0x100, $0x38;
	[tilespmem:$0x1FB80] =	vst v63  }
0xdf: {  	s29 =	rddreg [dreg:$0xb]  }
0xe0: {  	[tilespmem:s17], [sflag:$0x2] =	stream.linear.gather [hbm4b:s29+s3], $0x100, $0x38;
	[tilespmem:$0x1FB80] =	vst v63  }
0xe1: {  	s29 =	rddreg [dreg:$0xc]  }
0xe2: {  	[tilespmem:s18], [sflag:$0x3] =	stream.linear.gather [hbm4b:s29+s3], $0x100, $0x38;
	[tilespmem:$0x1FB80] =	vst v63  }
0xe3: {  	_ =	swait.ge [sflag:s19], $0x100  }
0xe4: {  	[sflag:s19] =	ssyncset.done $0x0  }
0xe5: {  	[sflag:s19] =	ssyncadd.s32 $0xFFFFFF00  }
0xe6: {  	[tilespmem:s15], [sflag:$0x4] =	stream.indirect.gather [hbm4b:s5+s23], $0x80, s3, s23, $0xb8;
	[tilespmem:$0x1FB80] =	vst v63  }
0xe7: {  	_ =	swait.ge [sflag:s24], $0x100  }
0xe8: {  	[sflag:s24] =	ssyncset.done $0x0  }
0xe9: {  	[sflag:s24] =	ssyncadd.s32 $0xFFFFFF00  }
0xea: {  	[tilespmem:s6], [sflag:$0x5] =	stream.indirect.gather [hbm4b:s5+s23], $0x80, s17, s23, $0xb8;
	[tilespmem:$0x1FB80] =	vst v63  }
0xeb: {  	_ =	swait.ge [sflag:s8], $0x100  }
0xec: {  	[sflag:s8] =	ssyncset.done $0x0  }
0xed: {  	[sflag:s8] =	ssyncadd.s32 $0xFFFFFF00  }
0xee: {  	[tilespmem:s2], [sflag:$0x6] =	stream.indirect.gather [hbm4b:s5+s23], $0x80, s18, s23, $0xb8;
	[tilespmem:$0x1FB80] =	vst v63  }
0xef: {  	_ =	swait.ge [sflag:s9], $0x3E00  }
0xf0: {  	[sflag:s9] =	ssyncset.done $0x0  }
0xf1: {  	[sflag:s9] =	ssyncadd.s32 $0xFFFFC200  }
0xf2: {  	[spmem:s1] =	stream.indirect.scatter.add.f32 [tilespmem:s15], [sflag:$0x7], $0x80, s10, s23, $0xb8;
	[tilespmem:$0x1FB80] =	vst v63  }
0xf3: {  	_ =	swait.ge [sflag:s16], $0x3E00  }
0xf4: {  	s28 =	sadd.s32 $0xFFFFEBC0, s20;
	[sflag:s16] =	ssyncset.done $0x0  }
0xf5: {  	s29 =	sadd.s32 $0x14A0, s28;
	[sflag:s16] =	ssyncadd.s32 $0xFFFFC200  }
0xf6: {  	[tilespmem:s3], [sflag:$0x1] =	stream.linear.gather [hbm4b:s29+s3], $0x100, $0x38;
	[tilespmem:$0x1FB80] =	vst v63  }
0xf7: {  	_ =	swait.ge [sflag:s19], $0x100  }
0xf8: {  	[sflag:s19] =	ssyncset.done $0x0  }
0xf9: {  	[sflag:s19] =	ssyncadd.s32 $0xFFFFFF00  }
0xfa: {  	[tilespmem:s15], [sflag:$0x4] =	stream.indirect.gather [hbm4b:s5+s23], $0x80, s3, s23, $0xb8;
	[tilespmem:$0x1FB80] =	vst v63  }
0xfb: {  	_ =	swait.ge [sflag:s11], $0x3E00  }
0xfc: {  	[sflag:s11] =	ssyncset.done $0x0  }
0xfd: {  	[sflag:s11] =	ssyncadd.s32 $0xFFFFC200  }
0xfe: {  	[spmem:s1] =	stream.indirect.scatter.add.f32 [tilespmem:s6], [sflag:$0x7], $0x80, s12, s23, $0xb8;
	[tilespmem:$0x1FB80] =	vst v63  }
0xff: {  	_ =	swait.ge [sflag:s16], $0x3E00  }
0x100: {  	[sflag:s16] =	ssyncset.done $0x0  }
0x101: {  	s29 =	sadd.s32 $0x14C0, s28;
	[sflag:s16] =	ssyncadd.s32 $0xFFFFC200  }
0x102: {  	[tilespmem:s17], [sflag:$0x2] =	stream.linear.gather [hbm4b:s29+s3], $0x100, $0x38;
	[tilespmem:$0x1FB80] =	vst v63  }
0x103: {  	_ =	swait.ge [sflag:s24], $0x100  }
0x104: {  	[sflag:s24] =	ssyncset.done $0x0  }
0x105: {  	[sflag:s24] =	ssyncadd.s32 $0xFFFFFF00  }
0x106: {  	[tilespmem:s6], [sflag:$0x5] =	stream.indirect.gather [hbm4b:s5+s23], $0x80, s17, s23, $0xb8;
	[tilespmem:$0x1FB80] =	vst v63  }
0x107: {  	_ =	swait.ge [sflag:s13], $0x3E00  }
0x108: {  	[sflag:s13] =	ssyncset.done $0x0  }
0x109: {  	[sflag:s13] =	ssyncadd.s32 $0xFFFFC200  }
0x10a: {  	[spmem:s1] =	stream.indirect.scatter.add.f32 [tilespmem:s2], [sflag:$0x7], $0x80, s22, s23, $0xb8;
	[tilespmem:$0x1FB80] =	vst v63  }
0x10b: {  	_ =	swait.ge [sflag:s16], $0x3E00  }
0x10c: {  	[sflag:s16] =	ssyncset.done $0x0  }
0x10d: {  	s26 =	simm.s32 $0xFFFFEC20;
	s28 =	sadd.s32 $0x14E0, s28;
	[sflag:s16] =	ssyncadd.s32 $0xFFFFC200  }
.LBB2_8:
0x10e: {  	[tilespmem:s18], [sflag:$0x3] =	stream.linear.gather [hbm4b:s28+s3], $0x100, $0x38;
	[tilespmem:$0x1FB80] =	vst v63  }
0x10f: {  	s28 =	smov.u32 s26  }
0x110: {  	p3 =	sne.s32 s26, $0xFFFFFFA0;
	s26 =	sadd.s32 $0x60, s26;
	_ =	swait.ge [sflag:s8], $0x100  }
0x111: {  	[sflag:s8] =	ssyncset.done $0x0  }
0x112: {  	[sflag:s8] =	ssyncadd.s32 $0xFFFFFF00  }
0x113: {  	[tilespmem:s2], [sflag:$0x6] =	stream.indirect.gather [hbm4b:s5+s23], $0x80, s18, s23, $0xb8;
	[tilespmem:$0x1FB80] =	vst v63  }
0x114: {  	_ =	swait.ge [sflag:s9], $0x3E00  }
0x115: {  	[sflag:s9] =	ssyncset.done $0x0  }
0x116: {  	[sflag:s9] =	ssyncadd.s32 $0xFFFFC200  }
0x117: {  	[spmem:s1] =	stream.indirect.scatter.add.f32 [tilespmem:s15], [sflag:$0x7], $0x80, s10, s23, $0xb8;
	[tilespmem:$0x1FB80] =	vst v63  }
0x118: {  	_ =	swait.ge [sflag:s16], $0x3E00  }
0x119: {  	s28 =	sadd.s32 s28, s20;
	[sflag:s16] =	ssyncset.done $0x0  }
0x11a: {  	s29 =	sadd.s32 $0x14A0, s28;
	[sflag:s16] =	ssyncadd.s32 $0xFFFFC200  }
0x11b: {  	[tilespmem:s3], [sflag:$0x1] =	stream.linear.gather [hbm4b:s29+s3], $0x100, $0x38;
	[tilespmem:$0x1FB80] =	vst v63  }
0x11c: {  	_ =	swait.ge [sflag:s19], $0x100  }
0x11d: {  	[sflag:s19] =	ssyncset.done $0x0  }
0x11e: {  	[sflag:s19] =	ssyncadd.s32 $0xFFFFFF00  }
0x11f: {  	[tilespmem:s15], [sflag:$0x4] =	stream.indirect.gather [hbm4b:s5+s23], $0x80, s3, s23, $0xb8;
	[tilespmem:$0x1FB80] =	vst v63  }
0x120: {  	_ =	swait.ge [sflag:s11], $0x3E00  }
0x121: {  	[sflag:s11] =	ssyncset.done $0x0  }
0x122: {  	[sflag:s11] =	ssyncadd.s32 $0xFFFFC200  }
0x123: {  	[spmem:s1] =	stream.indirect.scatter.add.f32 [tilespmem:s6], [sflag:$0x7], $0x80, s12, s23, $0xb8;
	[tilespmem:$0x1FB80] =	vst v63  }
0x124: {  	_ =	swait.ge [sflag:s16], $0x3E00  }
0x125: {  	[sflag:s16] =	ssyncset.done $0x0  }
0x126: {  	s29 =	sadd.s32 $0x14C0, s28;
	[sflag:s16] =	ssyncadd.s32 $0xFFFFC200  }
0x127: {  	[tilespmem:s17], [sflag:$0x2] =	stream.linear.gather [hbm4b:s29+s3], $0x100, $0x38;
	[tilespmem:$0x1FB80] =	vst v63  }
0x128: {  	_ =	swait.ge [sflag:s24], $0x100  }
0x129: {  	[sflag:s24] =	ssyncset.done $0x0  }
0x12a: {  	[sflag:s24] =	ssyncadd.s32 $0xFFFFFF00  }
0x12b: {  	[tilespmem:s6], [sflag:$0x5] =	stream.indirect.gather [hbm4b:s5+s23], $0x80, s17, s23, $0xb8;
	[tilespmem:$0x1FB80] =	vst v63  }
0x12c: {  	_ =	swait.ge [sflag:s13], $0x3E00  }
0x12d: {  	[sflag:s13] =	ssyncset.done $0x0  }
.Ltmp7:
0x12e: {  	[sflag:s13] =	ssyncadd.s32 $0xFFFFC200;
	(pc) =	sbr.rel @p3 .LBB2_8-.Ltmp7, $4  }
0x12f: {  	[spmem:s1] =	stream.indirect.scatter.add.f32 [tilespmem:s2], [sflag:$0x7], $0x80, s22, s23, $0xb8;
	[tilespmem:$0x1FB80] =	vst v63  }
0x130: {  	_ =	swait.ge [sflag:s16], $0x3E00  }
0x131: {  	[sflag:s16] =	ssyncset.done $0x0  }
0x132: {  	s28 =	sadd.s32 $0x14E0, s28;
	[sflag:s16] =	ssyncadd.s32 $0xFFFFC200  }
0x133: {  	[tilespmem:s18], [sflag:$0x3] =	stream.linear.gather [hbm4b:s28+s3], $0x100, $0x38;
	[tilespmem:$0x1FB80] =	vst v63  }
0x134: {  	_ =	swait.ge [sflag:s9], $0x3E00  }
0x135: {  	[sflag:s9] =	ssyncset.done $0x0  }
0x136: {  	[sflag:s9] =	ssyncadd.s32 $0xFFFFC200  }
0x137: {  	_ =	swait.ge [sflag:s11], $0x3E00  }
0x138: {  	[sflag:s11] =	ssyncset.done $0x0  }
0x139: {  	[sflag:s11] =	ssyncadd.s32 $0xFFFFC200  }
0x13a: {  	_ =	swait.ge [sflag:s8], $0x100  }
0x13b: {  	[sflag:s8] =	ssyncset.done $0x0  }
0x13c: {  	s26 =	stileid.u32;
	[sflag:s8] =	ssyncadd.s32 $0xFFFFFF00  }
0x13d: {  	s26 =	sshll.u32 s26, $0x6;
	[bflag:$0x0] =	sbarrier.arrive $0xFFFF  }
0x13e: {  	s28 =	sshrl.u32 s7, $0x3;
	s26 =	sor.u32 $0x1C07, s26;
	s29 =	rddreg [dreg:$0x11]  }
0x13f: {  	[hbm:s29], [sflag:s26] =	dma.local [spmem:s28], $0x2700  }
.Ltmp8:
0x140: {  	_ = 	snop;
	(pc) =	sbr.rel @p1 .LBB2_11-.Ltmp8, $4  }
.Ltmp9:
0x141: {  	_ = 	snop;
	(pc) =	sbr.rel @!p1 .LBB2_10-.Ltmp9, $4  }
0x142: {  	_ =	swait.ge [sflag:s16], $0x2700  }
0x143: {  	[sflag:s16] =	ssyncset.done $0x0  }
0x144: {  	s28 =	rddreg [dreg:$0x4];
	[sflag:s16] =	ssyncadd.s32 $0xFFFFD900  }
0x145: {  	_ = 	snop  }
.LBB2_12:
0x146: {  	_ =	sfence.sel $0x180000  }
0x147: {  	[bflag:$0x0] =	sbarrier.arrive $0xFFFF  }
0x148: {  	_ =	strace $0x90000047  }
0x149: {  	s0 =	stileid.u32;
	[bflag:$0x2] =	sbarrier.arrive $0xFFFF  }
0x14a: {  	p0 =	sne.s32 s0, $0x0;
	s0 =	rddreg [dreg:$0x2]  }
0x14b: {  	s0 =	sadd.s32 @!p0 $0x100000, s0  }
0x14c: {  	[sflag:s0] =	ssyncadd.tile.s32 @!p0 $0x1;
	_ =	shalt  }
.Lfunc_end2:
_tile_overlayer_lowered:
.L_overlay_start_2:
0x14d: {  	(tag) =	ssettag $0x2  }
0x14e: {  	s0 =	rddreg [dreg:$0x0];
	s2 =	stileid.u32  }
0x14f: {  	s1 =	rddreg [dreg:$0x1];
	p0 =	sne.s32 s2, $0x0  }
0x150: {  	s3 =	rddreg [dreg:$0x2];
	[bflag:$0x3] =	sbarrier.arrive $0xFFFF;
	s2 =	simm.s32 @!p0 $0x1C07  }
0x151: {  	[timem:s3], [sflag:s2] =	dma.local @!p0 [hbm:s0], s1  }
0x152: {  	s0 =	simm.s32 @!p0 $0x7  }
0x153: {  	_ =	swait.ge @!p0 [sflag:s0], s1  }
0x154: {  	s1 =	ssub.s32 @!p0 $0x0, s1;
	[sflag:s0] =	ssyncset.done @!p0 $0x0  }
0x155: {  	[sflag:s0] =	ssyncadd.s32 @!p0 s1  }
0x156: {  	[bflag:$0x3] =	sbarrier.arrive $0xFFFF  }
0x157: {  	_ =	shalt  }

</sc_bundles>
